<compile_context>
chip_gen: v7x
topology: tpu7x:2x2x1
jax: 0.10.2.dev20260603
libtpu: 0.0.44.dev20260713+nightly
codegen_flags: <defaults>
</compile_context>

<pallas_src>
import functools

import jax
import jax.numpy as jnp
from jax import lax
from jax.experimental import pallas as pl
from jax.experimental.pallas import tpu as pltpu
from jax.experimental.pallas import tpu_sc as plsc

_L = 16


def _tree_sum(terms):
    while len(terms) > 1:
        nxt = [terms[i] + terms[i + 1] for i in range(0, len(terms) - 1, 2)]
        if len(terms) % 2:
            nxt.append(terms[-1])
        terms = nxt
    return terms[0]


def _meta_body(x_ref, w_ref, b_ref, o_ref):
    prod = jnp.sum(x_ref[...] * w_ref[...], axis=1)
    o_ref[...] = prod.reshape(o_ref.shape) + b_ref[0]


def _add_body(a_ref, b_ref, o_ref):
    o_ref[...] = a_ref[...] + b_ref[...]


def _tile_body(nc, rpw, chunk, d,
               user_hbm, item_hbm, utab_hbm, itab_hbm, w_hbm, out_hbm,
               idx_u, idx_i, u0, i0, u1, i1,
               w_v, trans, out_v, stg_sem, w_sem, sem0, sem1):
    wid = lax.axis_index("s") * nc + lax.axis_index("c")
    base = pl.multiple_of(wid * rpw, rpw)

    idx_cps = (
        pltpu.async_copy(user_hbm.at[pl.ds(base, rpw)], idx_u, stg_sem),
        pltpu.async_copy(item_hbm.at[pl.ds(base, rpw)], idx_i, stg_sem),
    )
    w_cps = (
        pltpu.async_copy(w_hbm, w_v, w_sem),
    )
    for cp in idx_cps:
        cp.wait()

    lane16 = lax.iota(jnp.int32, _L) * _L
    nchunk = rpw // chunk
    ngroup = chunk // _L
    bufs = [(u0, i0), (u1, i1)]
    sems = [sem0, sem1]

    def start(c, parity):
        cb = pl.multiple_of(c * chunk, chunk)
        ub, ib = bufs[parity]
        sem = sems[parity]
        pltpu.async_copy(utab_hbm.at[idx_u.at[pl.ds(cb, chunk)]], ub, sem)
        pltpu.async_copy(itab_hbm.at[idx_i.at[pl.ds(cb, chunk)]], ib, sem)

    def drain(parity):
        ub, ib = bufs[parity]
        sem = sems[parity]
        pltpu.make_async_copy(utab_hbm.at[idx_u.at[pl.ds(0, chunk)]], ub, sem).wait()
        pltpu.make_async_copy(itab_hbm.at[idx_i.at[pl.ds(0, chunk)]], ib, sem).wait()

    start(0, 0)
    start(1, 1)
    for cp in w_cps:
        cp.wait()
    wv = [w_v[pl.ds(k * _L, _L)] for k in range(d // _L)]

    def compute_chunk(c, parity):
        ub, ib = bufs[parity]
        cb = pl.multiple_of(c * chunk, chunk)

        def group(g, carry, ub=ub, ib=ib, cb=cb):
            gb = g * _L
            half = _L // 2
            for h in range(2):
                hb = gb + h * half
                accs = [None] * half
                for k in range(d // _L):
                    for l in range(half):
                        t = ub[hb + l, pl.ds(k * _L, _L)] * ib[hb + l, pl.ds(k * _L, _L)] * wv[k]
                        accs[l] = t if k == 0 else accs[l] + t
                for l in range(half):
                    trans[pl.ds((h * half + l) * _L, _L)] = accs[l]
            cols = [plsc.load_gather(trans, [lane16 + j]) for j in range(_L)]
            out_v[pl.ds(cb + gb, _L)] = _tree_sum(cols)
            return carry

        lax.fori_loop(0, ngroup, group, 0)

    def pair_body(p, carry):
        for parity in range(2):
            c = p * 2 + parity
            drain(parity)
            compute_chunk(c, parity)

            @pl.when(c + 2 < nchunk)
            def _(c=c, parity=parity):
                start(c + 2, parity)
        return carry

    lax.fori_loop(0, nchunk // 2, pair_body, 0)

    pltpu.sync_copy(out_v, out_hbm.at[pl.ds(base, rpw)])


def kernel(user, item, item_metadata, user_table, item_table,
           comb_w, comb_b, meta_w, meta_b, global_bias):
    b = user.shape[0]
    d = user_table.shape[1]
    m = item_metadata.shape[1]
    info = plsc.get_sparse_core_info()
    nc, ns = info.num_cores, info.num_subcores
    nw = nc * ns
    rpw = b // nw
    chunk = 128

    bias = (comb_b + meta_b + global_bias).astype(jnp.float32)
    meta_out = pl.pallas_call(
        _meta_body,
        in_specs=[
            pl.BlockSpec((b, m), lambda: (0, 0)),
            pl.BlockSpec((1, m), lambda: (0, 0)),
            pl.BlockSpec(memory_space=pltpu.SMEM),
        ],
        out_specs=pl.BlockSpec((1, b), lambda: (0, 0)),
        out_shape=jax.ShapeDtypeStruct((1, b), jnp.float32),
    )(item_metadata, meta_w.reshape(1, m), bias).reshape(b)

    w = comb_w.reshape(d)
    mesh = plsc.VectorSubcoreMesh(core_axis_name="c", subcore_axis_name="s")
    kfn = pl.kernel(
        functools.partial(_tile_body, nc, rpw, chunk, d),
        mesh=mesh,
        compiler_params=pltpu.CompilerParams(needs_layout_passes=False),
        out_type=jax.ShapeDtypeStruct((b,), jnp.float32),
        scratch_types=[
            pltpu.VMEM((rpw,), jnp.int32),
            pltpu.VMEM((rpw,), jnp.int32),
            pltpu.VMEM((chunk, d), jnp.float32),
            pltpu.VMEM((chunk, d), jnp.float32),
            pltpu.VMEM((chunk, d), jnp.float32),
            pltpu.VMEM((chunk, d), jnp.float32),
            pltpu.VMEM((d,), jnp.float32),
            pltpu.VMEM((_L * _L,), jnp.float32),
            pltpu.VMEM((rpw,), jnp.float32),
            pltpu.SemaphoreType.DMA,
            pltpu.SemaphoreType.DMA,
            pltpu.SemaphoreType.DMA,
            pltpu.SemaphoreType.DMA,
        ],
    )
    sc_out = kfn(user, item, user_table, item_table, w)

    return pl.pallas_call(
        _add_body,
        in_specs=[
            pl.BlockSpec((b,), lambda: (0,)),
            pl.BlockSpec((b,), lambda: (0,)),
        ],
        out_specs=pl.BlockSpec((b,), lambda: (0,)),
        out_shape=jax.ShapeDtypeStruct((b,), jnp.float32),
    )(sc_out, meta_out)

# --- scband reference (transcript-rebuilt; emitter-appended) ---
"""Pipeline reference for scband-linear-regression-rating-predictor-10557029613806 (READ-ONLY COPY).

The authoritative reference and input builder live on the scoring server;
editing this copy changes nothing except your own understanding.
"""

import jax, jax.numpy as jnp
import numpy as np

NUM_USERS = 100000
NUM_ITEMS = 100000
EMB_DIM = 128
META_DIM = 64
BATCH = 16384

def setup_inputs(seed: int = 0) -> dict:
    key = jax.random.key(seed)
    ks = jax.random.split(key, 8)
    user = jax.random.randint(ks[0], (BATCH,), 0, NUM_USERS, dtype=jnp.int64 if jax.config.jax_enable_x64 else jnp.int32).astype(jnp.int32)
    item = jax.random.randint(ks[1], (BATCH,), 0, NUM_ITEMS, dtype=jnp.int32)
    item_metadata = jax.random.normal(ks[2], (BATCH, META_DIM), dtype=jnp.float32)
    user_table = jax.random.normal(ks[3], (NUM_USERS, EMB_DIM), dtype=jnp.float32)
    item_table = jax.random.normal(ks[4], (NUM_ITEMS, EMB_DIM), dtype=jnp.float32)
    # Linear layers: metadata_layer (META_DIM -> 1), embedding_combiner (EMB_DIM -> 1)
    meta_w = jax.random.normal(ks[5], (META_DIM, 1), dtype=jnp.float32) * (1.0 / np.sqrt(META_DIM))
    meta_b = jnp.zeros((1,), dtype=jnp.float32)
    comb_w = jax.random.normal(ks[6], (EMB_DIM, 1), dtype=jnp.float32) * (1.0 / np.sqrt(EMB_DIM))
    comb_b = jnp.zeros((1,), dtype=jnp.float32)
    global_bias = jnp.zeros((1,), dtype=jnp.float32)
    return {
        "user": user,
        "item": item,
        "item_metadata": item_metadata,
        "user_table": user_table,
        "item_table": item_table,
        "comb_w": comb_w,
        "comb_b": comb_b,
        "meta_w": meta_w,
        "meta_b": meta_b,
        "global_bias": global_bias,
    }

def reference(user, item, item_metadata, user_table, item_table, comb_w, comb_b, meta_w, meta_b, global_bias):
    # Embedding lookups (gather)
    user_emb = jnp.take(user_table, user, axis=0)   # [B, D]
    item_emb = jnp.take(item_table, item, axis=0)   # [B, D]
    # Dropout is identity in eval mode (deterministic reference)
    combined_embedding = (jnp.matmul(user_emb * item_emb, comb_w) + comb_b).squeeze(-1)  # [B]
    metadata_contribution = (jnp.matmul(item_metadata, meta_w) + meta_b).squeeze(-1)      # [B]
    output = combined_embedding + metadata_contribution + global_bias  # broadcast [1] -> [B]
    return output

if __name__ == "__main__":
    import jax
    _d = setup_inputs()
    print(jax.jit(kernel)(*tuple(_d.values())))

</pallas_src>

<mosaic_0001>
#map = affine_map<(d0, d1) -> (0)>
#map1 = affine_map<(d0, d1) -> (0, 0)>
module attributes {stable_mosaic.version = 14 : i64} {
  func.func @_tile_body(%arg0: i32, %arg1: i32, %arg2: memref<16384xi32, #tpu.memory_space<hbm>>, %arg3: memref<16384xi32, #tpu.memory_space<hbm>>, %arg4: memref<100000x128xf32, #tpu.memory_space<hbm>>, %arg5: memref<100000x128xf32, #tpu.memory_space<hbm>>, %arg6: memref<128xf32, #tpu.memory_space<hbm>>, %arg7: memref<16384xf32, #tpu.memory_space<hbm>>, %arg8: memref<512xi32, #tpu.memory_space<vmem>>, %arg9: memref<512xi32, #tpu.memory_space<vmem>>, %arg10: memref<128x128xf32, #tpu.memory_space<vmem>>, %arg11: memref<128x128xf32, #tpu.memory_space<vmem>>, %arg12: memref<128x128xf32, #tpu.memory_space<vmem>>, %arg13: memref<128x128xf32, #tpu.memory_space<vmem>>, %arg14: memref<128xf32, #tpu.memory_space<vmem>>, %arg15: memref<256xf32, #tpu.memory_space<vmem>>, %arg16: memref<512xf32, #tpu.memory_space<vmem>>, %arg17: memref<!tpu.dma_semaphore, #tpu.memory_space<semaphore_mem>>, %arg18: memref<!tpu.dma_semaphore, #tpu.memory_space<semaphore_mem>>, %arg19: memref<!tpu.dma_semaphore, #tpu.memory_space<semaphore_mem>>, %arg20: memref<!tpu.dma_semaphore, #tpu.memory_space<semaphore_mem>>) attributes {dimension_semantics = [#tpu.dimension_semantics<core_parallel>, #tpu.dimension_semantics<subcore_parallel>], iteration_bounds = array<i64: 2, 16>, scalar_prefetch = 0 : i64, scratch_operands = 13 : i64, tpu.core_type = #tpu.core_type<sc_vector_subcore>, window_params = [{transform_indices = #map}, {transform_indices = #map}, {transform_indices = #map1}, {transform_indices = #map1}, {transform_indices = #map}, {transform_indices = #map}]} {
    %mul3A = arith.constant 2 : i32
    %mul3A_0 = arith.muli %arg1, %mul3A : i32
    %add3A = arith.addi %mul3A_0, %arg0 : i32
    %mul3A_1 = arith.constant 512 : i32
    %mul3A_2 = arith.muli %add3A, %mul3A_1 : i32
    %multiple_of3A = tpu.assume_multiple %mul3A_2, 512 : i32
    %dma_start3A = tpu.memref_slice %arg2[%multiple_of3A] : memref<16384xi32, #tpu.memory_space<hbm>> -> memref<512xi32, #tpu.memory_space<hbm>>
    %dma_start3A_3 = tpu.memref_slice %arg2[%multiple_of3A] : memref<16384xi32, #tpu.memory_space<hbm>> -> memref<512xi32, #tpu.memory_space<hbm>>
    tpu.enqueue_dma source(%dma_start3A_3 : memref<512xi32, #tpu.memory_space<hbm>>) target(%arg8 : memref<512xi32, #tpu.memory_space<vmem>>) target_semaphore(%arg17 : memref<!tpu.dma_semaphore, #tpu.memory_space<semaphore_mem>>)
    %dma_start3A_4 = tpu.memref_slice %arg3[%multiple_of3A] : memref<16384xi32, #tpu.memory_space<hbm>> -> memref<512xi32, #tpu.memory_space<hbm>>
    %dma_start3A_5 = tpu.memref_slice %arg3[%multiple_of3A] : memref<16384xi32, #tpu.memory_space<hbm>> -> memref<512xi32, #tpu.memory_space<hbm>>
    tpu.enqueue_dma source(%dma_start3A_5 : memref<512xi32, #tpu.memory_space<hbm>>) target(%arg9 : memref<512xi32, #tpu.memory_space<vmem>>) target_semaphore(%arg17 : memref<!tpu.dma_semaphore, #tpu.memory_space<semaphore_mem>>)
    tpu.enqueue_dma source(%arg6 : memref<128xf32, #tpu.memory_space<hbm>>) target(%arg14 : memref<128xf32, #tpu.memory_space<vmem>>) target_semaphore(%arg18 : memref<!tpu.dma_semaphore, #tpu.memory_space<semaphore_mem>>)
    %dma_wait3A = tpu.memref_slice %arg2[%multiple_of3A] : memref<16384xi32, #tpu.memory_space<hbm>> -> memref<512xi32, #tpu.memory_space<hbm>>
    %dma_wait3A_6 = tpu.memref_slice %arg2[%multiple_of3A] : memref<16384xi32, #tpu.memory_space<hbm>> -> memref<512xi32, #tpu.memory_space<hbm>>
    tpu.wait_dma2 semaphore(%arg17 : memref<!tpu.dma_semaphore, #tpu.memory_space<semaphore_mem>>) src(%dma_wait3A_6 : memref<512xi32, #tpu.memory_space<hbm>>) dst(%arg8 : memref<512xi32, #tpu.memory_space<vmem>>)
    %dma_wait3A_7 = tpu.memref_slice %arg3[%multiple_of3A] : memref<16384xi32, #tpu.memory_space<hbm>> -> memref<512xi32, #tpu.memory_space<hbm>>
    %dma_wait3A_8 = tpu.memref_slice %arg3[%multiple_of3A] : memref<16384xi32, #tpu.memory_space<hbm>> -> memref<512xi32, #tpu.memory_space<hbm>>
    tpu.wait_dma2 semaphore(%arg17 : memref<!tpu.dma_semaphore, #tpu.memory_space<semaphore_mem>>) src(%dma_wait3A_8 : memref<512xi32, #tpu.memory_space<hbm>>) dst(%arg9 : memref<512xi32, #tpu.memory_space<vmem>>)
    %iota3A = tpu.iota {dimensions = array<i32: 0>} : vector<16xi32>
    %mul3A_9 = arith.constant 16 : i32
    %mul3A_10 = vector.broadcast %mul3A_9 : i32 to vector<16xi32>
    %mul3A_11 = arith.muli %iota3A, %mul3A_10 : vector<16xi32>
    %multiple_of3A_12 = arith.constant 0 : i32
    %multiple_of3A_13 = tpu.assume_multiple %multiple_of3A_12, 128 : i32
    %dma_start3A_14 = tpu.memref_slice %arg8[%multiple_of3A_13] : memref<512xi32, #tpu.memory_space<vmem>> -> memref<128xi32, #tpu.memory_space<vmem>>
    %dma_start3A_15 = arith.constant 0 : i32
    %dma_start3A_16 = arith.constant 0 : i32
    %dma_start3A_17 = tpu.memref_slice %arg4[%dma_start3A_15, %dma_start3A_16] : memref<100000x128xf32, #tpu.memory_space<hbm>> -> memref<100000x128xf32, #tpu.memory_space<hbm>>
    tpu.enqueue_indirect_dma source(%dma_start3A_17 : memref<100000x128xf32, #tpu.memory_space<hbm>>) target(%arg10 : memref<128x128xf32, #tpu.memory_space<vmem>>) offsets(%dma_start3A_14 : memref<128xi32, #tpu.memory_space<vmem>>) semaphore(%arg19 : memref<!tpu.dma_semaphore, #tpu.memory_space<semaphore_mem>>)
    %dma_start3A_18 = tpu.memref_slice %arg9[%multiple_of3A_13] : memref<512xi32, #tpu.memory_space<vmem>> -> memref<128xi32, #tpu.memory_space<vmem>>
    %dma_start3A_19 = arith.constant 0 : i32
    %dma_start3A_20 = arith.constant 0 : i32
    %dma_start3A_21 = tpu.memref_slice %arg5[%dma_start3A_19, %dma_start3A_20] : memref<100000x128xf32, #tpu.memory_space<hbm>> -> memref<100000x128xf32, #tpu.memory_space<hbm>>
    tpu.enqueue_indirect_dma source(%dma_start3A_21 : memref<100000x128xf32, #tpu.memory_space<hbm>>) target(%arg11 : memref<128x128xf32, #tpu.memory_space<vmem>>) offsets(%dma_start3A_18 : memref<128xi32, #tpu.memory_space<vmem>>) semaphore(%arg19 : memref<!tpu.dma_semaphore, #tpu.memory_space<semaphore_mem>>)
    %multiple_of3A_22 = arith.constant 128 : i32
    %multiple_of3A_23 = tpu.assume_multiple %multiple_of3A_22, 128 : i32
    %dma_start3A_24 = tpu.memref_slice %arg8[%multiple_of3A_23] : memref<512xi32, #tpu.memory_space<vmem>> -> memref<128xi32, #tpu.memory_space<vmem>>
    %dma_start3A_25 = arith.constant 0 : i32
    %dma_start3A_26 = arith.constant 0 : i32
    %dma_start3A_27 = tpu.memref_slice %arg4[%dma_start3A_25, %dma_start3A_26] : memref<100000x128xf32, #tpu.memory_space<hbm>> -> memref<100000x128xf32, #tpu.memory_space<hbm>>
    tpu.enqueue_indirect_dma source(%dma_start3A_27 : memref<100000x128xf32, #tpu.memory_space<hbm>>) target(%arg12 : memref<128x128xf32, #tpu.memory_space<vmem>>) offsets(%dma_start3A_24 : memref<128xi32, #tpu.memory_space<vmem>>) semaphore(%arg20 : memref<!tpu.dma_semaphore, #tpu.memory_space<semaphore_mem>>)
    %dma_start3A_28 = tpu.memref_slice %arg9[%multiple_of3A_23] : memref<512xi32, #tpu.memory_space<vmem>> -> memref<128xi32, #tpu.memory_space<vmem>>
    %dma_start3A_29 = arith.constant 0 : i32
    %dma_start3A_30 = arith.constant 0 : i32
    %dma_start3A_31 = tpu.memref_slice %arg5[%dma_start3A_29, %dma_start3A_30] : memref<100000x128xf32, #tpu.memory_space<hbm>> -> memref<100000x128xf32, #tpu.memory_space<hbm>>
    tpu.enqueue_indirect_dma source(%dma_start3A_31 : memref<100000x128xf32, #tpu.memory_space<hbm>>) target(%arg13 : memref<128x128xf32, #tpu.memory_space<vmem>>) offsets(%dma_start3A_28 : memref<128xi32, #tpu.memory_space<vmem>>) semaphore(%arg20 : memref<!tpu.dma_semaphore, #tpu.memory_space<semaphore_mem>>)
    tpu.wait_dma2 semaphore(%arg18 : memref<!tpu.dma_semaphore, #tpu.memory_space<semaphore_mem>>) src(%arg6 : memref<128xf32, #tpu.memory_space<hbm>>) dst(%arg14 : memref<128xf32, #tpu.memory_space<vmem>>)
    %get3A = arith.constant 0 : index
    %get3A_32 = tpu.vector_load %arg14[%get3A] {strides = array<i32>} : memref<128xf32, #tpu.memory_space<vmem>>, vector<16xf32>,
    %get3A_33 = arith.constant 16 : index
    %get3A_34 = tpu.vector_load %arg14[%get3A_33] {strides = array<i32>} : memref<128xf32, #tpu.memory_space<vmem>>, vector<16xf32>,
    %get3A_35 = arith.constant 32 : index
    %get3A_36 = tpu.vector_load %arg14[%get3A_35] {strides = array<i32>} : memref<128xf32, #tpu.memory_space<vmem>>, vector<16xf32>,
    %get3A_37 = arith.constant 48 : index
    %get3A_38 = tpu.vector_load %arg14[%get3A_37] {strides = array<i32>} : memref<128xf32, #tpu.memory_space<vmem>>, vector<16xf32>,
    %get3A_39 = arith.constant 64 : index
    %get3A_40 = tpu.vector_load %arg14[%get3A_39] {strides = array<i32>} : memref<128xf32, #tpu.memory_space<vmem>>, vector<16xf32>,
    %get3A_41 = arith.constant 80 : index
    %get3A_42 = tpu.vector_load %arg14[%get3A_41] {strides = array<i32>} : memref<128xf32, #tpu.memory_space<vmem>>, vector<16xf32>,
    %get3A_43 = arith.constant 96 : index
    %get3A_44 = tpu.vector_load %arg14[%get3A_43] {strides = array<i32>} : memref<128xf32, #tpu.memory_space<vmem>>, vector<16xf32>,
    %get3A_45 = arith.constant 112 : index
    %get3A_46 = tpu.vector_load %arg14[%get3A_45] {strides = array<i32>} : memref<128xf32, #tpu.memory_space<vmem>>, vector<16xf32>,
    %scan3A = arith.constant 0 : i32
    %scan3A_47 = arith.constant 0 : i32
    %scan3A_48 = arith.constant 2 : i32
    %scan3A_49 = arith.addi %scan3A_47, %scan3A_48 : i32
    %scan3A_50 = arith.constant 1 : i32
    scf.for %scan3A_52 = %scan3A_47 to %scan3A_49 step %scan3A_50  : i32 {
      %mul3A_53 = arith.constant 2 : i32
      %mul3A_54 = arith.muli %scan3A_52, %mul3A_53 : i32
      %add3A_55 = arith.constant 0 : i32
      %add3A_56 = arith.addi %mul3A_54, %add3A_55 : i32
      %dma_wait3A_57 = arith.constant 0 : i32
      %dma_wait3A_58 = tpu.memref_slice %arg8[%dma_wait3A_57] : memref<512xi32, #tpu.memory_space<vmem>> -> memref<128xi32, #tpu.memory_space<vmem>>
      %dma_wait3A_59 = arith.constant 0 : i32
      %dma_wait3A_60 = arith.constant 0 : i32
      %dma_wait3A_61 = tpu.memref_slice %arg4[%dma_wait3A_59, %dma_wait3A_60] : memref<100000x128xf32, #tpu.memory_space<hbm>> -> memref<100000x128xf32, #tpu.memory_space<hbm>>
      tpu.wait_indirect_dma semaphore(%arg19 : memref<!tpu.dma_semaphore, #tpu.memory_space<semaphore_mem>>) src(%dma_wait3A_61 : memref<100000x128xf32, #tpu.memory_space<hbm>>) dst(%arg10 : memref<128x128xf32, #tpu.memory_space<vmem>>)
      %dma_wait3A_62 = arith.constant 0 : i32
      %dma_wait3A_63 = tpu.memref_slice %arg9[%dma_wait3A_62] : memref<512xi32, #tpu.memory_space<vmem>> -> memref<128xi32, #tpu.memory_space<vmem>>
      %dma_wait3A_64 = arith.constant 0 : i32
      %dma_wait3A_65 = arith.constant 0 : i32
      %dma_wait3A_66 = tpu.memref_slice %arg5[%dma_wait3A_64, %dma_wait3A_65] : memref<100000x128xf32, #tpu.memory_space<hbm>> -> memref<100000x128xf32, #tpu.memory_space<hbm>>
      tpu.wait_indirect_dma semaphore(%arg19 : memref<!tpu.dma_semaphore, #tpu.memory_space<semaphore_mem>>) src(%dma_wait3A_66 : memref<100000x128xf32, #tpu.memory_space<hbm>>) dst(%arg11 : memref<128x128xf32, #tpu.memory_space<vmem>>)
      %mul3A_67 = arith.constant 128 : i32
      %mul3A_68 = arith.muli %add3A_56, %mul3A_67 : i32
      %multiple_of3A_69 = tpu.assume_multiple %mul3A_68, 128 : i32
      %scan3A_70 = arith.constant 0 : i32
      %scan3A_71 = arith.constant 0 : i32
      %scan3A_72 = arith.constant 8 : i32
      %scan3A_73 = arith.addi %scan3A_71, %scan3A_72 : i32
      %scan3A_74 = arith.constant 1 : i32
      scf.for %scan3A_110 = %scan3A_71 to %scan3A_73 step %scan3A_74  : i32 {
        %mul3A_111 = arith.constant 16 : i32
        %mul3A_112 = arith.muli %scan3A_110, %mul3A_111 : i32
        %add3A_113 = arith.constant 0 : i32
        %add3A_114 = arith.addi %mul3A_112, %add3A_113 : i32
        %add3A_115 = arith.constant 0 : i32
        %add3A_116 = arith.addi %add3A_114, %add3A_115 : i32
        %get3A_117 = arith.index_cast %add3A_116 : i32 to index
        %get3A_118 = arith.constant 0 : index
        %get3A_119 = tpu.vector_load %arg10[%get3A_117, %get3A_118] {strides = array<i32>} : memref<128x128xf32, #tpu.memory_space<vmem>>, vector<16xf32>,
        %add3A_120 = arith.constant 0 : i32
        %add3A_121 = arith.addi %add3A_114, %add3A_120 : i32
        %get3A_122 = arith.index_cast %add3A_121 : i32 to index
        %get3A_123 = arith.constant 0 : index
        %get3A_124 = tpu.vector_load %arg11[%get3A_122, %get3A_123] {strides = array<i32>} : memref<128x128xf32, #tpu.memory_space<vmem>>, vector<16xf32>,
        %mul3A_125 = arith.mulf %get3A_119, %get3A_124 : vector<16xf32>
        %mul3A_126 = arith.mulf %mul3A_125, %get3A_32 : vector<16xf32>
        %add3A_127 = arith.constant 1 : i32
        %add3A_128 = arith.addi %add3A_114, %add3A_127 : i32
        %get3A_129 = arith.index_cast %add3A_128 : i32 to index
        %get3A_130 = arith.constant 0 : index
        %get3A_131 = tpu.vector_load %arg10[%get3A_129, %get3A_130] {strides = array<i32>} : memref<128x128xf32, #tpu.memory_space<vmem>>, vector<16xf32>,
        %add3A_132 = arith.constant 1 : i32
        %add3A_133 = arith.addi %add3A_114, %add3A_132 : i32
        %get3A_134 = arith.index_cast %add3A_133 : i32 to index
        %get3A_135 = arith.constant 0 : index
        %get3A_136 = tpu.vector_load %arg11[%get3A_134, %get3A_135] {strides = array<i32>} : memref<128x128xf32, #tpu.memory_space<vmem>>, vector<16xf32>,
        %mul3A_137 = arith.mulf %get3A_131, %get3A_136 : vector<16xf32>
        %mul3A_138 = arith.mulf %mul3A_137, %get3A_32 : vector<16xf32>
        %add3A_139 = arith.constant 2 : i32
        %add3A_140 = arith.addi %add3A_114, %add3A_139 : i32
        %get3A_141 = arith.index_cast %add3A_140 : i32 to index
        %get3A_142 = arith.constant 0 : index
        %get3A_143 = tpu.vector_load %arg10[%get3A_141, %get3A_142] {strides = array<i32>} : memref<128x128xf32, #tpu.memory_space<vmem>>, vector<16xf32>,
        %add3A_144 = arith.constant 2 : i32
        %add3A_145 = arith.addi %add3A_114, %add3A_144 : i32
        %get3A_146 = arith.index_cast %add3A_145 : i32 to index
        %get3A_147 = arith.constant 0 : index
        %get3A_148 = tpu.vector_load %arg11[%get3A_146, %get3A_147] {strides = array<i32>} : memref<128x128xf32, #tpu.memory_space<vmem>>, vector<16xf32>,
        %mul3A_149 = arith.mulf %get3A_143, %get3A_148 : vector<16xf32>
        %mul3A_150 = arith.mulf %mul3A_149, %get3A_32 : vector<16xf32>
        %add3A_151 = arith.constant 3 : i32
        %add3A_152 = arith.addi %add3A_114, %add3A_151 : i32
        %get3A_153 = arith.index_cast %add3A_152 : i32 to index
        %get3A_154 = arith.constant 0 : index
        %get3A_155 = tpu.vector_load %arg10[%get3A_153, %get3A_154] {strides = array<i32>} : memref<128x128xf32, #tpu.memory_space<vmem>>, vector<16xf32>,
        %add3A_156 = arith.constant 3 : i32
        %add3A_157 = arith.addi %add3A_114, %add3A_156 : i32
        %get3A_158 = arith.index_cast %add3A_157 : i32 to index
        %get3A_159 = arith.constant 0 : index
        %get3A_160 = tpu.vector_load %arg11[%get3A_158, %get3A_159] {strides = array<i32>} : memref<128x128xf32, #tpu.memory_space<vmem>>, vector<16xf32>,
        %mul3A_161 = arith.mulf %get3A_155, %get3A_160 : vector<16xf32>
        %mul3A_162 = arith.mulf %mul3A_161, %get3A_32 : vector<16xf32>
        %add3A_163 = arith.constant 4 : i32
        %add3A_164 = arith.addi %add3A_114, %add3A_163 : i32
        %get3A_165 = arith.index_cast %add3A_164 : i32 to index
        %get3A_166 = arith.constant 0 : index
        %get3A_167 = tpu.vector_load %arg10[%get3A_165, %get3A_166] {strides = array<i32>} : memref<128x128xf32, #tpu.memory_space<vmem>>, vector<16xf32>,
        %add3A_168 = arith.constant 4 : i32
        %add3A_169 = arith.addi %add3A_114, %add3A_168 : i32
        %get3A_170 = arith.index_cast %add3A_169 : i32 to index
        %get3A_171 = arith.constant 0 : index
        %get3A_172 = tpu.vector_load %arg11[%get3A_170, %get3A_171] {strides = array<i32>} : memref<128x128xf32, #tpu.memory_space<vmem>>, vector<16xf32>,
        %mul3A_173 = arith.mulf %get3A_167, %get3A_172 : vector<16xf32>
        %mul3A_174 = arith.mulf %mul3A_173, %get3A_32 : vector<16xf32>
        %add3A_175 = arith.constant 5 : i32
        %add3A_176 = arith.addi %add3A_114, %add3A_175 : i32
        %get3A_177 = arith.index_cast %add3A_176 : i32 to index
        %get3A_178 = arith.constant 0 : index
        %get3A_179 = tpu.vector_load %arg10[%get3A_177, %get3A_178] {strides = array<i32>} : memref<128x128xf32, #tpu.memory_space<vmem>>, vector<16xf32>,
        %add3A_180 = arith.constant 5 : i32
        %add3A_181 = arith.addi %add3A_114, %add3A_180 : i32
        %get3A_182 = arith.index_cast %add3A_181 : i32 to index
        %get3A_183 = arith.constant 0 : index
        %get3A_184 = tpu.vector_load %arg11[%get3A_182, %get3A_183] {strides = array<i32>} : memref<128x128xf32, #tpu.memory_space<vmem>>, vector<16xf32>,
        %mul3A_185 = arith.mulf %get3A_179, %get3A_184 : vector<16xf32>
        %mul3A_186 = arith.mulf %mul3A_185, %get3A_32 : vector<16xf32>
        %add3A_187 = arith.constant 6 : i32
        %add3A_188 = arith.addi %add3A_114, %add3A_187 : i32
        %get3A_189 = arith.index_cast %add3A_188 : i32 to index
        %get3A_190 = arith.constant 0 : index
        %get3A_191 = tpu.vector_load %arg10[%get3A_189, %get3A_190] {strides = array<i32>} : memref<128x128xf32, #tpu.memory_space<vmem>>, vector<16xf32>,
        %add3A_192 = arith.constant 6 : i32
        %add3A_193 = arith.addi %add3A_114, %add3A_192 : i32
        %get3A_194 = arith.index_cast %add3A_193 : i32 to index
        %get3A_195 = arith.constant 0 : index
        %get3A_196 = tpu.vector_load %arg11[%get3A_194, %get3A_195] {strides = array<i32>} : memref<128x128xf32, #tpu.memory_space<vmem>>, vector<16xf32>,
        %mul3A_197 = arith.mulf %get3A_191, %get3A_196 : vector<16xf32>
        %mul3A_198 = arith.mulf %mul3A_197, %get3A_32 : vector<16xf32>
        %add3A_199 = arith.constant 7 : i32
        %add3A_200 = arith.addi %add3A_114, %add3A_199 : i32
        %get3A_201 = arith.index_cast %add3A_200 : i32 to index
        %get3A_202 = arith.constant 0 : index
        %get3A_203 = tpu.vector_load %arg10[%get3A_201, %get3A_202] {strides = array<i32>} : memref<128x128xf32, #tpu.memory_space<vmem>>, vector<16xf32>,
        %add3A_204 = arith.constant 7 : i32
        %add3A_205 = arith.addi %add3A_114, %add3A_204 : i32
        %get3A_206 = arith.index_cast %add3A_205 : i32 to index
        %get3A_207 = arith.constant 0 : index
        %get3A_208 = tpu.vector_load %arg11[%get3A_206, %get3A_207] {strides = array<i32>} : memref<128x128xf32, #tpu.memory_space<vmem>>, vector<16xf32>,
        %mul3A_209 = arith.mulf %get3A_203, %get3A_208 : vector<16xf32>
        %mul3A_210 = arith.mulf %mul3A_209, %get3A_32 : vector<16xf32>
        %add3A_211 = arith.constant 0 : i32
        %add3A_212 = arith.addi %add3A_114, %add3A_211 : i32
        %get3A_213 = arith.index_cast %add3A_212 : i32 to index
        %get3A_214 = arith.constant 16 : index
        %get3A_215 = tpu.vector_load %arg10[%get3A_213, %get3A_214] {strides = array<i32>} : memref<128x128xf32, #tpu.memory_space<vmem>>, vector<16xf32>,
        %add3A_216 = arith.constant 0 : i32
        %add3A_217 = arith.addi %add3A_114, %add3A_216 : i32
        %get3A_218 = arith.index_cast %add3A_217 : i32 to index
        %get3A_219 = arith.constant 16 : index
        %get3A_220 = tpu.vector_load %arg11[%get3A_218, %get3A_219] {strides = array<i32>} : memref<128x128xf32, #tpu.memory_space<vmem>>, vector<16xf32>,
        %mul3A_221 = arith.mulf %get3A_215, %get3A_220 : vector<16xf32>
        %mul3A_222 = arith.mulf %mul3A_221, %get3A_34 : vector<16xf32>
        %add3A_223 = arith.addf %mul3A_126, %mul3A_222 : vector<16xf32>
        %add3A_224 = arith.constant 1 : i32
        %add3A_225 = arith.addi %add3A_114, %add3A_224 : i32
        %get3A_226 = arith.index_cast %add3A_225 : i32 to index
        %get3A_227 = arith.constant 16 : index
        %get3A_228 = tpu.vector_load %arg10[%get3A_226, %get3A_227] {strides = array<i32>} : memref<128x128xf32, #tpu.memory_space<vmem>>, vector<16xf32>,
        %add3A_229 = arith.constant 1 : i32
        %add3A_230 = arith.addi %add3A_114, %add3A_229 : i32
        %get3A_231 = arith.index_cast %add3A_230 : i32 to index
        %get3A_232 = arith.constant 16 : index
        %get3A_233 = tpu.vector_load %arg11[%get3A_231, %get3A_232] {strides = array<i32>} : memref<128x128xf32, #tpu.memory_space<vmem>>, vector<16xf32>,
        %mul3A_234 = arith.mulf %get3A_228, %get3A_233 : vector<16xf32>
        %mul3A_235 = arith.mulf %mul3A_234, %get3A_34 : vector<16xf32>
        %add3A_236 = arith.addf %mul3A_138, %mul3A_235 : vector<16xf32>
        %add3A_237 = arith.constant 2 : i32
        %add3A_238 = arith.addi %add3A_114, %add3A_237 : i32
        %get3A_239 = arith.index_cast %add3A_238 : i32 to index
        %get3A_240 = arith.constant 16 : index
        %get3A_241 = tpu.vector_load %arg10[%get3A_239, %get3A_240] {strides = array<i32>} : memref<128x128xf32, #tpu.memory_space<vmem>>, vector<16xf32>,
        %add3A_242 = arith.constant 2 : i32
        %add3A_243 = arith.addi %add3A_114, %add3A_242 : i32
        %get3A_244 = arith.index_cast %add3A_243 : i32 to index
        %get3A_245 = arith.constant 16 : index
        %get3A_246 = tpu.vector_load %arg11[%get3A_244, %get3A_245] {strides = array<i32>} : memref<128x128xf32, #tpu.memory_space<vmem>>, vector<16xf32>,
        %mul3A_247 = arith.mulf %get3A_241, %get3A_246 : vector<16xf32>
        %mul3A_248 = arith.mulf %mul3A_247, %get3A_34 : vector<16xf32>
        %add3A_249 = arith.addf %mul3A_150, %mul3A_248 : vector<16xf32>
        %add3A_250 = arith.constant 3 : i32
        %add3A_251 = arith.addi %add3A_114, %add3A_250 : i32
        %get3A_252 = arith.index_cast %add3A_251 : i32 to index
        %get3A_253 = arith.constant 16 : index
        %get3A_254 = tpu.vector_load %arg10[%get3A_252, %get3A_253] {strides = array<i32>} : memref<128x128xf32, #tpu.memory_space<vmem>>, vector<16xf32>,
        %add3A_255 = arith.constant 3 : i32
        %add3A_256 = arith.addi %add3A_114, %add3A_255 : i32
        %get3A_257 = arith.index_cast %add3A_256 : i32 to index
        %get3A_258 = arith.constant 16 : index
        %get3A_259 = tpu.vector_load %arg11[%get3A_257, %get3A_258] {strides = array<i32>} : memref<128x128xf32, #tpu.memory_space<vmem>>, vector<16xf32>,
        %mul3A_260 = arith.mulf %get3A_254, %get3A_259 : vector<16xf32>
        %mul3A_261 = arith.mulf %mul3A_260, %get3A_34 : vector<16xf32>
        %add3A_262 = arith.addf %mul3A_162, %mul3A_261 : vector<16xf32>
        %add3A_263 = arith.constant 4 : i32
        %add3A_264 = arith.addi %add3A_114, %add3A_263 : i32
        %get3A_265 = arith.index_cast %add3A_264 : i32 to index
        %get3A_266 = arith.constant 16 : index
        %get3A_267 = tpu.vector_load %arg10[%get3A_265, %get3A_266] {strides = array<i32>} : memref<128x128xf32, #tpu.memory_space<vmem>>, vector<16xf32>,
        %add3A_268 = arith.constant 4 : i32
        %add3A_269 = arith.addi %add3A_114, %add3A_268 : i32
        %get3A_270 = arith.index_cast %add3A_269 : i32 to index
        %get3A_271 = arith.constant 16 : index
        %get3A_272 = tpu.vector_load %arg11[%get3A_270, %get3A_271] {strides = array<i32>} : memref<128x128xf32, #tpu.memory_space<vmem>>, vector<16xf32>,
        %mul3A_273 = arith.mulf %get3A_267, %get3A_272 : vector<16xf32>
        %mul3A_274 = arith.mulf %mul3A_273, %get3A_34 : vector<16xf32>
        %add3A_275 = arith.addf %mul3A_174, %mul3A_274 : vector<16xf32>
        %add3A_276 = arith.constant 5 : i32
        %add3A_277 = arith.addi %add3A_114, %add3A_276 : i32
        %get3A_278 = arith.index_cast %add3A_277 : i32 to index
        %get3A_279 = arith.constant 16 : index
        %get3A_280 = tpu.vector_load %arg10[%get3A_278, %get3A_279] {strides = array<i32>} : memref<128x128xf32, #tpu.memory_space<vmem>>, vector<16xf32>,
        %add3A_281 = arith.constant 5 : i32
        %add3A_282 = arith.addi %add3A_114, %add3A_281 : i32
        %get3A_283 = arith.index_cast %add3A_282 : i32 to index
        %get3A_284 = arith.constant 16 : index
        %get3A_285 = tpu.vector_load %arg11[%get3A_283, %get3A_284] {strides = array<i32>} : memref<128x128xf32, #tpu.memory_space<vmem>>, vector<16xf32>,
        %mul3A_286 = arith.mulf %get3A_280, %get3A_285 : vector<16xf32>
        %mul3A_287 = arith.mulf %mul3A_286, %get3A_34 : vector<16xf32>
        %add3A_288 = arith.addf %mul3A_186, %mul3A_287 : vector<16xf32>
        %add3A_289 = arith.constant 6 : i32
        %add3A_290 = arith.addi %add3A_114, %add3A_289 : i32
        %get3A_291 = arith.index_cast %add3A_290 : i32 to index
        %get3A_292 = arith.constant 16 : index
        %get3A_293 = tpu.vector_load %arg10[%get3A_291, %get3A_292] {strides = array<i32>} : memref<128x128xf32, #tpu.memory_space<vmem>>, vector<16xf32>,
        %add3A_294 = arith.constant 6 : i32
        %add3A_295 = arith.addi %add3A_114, %add3A_294 : i32
        %get3A_296 = arith.index_cast %add3A_295 : i32 to index
        %get3A_297 = arith.constant 16 : index
        %get3A_298 = tpu.vector_load %arg11[%get3A_296, %get3A_297] {strides = array<i32>} : memref<128x128xf32, #tpu.memory_space<vmem>>, vector<16xf32>,
        %mul3A_299 = arith.mulf %get3A_293, %get3A_298 : vector<16xf32>
        %mul3A_300 = arith.mulf %mul3A_299, %get3A_34 : vector<16xf32>
        %add3A_301 = arith.addf %mul3A_198, %mul3A_300 : vector<16xf32>
        %add3A_302 = arith.constant 7 : i32
        %add3A_303 = arith.addi %add3A_114, %add3A_302 : i32
        %get3A_304 = arith.index_cast %add3A_303 : i32 to index
        %get3A_305 = arith.constant 16 : index
        %get3A_306 = tpu.vector_load %arg10[%get3A_304, %get3A_305] {strides = array<i32>} : memref<128x128xf32, #tpu.memory_space<vmem>>, vector<16xf32>,
        %add3A_307 = arith.constant 7 : i32
        %add3A_308 = arith.addi %add3A_114, %add3A_307 : i32
        %get3A_309 = arith.index_cast %add3A_308 : i32 to index
        %get3A_310 = arith.constant 16 : index
        %get3A_311 = tpu.vector_load %arg11[%get3A_309, %get3A_310] {strides = array<i32>} : memref<128x128xf32, #tpu.memory_space<vmem>>, vector<16xf32>,
        %mul3A_312 = arith.mulf %get3A_306, %get3A_311 : vector<16xf32>
        %mul3A_313 = arith.mulf %mul3A_312, %get3A_34 : vector<16xf32>
        %add3A_314 = arith.addf %mul3A_210, %mul3A_313 : vector<16xf32>
        %add3A_315 = arith.constant 0 : i32
        %add3A_316 = arith.addi %add3A_114, %add3A_315 : i32
        %get3A_317 = arith.index_cast %add3A_316 : i32 to index
        %get3A_318 = arith.constant 32 : index
        %get3A_319 = tpu.vector_load %arg10[%get3A_317, %get3A_318] {strides = array<i32>} : memref<128x128xf32, #tpu.memory_space<vmem>>, vector<16xf32>,
        %add3A_320 = arith.constant 0 : i32
        %add3A_321 = arith.addi %add3A_114, %add3A_320 : i32
        %get3A_322 = arith.index_cast %add3A_321 : i32 to index
        %get3A_323 = arith.constant 32 : index
        %get3A_324 = tpu.vector_load %arg11[%get3A_322, %get3A_323] {strides = array<i32>} : memref<128x128xf32, #tpu.memory_space<vmem>>, vector<16xf32>,
        %mul3A_325 = arith.mulf %get3A_319, %get3A_324 : vector<16xf32>
        %mul3A_326 = arith.mulf %mul3A_325, %get3A_36 : vector<16xf32>
        %add3A_327 = arith.addf %add3A_223, %mul3A_326 : vector<16xf32>
        %add3A_328 = arith.constant 1 : i32
        %add3A_329 = arith.addi %add3A_114, %add3A_328 : i32
        %get3A_330 = arith.index_cast %add3A_329 : i32 to index
        %get3A_331 = arith.constant 32 : index
        %get3A_332 = tpu.vector_load %arg10[%get3A_330, %get3A_331] {strides = array<i32>} : memref<128x128xf32, #tpu.memory_space<vmem>>, vector<16xf32>,
        %add3A_333 = arith.constant 1 : i32
        %add3A_334 = arith.addi %add3A_114, %add3A_333 : i32
        %get3A_335 = arith.index_cast %add3A_334 : i32 to index
        %get3A_336 = arith.constant 32 : index
        %get3A_337 = tpu.vector_load %arg11[%get3A_335, %get3A_336] {strides = array<i32>} : memref<128x128xf32, #tpu.memory_space<vmem>>, vector<16xf32>,
        %mul3A_338 = arith.mulf %get3A_332, %get3A_337 : vector<16xf32>
        %mul3A_339 = arith.mulf %mul3A_338, %get3A_36 : vector<16xf32>
        %add3A_340 = arith.addf %add3A_236, %mul3A_339 : vector<16xf32>
        %add3A_341 = arith.constant 2 : i32
        %add3A_342 = arith.addi %add3A_114, %add3A_341 : i32
        %get3A_343 = arith.index_cast %add3A_342 : i32 to index
        %get3A_344 = arith.constant 32 : index
        %get3A_345 = tpu.vector_load %arg10[%get3A_343, %get3A_344] {strides = array<i32>} : memref<128x128xf32, #tpu.memory_space<vmem>>, vector<16xf32>,
        %add3A_346 = arith.constant 2 : i32
        %add3A_347 = arith.addi %add3A_114, %add3A_346 : i32
        %get3A_348 = arith.index_cast %add3A_347 : i32 to index
        %get3A_349 = arith.constant 32 : index
        %get3A_350 = tpu.vector_load %arg11[%get3A_348, %get3A_349] {strides = array<i32>} : memref<128x128xf32, #tpu.memory_space<vmem>>, vector<16xf32>,
        %mul3A_351 = arith.mulf %get3A_345, %get3A_350 : vector<16xf32>
        %mul3A_352 = arith.mulf %mul3A_351, %get3A_36 : vector<16xf32>
        %add3A_353 = arith.addf %add3A_249, %mul3A_352 : vector<16xf32>
        %add3A_354 = arith.constant 3 : i32
        %add3A_355 = arith.addi %add3A_114, %add3A_354 : i32
        %get3A_356 = arith.index_cast %add3A_355 : i32 to index
        %get3A_357 = arith.constant 32 : index
        %get3A_358 = tpu.vector_load %arg10[%get3A_356, %get3A_357] {strides = array<i32>} : memref<128x128xf32, #tpu.memory_space<vmem>>, vector<16xf32>,
        %add3A_359 = arith.constant 3 : i32
        %add3A_360 = arith.addi %add3A_114, %add3A_359 : i32
        %get3A_361 = arith.index_cast %add3A_360 : i32 to index
        %get3A_362 = arith.constant 32 : index
        %get3A_363 = tpu.vector_load %arg11[%get3A_361, %get3A_362] {strides = array<i32>} : memref<128x128xf32, #tpu.memory_space<vmem>>, vector<16xf32>,
        %mul3A_364 = arith.mulf %get3A_358, %get3A_363 : vector<16xf32>
        %mul3A_365 = arith.mulf %mul3A_364, %get3A_36 : vector<16xf32>
        %add3A_366 = arith.addf %add3A_262, %mul3A_365 : vector<16xf32>
        %add3A_367 = arith.constant 4 : i32
        %add3A_368 = arith.addi %add3A_114, %add3A_367 : i32
        %get3A_369 = arith.index_cast %add3A_368 : i32 to index
        %get3A_370 = arith.constant 32 : index
        %get3A_371 = tpu.vector_load %arg10[%get3A_369, %get3A_370] {strides = array<i32>} : memref<128x128xf32, #tpu.memory_space<vmem>>, vector<16xf32>,
        %add3A_372 = arith.constant 4 : i32
        %add3A_373 = arith.addi %add3A_114, %add3A_372 : i32
        %get3A_374 = arith.index_cast %add3A_373 : i32 to index
        %get3A_375 = arith.constant 32 : index
        %get3A_376 = tpu.vector_load %arg11[%get3A_374, %get3A_375] {strides = array<i32>} : memref<128x128xf32, #tpu.memory_space<vmem>>, vector<16xf32>,
        %mul3A_377 = arith.mulf %get3A_371, %get3A_376 : vector<16xf32>
        %mul3A_378 = arith.mulf %mul3A_377, %get3A_36 : vector<16xf32>
        %add3A_379 = arith.addf %add3A_275, %mul3A_378 : vector<16xf32>
        %add3A_380 = arith.constant 5 : i32
        %add3A_381 = arith.addi %add3A_114, %add3A_380 : i32
        %get3A_382 = arith.index_cast %add3A_381 : i32 to index
        %get3A_383 = arith.constant 32 : index
        %get3A_384 = tpu.vector_load %arg10[%get3A_382, %get3A_383] {strides = array<i32>} : memref<128x128xf32, #tpu.memory_space<vmem>>, vector<16xf32>,
        %add3A_385 = arith.constant 5 : i32
        %add3A_386 = arith.addi %add3A_114, %add3A_385 : i32
        %get3A_387 = arith.index_cast %add3A_386 : i32 to index
        %get3A_388 = arith.constant 32 : index
        %get3A_389 = tpu.vector_load %arg11[%get3A_387, %get3A_388] {strides = array<i32>} : memref<128x128xf32, #tpu.memory_space<vmem>>, vector<16xf32>,
        %mul3A_390 = arith.mulf %get3A_384, %get3A_389 : vector<16xf32>
        %mul3A_391 = arith.mulf %mul3A_390, %get3A_36 : vector<16xf32>
        %add3A_392 = arith.addf %add3A_288, %mul3A_391 : vector<16xf32>
        %add3A_393 = arith.constant 6 : i32
        %add3A_394 = arith.addi %add3A_114, %add3A_393 : i32
        %get3A_395 = arith.index_cast %add3A_394 : i32 to index
        %get3A_396 = arith.constant 32 : index
        %get3A_397 = tpu.vector_load %arg10[%get3A_395, %get3A_396] {strides = array<i32>} : memref<128x128xf32, #tpu.memory_space<vmem>>, vector<16xf32>,
        %add3A_398 = arith.constant 6 : i32
        %add3A_399 = arith.addi %add3A_114, %add3A_398 : i32
        %get3A_400 = arith.index_cast %add3A_399 : i32 to index
        %get3A_401 = arith.constant 32 : index
        %get3A_402 = tpu.vector_load %arg11[%get3A_400, %get3A_401] {strides = array<i32>} : memref<128x128xf32, #tpu.memory_space<vmem>>, vector<16xf32>,
        %mul3A_403 = arith.mulf %get3A_397, %get3A_402 : vector<16xf32>
        %mul3A_404 = arith.mulf %mul3A_403, %get3A_36 : vector<16xf32>
        %add3A_405 = arith.addf %add3A_301, %mul3A_404 : vector<16xf32>
        %add3A_406 = arith.constant 7 : i32
        %add3A_407 = arith.addi %add3A_114, %add3A_406 : i32
        %get3A_408 = arith.index_cast %add3A_407 : i32 to index
        %get3A_409 = arith.constant 32 : index
        %get3A_410 = tpu.vector_load %arg10[%get3A_408, %get3A_409] {strides = array<i32>} : memref<128x128xf32, #tpu.memory_space<vmem>>, vector<16xf32>,
        %add3A_411 = arith.constant 7 : i32
        %add3A_412 = arith.addi %add3A_114, %add3A_411 : i32
        %get3A_413 = arith.index_cast %add3A_412 : i32 to index
        %get3A_414 = arith.constant 32 : index
        %get3A_415 = tpu.vector_load %arg11[%get3A_413, %get3A_414] {strides = array<i32>} : memref<128x128xf32, #tpu.memory_space<vmem>>, vector<16xf32>,
        %mul3A_416 = arith.mulf %get3A_410, %get3A_415 : vector<16xf32>
        %mul3A_417 = arith.mulf %mul3A_416, %get3A_36 : vector<16xf32>
        %add3A_418 = arith.addf %add3A_314, %mul3A_417 : vector<16xf32>
        %add3A_419 = arith.constant 0 : i32
        %add3A_420 = arith.addi %add3A_114, %add3A_419 : i32
        %get3A_421 = arith.index_cast %add3A_420 : i32 to index
        %get3A_422 = arith.constant 48 : index
        %get3A_423 = tpu.vector_load %arg10[%get3A_421, %get3A_422] {strides = array<i32>} : memref<128x128xf32, #tpu.memory_space<vmem>>, vector<16xf32>,
        %add3A_424 = arith.constant 0 : i32
        %add3A_425 = arith.addi %add3A_114, %add3A_424 : i32
        %get3A_426 = arith.index_cast %add3A_425 : i32 to index
        %get3A_427 = arith.constant 48 : index
        %get3A_428 = tpu.vector_load %arg11[%get3A_426, %get3A_427] {strides = array<i32>} : memref<128x128xf32, #tpu.memory_space<vmem>>, vector<16xf32>,
        %mul3A_429 = arith.mulf %get3A_423, %get3A_428 : vector<16xf32>
        %mul3A_430 = arith.mulf %mul3A_429, %get3A_38 : vector<16xf32>
        %add3A_431 = arith.addf %add3A_327, %mul3A_430 : vector<16xf32>
        %add3A_432 = arith.constant 1 : i32
        %add3A_433 = arith.addi %add3A_114, %add3A_432 : i32
        %get3A_434 = arith.index_cast %add3A_433 : i32 to index
        %get3A_435 = arith.constant 48 : index
        %get3A_436 = tpu.vector_load %arg10[%get3A_434, %get3A_435] {strides = array<i32>} : memref<128x128xf32, #tpu.memory_space<vmem>>, vector<16xf32>,
        %add3A_437 = arith.constant 1 : i32
        %add3A_438 = arith.addi %add3A_114, %add3A_437 : i32
        %get3A_439 = arith.index_cast %add3A_438 : i32 to index
        %get3A_440 = arith.constant 48 : index
        %get3A_441 = tpu.vector_load %arg11[%get3A_439, %get3A_440] {strides = array<i32>} : memref<128x128xf32, #tpu.memory_space<vmem>>, vector<16xf32>,
        %mul3A_442 = arith.mulf %get3A_436, %get3A_441 : vector<16xf32>
        %mul3A_443 = arith.mulf %mul3A_442, %get3A_38 : vector<16xf32>
        %add3A_444 = arith.addf %add3A_340, %mul3A_443 : vector<16xf32>
        %add3A_445 = arith.constant 2 : i32
        %add3A_446 = arith.addi %add3A_114, %add3A_445 : i32
        %get3A_447 = arith.index_cast %add3A_446 : i32 to index
        %get3A_448 = arith.constant 48 : index
        %get3A_449 = tpu.vector_load %arg10[%get3A_447, %get3A_448] {strides = array<i32>} : memref<128x128xf32, #tpu.memory_space<vmem>>, vector<16xf32>,
        %add3A_450 = arith.constant 2 : i32
        %add3A_451 = arith.addi %add3A_114, %add3A_450 : i32
        %get3A_452 = arith.index_cast %add3A_451 : i32 to index
        %get3A_453 = arith.constant 48 : index
        %get3A_454 = tpu.vector_load %arg11[%get3A_452, %get3A_453] {strides = array<i32>} : memref<128x128xf32, #tpu.memory_space<vmem>>, vector<16xf32>,
        %mul3A_455 = arith.mulf %get3A_449, %get3A_454 : vector<16xf32>
        %mul3A_456 = arith.mulf %mul3A_455, %get3A_38 : vector<16xf32>
        %add3A_457 = arith.addf %add3A_353, %mul3A_456 : vector<16xf32>
        %add3A_458 = arith.constant 3 : i32
        %add3A_459 = arith.addi %add3A_114, %add3A_458 : i32
        %get3A_460 = arith.index_cast %add3A_459 : i32 to index
        %get3A_461 = arith.constant 48 : index
        %get3A_462 = tpu.vector_load %arg10[%get3A_460, %get3A_461] {strides = array<i32>} : memref<128x128xf32, #tpu.memory_space<vmem>>, vector<16xf32>,
        %add3A_463 = arith.constant 3 : i32
        %add3A_464 = arith.addi %add3A_114, %add3A_463 : i32
        %get3A_465 = arith.index_cast %add3A_464 : i32 to index
        %get3A_466 = arith.constant 48 : index
        %get3A_467 = tpu.vector_load %arg11[%get3A_465, %get3A_466] {strides = array<i32>} : memref<128x128xf32, #tpu.memory_space<vmem>>, vector<16xf32>,
        %mul3A_468 = arith.mulf %get3A_462, %get3A_467 : vector<16xf32>
        %mul3A_469 = arith.mulf %mul3A_468, %get3A_38 : vector<16xf32>
        %add3A_470 = arith.addf %add3A_366, %mul3A_469 : vector<16xf32>
        %add3A_471 = arith.constant 4 : i32
        %add3A_472 = arith.addi %add3A_114, %add3A_471 : i32
        %get3A_473 = arith.index_cast %add3A_472 : i32 to index
        %get3A_474 = arith.constant 48 : index
        %get3A_475 = tpu.vector_load %arg10[%get3A_473, %get3A_474] {strides = array<i32>} : memref<128x128xf32, #tpu.memory_space<vmem>>, vector<16xf32>,
        %add3A_476 = arith.constant 4 : i32
        %add3A_477 = arith.addi %add3A_114, %add3A_476 : i32
        %get3A_478 = arith.index_cast %add3A_477 : i32 to index
        %get3A_479 = arith.constant 48 : index
        %get3A_480 = tpu.vector_load %arg11[%get3A_478, %get3A_479] {strides = array<i32>} : memref<128x128xf32, #tpu.memory_space<vmem>>, vector<16xf32>,
        %mul3A_481 = arith.mulf %get3A_475, %get3A_480 : vector<16xf32>
        %mul3A_482 = arith.mulf %mul3A_481, %get3A_38 : vector<16xf32>
        %add3A_483 = arith.addf %add3A_379, %mul3A_482 : vector<16xf32>
        %add3A_484 = arith.constant 5 : i32
        %add3A_485 = arith.addi %add3A_114, %add3A_484 : i32
        %get3A_486 = arith.index_cast %add3A_485 : i32 to index
        %get3A_487 = arith.constant 48 : index
        %get3A_488 = tpu.vector_load %arg10[%get3A_486, %get3A_487] {strides = array<i32>} : memref<128x128xf32, #tpu.memory_space<vmem>>, vector<16xf32>,
        %add3A_489 = arith.constant 5 : i32
        %add3A_490 = arith.addi %add3A_114, %add3A_489 : i32
        %get3A_491 = arith.index_cast %add3A_490 : i32 to index
        %get3A_492 = arith.constant 48 : index
        %get3A_493 = tpu.vector_load %arg11[%get3A_491, %get3A_492] {strides = array<i32>} : memref<128x128xf32, #tpu.memory_space<vmem>>, vector<16xf32>,
        %mul3A_494 = arith.mulf %get3A_488, %get3A_493 : vector<16xf32>
        %mul3A_495 = arith.mulf %mul3A_494, %get3A_38 : vector<16xf32>
        %add3A_496 = arith.addf %add3A_392, %mul3A_495 : vector<16xf32>
        %add3A_497 = arith.constant 6 : i32
        %add3A_498 = arith.addi %add3A_114, %add3A_497 : i32
        %get3A_499 = arith.index_cast %add3A_498 : i32 to index
        %get3A_500 = arith.constant 48 : index
        %get3A_501 = tpu.vector_load %arg10[%get3A_499, %get3A_500] {strides = array<i32>} : memref<128x128xf32, #tpu.memory_space<vmem>>, vector<16xf32>,
        %add3A_502 = arith.constant 6 : i32
        %add3A_503 = arith.addi %add3A_114, %add3A_502 : i32
        %get3A_504 = arith.index_cast %add3A_503 : i32 to index
        %get3A_505 = arith.constant 48 : index
        %get3A_506 = tpu.vector_load %arg11[%get3A_504, %get3A_505] {strides = array<i32>} : memref<128x128xf32, #tpu.memory_space<vmem>>, vector<16xf32>,
        %mul3A_507 = arith.mulf %get3A_501, %get3A_506 : vector<16xf32>
        %mul3A_508 = arith.mulf %mul3A_507, %get3A_38 : vector<16xf32>
        %add3A_509 = arith.addf %add3A_405, %mul3A_508 : vector<16xf32>
        %add3A_510 = arith.constant 7 : i32
        %add3A_511 = arith.addi %add3A_114, %add3A_510 : i32
        %get3A_512 = arith.index_cast %add3A_511 : i32 to index
        %get3A_513 = arith.constant 48 : index
        %get3A_514 = tpu.vector_load %arg10[%get3A_512, %get3A_513] {strides = array<i32>} : memref<128x128xf32, #tpu.memory_space<vmem>>, vector<16xf32>,
        %add3A_515 = arith.constant 7 : i32
        %add3A_516 = arith.addi %add3A_114, %add3A_515 : i32
        %get3A_517 = arith.index_cast %add3A_516 : i32 to index
        %get3A_518 = arith.constant 48 : index
        %get3A_519 = tpu.vector_load %arg11[%get3A_517, %get3A_518] {strides = array<i32>} : memref<128x128xf32, #tpu.memory_space<vmem>>, vector<16xf32>,
        %mul3A_520 = arith.mulf %get3A_514, %get3A_519 : vector<16xf32>
        %mul3A_521 = arith.mulf %mul3A_520, %get3A_38 : vector<16xf32>
        %add3A_522 = arith.addf %add3A_418, %mul3A_521 : vector<16xf32>
        %add3A_523 = arith.constant 0 : i32
        %add3A_524 = arith.addi %add3A_114, %add3A_523 : i32
        %get3A_525 = arith.index_cast %add3A_524 : i32 to index
        %get3A_526 = arith.constant 64 : index
        %get3A_527 = tpu.vector_load %arg10[%get3A_525, %get3A_526] {strides = array<i32>} : memref<128x128xf32, #tpu.memory_space<vmem>>, vector<16xf32>,
        %add3A_528 = arith.constant 0 : i32
        %add3A_529 = arith.addi %add3A_114, %add3A_528 : i32
        %get3A_530 = arith.index_cast %add3A_529 : i32 to index
        %get3A_531 = arith.constant 64 : index
        %get3A_532 = tpu.vector_load %arg11[%get3A_530, %get3A_531] {strides = array<i32>} : memref<128x128xf32, #tpu.memory_space<vmem>>, vector<16xf32>,
        %mul3A_533 = arith.mulf %get3A_527, %get3A_532 : vector<16xf32>
        %mul3A_534 = arith.mulf %mul3A_533, %get3A_40 : vector<16xf32>
        %add3A_535 = arith.addf %add3A_431, %mul3A_534 : vector<16xf32>
        %add3A_536 = arith.constant 1 : i32
        %add3A_537 = arith.addi %add3A_114, %add3A_536 : i32
        %get3A_538 = arith.index_cast %add3A_537 : i32 to index
        %get3A_539 = arith.constant 64 : index
        %get3A_540 = tpu.vector_load %arg10[%get3A_538, %get3A_539] {strides = array<i32>} : memref<128x128xf32, #tpu.memory_space<vmem>>, vector<16xf32>,
        %add3A_541 = arith.constant 1 : i32
        %add3A_542 = arith.addi %add3A_114, %add3A_541 : i32
        %get3A_543 = arith.index_cast %add3A_542 : i32 to index
        %get3A_544 = arith.constant 64 : index
        %get3A_545 = tpu.vector_load %arg11[%get3A_543, %get3A_544] {strides = array<i32>} : memref<128x128xf32, #tpu.memory_space<vmem>>, vector<16xf32>,
        %mul3A_546 = arith.mulf %get3A_540, %get3A_545 : vector<16xf32>
        %mul3A_547 = arith.mulf %mul3A_546, %get3A_40 : vector<16xf32>
        %add3A_548 = arith.addf %add3A_444, %mul3A_547 : vector<16xf32>
        %add3A_549 = arith.constant 2 : i32
        %add3A_550 = arith.addi %add3A_114, %add3A_549 : i32
        %get3A_551 = arith.index_cast %add3A_550 : i32 to index
        %get3A_552 = arith.constant 64 : index
        %get3A_553 = tpu.vector_load %arg10[%get3A_551, %get3A_552] {strides = array<i32>} : memref<128x128xf32, #tpu.memory_space<vmem>>, vector<16xf32>,
        %add3A_554 = arith.constant 2 : i32
        %add3A_555 = arith.addi %add3A_114, %add3A_554 : i32
        %get3A_556 = arith.index_cast %add3A_555 : i32 to index
        %get3A_557 = arith.constant 64 : index
        %get3A_558 = tpu.vector_load %arg11[%get3A_556, %get3A_557] {strides = array<i32>} : memref<128x128xf32, #tpu.memory_space<vmem>>, vector<16xf32>,
        %mul3A_559 = arith.mulf %get3A_553, %get3A_558 : vector<16xf32>
        %mul3A_560 = arith.mulf %mul3A_559, %get3A_40 : vector<16xf32>
        %add3A_561 = arith.addf %add3A_457, %mul3A_560 : vector<16xf32>
        %add3A_562 = arith.constant 3 : i32
        %add3A_563 = arith.addi %add3A_114, %add3A_562 : i32
        %get3A_564 = arith.index_cast %add3A_563 : i32 to index
        %get3A_565 = arith.constant 64 : index
        %get3A_566 = tpu.vector_load %arg10[%get3A_564, %get3A_565] {strides = array<i32>} : memref<128x128xf32, #tpu.memory_space<vmem>>, vector<16xf32>,
        %add3A_567 = arith.constant 3 : i32
        %add3A_568 = arith.addi %add3A_114, %add3A_567 : i32
        %get3A_569 = arith.index_cast %add3A_568 : i32 to index
        %get3A_570 = arith.constant 64 : index
        %get3A_571 = tpu.vector_load %arg11[%get3A_569, %get3A_570] {strides = array<i32>} : memref<128x128xf32, #tpu.memory_space<vmem>>, vector<16xf32>,
        %mul3A_572 = arith.mulf %get3A_566, %get3A_571 : vector<16xf32>
        %mul3A_573 = arith.mulf %mul3A_572, %get3A_40 : vector<16xf32>
        %add3A_574 = arith.addf %add3A_470, %mul3A_573 : vector<16xf32>
        %add3A_575 = arith.constant 4 : i32
        %add3A_576 = arith.addi %add3A_114, %add3A_575 : i32
        %get3A_577 = arith.index_cast %add3A_576 : i32 to index
        %get3A_578 = arith.constant 64 : index
        %get3A_579 = tpu.vector_load %arg10[%get3A_577, %get3A_578] {strides = array<i32>} : memref<128x128xf32, #tpu.memory_space<vmem>>, vector<16xf32>,
        %add3A_580 = arith.constant 4 : i32
        %add3A_581 = arith.addi %add3A_114, %add3A_580 : i32
        %get3A_582 = arith.index_cast %add3A_581 : i32 to index
        %get3A_583 = arith.constant 64 : index
        %get3A_584 = tpu.vector_load %arg11[%get3A_582, %get3A_583] {strides = array<i32>} : memref<128x128xf32, #tpu.memory_space<vmem>>, vector<16xf32>,
        %mul3A_585 = arith.mulf %get3A_579, %get3A_584 : vector<16xf32>
        %mul3A_586 = arith.mulf %mul3A_585, %get3A_40 : vector<16xf32>
        %add3A_587 = arith.addf %add3A_483, %mul3A_586 : vector<16xf32>
        %add3A_588 = arith.constant 5 : i32
        %add3A_589 = arith.addi %add3A_114, %add3A_588 : i32
        %get3A_590 = arith.index_cast %add3A_589 : i32 to index
        %get3A_591 = arith.constant 64 : index
        %get3A_592 = tpu.vector_load %arg10[%get3A_590, %get3A_591] {strides = array<i32>} : memref<128x128xf32, #tpu.memory_space<vmem>>, vector<16xf32>,
        %add3A_593 = arith.constant 5 : i32
        %add3A_594 = arith.addi %add3A_114, %add3A_593 : i32
        %get3A_595 = arith.index_cast %add3A_594 : i32 to index
        %get3A_596 = arith.constant 64 : index
        %get3A_597 = tpu.vector_load %arg11[%get3A_595, %get3A_596] {strides = array<i32>} : memref<128x128xf32, #tpu.memory_space<vmem>>, vector<16xf32>,
        %mul3A_598 = arith.mulf %get3A_592, %get3A_597 : vector<16xf32>
        %mul3A_599 = arith.mulf %mul3A_598, %get3A_40 : vector<16xf32>
        %add3A_600 = arith.addf %add3A_496, %mul3A_599 : vector<16xf32>
        %add3A_601 = arith.constant 6 : i32
        %add3A_602 = arith.addi %add3A_114, %add3A_601 : i32
        %get3A_603 = arith.index_cast %add3A_602 : i32 to index
        %get3A_604 = arith.constant 64 : index
        %get3A_605 = tpu.vector_load %arg10[%get3A_603, %get3A_604] {strides = array<i32>} : memref<128x128xf32, #tpu.memory_space<vmem>>, vector<16xf32>,
        %add3A_606 = arith.constant 6 : i32
        %add3A_607 = arith.addi %add3A_114, %add3A_606 : i32
        %get3A_608 = arith.index_cast %add3A_607 : i32 to index
        %get3A_609 = arith.constant 64 : index
        %get3A_610 = tpu.vector_load %arg11[%get3A_608, %get3A_609] {strides = array<i32>} : memref<128x128xf32, #tpu.memory_space<vmem>>, vector<16xf32>,
        %mul3A_611 = arith.mulf %get3A_605, %get3A_610 : vector<16xf32>
        %mul3A_612 = arith.mulf %mul3A_611, %get3A_40 : vector<16xf32>
        %add3A_613 = arith.addf %add3A_509, %mul3A_612 : vector<16xf32>
        %add3A_614 = arith.constant 7 : i32
        %add3A_615 = arith.addi %add3A_114, %add3A_614 : i32
        %get3A_616 = arith.index_cast %add3A_615 : i32 to index
        %get3A_617 = arith.constant 64 : index
        %get3A_618 = tpu.vector_load %arg10[%get3A_616, %get3A_617] {strides = array<i32>} : memref<128x128xf32, #tpu.memory_space<vmem>>, vector<16xf32>,
        %add3A_619 = arith.constant 7 : i32
        %add3A_620 = arith.addi %add3A_114, %add3A_619 : i32
        %get3A_621 = arith.index_cast %add3A_620 : i32 to index
        %get3A_622 = arith.constant 64 : index
        %get3A_623 = tpu.vector_load %arg11[%get3A_621, %get3A_622] {strides = array<i32>} : memref<128x128xf32, #tpu.memory_space<vmem>>, vector<16xf32>,
        %mul3A_624 = arith.mulf %get3A_618, %get3A_623 : vector<16xf32>
        %mul3A_625 = arith.mulf %mul3A_624, %get3A_40 : vector<16xf32>
        %add3A_626 = arith.addf %add3A_522, %mul3A_625 : vector<16xf32>
        %add3A_627 = arith.constant 0 : i32
        %add3A_628 = arith.addi %add3A_114, %add3A_627 : i32
        %get3A_629 = arith.index_cast %add3A_628 : i32 to index
        %get3A_630 = arith.constant 80 : index
        %get3A_631 = tpu.vector_load %arg10[%get3A_629, %get3A_630] {strides = array<i32>} : memref<128x128xf32, #tpu.memory_space<vmem>>, vector<16xf32>,
        %add3A_632 = arith.constant 0 : i32
        %add3A_633 = arith.addi %add3A_114, %add3A_632 : i32
        %get3A_634 = arith.index_cast %add3A_633 : i32 to index
        %get3A_635 = arith.constant 80 : index
        %get3A_636 = tpu.vector_load %arg11[%get3A_634, %get3A_635] {strides = array<i32>} : memref<128x128xf32, #tpu.memory_space<vmem>>, vector<16xf32>,
        %mul3A_637 = arith.mulf %get3A_631, %get3A_636 : vector<16xf32>
        %mul3A_638 = arith.mulf %mul3A_637, %get3A_42 : vector<16xf32>
        %add3A_639 = arith.addf %add3A_535, %mul3A_638 : vector<16xf32>
        %add3A_640 = arith.constant 1 : i32
        %add3A_641 = arith.addi %add3A_114, %add3A_640 : i32
        %get3A_642 = arith.index_cast %add3A_641 : i32 to index
        %get3A_643 = arith.constant 80 : index
        %get3A_644 = tpu.vector_load %arg10[%get3A_642, %get3A_643] {strides = array<i32>} : memref<128x128xf32, #tpu.memory_space<vmem>>, vector<16xf32>,
        %add3A_645 = arith.constant 1 : i32
        %add3A_646 = arith.addi %add3A_114, %add3A_645 : i32
        %get3A_647 = arith.index_cast %add3A_646 : i32 to index
        %get3A_648 = arith.constant 80 : index
        %get3A_649 = tpu.vector_load %arg11[%get3A_647, %get3A_648] {strides = array<i32>} : memref<128x128xf32, #tpu.memory_space<vmem>>, vector<16xf32>,
        %mul3A_650 = arith.mulf %get3A_644, %get3A_649 : vector<16xf32>
        %mul3A_651 = arith.mulf %mul3A_650, %get3A_42 : vector<16xf32>
        %add3A_652 = arith.addf %add3A_548, %mul3A_651 : vector<16xf32>
        %add3A_653 = arith.constant 2 : i32
        %add3A_654 = arith.addi %add3A_114, %add3A_653 : i32
        %get3A_655 = arith.index_cast %add3A_654 : i32 to index
        %get3A_656 = arith.constant 80 : index
        %get3A_657 = tpu.vector_load %arg10[%get3A_655, %get3A_656] {strides = array<i32>} : memref<128x128xf32, #tpu.memory_space<vmem>>, vector<16xf32>,
        %add3A_658 = arith.constant 2 : i32
        %add3A_659 = arith.addi %add3A_114, %add3A_658 : i32
        %get3A_660 = arith.index_cast %add3A_659 : i32 to index
        %get3A_661 = arith.constant 80 : index
        %get3A_662 = tpu.vector_load %arg11[%get3A_660, %get3A_661] {strides = array<i32>} : memref<128x128xf32, #tpu.memory_space<vmem>>, vector<16xf32>,
        %mul3A_663 = arith.mulf %get3A_657, %get3A_662 : vector<16xf32>
        %mul3A_664 = arith.mulf %mul3A_663, %get3A_42 : vector<16xf32>
        %add3A_665 = arith.addf %add3A_561, %mul3A_664 : vector<16xf32>
        %add3A_666 = arith.constant 3 : i32
        %add3A_667 = arith.addi %add3A_114, %add3A_666 : i32
        %get3A_668 = arith.index_cast %add3A_667 : i32 to index
        %get3A_669 = arith.constant 80 : index
        %get3A_670 = tpu.vector_load %arg10[%get3A_668, %get3A_669] {strides = array<i32>} : memref<128x128xf32, #tpu.memory_space<vmem>>, vector<16xf32>,
        %add3A_671 = arith.constant 3 : i32
        %add3A_672 = arith.addi %add3A_114, %add3A_671 : i32
        %get3A_673 = arith.index_cast %add3A_672 : i32 to index
        %get3A_674 = arith.constant 80 : index
        %get3A_675 = tpu.vector_load %arg11[%get3A_673, %get3A_674] {strides = array<i32>} : memref<128x128xf32, #tpu.memory_space<vmem>>, vector<16xf32>,
        %mul3A_676 = arith.mulf %get3A_670, %get3A_675 : vector<16xf32>
        %mul3A_677 = arith.mulf %mul3A_676, %get3A_42 : vector<16xf32>
        %add3A_678 = arith.addf %add3A_574, %mul3A_677 : vector<16xf32>
        %add3A_679 = arith.constant 4 : i32
        %add3A_680 = arith.addi %add3A_114, %add3A_679 : i32
        %get3A_681 = arith.index_cast %add3A_680 : i32 to index
        %get3A_682 = arith.constant 80 : index
        %get3A_683 = tpu.vector_load %arg10[%get3A_681, %get3A_682] {strides = array<i32>} : memref<128x128xf32, #tpu.memory_space<vmem>>, vector<16xf32>,
        %add3A_684 = arith.constant 4 : i32
        %add3A_685 = arith.addi %add3A_114, %add3A_684 : i32
        %get3A_686 = arith.index_cast %add3A_685 : i32 to index
        %get3A_687 = arith.constant 80 : index
        %get3A_688 = tpu.vector_load %arg11[%get3A_686, %get3A_687] {strides = array<i32>} : memref<128x128xf32, #tpu.memory_space<vmem>>, vector<16xf32>,
        %mul3A_689 = arith.mulf %get3A_683, %get3A_688 : vector<16xf32>
        %mul3A_690 = arith.mulf %mul3A_689, %get3A_42 : vector<16xf32>
        %add3A_691 = arith.addf %add3A_587, %mul3A_690 : vector<16xf32>
        %add3A_692 = arith.constant 5 : i32
        %add3A_693 = arith.addi %add3A_114, %add3A_692 : i32
        %get3A_694 = arith.index_cast %add3A_693 : i32 to index
        %get3A_695 = arith.constant 80 : index
        %get3A_696 = tpu.vector_load %arg10[%get3A_694, %get3A_695] {strides = array<i32>} : memref<128x128xf32, #tpu.memory_space<vmem>>, vector<16xf32>,
        %add3A_697 = arith.constant 5 : i32
        %add3A_698 = arith.addi %add3A_114, %add3A_697 : i32
        %get3A_699 = arith.index_cast %add3A_698 : i32 to index
        %get3A_700 = arith.constant 80 : index
        %get3A_701 = tpu.vector_load %arg11[%get3A_699, %get3A_700] {strides = array<i32>} : memref<128x128xf32, #tpu.memory_space<vmem>>, vector<16xf32>,
        %mul3A_702 = arith.mulf %get3A_696, %get3A_701 : vector<16xf32>
        %mul3A_703 = arith.mulf %mul3A_702, %get3A_42 : vector<16xf32>
        %add3A_704 = arith.addf %add3A_600, %mul3A_703 : vector<16xf32>
        %add3A_705 = arith.constant 6 : i32
        %add3A_706 = arith.addi %add3A_114, %add3A_705 : i32
        %get3A_707 = arith.index_cast %add3A_706 : i32 to index
        %get3A_708 = arith.constant 80 : index
        %get3A_709 = tpu.vector_load %arg10[%get3A_707, %get3A_708] {strides = array<i32>} : memref<128x128xf32, #tpu.memory_space<vmem>>, vector<16xf32>,
        %add3A_710 = arith.constant 6 : i32
        %add3A_711 = arith.addi %add3A_114, %add3A_710 : i32
        %get3A_712 = arith.index_cast %add3A_711 : i32 to index
        %get3A_713 = arith.constant 80 : index
        %get3A_714 = tpu.vector_load %arg11[%get3A_712, %get3A_713] {strides = array<i32>} : memref<128x128xf32, #tpu.memory_space<vmem>>, vector<16xf32>,
        %mul3A_715 = arith.mulf %get3A_709, %get3A_714 : vector<16xf32>
        %mul3A_716 = arith.mulf %mul3A_715, %get3A_42 : vector<16xf32>
        %add3A_717 = arith.addf %add3A_613, %mul3A_716 : vector<16xf32>
        %add3A_718 = arith.constant 7 : i32
        %add3A_719 = arith.addi %add3A_114, %add3A_718 : i32
        %get3A_720 = arith.index_cast %add3A_719 : i32 to index
        %get3A_721 = arith.constant 80 : index
        %get3A_722 = tpu.vector_load %arg10[%get3A_720, %get3A_721] {strides = array<i32>} : memref<128x128xf32, #tpu.memory_space<vmem>>, vector<16xf32>,
        %add3A_723 = arith.constant 7 : i32
        %add3A_724 = arith.addi %add3A_114, %add3A_723 : i32
        %get3A_725 = arith.index_cast %add3A_724 : i32 to index
        %get3A_726 = arith.constant 80 : index
        %get3A_727 = tpu.vector_load %arg11[%get3A_725, %get3A_726] {strides = array<i32>} : memref<128x128xf32, #tpu.memory_space<vmem>>, vector<16xf32>,
        %mul3A_728 = arith.mulf %get3A_722, %get3A_727 : vector<16xf32>
        %mul3A_729 = arith.mulf %mul3A_728, %get3A_42 : vector<16xf32>
        %add3A_730 = arith.addf %add3A_626, %mul3A_729 : vector<16xf32>
        %add3A_731 = arith.constant 0 : i32
        %add3A_732 = arith.addi %add3A_114, %add3A_731 : i32
        %get3A_733 = arith.index_cast %add3A_732 : i32 to index
        %get3A_734 = arith.constant 96 : index
        %get3A_735 = tpu.vector_load %arg10[%get3A_733, %get3A_734] {strides = array<i32>} : memref<128x128xf32, #tpu.memory_space<vmem>>, vector<16xf32>,
        %add3A_736 = arith.constant 0 : i32
        %add3A_737 = arith.addi %add3A_114, %add3A_736 : i32
        %get3A_738 = arith.index_cast %add3A_737 : i32 to index
        %get3A_739 = arith.constant 96 : index
        %get3A_740 = tpu.vector_load %arg11[%get3A_738, %get3A_739] {strides = array<i32>} : memref<128x128xf32, #tpu.memory_space<vmem>>, vector<16xf32>,
        %mul3A_741 = arith.mulf %get3A_735, %get3A_740 : vector<16xf32>
        %mul3A_742 = arith.mulf %mul3A_741, %get3A_44 : vector<16xf32>
        %add3A_743 = arith.addf %add3A_639, %mul3A_742 : vector<16xf32>
        %add3A_744 = arith.constant 1 : i32
        %add3A_745 = arith.addi %add3A_114, %add3A_744 : i32
        %get3A_746 = arith.index_cast %add3A_745 : i32 to index
        %get3A_747 = arith.constant 96 : index
        %get3A_748 = tpu.vector_load %arg10[%get3A_746, %get3A_747] {strides = array<i32>} : memref<128x128xf32, #tpu.memory_space<vmem>>, vector<16xf32>,
        %add3A_749 = arith.constant 1 : i32
        %add3A_750 = arith.addi %add3A_114, %add3A_749 : i32
        %get3A_751 = arith.index_cast %add3A_750 : i32 to index
        %get3A_752 = arith.constant 96 : index
        %get3A_753 = tpu.vector_load %arg11[%get3A_751, %get3A_752] {strides = array<i32>} : memref<128x128xf32, #tpu.memory_space<vmem>>, vector<16xf32>,
        %mul3A_754 = arith.mulf %get3A_748, %get3A_753 : vector<16xf32>
        %mul3A_755 = arith.mulf %mul3A_754, %get3A_44 : vector<16xf32>
        %add3A_756 = arith.addf %add3A_652, %mul3A_755 : vector<16xf32>
        %add3A_757 = arith.constant 2 : i32
        %add3A_758 = arith.addi %add3A_114, %add3A_757 : i32
        %get3A_759 = arith.index_cast %add3A_758 : i32 to index
        %get3A_760 = arith.constant 96 : index
        %get3A_761 = tpu.vector_load %arg10[%get3A_759, %get3A_760] {strides = array<i32>} : memref<128x128xf32, #tpu.memory_space<vmem>>, vector<16xf32>,
        %add3A_762 = arith.constant 2 : i32
        %add3A_763 = arith.addi %add3A_114, %add3A_762 : i32
        %get3A_764 = arith.index_cast %add3A_763 : i32 to index
        %get3A_765 = arith.constant 96 : index
        %get3A_766 = tpu.vector_load %arg11[%get3A_764, %get3A_765] {strides = array<i32>} : memref<128x128xf32, #tpu.memory_space<vmem>>, vector<16xf32>,
        %mul3A_767 = arith.mulf %get3A_761, %get3A_766 : vector<16xf32>
        %mul3A_768 = arith.mulf %mul3A_767, %get3A_44 : vector<16xf32>
        %add3A_769 = arith.addf %add3A_665, %mul3A_768 : vector<16xf32>
        %add3A_770 = arith.constant 3 : i32
        %add3A_771 = arith.addi %add3A_114, %add3A_770 : i32
        %get3A_772 = arith.index_cast %add3A_771 : i32 to index
        %get3A_773 = arith.constant 96 : index
        %get3A_774 = tpu.vector_load %arg10[%get3A_772, %get3A_773] {strides = array<i32>} : memref<128x128xf32, #tpu.memory_space<vmem>>, vector<16xf32>,
        %add3A_775 = arith.constant 3 : i32
        %add3A_776 = arith.addi %add3A_114, %add3A_775 : i32
        %get3A_777 = arith.index_cast %add3A_776 : i32 to index
        %get3A_778 = arith.constant 96 : index
        %get3A_779 = tpu.vector_load %arg11[%get3A_777, %get3A_778] {strides = array<i32>} : memref<128x128xf32, #tpu.memory_space<vmem>>, vector<16xf32>,
        %mul3A_780 = arith.mulf %get3A_774, %get3A_779 : vector<16xf32>
        %mul3A_781 = arith.mulf %mul3A_780, %get3A_44 : vector<16xf32>
        %add3A_782 = arith.addf %add3A_678, %mul3A_781 : vector<16xf32>
        %add3A_783 = arith.constant 4 : i32
        %add3A_784 = arith.addi %add3A_114, %add3A_783 : i32
        %get3A_785 = arith.index_cast %add3A_784 : i32 to index
        %get3A_786 = arith.constant 96 : index
        %get3A_787 = tpu.vector_load %arg10[%get3A_785, %get3A_786] {strides = array<i32>} : memref<128x128xf32, #tpu.memory_space<vmem>>, vector<16xf32>,
        %add3A_788 = arith.constant 4 : i32
        %add3A_789 = arith.addi %add3A_114, %add3A_788 : i32
        %get3A_790 = arith.index_cast %add3A_789 : i32 to index
        %get3A_791 = arith.constant 96 : index
        %get3A_792 = tpu.vector_load %arg11[%get3A_790, %get3A_791] {strides = array<i32>} : memref<128x128xf32, #tpu.memory_space<vmem>>, vector<16xf32>,
        %mul3A_793 = arith.mulf %get3A_787, %get3A_792 : vector<16xf32>
        %mul3A_794 = arith.mulf %mul3A_793, %get3A_44 : vector<16xf32>
        %add3A_795 = arith.addf %add3A_691, %mul3A_794 : vector<16xf32>
        %add3A_796 = arith.constant 5 : i32
        %add3A_797 = arith.addi %add3A_114, %add3A_796 : i32
        %get3A_798 = arith.index_cast %add3A_797 : i32 to index
        %get3A_799 = arith.constant 96 : index
        %get3A_800 = tpu.vector_load %arg10[%get3A_798, %get3A_799] {strides = array<i32>} : memref<128x128xf32, #tpu.memory_space<vmem>>, vector<16xf32>,
        %add3A_801 = arith.constant 5 : i32
        %add3A_802 = arith.addi %add3A_114, %add3A_801 : i32
        %get3A_803 = arith.index_cast %add3A_802 : i32 to index
        %get3A_804 = arith.constant 96 : index
        %get3A_805 = tpu.vector_load %arg11[%get3A_803, %get3A_804] {strides = array<i32>} : memref<128x128xf32, #tpu.memory_space<vmem>>, vector<16xf32>,
        %mul3A_806 = arith.mulf %get3A_800, %get3A_805 : vector<16xf32>
        %mul3A_807 = arith.mulf %mul3A_806, %get3A_44 : vector<16xf32>
        %add3A_808 = arith.addf %add3A_704, %mul3A_807 : vector<16xf32>
        %add3A_809 = arith.constant 6 : i32
        %add3A_810 = arith.addi %add3A_114, %add3A_809 : i32
        %get3A_811 = arith.index_cast %add3A_810 : i32 to index
        %get3A_812 = arith.constant 96 : index
        %get3A_813 = tpu.vector_load %arg10[%get3A_811, %get3A_812] {strides = array<i32>} : memref<128x128xf32, #tpu.memory_space<vmem>>, vector<16xf32>,
        %add3A_814 = arith.constant 6 : i32
        %add3A_815 = arith.addi %add3A_114, %add3A_814 : i32
        %get3A_816 = arith.index_cast %add3A_815 : i32 to index
        %get3A_817 = arith.constant 96 : index
        %get3A_818 = tpu.vector_load %arg11[%get3A_816, %get3A_817] {strides = array<i32>} : memref<128x128xf32, #tpu.memory_space<vmem>>, vector<16xf32>,
        %mul3A_819 = arith.mulf %get3A_813, %get3A_818 : vector<16xf32>
        %mul3A_820 = arith.mulf %mul3A_819, %get3A_44 : vector<16xf32>
        %add3A_821 = arith.addf %add3A_717, %mul3A_820 : vector<16xf32>
        %add3A_822 = arith.constant 7 : i32
        %add3A_823 = arith.addi %add3A_114, %add3A_822 : i32
        %get3A_824 = arith.index_cast %add3A_823 : i32 to index
        %get3A_825 = arith.constant 96 : index
        %get3A_826 = tpu.vector_load %arg10[%get3A_824, %get3A_825] {strides = array<i32>} : memref<128x128xf32, #tpu.memory_space<vmem>>, vector<16xf32>,
        %add3A_827 = arith.constant 7 : i32
        %add3A_828 = arith.addi %add3A_114, %add3A_827 : i32
        %get3A_829 = arith.index_cast %add3A_828 : i32 to index
        %get3A_830 = arith.constant 96 : index
        %get3A_831 = tpu.vector_load %arg11[%get3A_829, %get3A_830] {strides = array<i32>} : memref<128x128xf32, #tpu.memory_space<vmem>>, vector<16xf32>,
        %mul3A_832 = arith.mulf %get3A_826, %get3A_831 : vector<16xf32>
        %mul3A_833 = arith.mulf %mul3A_832, %get3A_44 : vector<16xf32>
        %add3A_834 = arith.addf %add3A_730, %mul3A_833 : vector<16xf32>
        %add3A_835 = arith.constant 0 : i32
        %add3A_836 = arith.addi %add3A_114, %add3A_835 : i32
        %get3A_837 = arith.index_cast %add3A_836 : i32 to index
        %get3A_838 = arith.constant 112 : index
        %get3A_839 = tpu.vector_load %arg10[%get3A_837, %get3A_838] {strides = array<i32>} : memref<128x128xf32, #tpu.memory_space<vmem>>, vector<16xf32>,
        %add3A_840 = arith.constant 0 : i32
        %add3A_841 = arith.addi %add3A_114, %add3A_840 : i32
        %get3A_842 = arith.index_cast %add3A_841 : i32 to index
        %get3A_843 = arith.constant 112 : index
        %get3A_844 = tpu.vector_load %arg11[%get3A_842, %get3A_843] {strides = array<i32>} : memref<128x128xf32, #tpu.memory_space<vmem>>, vector<16xf32>,
        %mul3A_845 = arith.mulf %get3A_839, %get3A_844 : vector<16xf32>
        %mul3A_846 = arith.mulf %mul3A_845, %get3A_46 : vector<16xf32>
        %add3A_847 = arith.addf %add3A_743, %mul3A_846 : vector<16xf32>
        %add3A_848 = arith.constant 1 : i32
        %add3A_849 = arith.addi %add3A_114, %add3A_848 : i32
        %get3A_850 = arith.index_cast %add3A_849 : i32 to index
        %get3A_851 = arith.constant 112 : index
        %get3A_852 = tpu.vector_load %arg10[%get3A_850, %get3A_851] {strides = array<i32>} : memref<128x128xf32, #tpu.memory_space<vmem>>, vector<16xf32>,
        %add3A_853 = arith.constant 1 : i32
        %add3A_854 = arith.addi %add3A_114, %add3A_853 : i32
        %get3A_855 = arith.index_cast %add3A_854 : i32 to index
        %get3A_856 = arith.constant 112 : index
        %get3A_857 = tpu.vector_load %arg11[%get3A_855, %get3A_856] {strides = array<i32>} : memref<128x128xf32, #tpu.memory_space<vmem>>, vector<16xf32>,
        %mul3A_858 = arith.mulf %get3A_852, %get3A_857 : vector<16xf32>
        %mul3A_859 = arith.mulf %mul3A_858, %get3A_46 : vector<16xf32>
        %add3A_860 = arith.addf %add3A_756, %mul3A_859 : vector<16xf32>
        %add3A_861 = arith.constant 2 : i32
        %add3A_862 = arith.addi %add3A_114, %add3A_861 : i32
        %get3A_863 = arith.index_cast %add3A_862 : i32 to index
        %get3A_864 = arith.constant 112 : index
        %get3A_865 = tpu.vector_load %arg10[%get3A_863, %get3A_864] {strides = array<i32>} : memref<128x128xf32, #tpu.memory_space<vmem>>, vector<16xf32>,
        %add3A_866 = arith.constant 2 : i32
        %add3A_867 = arith.addi %add3A_114, %add3A_866 : i32
        %get3A_868 = arith.index_cast %add3A_867 : i32 to index
        %get3A_869 = arith.constant 112 : index
        %get3A_870 = tpu.vector_load %arg11[%get3A_868, %get3A_869] {strides = array<i32>} : memref<128x128xf32, #tpu.memory_space<vmem>>, vector<16xf32>,
        %mul3A_871 = arith.mulf %get3A_865, %get3A_870 : vector<16xf32>
        %mul3A_872 = arith.mulf %mul3A_871, %get3A_46 : vector<16xf32>
        %add3A_873 = arith.addf %add3A_769, %mul3A_872 : vector<16xf32>
        %add3A_874 = arith.constant 3 : i32
        %add3A_875 = arith.addi %add3A_114, %add3A_874 : i32
        %get3A_876 = arith.index_cast %add3A_875 : i32 to index
        %get3A_877 = arith.constant 112 : index
        %get3A_878 = tpu.vector_load %arg10[%get3A_876, %get3A_877] {strides = array<i32>} : memref<128x128xf32, #tpu.memory_space<vmem>>, vector<16xf32>,
        %add3A_879 = arith.constant 3 : i32
        %add3A_880 = arith.addi %add3A_114, %add3A_879 : i32
        %get3A_881 = arith.index_cast %add3A_880 : i32 to index
        %get3A_882 = arith.constant 112 : index
        %get3A_883 = tpu.vector_load %arg11[%get3A_881, %get3A_882] {strides = array<i32>} : memref<128x128xf32, #tpu.memory_space<vmem>>, vector<16xf32>,
        %mul3A_884 = arith.mulf %get3A_878, %get3A_883 : vector<16xf32>
        %mul3A_885 = arith.mulf %mul3A_884, %get3A_46 : vector<16xf32>
        %add3A_886 = arith.addf %add3A_782, %mul3A_885 : vector<16xf32>
        %add3A_887 = arith.constant 4 : i32
        %add3A_888 = arith.addi %add3A_114, %add3A_887 : i32
        %get3A_889 = arith.index_cast %add3A_888 : i32 to index
        %get3A_890 = arith.constant 112 : index
        %get3A_891 = tpu.vector_load %arg10[%get3A_889, %get3A_890] {strides = array<i32>} : memref<128x128xf32, #tpu.memory_space<vmem>>, vector<16xf32>,
        %add3A_892 = arith.constant 4 : i32
        %add3A_893 = arith.addi %add3A_114, %add3A_892 : i32
        %get3A_894 = arith.index_cast %add3A_893 : i32 to index
        %get3A_895 = arith.constant 112 : index
        %get3A_896 = tpu.vector_load %arg11[%get3A_894, %get3A_895] {strides = array<i32>} : memref<128x128xf32, #tpu.memory_space<vmem>>, vector<16xf32>,
        %mul3A_897 = arith.mulf %get3A_891, %get3A_896 : vector<16xf32>
        %mul3A_898 = arith.mulf %mul3A_897, %get3A_46 : vector<16xf32>
        %add3A_899 = arith.addf %add3A_795, %mul3A_898 : vector<16xf32>
        %add3A_900 = arith.constant 5 : i32
        %add3A_901 = arith.addi %add3A_114, %add3A_900 : i32
        %get3A_902 = arith.index_cast %add3A_901 : i32 to index
        %get3A_903 = arith.constant 112 : index
        %get3A_904 = tpu.vector_load %arg10[%get3A_902, %get3A_903] {strides = array<i32>} : memref<128x128xf32, #tpu.memory_space<vmem>>, vector<16xf32>,
        %add3A_905 = arith.constant 5 : i32
        %add3A_906 = arith.addi %add3A_114, %add3A_905 : i32
        %get3A_907 = arith.index_cast %add3A_906 : i32 to index
        %get3A_908 = arith.constant 112 : index
        %get3A_909 = tpu.vector_load %arg11[%get3A_907, %get3A_908] {strides = array<i32>} : memref<128x128xf32, #tpu.memory_space<vmem>>, vector<16xf32>,
        %mul3A_910 = arith.mulf %get3A_904, %get3A_909 : vector<16xf32>
        %mul3A_911 = arith.mulf %mul3A_910, %get3A_46 : vector<16xf32>
        %add3A_912 = arith.addf %add3A_808, %mul3A_911 : vector<16xf32>
        %add3A_913 = arith.constant 6 : i32
        %add3A_914 = arith.addi %add3A_114, %add3A_913 : i32
        %get3A_915 = arith.index_cast %add3A_914 : i32 to index
        %get3A_916 = arith.constant 112 : index
        %get3A_917 = tpu.vector_load %arg10[%get3A_915, %get3A_916] {strides = array<i32>} : memref<128x128xf32, #tpu.memory_space<vmem>>, vector<16xf32>,
        %add3A_918 = arith.constant 6 : i32
        %add3A_919 = arith.addi %add3A_114, %add3A_918 : i32
        %get3A_920 = arith.index_cast %add3A_919 : i32 to index
        %get3A_921 = arith.constant 112 : index
        %get3A_922 = tpu.vector_load %arg11[%get3A_920, %get3A_921] {strides = array<i32>} : memref<128x128xf32, #tpu.memory_space<vmem>>, vector<16xf32>,
        %mul3A_923 = arith.mulf %get3A_917, %get3A_922 : vector<16xf32>
        %mul3A_924 = arith.mulf %mul3A_923, %get3A_46 : vector<16xf32>
        %add3A_925 = arith.addf %add3A_821, %mul3A_924 : vector<16xf32>
        %add3A_926 = arith.constant 7 : i32
        %add3A_927 = arith.addi %add3A_114, %add3A_926 : i32
        %get3A_928 = arith.index_cast %add3A_927 : i32 to index
        %get3A_929 = arith.constant 112 : index
        %get3A_930 = tpu.vector_load %arg10[%get3A_928, %get3A_929] {strides = array<i32>} : memref<128x128xf32, #tpu.memory_space<vmem>>, vector<16xf32>,
        %add3A_931 = arith.constant 7 : i32
        %add3A_932 = arith.addi %add3A_114, %add3A_931 : i32
        %get3A_933 = arith.index_cast %add3A_932 : i32 to index
        %get3A_934 = arith.constant 112 : index
        %get3A_935 = tpu.vector_load %arg11[%get3A_933, %get3A_934] {strides = array<i32>} : memref<128x128xf32, #tpu.memory_space<vmem>>, vector<16xf32>,
        %mul3A_936 = arith.mulf %get3A_930, %get3A_935 : vector<16xf32>
        %mul3A_937 = arith.mulf %mul3A_936, %get3A_46 : vector<16xf32>
        %add3A_938 = arith.addf %add3A_834, %mul3A_937 : vector<16xf32>
        %swap3A = arith.constant 0 : index
        %swap3A_939 = tpu.vector_load %arg15[%swap3A] {strides = array<i32>} : memref<256xf32, #tpu.memory_space<vmem>>, vector<16xf32>,
        tpu.vector_store %arg15[%swap3A], %add3A_847 {strides = array<i32>} : memref<256xf32, #tpu.memory_space<vmem>>, vector<16xf32>,
        %swap3A_940 = arith.constant 16 : index
        %swap3A_941 = tpu.vector_load %arg15[%swap3A_940] {strides = array<i32>} : memref<256xf32, #tpu.memory_space<vmem>>, vector<16xf32>,
        tpu.vector_store %arg15[%swap3A_940], %add3A_860 {strides = array<i32>} : memref<256xf32, #tpu.memory_space<vmem>>, vector<16xf32>,
        %swap3A_942 = arith.constant 32 : index
        %swap3A_943 = tpu.vector_load %arg15[%swap3A_942] {strides = array<i32>} : memref<256xf32, #tpu.memory_space<vmem>>, vector<16xf32>,
        tpu.vector_store %arg15[%swap3A_942], %add3A_873 {strides = array<i32>} : memref<256xf32, #tpu.memory_space<vmem>>, vector<16xf32>,
        %swap3A_944 = arith.constant 48 : index
        %swap3A_945 = tpu.vector_load %arg15[%swap3A_944] {strides = array<i32>} : memref<256xf32, #tpu.memory_space<vmem>>, vector<16xf32>,
        tpu.vector_store %arg15[%swap3A_944], %add3A_886 {strides = array<i32>} : memref<256xf32, #tpu.memory_space<vmem>>, vector<16xf32>,
        %swap3A_946 = arith.constant 64 : index
        %swap3A_947 = tpu.vector_load %arg15[%swap3A_946] {strides = array<i32>} : memref<256xf32, #tpu.memory_space<vmem>>, vector<16xf32>,
        tpu.vector_store %arg15[%swap3A_946], %add3A_899 {strides = array<i32>} : memref<256xf32, #tpu.memory_space<vmem>>, vector<16xf32>,
        %swap3A_948 = arith.constant 80 : index
        %swap3A_949 = tpu.vector_load %arg15[%swap3A_948] {strides = array<i32>} : memref<256xf32, #tpu.memory_space<vmem>>, vector<16xf32>,
        tpu.vector_store %arg15[%swap3A_948], %add3A_912 {strides = array<i32>} : memref<256xf32, #tpu.memory_space<vmem>>, vector<16xf32>,
        %swap3A_950 = arith.constant 96 : index
        %swap3A_951 = tpu.vector_load %arg15[%swap3A_950] {strides = array<i32>} : memref<256xf32, #tpu.memory_space<vmem>>, vector<16xf32>,
        tpu.vector_store %arg15[%swap3A_950], %add3A_925 {strides = array<i32>} : memref<256xf32, #tpu.memory_space<vmem>>, vector<16xf32>,
        %swap3A_952 = arith.constant 112 : index
        %swap3A_953 = tpu.vector_load %arg15[%swap3A_952] {strides = array<i32>} : memref<256xf32, #tpu.memory_space<vmem>>, vector<16xf32>,
        tpu.vector_store %arg15[%swap3A_952], %add3A_938 {strides = array<i32>} : memref<256xf32, #tpu.memory_space<vmem>>, vector<16xf32>,
        %add3A_954 = arith.constant 8 : i32
        %add3A_955 = arith.addi %mul3A_112, %add3A_954 : i32
        %add3A_956 = arith.constant 0 : i32
        %add3A_957 = arith.addi %add3A_955, %add3A_956 : i32
        %get3A_958 = arith.index_cast %add3A_957 : i32 to index
        %get3A_959 = arith.constant 0 : index
        %get3A_960 = tpu.vector_load %arg10[%get3A_958, %get3A_959] {strides = array<i32>} : memref<128x128xf32, #tpu.memory_space<vmem>>, vector<16xf32>,
        %add3A_961 = arith.constant 0 : i32
        %add3A_962 = arith.addi %add3A_955, %add3A_961 : i32
        %get3A_963 = arith.index_cast %add3A_962 : i32 to index
        %get3A_964 = arith.constant 0 : index
        %get3A_965 = tpu.vector_load %arg11[%get3A_963, %get3A_964] {strides = array<i32>} : memref<128x128xf32, #tpu.memory_space<vmem>>, vector<16xf32>,
        %mul3A_966 = arith.mulf %get3A_960, %get3A_965 : vector<16xf32>
        %mul3A_967 = arith.mulf %mul3A_966, %get3A_32 : vector<16xf32>
        %add3A_968 = arith.constant 1 : i32
        %add3A_969 = arith.addi %add3A_955, %add3A_968 : i32
        %get3A_970 = arith.index_cast %add3A_969 : i32 to index
        %get3A_971 = arith.constant 0 : index
        %get3A_972 = tpu.vector_load %arg10[%get3A_970, %get3A_971] {strides = array<i32>} : memref<128x128xf32, #tpu.memory_space<vmem>>, vector<16xf32>,
        %add3A_973 = arith.constant 1 : i32
        %add3A_974 = arith.addi %add3A_955, %add3A_973 : i32
        %get3A_975 = arith.index_cast %add3A_974 : i32 to index
        %get3A_976 = arith.constant 0 : index
        %get3A_977 = tpu.vector_load %arg11[%get3A_975, %get3A_976] {strides = array<i32>} : memref<128x128xf32, #tpu.memory_space<vmem>>, vector<16xf32>,
        %mul3A_978 = arith.mulf %get3A_972, %get3A_977 : vector<16xf32>
        %mul3A_979 = arith.mulf %mul3A_978, %get3A_32 : vector<16xf32>
        %add3A_980 = arith.constant 2 : i32
        %add3A_981 = arith.addi %add3A_955, %add3A_980 : i32
        %get3A_982 = arith.index_cast %add3A_981 : i32 to index
        %get3A_983 = arith.constant 0 : index
        %get3A_984 = tpu.vector_load %arg10[%get3A_982, %get3A_983] {strides = array<i32>} : memref<128x128xf32, #tpu.memory_space<vmem>>, vector<16xf32>,
        %add3A_985 = arith.constant 2 : i32
        %add3A_986 = arith.addi %add3A_955, %add3A_985 : i32
        %get3A_987 = arith.index_cast %add3A_986 : i32 to index
        %get3A_988 = arith.constant 0 : index
        %get3A_989 = tpu.vector_load %arg11[%get3A_987, %get3A_988] {strides = array<i32>} : memref<128x128xf32, #tpu.memory_space<vmem>>, vector<16xf32>,
        %mul3A_990 = arith.mulf %get3A_984, %get3A_989 : vector<16xf32>
        %mul3A_991 = arith.mulf %mul3A_990, %get3A_32 : vector<16xf32>
        %add3A_992 = arith.constant 3 : i32
        %add3A_993 = arith.addi %add3A_955, %add3A_992 : i32
        %get3A_994 = arith.index_cast %add3A_993 : i32 to index
        %get3A_995 = arith.constant 0 : index
        %get3A_996 = tpu.vector_load %arg10[%get3A_994, %get3A_995] {strides = array<i32>} : memref<128x128xf32, #tpu.memory_space<vmem>>, vector<16xf32>,
        %add3A_997 = arith.constant 3 : i32
        %add3A_998 = arith.addi %add3A_955, %add3A_997 : i32
        %get3A_999 = arith.index_cast %add3A_998 : i32 to index
        %get3A_1000 = arith.constant 0 : index
        %get3A_1001 = tpu.vector_load %arg11[%get3A_999, %get3A_1000] {strides = array<i32>} : memref<128x128xf32, #tpu.memory_space<vmem>>, vector<16xf32>,
        %mul3A_1002 = arith.mulf %get3A_996, %get3A_1001 : vector<16xf32>
        %mul3A_1003 = arith.mulf %mul3A_1002, %get3A_32 : vector<16xf32>
        %add3A_1004 = arith.constant 4 : i32
        %add3A_1005 = arith.addi %add3A_955, %add3A_1004 : i32
        %get3A_1006 = arith.index_cast %add3A_1005 : i32 to index
        %get3A_1007 = arith.constant 0 : index
        %get3A_1008 = tpu.vector_load %arg10[%get3A_1006, %get3A_1007] {strides = array<i32>} : memref<128x128xf32, #tpu.memory_space<vmem>>, vector<16xf32>,
        %add3A_1009 = arith.constant 4 : i32
        %add3A_1010 = arith.addi %add3A_955, %add3A_1009 : i32
        %get3A_1011 = arith.index_cast %add3A_1010 : i32 to index
        %get3A_1012 = arith.constant 0 : index
        %get3A_1013 = tpu.vector_load %arg11[%get3A_1011, %get3A_1012] {strides = array<i32>} : memref<128x128xf32, #tpu.memory_space<vmem>>, vector<16xf32>,
        %mul3A_1014 = arith.mulf %get3A_1008, %get3A_1013 : vector<16xf32>
        %mul3A_1015 = arith.mulf %mul3A_1014, %get3A_32 : vector<16xf32>
        %add3A_1016 = arith.constant 5 : i32
        %add3A_1017 = arith.addi %add3A_955, %add3A_1016 : i32
        %get3A_1018 = arith.index_cast %add3A_1017 : i32 to index
        %get3A_1019 = arith.constant 0 : index
        %get3A_1020 = tpu.vector_load %arg10[%get3A_1018, %get3A_1019] {strides = array<i32>} : memref<128x128xf32, #tpu.memory_space<vmem>>, vector<16xf32>,
        %add3A_1021 = arith.constant 5 : i32
        %add3A_1022 = arith.addi %add3A_955, %add3A_1021 : i32
        %get3A_1023 = arith.index_cast %add3A_1022 : i32 to index
        %get3A_1024 = arith.constant 0 : index
        %get3A_1025 = tpu.vector_load %arg11[%get3A_1023, %get3A_1024] {strides = array<i32>} : memref<128x128xf32, #tpu.memory_space<vmem>>, vector<16xf32>,
        %mul3A_1026 = arith.mulf %get3A_1020, %get3A_1025 : vector<16xf32>
        %mul3A_1027 = arith.mulf %mul3A_1026, %get3A_32 : vector<16xf32>
        %add3A_1028 = arith.constant 6 : i32
        %add3A_1029 = arith.addi %add3A_955, %add3A_1028 : i32
        %get3A_1030 = arith.index_cast %add3A_1029 : i32 to index
        %get3A_1031 = arith.constant 0 : index
        %get3A_1032 = tpu.vector_load %arg10[%get3A_1030, %get3A_1031] {strides = array<i32>} : memref<128x128xf32, #tpu.memory_space<vmem>>, vector<16xf32>,
        %add3A_1033 = arith.constant 6 : i32
        %add3A_1034 = arith.addi %add3A_955, %add3A_1033 : i32
        %get3A_1035 = arith.index_cast %add3A_1034 : i32 to index
        %get3A_1036 = arith.constant 0 : index
        %get3A_1037 = tpu.vector_load %arg11[%get3A_1035, %get3A_1036] {strides = array<i32>} : memref<128x128xf32, #tpu.memory_space<vmem>>, vector<16xf32>,
        %mul3A_1038 = arith.mulf %get3A_1032, %get3A_1037 : vector<16xf32>
        %mul3A_1039 = arith.mulf %mul3A_1038, %get3A_32 : vector<16xf32>
        %add3A_1040 = arith.constant 7 : i32
        %add3A_1041 = arith.addi %add3A_955, %add3A_1040 : i32
        %get3A_1042 = arith.index_cast %add3A_1041 : i32 to index
        %get3A_1043 = arith.constant 0 : index
        %get3A_1044 = tpu.vector_load %arg10[%get3A_1042, %get3A_1043] {strides = array<i32>} : memref<128x128xf32, #tpu.memory_space<vmem>>, vector<16xf32>,
        %add3A_1045 = arith.constant 7 : i32
        %add3A_1046 = arith.addi %add3A_955, %add3A_1045 : i32
        %get3A_1047 = arith.index_cast %add3A_1046 : i32 to index
        %get3A_1048 = arith.constant 0 : index
        %get3A_1049 = tpu.vector_load %arg11[%get3A_1047, %get3A_1048] {strides = array<i32>} : memref<128x128xf32, #tpu.memory_space<vmem>>, vector<16xf32>,
        %mul3A_1050 = arith.mulf %get3A_1044, %get3A_1049 : vector<16xf32>
        %mul3A_1051 = arith.mulf %mul3A_1050, %get3A_32 : vector<16xf32>
        %add3A_1052 = arith.constant 0 : i32
        %add3A_1053 = arith.addi %add3A_955, %add3A_1052 : i32
        %get3A_1054 = arith.index_cast %add3A_1053 : i32 to index
        %get3A_1055 = arith.constant 16 : index
        %get3A_1056 = tpu.vector_load %arg10[%get3A_1054, %get3A_1055] {strides = array<i32>} : memref<128x128xf32, #tpu.memory_space<vmem>>, vector<16xf32>,
        %add3A_1057 = arith.constant 0 : i32
        %add3A_1058 = arith.addi %add3A_955, %add3A_1057 : i32
        %get3A_1059 = arith.index_cast %add3A_1058 : i32 to index
        %get3A_1060 = arith.constant 16 : index
        %get3A_1061 = tpu.vector_load %arg11[%get3A_1059, %get3A_1060] {strides = array<i32>} : memref<128x128xf32, #tpu.memory_space<vmem>>, vector<16xf32>,
        %mul3A_1062 = arith.mulf %get3A_1056, %get3A_1061 : vector<16xf32>
        %mul3A_1063 = arith.mulf %mul3A_1062, %get3A_34 : vector<16xf32>
        %add3A_1064 = arith.addf %mul3A_967, %mul3A_1063 : vector<16xf32>
        %add3A_1065 = arith.constant 1 : i32
        %add3A_1066 = arith.addi %add3A_955, %add3A_1065 : i32
        %get3A_1067 = arith.index_cast %add3A_1066 : i32 to index
        %get3A_1068 = arith.constant 16 : index
        %get3A_1069 = tpu.vector_load %arg10[%get3A_1067, %get3A_1068] {strides = array<i32>} : memref<128x128xf32, #tpu.memory_space<vmem>>, vector<16xf32>,
        %add3A_1070 = arith.constant 1 : i32
        %add3A_1071 = arith.addi %add3A_955, %add3A_1070 : i32
        %get3A_1072 = arith.index_cast %add3A_1071 : i32 to index
        %get3A_1073 = arith.constant 16 : index
        %get3A_1074 = tpu.vector_load %arg11[%get3A_1072, %get3A_1073] {strides = array<i32>} : memref<128x128xf32, #tpu.memory_space<vmem>>, vector<16xf32>,
        %mul3A_1075 = arith.mulf %get3A_1069, %get3A_1074 : vector<16xf32>
        %mul3A_1076 = arith.mulf %mul3A_1075, %get3A_34 : vector<16xf32>
        %add3A_1077 = arith.addf %mul3A_979, %mul3A_1076 : vector<16xf32>
        %add3A_1078 = arith.constant 2 : i32
        %add3A_1079 = arith.addi %add3A_955, %add3A_1078 : i32
        %get3A_1080 = arith.index_cast %add3A_1079 : i32 to index
        %get3A_1081 = arith.constant 16 : index
        %get3A_1082 = tpu.vector_load %arg10[%get3A_1080, %get3A_1081] {strides = array<i32>} : memref<128x128xf32, #tpu.memory_space<vmem>>, vector<16xf32>,
        %add3A_1083 = arith.constant 2 : i32
        %add3A_1084 = arith.addi %add3A_955, %add3A_1083 : i32
        %get3A_1085 = arith.index_cast %add3A_1084 : i32 to index
        %get3A_1086 = arith.constant 16 : index
        %get3A_1087 = tpu.vector_load %arg11[%get3A_1085, %get3A_1086] {strides = array<i32>} : memref<128x128xf32, #tpu.memory_space<vmem>>, vector<16xf32>,
        %mul3A_1088 = arith.mulf %get3A_1082, %get3A_1087 : vector<16xf32>
        %mul3A_1089 = arith.mulf %mul3A_1088, %get3A_34 : vector<16xf32>
        %add3A_1090 = arith.addf %mul3A_991, %mul3A_1089 : vector<16xf32>
        %add3A_1091 = arith.constant 3 : i32
        %add3A_1092 = arith.addi %add3A_955, %add3A_1091 : i32
        %get3A_1093 = arith.index_cast %add3A_1092 : i32 to index
        %get3A_1094 = arith.constant 16 : index
        %get3A_1095 = tpu.vector_load %arg10[%get3A_1093, %get3A_1094] {strides = array<i32>} : memref<128x128xf32, #tpu.memory_space<vmem>>, vector<16xf32>,
        %add3A_1096 = arith.constant 3 : i32
        %add3A_1097 = arith.addi %add3A_955, %add3A_1096 : i32
        %get3A_1098 = arith.index_cast %add3A_1097 : i32 to index
        %get3A_1099 = arith.constant 16 : index
        %get3A_1100 = tpu.vector_load %arg11[%get3A_1098, %get3A_1099] {strides = array<i32>} : memref<128x128xf32, #tpu.memory_space<vmem>>, vector<16xf32>,
        %mul3A_1101 = arith.mulf %get3A_1095, %get3A_1100 : vector<16xf32>
        %mul3A_1102 = arith.mulf %mul3A_1101, %get3A_34 : vector<16xf32>
        %add3A_1103 = arith.addf %mul3A_1003, %mul3A_1102 : vector<16xf32>
        %add3A_1104 = arith.constant 4 : i32
        %add3A_1105 = arith.addi %add3A_955, %add3A_1104 : i32
        %get3A_1106 = arith.index_cast %add3A_1105 : i32 to index
        %get3A_1107 = arith.constant 16 : index
        %get3A_1108 = tpu.vector_load %arg10[%get3A_1106, %get3A_1107] {strides = array<i32>} : memref<128x128xf32, #tpu.memory_space<vmem>>, vector<16xf32>,
        %add3A_1109 = arith.constant 4 : i32
        %add3A_1110 = arith.addi %add3A_955, %add3A_1109 : i32
        %get3A_1111 = arith.index_cast %add3A_1110 : i32 to index
        %get3A_1112 = arith.constant 16 : index
        %get3A_1113 = tpu.vector_load %arg11[%get3A_1111, %get3A_1112] {strides = array<i32>} : memref<128x128xf32, #tpu.memory_space<vmem>>, vector<16xf32>,
        %mul3A_1114 = arith.mulf %get3A_1108, %get3A_1113 : vector<16xf32>
        %mul3A_1115 = arith.mulf %mul3A_1114, %get3A_34 : vector<16xf32>
        %add3A_1116 = arith.addf %mul3A_1015, %mul3A_1115 : vector<16xf32>
        %add3A_1117 = arith.constant 5 : i32
        %add3A_1118 = arith.addi %add3A_955, %add3A_1117 : i32
        %get3A_1119 = arith.index_cast %add3A_1118 : i32 to index
        %get3A_1120 = arith.constant 16 : index
        %get3A_1121 = tpu.vector_load %arg10[%get3A_1119, %get3A_1120] {strides = array<i32>} : memref<128x128xf32, #tpu.memory_space<vmem>>, vector<16xf32>,
        %add3A_1122 = arith.constant 5 : i32
        %add3A_1123 = arith.addi %add3A_955, %add3A_1122 : i32
        %get3A_1124 = arith.index_cast %add3A_1123 : i32 to index
        %get3A_1125 = arith.constant 16 : index
        %get3A_1126 = tpu.vector_load %arg11[%get3A_1124, %get3A_1125] {strides = array<i32>} : memref<128x128xf32, #tpu.memory_space<vmem>>, vector<16xf32>,
        %mul3A_1127 = arith.mulf %get3A_1121, %get3A_1126 : vector<16xf32>
        %mul3A_1128 = arith.mulf %mul3A_1127, %get3A_34 : vector<16xf32>
        %add3A_1129 = arith.addf %mul3A_1027, %mul3A_1128 : vector<16xf32>
        %add3A_1130 = arith.constant 6 : i32
        %add3A_1131 = arith.addi %add3A_955, %add3A_1130 : i32
        %get3A_1132 = arith.index_cast %add3A_1131 : i32 to index
        %get3A_1133 = arith.constant 16 : index
        %get3A_1134 = tpu.vector_load %arg10[%get3A_1132, %get3A_1133] {strides = array<i32>} : memref<128x128xf32, #tpu.memory_space<vmem>>, vector<16xf32>,
        %add3A_1135 = arith.constant 6 : i32
        %add3A_1136 = arith.addi %add3A_955, %add3A_1135 : i32
        %get3A_1137 = arith.index_cast %add3A_1136 : i32 to index
        %get3A_1138 = arith.constant 16 : index
        %get3A_1139 = tpu.vector_load %arg11[%get3A_1137, %get3A_1138] {strides = array<i32>} : memref<128x128xf32, #tpu.memory_space<vmem>>, vector<16xf32>,
        %mul3A_1140 = arith.mulf %get3A_1134, %get3A_1139 : vector<16xf32>
        %mul3A_1141 = arith.mulf %mul3A_1140, %get3A_34 : vector<16xf32>
        %add3A_1142 = arith.addf %mul3A_1039, %mul3A_1141 : vector<16xf32>
        %add3A_1143 = arith.constant 7 : i32
        %add3A_1144 = arith.addi %add3A_955, %add3A_1143 : i32
        %get3A_1145 = arith.index_cast %add3A_1144 : i32 to index
        %get3A_1146 = arith.constant 16 : index
        %get3A_1147 = tpu.vector_load %arg10[%get3A_1145, %get3A_1146] {strides = array<i32>} : memref<128x128xf32, #tpu.memory_space<vmem>>, vector<16xf32>,
        %add3A_1148 = arith.constant 7 : i32
        %add3A_1149 = arith.addi %add3A_955, %add3A_1148 : i32
        %get3A_1150 = arith.index_cast %add3A_1149 : i32 to index
        %get3A_1151 = arith.constant 16 : index
        %get3A_1152 = tpu.vector_load %arg11[%get3A_1150, %get3A_1151] {strides = array<i32>} : memref<128x128xf32, #tpu.memory_space<vmem>>, vector<16xf32>,
        %mul3A_1153 = arith.mulf %get3A_1147, %get3A_1152 : vector<16xf32>
        %mul3A_1154 = arith.mulf %mul3A_1153, %get3A_34 : vector<16xf32>
        %add3A_1155 = arith.addf %mul3A_1051, %mul3A_1154 : vector<16xf32>
        %add3A_1156 = arith.constant 0 : i32
        %add3A_1157 = arith.addi %add3A_955, %add3A_1156 : i32
        %get3A_1158 = arith.index_cast %add3A_1157 : i32 to index
        %get3A_1159 = arith.constant 32 : index
        %get3A_1160 = tpu.vector_load %arg10[%get3A_1158, %get3A_1159] {strides = array<i32>} : memref<128x128xf32, #tpu.memory_space<vmem>>, vector<16xf32>,
        %add3A_1161 = arith.constant 0 : i32
        %add3A_1162 = arith.addi %add3A_955, %add3A_1161 : i32
        %get3A_1163 = arith.index_cast %add3A_1162 : i32 to index
        %get3A_1164 = arith.constant 32 : index
        %get3A_1165 = tpu.vector_load %arg11[%get3A_1163, %get3A_1164] {strides = array<i32>} : memref<128x128xf32, #tpu.memory_space<vmem>>, vector<16xf32>,
        %mul3A_1166 = arith.mulf %get3A_1160, %get3A_1165 : vector<16xf32>
        %mul3A_1167 = arith.mulf %mul3A_1166, %get3A_36 : vector<16xf32>
        %add3A_1168 = arith.addf %add3A_1064, %mul3A_1167 : vector<16xf32>
        %add3A_1169 = arith.constant 1 : i32
        %add3A_1170 = arith.addi %add3A_955, %add3A_1169 : i32
        %get3A_1171 = arith.index_cast %add3A_1170 : i32 to index
        %get3A_1172 = arith.constant 32 : index
        %get3A_1173 = tpu.vector_load %arg10[%get3A_1171, %get3A_1172] {strides = array<i32>} : memref<128x128xf32, #tpu.memory_space<vmem>>, vector<16xf32>,
        %add3A_1174 = arith.constant 1 : i32
        %add3A_1175 = arith.addi %add3A_955, %add3A_1174 : i32
        %get3A_1176 = arith.index_cast %add3A_1175 : i32 to index
        %get3A_1177 = arith.constant 32 : index
        %get3A_1178 = tpu.vector_load %arg11[%get3A_1176, %get3A_1177] {strides = array<i32>} : memref<128x128xf32, #tpu.memory_space<vmem>>, vector<16xf32>,
        %mul3A_1179 = arith.mulf %get3A_1173, %get3A_1178 : vector<16xf32>
        %mul3A_1180 = arith.mulf %mul3A_1179, %get3A_36 : vector<16xf32>
        %add3A_1181 = arith.addf %add3A_1077, %mul3A_1180 : vector<16xf32>
        %add3A_1182 = arith.constant 2 : i32
        %add3A_1183 = arith.addi %add3A_955, %add3A_1182 : i32
        %get3A_1184 = arith.index_cast %add3A_1183 : i32 to index
        %get3A_1185 = arith.constant 32 : index
        %get3A_1186 = tpu.vector_load %arg10[%get3A_1184, %get3A_1185] {strides = array<i32>} : memref<128x128xf32, #tpu.memory_space<vmem>>, vector<16xf32>,
        %add3A_1187 = arith.constant 2 : i32
        %add3A_1188 = arith.addi %add3A_955, %add3A_1187 : i32
        %get3A_1189 = arith.index_cast %add3A_1188 : i32 to index
        %get3A_1190 = arith.constant 32 : index
        %get3A_1191 = tpu.vector_load %arg11[%get3A_1189, %get3A_1190] {strides = array<i32>} : memref<128x128xf32, #tpu.memory_space<vmem>>, vector<16xf32>,
        %mul3A_1192 = arith.mulf %get3A_1186, %get3A_1191 : vector<16xf32>
        %mul3A_1193 = arith.mulf %mul3A_1192, %get3A_36 : vector<16xf32>
        %add3A_1194 = arith.addf %add3A_1090, %mul3A_1193 : vector<16xf32>
        %add3A_1195 = arith.constant 3 : i32
        %add3A_1196 = arith.addi %add3A_955, %add3A_1195 : i32
        %get3A_1197 = arith.index_cast %add3A_1196 : i32 to index
        %get3A_1198 = arith.constant 32 : index
        %get3A_1199 = tpu.vector_load %arg10[%get3A_1197, %get3A_1198] {strides = array<i32>} : memref<128x128xf32, #tpu.memory_space<vmem>>, vector<16xf32>,
        %add3A_1200 = arith.constant 3 : i32
        %add3A_1201 = arith.addi %add3A_955, %add3A_1200 : i32
        %get3A_1202 = arith.index_cast %add3A_1201 : i32 to index
        %get3A_1203 = arith.constant 32 : index
        %get3A_1204 = tpu.vector_load %arg11[%get3A_1202, %get3A_1203] {strides = array<i32>} : memref<128x128xf32, #tpu.memory_space<vmem>>, vector<16xf32>,
        %mul3A_1205 = arith.mulf %get3A_1199, %get3A_1204 : vector<16xf32>
        %mul3A_1206 = arith.mulf %mul3A_1205, %get3A_36 : vector<16xf32>
        %add3A_1207 = arith.addf %add3A_1103, %mul3A_1206 : vector<16xf32>
        %add3A_1208 = arith.constant 4 : i32
        %add3A_1209 = arith.addi %add3A_955, %add3A_1208 : i32
        %get3A_1210 = arith.index_cast %add3A_1209 : i32 to index
        %get3A_1211 = arith.constant 32 : index
        %get3A_1212 = tpu.vector_load %arg10[%get3A_1210, %get3A_1211] {strides = array<i32>} : memref<128x128xf32, #tpu.memory_space<vmem>>, vector<16xf32>,
        %add3A_1213 = arith.constant 4 : i32
        %add3A_1214 = arith.addi %add3A_955, %add3A_1213 : i32
        %get3A_1215 = arith.index_cast %add3A_1214 : i32 to index
        %get3A_1216 = arith.constant 32 : index
        %get3A_1217 = tpu.vector_load %arg11[%get3A_1215, %get3A_1216] {strides = array<i32>} : memref<128x128xf32, #tpu.memory_space<vmem>>, vector<16xf32>,
        %mul3A_1218 = arith.mulf %get3A_1212, %get3A_1217 : vector<16xf32>
        %mul3A_1219 = arith.mulf %mul3A_1218, %get3A_36 : vector<16xf32>
        %add3A_1220 = arith.addf %add3A_1116, %mul3A_1219 : vector<16xf32>
        %add3A_1221 = arith.constant 5 : i32
        %add3A_1222 = arith.addi %add3A_955, %add3A_1221 : i32
        %get3A_1223 = arith.index_cast %add3A_1222 : i32 to index
        %get3A_1224 = arith.constant 32 : index
        %get3A_1225 = tpu.vector_load %arg10[%get3A_1223, %get3A_1224] {strides = array<i32>} : memref<128x128xf32, #tpu.memory_space<vmem>>, vector<16xf32>,
        %add3A_1226 = arith.constant 5 : i32
        %add3A_1227 = arith.addi %add3A_955, %add3A_1226 : i32
        %get3A_1228 = arith.index_cast %add3A_1227 : i32 to index
        %get3A_1229 = arith.constant 32 : index
        %get3A_1230 = tpu.vector_load %arg11[%get3A_1228, %get3A_1229] {strides = array<i32>} : memref<128x128xf32, #tpu.memory_space<vmem>>, vector<16xf32>,
        %mul3A_1231 = arith.mulf %get3A_1225, %get3A_1230 : vector<16xf32>
        %mul3A_1232 = arith.mulf %mul3A_1231, %get3A_36 : vector<16xf32>
        %add3A_1233 = arith.addf %add3A_1129, %mul3A_1232 : vector<16xf32>
        %add3A_1234 = arith.constant 6 : i32
        %add3A_1235 = arith.addi %add3A_955, %add3A_1234 : i32
        %get3A_1236 = arith.index_cast %add3A_1235 : i32 to index
        %get3A_1237 = arith.constant 32 : index
        %get3A_1238 = tpu.vector_load %arg10[%get3A_1236, %get3A_1237] {strides = array<i32>} : memref<128x128xf32, #tpu.memory_space<vmem>>, vector<16xf32>,
        %add3A_1239 = arith.constant 6 : i32
        %add3A_1240 = arith.addi %add3A_955, %add3A_1239 : i32
        %get3A_1241 = arith.index_cast %add3A_1240 : i32 to index
        %get3A_1242 = arith.constant 32 : index
        %get3A_1243 = tpu.vector_load %arg11[%get3A_1241, %get3A_1242] {strides = array<i32>} : memref<128x128xf32, #tpu.memory_space<vmem>>, vector<16xf32>,
        %mul3A_1244 = arith.mulf %get3A_1238, %get3A_1243 : vector<16xf32>
        %mul3A_1245 = arith.mulf %mul3A_1244, %get3A_36 : vector<16xf32>
        %add3A_1246 = arith.addf %add3A_1142, %mul3A_1245 : vector<16xf32>
        %add3A_1247 = arith.constant 7 : i32
        %add3A_1248 = arith.addi %add3A_955, %add3A_1247 : i32
        %get3A_1249 = arith.index_cast %add3A_1248 : i32 to index
        %get3A_1250 = arith.constant 32 : index
        %get3A_1251 = tpu.vector_load %arg10[%get3A_1249, %get3A_1250] {strides = array<i32>} : memref<128x128xf32, #tpu.memory_space<vmem>>, vector<16xf32>,
        %add3A_1252 = arith.constant 7 : i32
        %add3A_1253 = arith.addi %add3A_955, %add3A_1252 : i32
        %get3A_1254 = arith.index_cast %add3A_1253 : i32 to index
        %get3A_1255 = arith.constant 32 : index
        %get3A_1256 = tpu.vector_load %arg11[%get3A_1254, %get3A_1255] {strides = array<i32>} : memref<128x128xf32, #tpu.memory_space<vmem>>, vector<16xf32>,
        %mul3A_1257 = arith.mulf %get3A_1251, %get3A_1256 : vector<16xf32>
        %mul3A_1258 = arith.mulf %mul3A_1257, %get3A_36 : vector<16xf32>
        %add3A_1259 = arith.addf %add3A_1155, %mul3A_1258 : vector<16xf32>
        %add3A_1260 = arith.constant 0 : i32
        %add3A_1261 = arith.addi %add3A_955, %add3A_1260 : i32
        %get3A_1262 = arith.index_cast %add3A_1261 : i32 to index
        %get3A_1263 = arith.constant 48 : index
        %get3A_1264 = tpu.vector_load %arg10[%get3A_1262, %get3A_1263] {strides = array<i32>} : memref<128x128xf32, #tpu.memory_space<vmem>>, vector<16xf32>,
        %add3A_1265 = arith.constant 0 : i32
        %add3A_1266 = arith.addi %add3A_955, %add3A_1265 : i32
        %get3A_1267 = arith.index_cast %add3A_1266 : i32 to index
        %get3A_1268 = arith.constant 48 : index
        %get3A_1269 = tpu.vector_load %arg11[%get3A_1267, %get3A_1268] {strides = array<i32>} : memref<128x128xf32, #tpu.memory_space<vmem>>, vector<16xf32>,
        %mul3A_1270 = arith.mulf %get3A_1264, %get3A_1269 : vector<16xf32>
        %mul3A_1271 = arith.mulf %mul3A_1270, %get3A_38 : vector<16xf32>
        %add3A_1272 = arith.addf %add3A_1168, %mul3A_1271 : vector<16xf32>
        %add3A_1273 = arith.constant 1 : i32
        %add3A_1274 = arith.addi %add3A_955, %add3A_1273 : i32
        %get3A_1275 = arith.index_cast %add3A_1274 : i32 to index
        %get3A_1276 = arith.constant 48 : index
        %get3A_1277 = tpu.vector_load %arg10[%get3A_1275, %get3A_1276] {strides = array<i32>} : memref<128x128xf32, #tpu.memory_space<vmem>>, vector<16xf32>,
        %add3A_1278 = arith.constant 1 : i32
        %add3A_1279 = arith.addi %add3A_955, %add3A_1278 : i32
        %get3A_1280 = arith.index_cast %add3A_1279 : i32 to index
        %get3A_1281 = arith.constant 48 : index
        %get3A_1282 = tpu.vector_load %arg11[%get3A_1280, %get3A_1281] {strides = array<i32>} : memref<128x128xf32, #tpu.memory_space<vmem>>, vector<16xf32>,
        %mul3A_1283 = arith.mulf %get3A_1277, %get3A_1282 : vector<16xf32>
        %mul3A_1284 = arith.mulf %mul3A_1283, %get3A_38 : vector<16xf32>
        %add3A_1285 = arith.addf %add3A_1181, %mul3A_1284 : vector<16xf32>
        %add3A_1286 = arith.constant 2 : i32
        %add3A_1287 = arith.addi %add3A_955, %add3A_1286 : i32
        %get3A_1288 = arith.index_cast %add3A_1287 : i32 to index
        %get3A_1289 = arith.constant 48 : index
        %get3A_1290 = tpu.vector_load %arg10[%get3A_1288, %get3A_1289] {strides = array<i32>} : memref<128x128xf32, #tpu.memory_space<vmem>>, vector<16xf32>,
        %add3A_1291 = arith.constant 2 : i32
        %add3A_1292 = arith.addi %add3A_955, %add3A_1291 : i32
        %get3A_1293 = arith.index_cast %add3A_1292 : i32 to index
        %get3A_1294 = arith.constant 48 : index
        %get3A_1295 = tpu.vector_load %arg11[%get3A_1293, %get3A_1294] {strides = array<i32>} : memref<128x128xf32, #tpu.memory_space<vmem>>, vector<16xf32>,
        %mul3A_1296 = arith.mulf %get3A_1290, %get3A_1295 : vector<16xf32>
        %mul3A_1297 = arith.mulf %mul3A_1296, %get3A_38 : vector<16xf32>
        %add3A_1298 = arith.addf %add3A_1194, %mul3A_1297 : vector<16xf32>
        %add3A_1299 = arith.constant 3 : i32
        %add3A_1300 = arith.addi %add3A_955, %add3A_1299 : i32
        %get3A_1301 = arith.index_cast %add3A_1300 : i32 to index
        %get3A_1302 = arith.constant 48 : index
        %get3A_1303 = tpu.vector_load %arg10[%get3A_1301, %get3A_1302] {strides = array<i32>} : memref<128x128xf32, #tpu.memory_space<vmem>>, vector<16xf32>,
        %add3A_1304 = arith.constant 3 : i32
        %add3A_1305 = arith.addi %add3A_955, %add3A_1304 : i32
        %get3A_1306 = arith.index_cast %add3A_1305 : i32 to index
        %get3A_1307 = arith.constant 48 : index
        %get3A_1308 = tpu.vector_load %arg11[%get3A_1306, %get3A_1307] {strides = array<i32>} : memref<128x128xf32, #tpu.memory_space<vmem>>, vector<16xf32>,
        %mul3A_1309 = arith.mulf %get3A_1303, %get3A_1308 : vector<16xf32>
        %mul3A_1310 = arith.mulf %mul3A_1309, %get3A_38 : vector<16xf32>
        %add3A_1311 = arith.addf %add3A_1207, %mul3A_1310 : vector<16xf32>
        %add3A_1312 = arith.constant 4 : i32
        %add3A_1313 = arith.addi %add3A_955, %add3A_1312 : i32
        %get3A_1314 = arith.index_cast %add3A_1313 : i32 to index
        %get3A_1315 = arith.constant 48 : index
        %get3A_1316 = tpu.vector_load %arg10[%get3A_1314, %get3A_1315] {strides = array<i32>} : memref<128x128xf32, #tpu.memory_space<vmem>>, vector<16xf32>,
        %add3A_1317 = arith.constant 4 : i32
        %add3A_1318 = arith.addi %add3A_955, %add3A_1317 : i32
        %get3A_1319 = arith.index_cast %add3A_1318 : i32 to index
        %get3A_1320 = arith.constant 48 : index
        %get3A_1321 = tpu.vector_load %arg11[%get3A_1319, %get3A_1320] {strides = array<i32>} : memref<128x128xf32, #tpu.memory_space<vmem>>, vector<16xf32>,
        %mul3A_1322 = arith.mulf %get3A_1316, %get3A_1321 : vector<16xf32>
        %mul3A_1323 = arith.mulf %mul3A_1322, %get3A_38 : vector<16xf32>
        %add3A_1324 = arith.addf %add3A_1220, %mul3A_1323 : vector<16xf32>
        %add3A_1325 = arith.constant 5 : i32
        %add3A_1326 = arith.addi %add3A_955, %add3A_1325 : i32
        %get3A_1327 = arith.index_cast %add3A_1326 : i32 to index
        %get3A_1328 = arith.constant 48 : index
        %get3A_1329 = tpu.vector_load %arg10[%get3A_1327, %get3A_1328] {strides = array<i32>} : memref<128x128xf32, #tpu.memory_space<vmem>>, vector<16xf32>,
        %add3A_1330 = arith.constant 5 : i32
        %add3A_1331 = arith.addi %add3A_955, %add3A_1330 : i32
        %get3A_1332 = arith.index_cast %add3A_1331 : i32 to index
        %get3A_1333 = arith.constant 48 : index
        %get3A_1334 = tpu.vector_load %arg11[%get3A_1332, %get3A_1333] {strides = array<i32>} : memref<128x128xf32, #tpu.memory_space<vmem>>, vector<16xf32>,
        %mul3A_1335 = arith.mulf %get3A_1329, %get3A_1334 : vector<16xf32>
        %mul3A_1336 = arith.mulf %mul3A_1335, %get3A_38 : vector<16xf32>
        %add3A_1337 = arith.addf %add3A_1233, %mul3A_1336 : vector<16xf32>
        %add3A_1338 = arith.constant 6 : i32
        %add3A_1339 = arith.addi %add3A_955, %add3A_1338 : i32
        %get3A_1340 = arith.index_cast %add3A_1339 : i32 to index
        %get3A_1341 = arith.constant 48 : index
        %get3A_1342 = tpu.vector_load %arg10[%get3A_1340, %get3A_1341] {strides = array<i32>} : memref<128x128xf32, #tpu.memory_space<vmem>>, vector<16xf32>,
        %add3A_1343 = arith.constant 6 : i32
        %add3A_1344 = arith.addi %add3A_955, %add3A_1343 : i32
        %get3A_1345 = arith.index_cast %add3A_1344 : i32 to index
        %get3A_1346 = arith.constant 48 : index
        %get3A_1347 = tpu.vector_load %arg11[%get3A_1345, %get3A_1346] {strides = array<i32>} : memref<128x128xf32, #tpu.memory_space<vmem>>, vector<16xf32>,
        %mul3A_1348 = arith.mulf %get3A_1342, %get3A_1347 : vector<16xf32>
        %mul3A_1349 = arith.mulf %mul3A_1348, %get3A_38 : vector<16xf32>
        %add3A_1350 = arith.addf %add3A_1246, %mul3A_1349 : vector<16xf32>
        %add3A_1351 = arith.constant 7 : i32
        %add3A_1352 = arith.addi %add3A_955, %add3A_1351 : i32
        %get3A_1353 = arith.index_cast %add3A_1352 : i32 to index
        %get3A_1354 = arith.constant 48 : index
        %get3A_1355 = tpu.vector_load %arg10[%get3A_1353, %get3A_1354] {strides = array<i32>} : memref<128x128xf32, #tpu.memory_space<vmem>>, vector<16xf32>,
        %add3A_1356 = arith.constant 7 : i32
        %add3A_1357 = arith.addi %add3A_955, %add3A_1356 : i32
        %get3A_1358 = arith.index_cast %add3A_1357 : i32 to index
        %get3A_1359 = arith.constant 48 : index
        %get3A_1360 = tpu.vector_load %arg11[%get3A_1358, %get3A_1359] {strides = array<i32>} : memref<128x128xf32, #tpu.memory_space<vmem>>, vector<16xf32>,
        %mul3A_1361 = arith.mulf %get3A_1355, %get3A_1360 : vector<16xf32>
        %mul3A_1362 = arith.mulf %mul3A_1361, %get3A_38 : vector<16xf32>
        %add3A_1363 = arith.addf %add3A_1259, %mul3A_1362 : vector<16xf32>
        %add3A_1364 = arith.constant 0 : i32
        %add3A_1365 = arith.addi %add3A_955, %add3A_1364 : i32
        %get3A_1366 = arith.index_cast %add3A_1365 : i32 to index
        %get3A_1367 = arith.constant 64 : index
        %get3A_1368 = tpu.vector_load %arg10[%get3A_1366, %get3A_1367] {strides = array<i32>} : memref<128x128xf32, #tpu.memory_space<vmem>>, vector<16xf32>,
        %add3A_1369 = arith.constant 0 : i32
        %add3A_1370 = arith.addi %add3A_955, %add3A_1369 : i32
        %get3A_1371 = arith.index_cast %add3A_1370 : i32 to index
        %get3A_1372 = arith.constant 64 : index
        %get3A_1373 = tpu.vector_load %arg11[%get3A_1371, %get3A_1372] {strides = array<i32>} : memref<128x128xf32, #tpu.memory_space<vmem>>, vector<16xf32>,
        %mul3A_1374 = arith.mulf %get3A_1368, %get3A_1373 : vector<16xf32>
        %mul3A_1375 = arith.mulf %mul3A_1374, %get3A_40 : vector<16xf32>
        %add3A_1376 = arith.addf %add3A_1272, %mul3A_1375 : vector<16xf32>
        %add3A_1377 = arith.constant 1 : i32
        %add3A_1378 = arith.addi %add3A_955, %add3A_1377 : i32
        %get3A_1379 = arith.index_cast %add3A_1378 : i32 to index
        %get3A_1380 = arith.constant 64 : index
        %get3A_1381 = tpu.vector_load %arg10[%get3A_1379, %get3A_1380] {strides = array<i32>} : memref<128x128xf32, #tpu.memory_space<vmem>>, vector<16xf32>,
        %add3A_1382 = arith.constant 1 : i32
        %add3A_1383 = arith.addi %add3A_955, %add3A_1382 : i32
        %get3A_1384 = arith.index_cast %add3A_1383 : i32 to index
        %get3A_1385 = arith.constant 64 : index
        %get3A_1386 = tpu.vector_load %arg11[%get3A_1384, %get3A_1385] {strides = array<i32>} : memref<128x128xf32, #tpu.memory_space<vmem>>, vector<16xf32>,
        %mul3A_1387 = arith.mulf %get3A_1381, %get3A_1386 : vector<16xf32>
        %mul3A_1388 = arith.mulf %mul3A_1387, %get3A_40 : vector<16xf32>
        %add3A_1389 = arith.addf %add3A_1285, %mul3A_1388 : vector<16xf32>
        %add3A_1390 = arith.constant 2 : i32
        %add3A_1391 = arith.addi %add3A_955, %add3A_1390 : i32
        %get3A_1392 = arith.index_cast %add3A_1391 : i32 to index
        %get3A_1393 = arith.constant 64 : index
        %get3A_1394 = tpu.vector_load %arg10[%get3A_1392, %get3A_1393] {strides = array<i32>} : memref<128x128xf32, #tpu.memory_space<vmem>>, vector<16xf32>,
        %add3A_1395 = arith.constant 2 : i32
        %add3A_1396 = arith.addi %add3A_955, %add3A_1395 : i32
        %get3A_1397 = arith.index_cast %add3A_1396 : i32 to index
        %get3A_1398 = arith.constant 64 : index
        %get3A_1399 = tpu.vector_load %arg11[%get3A_1397, %get3A_1398] {strides = array<i32>} : memref<128x128xf32, #tpu.memory_space<vmem>>, vector<16xf32>,
        %mul3A_1400 = arith.mulf %get3A_1394, %get3A_1399 : vector<16xf32>
        %mul3A_1401 = arith.mulf %mul3A_1400, %get3A_40 : vector<16xf32>
        %add3A_1402 = arith.addf %add3A_1298, %mul3A_1401 : vector<16xf32>
        %add3A_1403 = arith.constant 3 : i32
        %add3A_1404 = arith.addi %add3A_955, %add3A_1403 : i32
        %get3A_1405 = arith.index_cast %add3A_1404 : i32 to index
        %get3A_1406 = arith.constant 64 : index
        %get3A_1407 = tpu.vector_load %arg10[%get3A_1405, %get3A_1406] {strides = array<i32>} : memref<128x128xf32, #tpu.memory_space<vmem>>, vector<16xf32>,
        %add3A_1408 = arith.constant 3 : i32
        %add3A_1409 = arith.addi %add3A_955, %add3A_1408 : i32
        %get3A_1410 = arith.index_cast %add3A_1409 : i32 to index
        %get3A_1411 = arith.constant 64 : index
        %get3A_1412 = tpu.vector_load %arg11[%get3A_1410, %get3A_1411] {strides = array<i32>} : memref<128x128xf32, #tpu.memory_space<vmem>>, vector<16xf32>,
        %mul3A_1413 = arith.mulf %get3A_1407, %get3A_1412 : vector<16xf32>
        %mul3A_1414 = arith.mulf %mul3A_1413, %get3A_40 : vector<16xf32>
        %add3A_1415 = arith.addf %add3A_1311, %mul3A_1414 : vector<16xf32>
        %add3A_1416 = arith.constant 4 : i32
        %add3A_1417 = arith.addi %add3A_955, %add3A_1416 : i32
        %get3A_1418 = arith.index_cast %add3A_1417 : i32 to index
        %get3A_1419 = arith.constant 64 : index
        %get3A_1420 = tpu.vector_load %arg10[%get3A_1418, %get3A_1419] {strides = array<i32>} : memref<128x128xf32, #tpu.memory_space<vmem>>, vector<16xf32>,
        %add3A_1421 = arith.constant 4 : i32
        %add3A_1422 = arith.addi %add3A_955, %add3A_1421 : i32
        %get3A_1423 = arith.index_cast %add3A_1422 : i32 to index
        %get3A_1424 = arith.constant 64 : index
        %get3A_1425 = tpu.vector_load %arg11[%get3A_1423, %get3A_1424] {strides = array<i32>} : memref<128x128xf32, #tpu.memory_space<vmem>>, vector<16xf32>,
        %mul3A_1426 = arith.mulf %get3A_1420, %get3A_1425 : vector<16xf32>
        %mul3A_1427 = arith.mulf %mul3A_1426, %get3A_40 : vector<16xf32>
        %add3A_1428 = arith.addf %add3A_1324, %mul3A_1427 : vector<16xf32>
        %add3A_1429 = arith.constant 5 : i32
        %add3A_1430 = arith.addi %add3A_955, %add3A_1429 : i32
        %get3A_1431 = arith.index_cast %add3A_1430 : i32 to index
        %get3A_1432 = arith.constant 64 : index
        %get3A_1433 = tpu.vector_load %arg10[%get3A_1431, %get3A_1432] {strides = array<i32>} : memref<128x128xf32, #tpu.memory_space<vmem>>, vector<16xf32>,
        %add3A_1434 = arith.constant 5 : i32
        %add3A_1435 = arith.addi %add3A_955, %add3A_1434 : i32
        %get3A_1436 = arith.index_cast %add3A_1435 : i32 to index
        %get3A_1437 = arith.constant 64 : index
        %get3A_1438 = tpu.vector_load %arg11[%get3A_1436, %get3A_1437] {strides = array<i32>} : memref<128x128xf32, #tpu.memory_space<vmem>>, vector<16xf32>,
        %mul3A_1439 = arith.mulf %get3A_1433, %get3A_1438 : vector<16xf32>
        %mul3A_1440 = arith.mulf %mul3A_1439, %get3A_40 : vector<16xf32>
        %add3A_1441 = arith.addf %add3A_1337, %mul3A_1440 : vector<16xf32>
        %add3A_1442 = arith.constant 6 : i32
        %add3A_1443 = arith.addi %add3A_955, %add3A_1442 : i32
        %get3A_1444 = arith.index_cast %add3A_1443 : i32 to index
        %get3A_1445 = arith.constant 64 : index
        %get3A_1446 = tpu.vector_load %arg10[%get3A_1444, %get3A_1445] {strides = array<i32>} : memref<128x128xf32, #tpu.memory_space<vmem>>, vector<16xf32>,
        %add3A_1447 = arith.constant 6 : i32
        %add3A_1448 = arith.addi %add3A_955, %add3A_1447 : i32
        %get3A_1449 = arith.index_cast %add3A_1448 : i32 to index
        %get3A_1450 = arith.constant 64 : index
        %get3A_1451 = tpu.vector_load %arg11[%get3A_1449, %get3A_1450] {strides = array<i32>} : memref<128x128xf32, #tpu.memory_space<vmem>>, vector<16xf32>,
        %mul3A_1452 = arith.mulf %get3A_1446, %get3A_1451 : vector<16xf32>
        %mul3A_1453 = arith.mulf %mul3A_1452, %get3A_40 : vector<16xf32>
        %add3A_1454 = arith.addf %add3A_1350, %mul3A_1453 : vector<16xf32>
        %add3A_1455 = arith.constant 7 : i32
        %add3A_1456 = arith.addi %add3A_955, %add3A_1455 : i32
        %get3A_1457 = arith.index_cast %add3A_1456 : i32 to index
        %get3A_1458 = arith.constant 64 : index
        %get3A_1459 = tpu.vector_load %arg10[%get3A_1457, %get3A_1458] {strides = array<i32>} : memref<128x128xf32, #tpu.memory_space<vmem>>, vector<16xf32>,
        %add3A_1460 = arith.constant 7 : i32
        %add3A_1461 = arith.addi %add3A_955, %add3A_1460 : i32
        %get3A_1462 = arith.index_cast %add3A_1461 : i32 to index
        %get3A_1463 = arith.constant 64 : index
        %get3A_1464 = tpu.vector_load %arg11[%get3A_1462, %get3A_1463] {strides = array<i32>} : memref<128x128xf32, #tpu.memory_space<vmem>>, vector<16xf32>,
        %mul3A_1465 = arith.mulf %get3A_1459, %get3A_1464 : vector<16xf32>
        %mul3A_1466 = arith.mulf %mul3A_1465, %get3A_40 : vector<16xf32>
        %add3A_1467 = arith.addf %add3A_1363, %mul3A_1466 : vector<16xf32>
        %add3A_1468 = arith.constant 0 : i32
        %add3A_1469 = arith.addi %add3A_955, %add3A_1468 : i32
        %get3A_1470 = arith.index_cast %add3A_1469 : i32 to index
        %get3A_1471 = arith.constant 80 : index
        %get3A_1472 = tpu.vector_load %arg10[%get3A_1470, %get3A_1471] {strides = array<i32>} : memref<128x128xf32, #tpu.memory_space<vmem>>, vector<16xf32>,
        %add3A_1473 = arith.constant 0 : i32
        %add3A_1474 = arith.addi %add3A_955, %add3A_1473 : i32
        %get3A_1475 = arith.index_cast %add3A_1474 : i32 to index
        %get3A_1476 = arith.constant 80 : index
        %get3A_1477 = tpu.vector_load %arg11[%get3A_1475, %get3A_1476] {strides = array<i32>} : memref<128x128xf32, #tpu.memory_space<vmem>>, vector<16xf32>,
        %mul3A_1478 = arith.mulf %get3A_1472, %get3A_1477 : vector<16xf32>
        %mul3A_1479 = arith.mulf %mul3A_1478, %get3A_42 : vector<16xf32>
        %add3A_1480 = arith.addf %add3A_1376, %mul3A_1479 : vector<16xf32>
        %add3A_1481 = arith.constant 1 : i32
        %add3A_1482 = arith.addi %add3A_955, %add3A_1481 : i32
        %get3A_1483 = arith.index_cast %add3A_1482 : i32 to index
        %get3A_1484 = arith.constant 80 : index
        %get3A_1485 = tpu.vector_load %arg10[%get3A_1483, %get3A_1484] {strides = array<i32>} : memref<128x128xf32, #tpu.memory_space<vmem>>, vector<16xf32>,
        %add3A_1486 = arith.constant 1 : i32
        %add3A_1487 = arith.addi %add3A_955, %add3A_1486 : i32
        %get3A_1488 = arith.index_cast %add3A_1487 : i32 to index
        %get3A_1489 = arith.constant 80 : index
        %get3A_1490 = tpu.vector_load %arg11[%get3A_1488, %get3A_1489] {strides = array<i32>} : memref<128x128xf32, #tpu.memory_space<vmem>>, vector<16xf32>,
        %mul3A_1491 = arith.mulf %get3A_1485, %get3A_1490 : vector<16xf32>
        %mul3A_1492 = arith.mulf %mul3A_1491, %get3A_42 : vector<16xf32>
        %add3A_1493 = arith.addf %add3A_1389, %mul3A_1492 : vector<16xf32>
        %add3A_1494 = arith.constant 2 : i32
        %add3A_1495 = arith.addi %add3A_955, %add3A_1494 : i32
        %get3A_1496 = arith.index_cast %add3A_1495 : i32 to index
        %get3A_1497 = arith.constant 80 : index
        %get3A_1498 = tpu.vector_load %arg10[%get3A_1496, %get3A_1497] {strides = array<i32>} : memref<128x128xf32, #tpu.memory_space<vmem>>, vector<16xf32>,
        %add3A_1499 = arith.constant 2 : i32
        %add3A_1500 = arith.addi %add3A_955, %add3A_1499 : i32
        %get3A_1501 = arith.index_cast %add3A_1500 : i32 to index
        %get3A_1502 = arith.constant 80 : index
        %get3A_1503 = tpu.vector_load %arg11[%get3A_1501, %get3A_1502] {strides = array<i32>} : memref<128x128xf32, #tpu.memory_space<vmem>>, vector<16xf32>,
        %mul3A_1504 = arith.mulf %get3A_1498, %get3A_1503 : vector<16xf32>
        %mul3A_1505 = arith.mulf %mul3A_1504, %get3A_42 : vector<16xf32>
        %add3A_1506 = arith.addf %add3A_1402, %mul3A_1505 : vector<16xf32>
        %add3A_1507 = arith.constant 3 : i32
        %add3A_1508 = arith.addi %add3A_955, %add3A_1507 : i32
        %get3A_1509 = arith.index_cast %add3A_1508 : i32 to index
        %get3A_1510 = arith.constant 80 : index
        %get3A_1511 = tpu.vector_load %arg10[%get3A_1509, %get3A_1510] {strides = array<i32>} : memref<128x128xf32, #tpu.memory_space<vmem>>, vector<16xf32>,
        %add3A_1512 = arith.constant 3 : i32
        %add3A_1513 = arith.addi %add3A_955, %add3A_1512 : i32
        %get3A_1514 = arith.index_cast %add3A_1513 : i32 to index
        %get3A_1515 = arith.constant 80 : index
        %get3A_1516 = tpu.vector_load %arg11[%get3A_1514, %get3A_1515] {strides = array<i32>} : memref<128x128xf32, #tpu.memory_space<vmem>>, vector<16xf32>,
        %mul3A_1517 = arith.mulf %get3A_1511, %get3A_1516 : vector<16xf32>
        %mul3A_1518 = arith.mulf %mul3A_1517, %get3A_42 : vector<16xf32>
        %add3A_1519 = arith.addf %add3A_1415, %mul3A_1518 : vector<16xf32>
        %add3A_1520 = arith.constant 4 : i32
        %add3A_1521 = arith.addi %add3A_955, %add3A_1520 : i32
        %get3A_1522 = arith.index_cast %add3A_1521 : i32 to index
        %get3A_1523 = arith.constant 80 : index
        %get3A_1524 = tpu.vector_load %arg10[%get3A_1522, %get3A_1523] {strides = array<i32>} : memref<128x128xf32, #tpu.memory_space<vmem>>, vector<16xf32>,
        %add3A_1525 = arith.constant 4 : i32
        %add3A_1526 = arith.addi %add3A_955, %add3A_1525 : i32
        %get3A_1527 = arith.index_cast %add3A_1526 : i32 to index
        %get3A_1528 = arith.constant 80 : index
        %get3A_1529 = tpu.vector_load %arg11[%get3A_1527, %get3A_1528] {strides = array<i32>} : memref<128x128xf32, #tpu.memory_space<vmem>>, vector<16xf32>,
        %mul3A_1530 = arith.mulf %get3A_1524, %get3A_1529 : vector<16xf32>
        %mul3A_1531 = arith.mulf %mul3A_1530, %get3A_42 : vector<16xf32>
        %add3A_1532 = arith.addf %add3A_1428, %mul3A_1531 : vector<16xf32>
        %add3A_1533 = arith.constant 5 : i32
        %add3A_1534 = arith.addi %add3A_955, %add3A_1533 : i32
        %get3A_1535 = arith.index_cast %add3A_1534 : i32 to index
        %get3A_1536 = arith.constant 80 : index
        %get3A_1537 = tpu.vector_load %arg10[%get3A_1535, %get3A_1536] {strides = array<i32>} : memref<128x128xf32, #tpu.memory_space<vmem>>, vector<16xf32>,
        %add3A_1538 = arith.constant 5 : i32
        %add3A_1539 = arith.addi %add3A_955, %add3A_1538 : i32
        %get3A_1540 = arith.index_cast %add3A_1539 : i32 to index
        %get3A_1541 = arith.constant 80 : index
        %get3A_1542 = tpu.vector_load %arg11[%get3A_1540, %get3A_1541] {strides = array<i32>} : memref<128x128xf32, #tpu.memory_space<vmem>>, vector<16xf32>,
        %mul3A_1543 = arith.mulf %get3A_1537, %get3A_1542 : vector<16xf32>
        %mul3A_1544 = arith.mulf %mul3A_1543, %get3A_42 : vector<16xf32>
        %add3A_1545 = arith.addf %add3A_1441, %mul3A_1544 : vector<16xf32>
        %add3A_1546 = arith.constant 6 : i32
        %add3A_1547 = arith.addi %add3A_955, %add3A_1546 : i32
        %get3A_1548 = arith.index_cast %add3A_1547 : i32 to index
        %get3A_1549 = arith.constant 80 : index
        %get3A_1550 = tpu.vector_load %arg10[%get3A_1548, %get3A_1549] {strides = array<i32>} : memref<128x128xf32, #tpu.memory_space<vmem>>, vector<16xf32>,
        %add3A_1551 = arith.constant 6 : i32
        %add3A_1552 = arith.addi %add3A_955, %add3A_1551 : i32
        %get3A_1553 = arith.index_cast %add3A_1552 : i32 to index
        %get3A_1554 = arith.constant 80 : index
        %get3A_1555 = tpu.vector_load %arg11[%get3A_1553, %get3A_1554] {strides = array<i32>} : memref<128x128xf32, #tpu.memory_space<vmem>>, vector<16xf32>,
        %mul3A_1556 = arith.mulf %get3A_1550, %get3A_1555 : vector<16xf32>
        %mul3A_1557 = arith.mulf %mul3A_1556, %get3A_42 : vector<16xf32>
        %add3A_1558 = arith.addf %add3A_1454, %mul3A_1557 : vector<16xf32>
        %add3A_1559 = arith.constant 7 : i32
        %add3A_1560 = arith.addi %add3A_955, %add3A_1559 : i32
        %get3A_1561 = arith.index_cast %add3A_1560 : i32 to index
        %get3A_1562 = arith.constant 80 : index
        %get3A_1563 = tpu.vector_load %arg10[%get3A_1561, %get3A_1562] {strides = array<i32>} : memref<128x128xf32, #tpu.memory_space<vmem>>, vector<16xf32>,
        %add3A_1564 = arith.constant 7 : i32
        %add3A_1565 = arith.addi %add3A_955, %add3A_1564 : i32
        %get3A_1566 = arith.index_cast %add3A_1565 : i32 to index
        %get3A_1567 = arith.constant 80 : index
        %get3A_1568 = tpu.vector_load %arg11[%get3A_1566, %get3A_1567] {strides = array<i32>} : memref<128x128xf32, #tpu.memory_space<vmem>>, vector<16xf32>,
        %mul3A_1569 = arith.mulf %get3A_1563, %get3A_1568 : vector<16xf32>
        %mul3A_1570 = arith.mulf %mul3A_1569, %get3A_42 : vector<16xf32>
        %add3A_1571 = arith.addf %add3A_1467, %mul3A_1570 : vector<16xf32>
        %add3A_1572 = arith.constant 0 : i32
        %add3A_1573 = arith.addi %add3A_955, %add3A_1572 : i32
        %get3A_1574 = arith.index_cast %add3A_1573 : i32 to index
        %get3A_1575 = arith.constant 96 : index
        %get3A_1576 = tpu.vector_load %arg10[%get3A_1574, %get3A_1575] {strides = array<i32>} : memref<128x128xf32, #tpu.memory_space<vmem>>, vector<16xf32>,
        %add3A_1577 = arith.constant 0 : i32
        %add3A_1578 = arith.addi %add3A_955, %add3A_1577 : i32
        %get3A_1579 = arith.index_cast %add3A_1578 : i32 to index
        %get3A_1580 = arith.constant 96 : index
        %get3A_1581 = tpu.vector_load %arg11[%get3A_1579, %get3A_1580] {strides = array<i32>} : memref<128x128xf32, #tpu.memory_space<vmem>>, vector<16xf32>,
        %mul3A_1582 = arith.mulf %get3A_1576, %get3A_1581 : vector<16xf32>
        %mul3A_1583 = arith.mulf %mul3A_1582, %get3A_44 : vector<16xf32>
        %add3A_1584 = arith.addf %add3A_1480, %mul3A_1583 : vector<16xf32>
        %add3A_1585 = arith.constant 1 : i32
        %add3A_1586 = arith.addi %add3A_955, %add3A_1585 : i32
        %get3A_1587 = arith.index_cast %add3A_1586 : i32 to index
        %get3A_1588 = arith.constant 96 : index
        %get3A_1589 = tpu.vector_load %arg10[%get3A_1587, %get3A_1588] {strides = array<i32>} : memref<128x128xf32, #tpu.memory_space<vmem>>, vector<16xf32>,
        %add3A_1590 = arith.constant 1 : i32
        %add3A_1591 = arith.addi %add3A_955, %add3A_1590 : i32
        %get3A_1592 = arith.index_cast %add3A_1591 : i32 to index
        %get3A_1593 = arith.constant 96 : index
        %get3A_1594 = tpu.vector_load %arg11[%get3A_1592, %get3A_1593] {strides = array<i32>} : memref<128x128xf32, #tpu.memory_space<vmem>>, vector<16xf32>,
        %mul3A_1595 = arith.mulf %get3A_1589, %get3A_1594 : vector<16xf32>
        %mul3A_1596 = arith.mulf %mul3A_1595, %get3A_44 : vector<16xf32>
        %add3A_1597 = arith.addf %add3A_1493, %mul3A_1596 : vector<16xf32>
        %add3A_1598 = arith.constant 2 : i32
        %add3A_1599 = arith.addi %add3A_955, %add3A_1598 : i32
        %get3A_1600 = arith.index_cast %add3A_1599 : i32 to index
        %get3A_1601 = arith.constant 96 : index
        %get3A_1602 = tpu.vector_load %arg10[%get3A_1600, %get3A_1601] {strides = array<i32>} : memref<128x128xf32, #tpu.memory_space<vmem>>, vector<16xf32>,
        %add3A_1603 = arith.constant 2 : i32
        %add3A_1604 = arith.addi %add3A_955, %add3A_1603 : i32
        %get3A_1605 = arith.index_cast %add3A_1604 : i32 to index
        %get3A_1606 = arith.constant 96 : index
        %get3A_1607 = tpu.vector_load %arg11[%get3A_1605, %get3A_1606] {strides = array<i32>} : memref<128x128xf32, #tpu.memory_space<vmem>>, vector<16xf32>,
        %mul3A_1608 = arith.mulf %get3A_1602, %get3A_1607 : vector<16xf32>
        %mul3A_1609 = arith.mulf %mul3A_1608, %get3A_44 : vector<16xf32>
        %add3A_1610 = arith.addf %add3A_1506, %mul3A_1609 : vector<16xf32>
        %add3A_1611 = arith.constant 3 : i32
        %add3A_1612 = arith.addi %add3A_955, %add3A_1611 : i32
        %get3A_1613 = arith.index_cast %add3A_1612 : i32 to index
        %get3A_1614 = arith.constant 96 : index
        %get3A_1615 = tpu.vector_load %arg10[%get3A_1613, %get3A_1614] {strides = array<i32>} : memref<128x128xf32, #tpu.memory_space<vmem>>, vector<16xf32>,
        %add3A_1616 = arith.constant 3 : i32
        %add3A_1617 = arith.addi %add3A_955, %add3A_1616 : i32
        %get3A_1618 = arith.index_cast %add3A_1617 : i32 to index
        %get3A_1619 = arith.constant 96 : index
        %get3A_1620 = tpu.vector_load %arg11[%get3A_1618, %get3A_1619] {strides = array<i32>} : memref<128x128xf32, #tpu.memory_space<vmem>>, vector<16xf32>,
        %mul3A_1621 = arith.mulf %get3A_1615, %get3A_1620 : vector<16xf32>
        %mul3A_1622 = arith.mulf %mul3A_1621, %get3A_44 : vector<16xf32>
        %add3A_1623 = arith.addf %add3A_1519, %mul3A_1622 : vector<16xf32>
        %add3A_1624 = arith.constant 4 : i32
        %add3A_1625 = arith.addi %add3A_955, %add3A_1624 : i32
        %get3A_1626 = arith.index_cast %add3A_1625 : i32 to index
        %get3A_1627 = arith.constant 96 : index
        %get3A_1628 = tpu.vector_load %arg10[%get3A_1626, %get3A_1627] {strides = array<i32>} : memref<128x128xf32, #tpu.memory_space<vmem>>, vector<16xf32>,
        %add3A_1629 = arith.constant 4 : i32
        %add3A_1630 = arith.addi %add3A_955, %add3A_1629 : i32
        %get3A_1631 = arith.index_cast %add3A_1630 : i32 to index
        %get3A_1632 = arith.constant 96 : index
        %get3A_1633 = tpu.vector_load %arg11[%get3A_1631, %get3A_1632] {strides = array<i32>} : memref<128x128xf32, #tpu.memory_space<vmem>>, vector<16xf32>,
        %mul3A_1634 = arith.mulf %get3A_1628, %get3A_1633 : vector<16xf32>
        %mul3A_1635 = arith.mulf %mul3A_1634, %get3A_44 : vector<16xf32>
        %add3A_1636 = arith.addf %add3A_1532, %mul3A_1635 : vector<16xf32>
        %add3A_1637 = arith.constant 5 : i32
        %add3A_1638 = arith.addi %add3A_955, %add3A_1637 : i32
        %get3A_1639 = arith.index_cast %add3A_1638 : i32 to index
        %get3A_1640 = arith.constant 96 : index
        %get3A_1641 = tpu.vector_load %arg10[%get3A_1639, %get3A_1640] {strides = array<i32>} : memref<128x128xf32, #tpu.memory_space<vmem>>, vector<16xf32>,
        %add3A_1642 = arith.constant 5 : i32
        %add3A_1643 = arith.addi %add3A_955, %add3A_1642 : i32
        %get3A_1644 = arith.index_cast %add3A_1643 : i32 to index
        %get3A_1645 = arith.constant 96 : index
        %get3A_1646 = tpu.vector_load %arg11[%get3A_1644, %get3A_1645] {strides = array<i32>} : memref<128x128xf32, #tpu.memory_space<vmem>>, vector<16xf32>,
        %mul3A_1647 = arith.mulf %get3A_1641, %get3A_1646 : vector<16xf32>
        %mul3A_1648 = arith.mulf %mul3A_1647, %get3A_44 : vector<16xf32>
        %add3A_1649 = arith.addf %add3A_1545, %mul3A_1648 : vector<16xf32>
        %add3A_1650 = arith.constant 6 : i32
        %add3A_1651 = arith.addi %add3A_955, %add3A_1650 : i32
        %get3A_1652 = arith.index_cast %add3A_1651 : i32 to index
        %get3A_1653 = arith.constant 96 : index
        %get3A_1654 = tpu.vector_load %arg10[%get3A_1652, %get3A_1653] {strides = array<i32>} : memref<128x128xf32, #tpu.memory_space<vmem>>, vector<16xf32>,
        %add3A_1655 = arith.constant 6 : i32
        %add3A_1656 = arith.addi %add3A_955, %add3A_1655 : i32
        %get3A_1657 = arith.index_cast %add3A_1656 : i32 to index
        %get3A_1658 = arith.constant 96 : index
        %get3A_1659 = tpu.vector_load %arg11[%get3A_1657, %get3A_1658] {strides = array<i32>} : memref<128x128xf32, #tpu.memory_space<vmem>>, vector<16xf32>,
        %mul3A_1660 = arith.mulf %get3A_1654, %get3A_1659 : vector<16xf32>
        %mul3A_1661 = arith.mulf %mul3A_1660, %get3A_44 : vector<16xf32>
        %add3A_1662 = arith.addf %add3A_1558, %mul3A_1661 : vector<16xf32>
        %add3A_1663 = arith.constant 7 : i32
        %add3A_1664 = arith.addi %add3A_955, %add3A_1663 : i32
        %get3A_1665 = arith.index_cast %add3A_1664 : i32 to index
        %get3A_1666 = arith.constant 96 : index
        %get3A_1667 = tpu.vector_load %arg10[%get3A_1665, %get3A_1666] {strides = array<i32>} : memref<128x128xf32, #tpu.memory_space<vmem>>, vector<16xf32>,
        %add3A_1668 = arith.constant 7 : i32
        %add3A_1669 = arith.addi %add3A_955, %add3A_1668 : i32
        %get3A_1670 = arith.index_cast %add3A_1669 : i32 to index
        %get3A_1671 = arith.constant 96 : index
        %get3A_1672 = tpu.vector_load %arg11[%get3A_1670, %get3A_1671] {strides = array<i32>} : memref<128x128xf32, #tpu.memory_space<vmem>>, vector<16xf32>,
        %mul3A_1673 = arith.mulf %get3A_1667, %get3A_1672 : vector<16xf32>
        %mul3A_1674 = arith.mulf %mul3A_1673, %get3A_44 : vector<16xf32>
        %add3A_1675 = arith.addf %add3A_1571, %mul3A_1674 : vector<16xf32>
        %add3A_1676 = arith.constant 0 : i32
        %add3A_1677 = arith.addi %add3A_955, %add3A_1676 : i32
        %get3A_1678 = arith.index_cast %add3A_1677 : i32 to index
        %get3A_1679 = arith.constant 112 : index
        %get3A_1680 = tpu.vector_load %arg10[%get3A_1678, %get3A_1679] {strides = array<i32>} : memref<128x128xf32, #tpu.memory_space<vmem>>, vector<16xf32>,
        %add3A_1681 = arith.constant 0 : i32
        %add3A_1682 = arith.addi %add3A_955, %add3A_1681 : i32
        %get3A_1683 = arith.index_cast %add3A_1682 : i32 to index
        %get3A_1684 = arith.constant 112 : index
        %get3A_1685 = tpu.vector_load %arg11[%get3A_1683, %get3A_1684] {strides = array<i32>} : memref<128x128xf32, #tpu.memory_space<vmem>>, vector<16xf32>,
        %mul3A_1686 = arith.mulf %get3A_1680, %get3A_1685 : vector<16xf32>
        %mul3A_1687 = arith.mulf %mul3A_1686, %get3A_46 : vector<16xf32>
        %add3A_1688 = arith.addf %add3A_1584, %mul3A_1687 : vector<16xf32>
        %add3A_1689 = arith.constant 1 : i32
        %add3A_1690 = arith.addi %add3A_955, %add3A_1689 : i32
        %get3A_1691 = arith.index_cast %add3A_1690 : i32 to index
        %get3A_1692 = arith.constant 112 : index
        %get3A_1693 = tpu.vector_load %arg10[%get3A_1691, %get3A_1692] {strides = array<i32>} : memref<128x128xf32, #tpu.memory_space<vmem>>, vector<16xf32>,
        %add3A_1694 = arith.constant 1 : i32
        %add3A_1695 = arith.addi %add3A_955, %add3A_1694 : i32
        %get3A_1696 = arith.index_cast %add3A_1695 : i32 to index
        %get3A_1697 = arith.constant 112 : index
        %get3A_1698 = tpu.vector_load %arg11[%get3A_1696, %get3A_1697] {strides = array<i32>} : memref<128x128xf32, #tpu.memory_space<vmem>>, vector<16xf32>,
        %mul3A_1699 = arith.mulf %get3A_1693, %get3A_1698 : vector<16xf32>
        %mul3A_1700 = arith.mulf %mul3A_1699, %get3A_46 : vector<16xf32>
        %add3A_1701 = arith.addf %add3A_1597, %mul3A_1700 : vector<16xf32>
        %add3A_1702 = arith.constant 2 : i32
        %add3A_1703 = arith.addi %add3A_955, %add3A_1702 : i32
        %get3A_1704 = arith.index_cast %add3A_1703 : i32 to index
        %get3A_1705 = arith.constant 112 : index
        %get3A_1706 = tpu.vector_load %arg10[%get3A_1704, %get3A_1705] {strides = array<i32>} : memref<128x128xf32, #tpu.memory_space<vmem>>, vector<16xf32>,
        %add3A_1707 = arith.constant 2 : i32
        %add3A_1708 = arith.addi %add3A_955, %add3A_1707 : i32
        %get3A_1709 = arith.index_cast %add3A_1708 : i32 to index
        %get3A_1710 = arith.constant 112 : index
        %get3A_1711 = tpu.vector_load %arg11[%get3A_1709, %get3A_1710] {strides = array<i32>} : memref<128x128xf32, #tpu.memory_space<vmem>>, vector<16xf32>,
        %mul3A_1712 = arith.mulf %get3A_1706, %get3A_1711 : vector<16xf32>
        %mul3A_1713 = arith.mulf %mul3A_1712, %get3A_46 : vector<16xf32>
        %add3A_1714 = arith.addf %add3A_1610, %mul3A_1713 : vector<16xf32>
        %add3A_1715 = arith.constant 3 : i32
        %add3A_1716 = arith.addi %add3A_955, %add3A_1715 : i32
        %get3A_1717 = arith.index_cast %add3A_1716 : i32 to index
        %get3A_1718 = arith.constant 112 : index
        %get3A_1719 = tpu.vector_load %arg10[%get3A_1717, %get3A_1718] {strides = array<i32>} : memref<128x128xf32, #tpu.memory_space<vmem>>, vector<16xf32>,
        %add3A_1720 = arith.constant 3 : i32
        %add3A_1721 = arith.addi %add3A_955, %add3A_1720 : i32
        %get3A_1722 = arith.index_cast %add3A_1721 : i32 to index
        %get3A_1723 = arith.constant 112 : index
        %get3A_1724 = tpu.vector_load %arg11[%get3A_1722, %get3A_1723] {strides = array<i32>} : memref<128x128xf32, #tpu.memory_space<vmem>>, vector<16xf32>,
        %mul3A_1725 = arith.mulf %get3A_1719, %get3A_1724 : vector<16xf32>
        %mul3A_1726 = arith.mulf %mul3A_1725, %get3A_46 : vector<16xf32>
        %add3A_1727 = arith.addf %add3A_1623, %mul3A_1726 : vector<16xf32>
        %add3A_1728 = arith.constant 4 : i32
        %add3A_1729 = arith.addi %add3A_955, %add3A_1728 : i32
        %get3A_1730 = arith.index_cast %add3A_1729 : i32 to index
        %get3A_1731 = arith.constant 112 : index
        %get3A_1732 = tpu.vector_load %arg10[%get3A_1730, %get3A_1731] {strides = array<i32>} : memref<128x128xf32, #tpu.memory_space<vmem>>, vector<16xf32>,
        %add3A_1733 = arith.constant 4 : i32
        %add3A_1734 = arith.addi %add3A_955, %add3A_1733 : i32
        %get3A_1735 = arith.index_cast %add3A_1734 : i32 to index
        %get3A_1736 = arith.constant 112 : index
        %get3A_1737 = tpu.vector_load %arg11[%get3A_1735, %get3A_1736] {strides = array<i32>} : memref<128x128xf32, #tpu.memory_space<vmem>>, vector<16xf32>,
        %mul3A_1738 = arith.mulf %get3A_1732, %get3A_1737 : vector<16xf32>
        %mul3A_1739 = arith.mulf %mul3A_1738, %get3A_46 : vector<16xf32>
        %add3A_1740 = arith.addf %add3A_1636, %mul3A_1739 : vector<16xf32>
        %add3A_1741 = arith.constant 5 : i32
        %add3A_1742 = arith.addi %add3A_955, %add3A_1741 : i32
        %get3A_1743 = arith.index_cast %add3A_1742 : i32 to index
        %get3A_1744 = arith.constant 112 : index
        %get3A_1745 = tpu.vector_load %arg10[%get3A_1743, %get3A_1744] {strides = array<i32>} : memref<128x128xf32, #tpu.memory_space<vmem>>, vector<16xf32>,
        %add3A_1746 = arith.constant 5 : i32
        %add3A_1747 = arith.addi %add3A_955, %add3A_1746 : i32
        %get3A_1748 = arith.index_cast %add3A_1747 : i32 to index
        %get3A_1749 = arith.constant 112 : index
        %get3A_1750 = tpu.vector_load %arg11[%get3A_1748, %get3A_1749] {strides = array<i32>} : memref<128x128xf32, #tpu.memory_space<vmem>>, vector<16xf32>,
        %mul3A_1751 = arith.mulf %get3A_1745, %get3A_1750 : vector<16xf32>
        %mul3A_1752 = arith.mulf %mul3A_1751, %get3A_46 : vector<16xf32>
        %add3A_1753 = arith.addf %add3A_1649, %mul3A_1752 : vector<16xf32>
        %add3A_1754 = arith.constant 6 : i32
        %add3A_1755 = arith.addi %add3A_955, %add3A_1754 : i32
        %get3A_1756 = arith.index_cast %add3A_1755 : i32 to index
        %get3A_1757 = arith.constant 112 : index
        %get3A_1758 = tpu.vector_load %arg10[%get3A_1756, %get3A_1757] {strides = array<i32>} : memref<128x128xf32, #tpu.memory_space<vmem>>, vector<16xf32>,
        %add3A_1759 = arith.constant 6 : i32
        %add3A_1760 = arith.addi %add3A_955, %add3A_1759 : i32
        %get3A_1761 = arith.index_cast %add3A_1760 : i32 to index
        %get3A_1762 = arith.constant 112 : index
        %get3A_1763 = tpu.vector_load %arg11[%get3A_1761, %get3A_1762] {strides = array<i32>} : memref<128x128xf32, #tpu.memory_space<vmem>>, vector<16xf32>,
        %mul3A_1764 = arith.mulf %get3A_1758, %get3A_1763 : vector<16xf32>
        %mul3A_1765 = arith.mulf %mul3A_1764, %get3A_46 : vector<16xf32>
        %add3A_1766 = arith.addf %add3A_1662, %mul3A_1765 : vector<16xf32>
        %add3A_1767 = arith.constant 7 : i32
        %add3A_1768 = arith.addi %add3A_955, %add3A_1767 : i32
        %get3A_1769 = arith.index_cast %add3A_1768 : i32 to index
        %get3A_1770 = arith.constant 112 : index
        %get3A_1771 = tpu.vector_load %arg10[%get3A_1769, %get3A_1770] {strides = array<i32>} : memref<128x128xf32, #tpu.memory_space<vmem>>, vector<16xf32>,
        %add3A_1772 = arith.constant 7 : i32
        %add3A_1773 = arith.addi %add3A_955, %add3A_1772 : i32
        %get3A_1774 = arith.index_cast %add3A_1773 : i32 to index
        %get3A_1775 = arith.constant 112 : index
        %get3A_1776 = tpu.vector_load %arg11[%get3A_1774, %get3A_1775] {strides = array<i32>} : memref<128x128xf32, #tpu.memory_space<vmem>>, vector<16xf32>,
        %mul3A_1777 = arith.mulf %get3A_1771, %get3A_1776 : vector<16xf32>
        %mul3A_1778 = arith.mulf %mul3A_1777, %get3A_46 : vector<16xf32>
        %add3A_1779 = arith.addf %add3A_1675, %mul3A_1778 : vector<16xf32>
        %swap3A_1780 = arith.constant 128 : index
        %swap3A_1781 = tpu.vector_load %arg15[%swap3A_1780] {strides = array<i32>} : memref<256xf32, #tpu.memory_space<vmem>>, vector<16xf32>,
        tpu.vector_store %arg15[%swap3A_1780], %add3A_1688 {strides = array<i32>} : memref<256xf32, #tpu.memory_space<vmem>>, vector<16xf32>,
        %swap3A_1782 = arith.constant 144 : index
        %swap3A_1783 = tpu.vector_load %arg15[%swap3A_1782] {strides = array<i32>} : memref<256xf32, #tpu.memory_space<vmem>>, vector<16xf32>,
        tpu.vector_store %arg15[%swap3A_1782], %add3A_1701 {strides = array<i32>} : memref<256xf32, #tpu.memory_space<vmem>>, vector<16xf32>,
        %swap3A_1784 = arith.constant 160 : index
        %swap3A_1785 = tpu.vector_load %arg15[%swap3A_1784] {strides = array<i32>} : memref<256xf32, #tpu.memory_space<vmem>>, vector<16xf32>,
        tpu.vector_store %arg15[%swap3A_1784], %add3A_1714 {strides = array<i32>} : memref<256xf32, #tpu.memory_space<vmem>>, vector<16xf32>,
        %swap3A_1786 = arith.constant 176 : index
        %swap3A_1787 = tpu.vector_load %arg15[%swap3A_1786] {strides = array<i32>} : memref<256xf32, #tpu.memory_space<vmem>>, vector<16xf32>,
        tpu.vector_store %arg15[%swap3A_1786], %add3A_1727 {strides = array<i32>} : memref<256xf32, #tpu.memory_space<vmem>>, vector<16xf32>,
        %swap3A_1788 = arith.constant 192 : index
        %swap3A_1789 = tpu.vector_load %arg15[%swap3A_1788] {strides = array<i32>} : memref<256xf32, #tpu.memory_space<vmem>>, vector<16xf32>,
        tpu.vector_store %arg15[%swap3A_1788], %add3A_1740 {strides = array<i32>} : memref<256xf32, #tpu.memory_space<vmem>>, vector<16xf32>,
        %swap3A_1790 = arith.constant 208 : index
        %swap3A_1791 = tpu.vector_load %arg15[%swap3A_1790] {strides = array<i32>} : memref<256xf32, #tpu.memory_space<vmem>>, vector<16xf32>,
        tpu.vector_store %arg15[%swap3A_1790], %add3A_1753 {strides = array<i32>} : memref<256xf32, #tpu.memory_space<vmem>>, vector<16xf32>,
        %swap3A_1792 = arith.constant 224 : index
        %swap3A_1793 = tpu.vector_load %arg15[%swap3A_1792] {strides = array<i32>} : memref<256xf32, #tpu.memory_space<vmem>>, vector<16xf32>,
        tpu.vector_store %arg15[%swap3A_1792], %add3A_1766 {strides = array<i32>} : memref<256xf32, #tpu.memory_space<vmem>>, vector<16xf32>,
        %swap3A_1794 = arith.constant 240 : index
        %swap3A_1795 = tpu.vector_load %arg15[%swap3A_1794] {strides = array<i32>} : memref<256xf32, #tpu.memory_space<vmem>>, vector<16xf32>,
        tpu.vector_store %arg15[%swap3A_1794], %add3A_1779 {strides = array<i32>} : memref<256xf32, #tpu.memory_space<vmem>>, vector<16xf32>,
        %add3A_1796 = arith.constant 0 : i32
        %add3A_1797 = vector.broadcast %add3A_1796 : i32 to vector<16xi32>
        %add3A_1798 = arith.addi %mul3A_11, %add3A_1797 : vector<16xi32>
        %gather3A = tpu.vector_load_idx %arg15[%add3A_1798] : memref<256xf32, #tpu.memory_space<vmem>>[vector<16xi32>], vector<16xf32>,
        %add3A_1799 = arith.constant 1 : i32
        %add3A_1800 = vector.broadcast %add3A_1799 : i32 to vector<16xi32>
        %add3A_1801 = arith.addi %mul3A_11, %add3A_1800 : vector<16xi32>
        %gather3A_1802 = tpu.vector_load_idx %arg15[%add3A_1801] : memref<256xf32, #tpu.memory_space<vmem>>[vector<16xi32>], vector<16xf32>,
        %add3A_1803 = arith.constant 2 : i32
        %add3A_1804 = vector.broadcast %add3A_1803 : i32 to vector<16xi32>
        %add3A_1805 = arith.addi %mul3A_11, %add3A_1804 : vector<16xi32>
        %gather3A_1806 = tpu.vector_load_idx %arg15[%add3A_1805] : memref<256xf32, #tpu.memory_space<vmem>>[vector<16xi32>], vector<16xf32>,
        %add3A_1807 = arith.constant 3 : i32
        %add3A_1808 = vector.broadcast %add3A_1807 : i32 to vector<16xi32>
        %add3A_1809 = arith.addi %mul3A_11, %add3A_1808 : vector<16xi32>
        %gather3A_1810 = tpu.vector_load_idx %arg15[%add3A_1809] : memref<256xf32, #tpu.memory_space<vmem>>[vector<16xi32>], vector<16xf32>,
        %add3A_1811 = arith.constant 4 : i32
        %add3A_1812 = vector.broadcast %add3A_1811 : i32 to vector<16xi32>
        %add3A_1813 = arith.addi %mul3A_11, %add3A_1812 : vector<16xi32>
        %gather3A_1814 = tpu.vector_load_idx %arg15[%add3A_1813] : memref<256xf32, #tpu.memory_space<vmem>>[vector<16xi32>], vector<16xf32>,
        %add3A_1815 = arith.constant 5 : i32
        %add3A_1816 = vector.broadcast %add3A_1815 : i32 to vector<16xi32>
        %add3A_1817 = arith.addi %mul3A_11, %add3A_1816 : vector<16xi32>
        %gather3A_1818 = tpu.vector_load_idx %arg15[%add3A_1817] : memref<256xf32, #tpu.memory_space<vmem>>[vector<16xi32>], vector<16xf32>,
        %add3A_1819 = arith.constant 6 : i32
        %add3A_1820 = vector.broadcast %add3A_1819 : i32 to vector<16xi32>
        %add3A_1821 = arith.addi %mul3A_11, %add3A_1820 : vector<16xi32>
        %gather3A_1822 = tpu.vector_load_idx %arg15[%add3A_1821] : memref<256xf32, #tpu.memory_space<vmem>>[vector<16xi32>], vector<16xf32>,
        %add3A_1823 = arith.constant 7 : i32
        %add3A_1824 = vector.broadcast %add3A_1823 : i32 to vector<16xi32>
        %add3A_1825 = arith.addi %mul3A_11, %add3A_1824 : vector<16xi32>
        %gather3A_1826 = tpu.vector_load_idx %arg15[%add3A_1825] : memref<256xf32, #tpu.memory_space<vmem>>[vector<16xi32>], vector<16xf32>,
        %add3A_1827 = arith.constant 8 : i32
        %add3A_1828 = vector.broadcast %add3A_1827 : i32 to vector<16xi32>
        %add3A_1829 = arith.addi %mul3A_11, %add3A_1828 : vector<16xi32>
        %gather3A_1830 = tpu.vector_load_idx %arg15[%add3A_1829] : memref<256xf32, #tpu.memory_space<vmem>>[vector<16xi32>], vector<16xf32>,
        %add3A_1831 = arith.constant 9 : i32
        %add3A_1832 = vector.broadcast %add3A_1831 : i32 to vector<16xi32>
        %add3A_1833 = arith.addi %mul3A_11, %add3A_1832 : vector<16xi32>
        %gather3A_1834 = tpu.vector_load_idx %arg15[%add3A_1833] : memref<256xf32, #tpu.memory_space<vmem>>[vector<16xi32>], vector<16xf32>,
        %add3A_1835 = arith.constant 10 : i32
        %add3A_1836 = vector.broadcast %add3A_1835 : i32 to vector<16xi32>
        %add3A_1837 = arith.addi %mul3A_11, %add3A_1836 : vector<16xi32>
        %gather3A_1838 = tpu.vector_load_idx %arg15[%add3A_1837] : memref<256xf32, #tpu.memory_space<vmem>>[vector<16xi32>], vector<16xf32>,
        %add3A_1839 = arith.constant 11 : i32
        %add3A_1840 = vector.broadcast %add3A_1839 : i32 to vector<16xi32>
        %add3A_1841 = arith.addi %mul3A_11, %add3A_1840 : vector<16xi32>
        %gather3A_1842 = tpu.vector_load_idx %arg15[%add3A_1841] : memref<256xf32, #tpu.memory_space<vmem>>[vector<16xi32>], vector<16xf32>,
        %add3A_1843 = arith.constant 12 : i32
        %add3A_1844 = vector.broadcast %add3A_1843 : i32 to vector<16xi32>
        %add3A_1845 = arith.addi %mul3A_11, %add3A_1844 : vector<16xi32>
        %gather3A_1846 = tpu.vector_load_idx %arg15[%add3A_1845] : memref<256xf32, #tpu.memory_space<vmem>>[vector<16xi32>], vector<16xf32>,
        %add3A_1847 = arith.constant 13 : i32
        %add3A_1848 = vector.broadcast %add3A_1847 : i32 to vector<16xi32>
        %add3A_1849 = arith.addi %mul3A_11, %add3A_1848 : vector<16xi32>
        %gather3A_1850 = tpu.vector_load_idx %arg15[%add3A_1849] : memref<256xf32, #tpu.memory_space<vmem>>[vector<16xi32>], vector<16xf32>,
        %add3A_1851 = arith.constant 14 : i32
        %add3A_1852 = vector.broadcast %add3A_1851 : i32 to vector<16xi32>
        %add3A_1853 = arith.addi %mul3A_11, %add3A_1852 : vector<16xi32>
        %gather3A_1854 = tpu.vector_load_idx %arg15[%add3A_1853] : memref<256xf32, #tpu.memory_space<vmem>>[vector<16xi32>], vector<16xf32>,
        %add3A_1855 = arith.constant 15 : i32
        %add3A_1856 = vector.broadcast %add3A_1855 : i32 to vector<16xi32>
        %add3A_1857 = arith.addi %mul3A_11, %add3A_1856 : vector<16xi32>
        %gather3A_1858 = tpu.vector_load_idx %arg15[%add3A_1857] : memref<256xf32, #tpu.memory_space<vmem>>[vector<16xi32>], vector<16xf32>,
        %add3A_1859 = arith.addf %gather3A, %gather3A_1802 : vector<16xf32>
        %add3A_1860 = arith.addf %gather3A_1806, %gather3A_1810 : vector<16xf32>
        %add3A_1861 = arith.addf %gather3A_1814, %gather3A_1818 : vector<16xf32>
        %add3A_1862 = arith.addf %gather3A_1822, %gather3A_1826 : vector<16xf32>
        %add3A_1863 = arith.addf %gather3A_1830, %gather3A_1834 : vector<16xf32>
        %add3A_1864 = arith.addf %gather3A_1838, %gather3A_1842 : vector<16xf32>
        %add3A_1865 = arith.addf %gather3A_1846, %gather3A_1850 : vector<16xf32>
        %add3A_1866 = arith.addf %gather3A_1854, %gather3A_1858 : vector<16xf32>
        %add3A_1867 = arith.addf %add3A_1859, %add3A_1860 : vector<16xf32>
        %add3A_1868 = arith.addf %add3A_1861, %add3A_1862 : vector<16xf32>
        %add3A_1869 = arith.addf %add3A_1863, %add3A_1864 : vector<16xf32>
        %add3A_1870 = arith.addf %add3A_1865, %add3A_1866 : vector<16xf32>
        %add3A_1871 = arith.addf %add3A_1867, %add3A_1868 : vector<16xf32>
        %add3A_1872 = arith.addf %add3A_1869, %add3A_1870 : vector<16xf32>
        %add3A_1873 = arith.addf %add3A_1871, %add3A_1872 : vector<16xf32>
        %add3A_1874 = arith.addi %multiple_of3A_69, %mul3A_112 : i32
        %swap3A_1875 = arith.index_cast %add3A_1874 : i32 to index
        %swap3A_1876 = tpu.vector_load %arg16[%swap3A_1875] {strides = array<i32>} : memref<512xf32, #tpu.memory_space<vmem>>, vector<16xf32>,
        tpu.vector_store %arg16[%swap3A_1875], %add3A_1873 {strides = array<i32>} : memref<512xf32, #tpu.memory_space<vmem>>, vector<16xf32>,
      }
      %scan3A_75 = arith.constant 8 : i32
      %add3A_76 = arith.constant 2 : i32
      %add3A_77 = arith.addi %add3A_56, %add3A_76 : i32
      %lt3A = arith.constant 4 : i32
      %lt3A_78 = arith.cmpi slt, %add3A_77, %lt3A : i32
      %convert_element_type3A = arith.extui %lt3A_78 : i1 to i32
      %cond3A = arith.constant 0 : i32
      %cond3A_79 = arith.cmpi ne, %convert_element_type3A, %cond3A : i32
      scf.if %cond3A_79 {
        %add3A_110 = arith.constant 2 : i32
        %add3A_111 = arith.addi %add3A_56, %add3A_110 : i32
        %mul3A_112 = arith.constant 128 : i32
        %mul3A_113 = arith.muli %add3A_111, %mul3A_112 : i32
        %multiple_of3A_114 = tpu.assume_multiple %mul3A_113, 128 : i32
        %dma_start3A_115 = tpu.memref_slice %arg8[%multiple_of3A_114] : memref<512xi32, #tpu.memory_space<vmem>> -> memref<128xi32, #tpu.memory_space<vmem>>
        %dma_start3A_116 = arith.constant 0 : i32
        %dma_start3A_117 = arith.constant 0 : i32
        %dma_start3A_118 = tpu.memref_slice %arg4[%dma_start3A_116, %dma_start3A_117] : memref<100000x128xf32, #tpu.memory_space<hbm>> -> memref<100000x128xf32, #tpu.memory_space<hbm>>
        tpu.enqueue_indirect_dma source(%dma_start3A_118 : memref<100000x128xf32, #tpu.memory_space<hbm>>) target(%arg10 : memref<128x128xf32, #tpu.memory_space<vmem>>) offsets(%dma_start3A_115 : memref<128xi32, #tpu.memory_space<vmem>>) semaphore(%arg19 : memref<!tpu.dma_semaphore, #tpu.memory_space<semaphore_mem>>)
        %dma_start3A_119 = tpu.memref_slice %arg9[%multiple_of3A_114] : memref<512xi32, #tpu.memory_space<vmem>> -> memref<128xi32, #tpu.memory_space<vmem>>
        %dma_start3A_120 = arith.constant 0 : i32
        %dma_start3A_121 = arith.constant 0 : i32
        %dma_start3A_122 = tpu.memref_slice %arg5[%dma_start3A_120, %dma_start3A_121] : memref<100000x128xf32, #tpu.memory_space<hbm>> -> memref<100000x128xf32, #tpu.memory_space<hbm>>
        tpu.enqueue_indirect_dma source(%dma_start3A_122 : memref<100000x128xf32, #tpu.memory_space<hbm>>) target(%arg11 : memref<128x128xf32, #tpu.memory_space<vmem>>) offsets(%dma_start3A_119 : memref<128xi32, #tpu.memory_space<vmem>>) semaphore(%arg19 : memref<!tpu.dma_semaphore, #tpu.memory_space<semaphore_mem>>)
      } else {
      }
      %mul3A_80 = arith.constant 2 : i32
      %mul3A_81 = arith.muli %scan3A_52, %mul3A_80 : i32
      %add3A_82 = arith.constant 1 : i32
      %add3A_83 = arith.addi %mul3A_81, %add3A_82 : i32
      %dma_wait3A_84 = arith.constant 0 : i32
      %dma_wait3A_85 = tpu.memref_slice %arg8[%dma_wait3A_84] : memref<512xi32, #tpu.memory_space<vmem>> -> memref<128xi32, #tpu.memory_space<vmem>>
      %dma_wait3A_86 = arith.constant 0 : i32
      %dma_wait3A_87 = arith.constant 0 : i32
      %dma_wait3A_88 = tpu.memref_slice %arg4[%dma_wait3A_86, %dma_wait3A_87] : memref<100000x128xf32, #tpu.memory_space<hbm>> -> memref<100000x128xf32, #tpu.memory_space<hbm>>
      tpu.wait_indirect_dma semaphore(%arg20 : memref<!tpu.dma_semaphore, #tpu.memory_space<semaphore_mem>>) src(%dma_wait3A_88 : memref<100000x128xf32, #tpu.memory_space<hbm>>) dst(%arg12 : memref<128x128xf32, #tpu.memory_space<vmem>>)
      %dma_wait3A_89 = arith.constant 0 : i32
      %dma_wait3A_90 = tpu.memref_slice %arg9[%dma_wait3A_89] : memref<512xi32, #tpu.memory_space<vmem>> -> memref<128xi32, #tpu.memory_space<vmem>>
      %dma_wait3A_91 = arith.constant 0 : i32
      %dma_wait3A_92 = arith.constant 0 : i32
      %dma_wait3A_93 = tpu.memref_slice %arg5[%dma_wait3A_91, %dma_wait3A_92] : memref<100000x128xf32, #tpu.memory_space<hbm>> -> memref<100000x128xf32, #tpu.memory_space<hbm>>
      tpu.wait_indirect_dma semaphore(%arg20 : memref<!tpu.dma_semaphore, #tpu.memory_space<semaphore_mem>>) src(%dma_wait3A_93 : memref<100000x128xf32, #tpu.memory_space<hbm>>) dst(%arg13 : memref<128x128xf32, #tpu.memory_space<vmem>>)
      %mul3A_94 = arith.constant 128 : i32
      %mul3A_95 = arith.muli %add3A_83, %mul3A_94 : i32
      %multiple_of3A_96 = tpu.assume_multiple %mul3A_95, 128 : i32
      %scan3A_97 = arith.constant 0 : i32
      %scan3A_98 = arith.constant 0 : i32
      %scan3A_99 = arith.constant 8 : i32
      %scan3A_100 = arith.addi %scan3A_98, %scan3A_99 : i32
      %scan3A_101 = arith.constant 1 : i32
      scf.for %scan3A_110 = %scan3A_98 to %scan3A_100 step %scan3A_101  : i32 {
        %mul3A_111 = arith.constant 16 : i32
        %mul3A_112 = arith.muli %scan3A_110, %mul3A_111 : i32
        %add3A_113 = arith.constant 0 : i32
        %add3A_114 = arith.addi %mul3A_112, %add3A_113 : i32
        %add3A_115 = arith.constant 0 : i32
        %add3A_116 = arith.addi %add3A_114, %add3A_115 : i32
        %get3A_117 = arith.index_cast %add3A_116 : i32 to index
        %get3A_118 = arith.constant 0 : index
        %get3A_119 = tpu.vector_load %arg12[%get3A_117, %get3A_118] {strides = array<i32>} : memref<128x128xf32, #tpu.memory_space<vmem>>, vector<16xf32>,
        %add3A_120 = arith.constant 0 : i32
        %add3A_121 = arith.addi %add3A_114, %add3A_120 : i32
        %get3A_122 = arith.index_cast %add3A_121 : i32 to index
        %get3A_123 = arith.constant 0 : index
        %get3A_124 = tpu.vector_load %arg13[%get3A_122, %get3A_123] {strides = array<i32>} : memref<128x128xf32, #tpu.memory_space<vmem>>, vector<16xf32>,
        %mul3A_125 = arith.mulf %get3A_119, %get3A_124 : vector<16xf32>
        %mul3A_126 = arith.mulf %mul3A_125, %get3A_32 : vector<16xf32>
        %add3A_127 = arith.constant 1 : i32
        %add3A_128 = arith.addi %add3A_114, %add3A_127 : i32
        %get3A_129 = arith.index_cast %add3A_128 : i32 to index
        %get3A_130 = arith.constant 0 : index
        %get3A_131 = tpu.vector_load %arg12[%get3A_129, %get3A_130] {strides = array<i32>} : memref<128x128xf32, #tpu.memory_space<vmem>>, vector<16xf32>,
        %add3A_132 = arith.constant 1 : i32
        %add3A_133 = arith.addi %add3A_114, %add3A_132 : i32
        %get3A_134 = arith.index_cast %add3A_133 : i32 to index
        %get3A_135 = arith.constant 0 : index
        %get3A_136 = tpu.vector_load %arg13[%get3A_134, %get3A_135] {strides = array<i32>} : memref<128x128xf32, #tpu.memory_space<vmem>>, vector<16xf32>,
        %mul3A_137 = arith.mulf %get3A_131, %get3A_136 : vector<16xf32>
        %mul3A_138 = arith.mulf %mul3A_137, %get3A_32 : vector<16xf32>
        %add3A_139 = arith.constant 2 : i32
        %add3A_140 = arith.addi %add3A_114, %add3A_139 : i32
        %get3A_141 = arith.index_cast %add3A_140 : i32 to index
        %get3A_142 = arith.constant 0 : index
        %get3A_143 = tpu.vector_load %arg12[%get3A_141, %get3A_142] {strides = array<i32>} : memref<128x128xf32, #tpu.memory_space<vmem>>, vector<16xf32>,
        %add3A_144 = arith.constant 2 : i32
        %add3A_145 = arith.addi %add3A_114, %add3A_144 : i32
        %get3A_146 = arith.index_cast %add3A_145 : i32 to index
        %get3A_147 = arith.constant 0 : index
        %get3A_148 = tpu.vector_load %arg13[%get3A_146, %get3A_147] {strides = array<i32>} : memref<128x128xf32, #tpu.memory_space<vmem>>, vector<16xf32>,
        %mul3A_149 = arith.mulf %get3A_143, %get3A_148 : vector<16xf32>
        %mul3A_150 = arith.mulf %mul3A_149, %get3A_32 : vector<16xf32>
        %add3A_151 = arith.constant 3 : i32
        %add3A_152 = arith.addi %add3A_114, %add3A_151 : i32
        %get3A_153 = arith.index_cast %add3A_152 : i32 to index
        %get3A_154 = arith.constant 0 : index
        %get3A_155 = tpu.vector_load %arg12[%get3A_153, %get3A_154] {strides = array<i32>} : memref<128x128xf32, #tpu.memory_space<vmem>>, vector<16xf32>,
        %add3A_156 = arith.constant 3 : i32
        %add3A_157 = arith.addi %add3A_114, %add3A_156 : i32
        %get3A_158 = arith.index_cast %add3A_157 : i32 to index
        %get3A_159 = arith.constant 0 : index
        %get3A_160 = tpu.vector_load %arg13[%get3A_158, %get3A_159] {strides = array<i32>} : memref<128x128xf32, #tpu.memory_space<vmem>>, vector<16xf32>,
        %mul3A_161 = arith.mulf %get3A_155, %get3A_160 : vector<16xf32>
        %mul3A_162 = arith.mulf %mul3A_161, %get3A_32 : vector<16xf32>
        %add3A_163 = arith.constant 4 : i32
        %add3A_164 = arith.addi %add3A_114, %add3A_163 : i32
        %get3A_165 = arith.index_cast %add3A_164 : i32 to index
        %get3A_166 = arith.constant 0 : index
        %get3A_167 = tpu.vector_load %arg12[%get3A_165, %get3A_166] {strides = array<i32>} : memref<128x128xf32, #tpu.memory_space<vmem>>, vector<16xf32>,
        %add3A_168 = arith.constant 4 : i32
        %add3A_169 = arith.addi %add3A_114, %add3A_168 : i32
        %get3A_170 = arith.index_cast %add3A_169 : i32 to index
        %get3A_171 = arith.constant 0 : index
        %get3A_172 = tpu.vector_load %arg13[%get3A_170, %get3A_171] {strides = array<i32>} : memref<128x128xf32, #tpu.memory_space<vmem>>, vector<16xf32>,
        %mul3A_173 = arith.mulf %get3A_167, %get3A_172 : vector<16xf32>
        %mul3A_174 = arith.mulf %mul3A_173, %get3A_32 : vector<16xf32>
        %add3A_175 = arith.constant 5 : i32
        %add3A_176 = arith.addi %add3A_114, %add3A_175 : i32
        %get3A_177 = arith.index_cast %add3A_176 : i32 to index
        %get3A_178 = arith.constant 0 : index
        %get3A_179 = tpu.vector_load %arg12[%get3A_177, %get3A_178] {strides = array<i32>} : memref<128x128xf32, #tpu.memory_space<vmem>>, vector<16xf32>,
        %add3A_180 = arith.constant 5 : i32
        %add3A_181 = arith.addi %add3A_114, %add3A_180 : i32
        %get3A_182 = arith.index_cast %add3A_181 : i32 to index
        %get3A_183 = arith.constant 0 : index
        %get3A_184 = tpu.vector_load %arg13[%get3A_182, %get3A_183] {strides = array<i32>} : memref<128x128xf32, #tpu.memory_space<vmem>>, vector<16xf32>,
        %mul3A_185 = arith.mulf %get3A_179, %get3A_184 : vector<16xf32>
        %mul3A_186 = arith.mulf %mul3A_185, %get3A_32 : vector<16xf32>
        %add3A_187 = arith.constant 6 : i32
        %add3A_188 = arith.addi %add3A_114, %add3A_187 : i32
        %get3A_189 = arith.index_cast %add3A_188 : i32 to index
        %get3A_190 = arith.constant 0 : index
        %get3A_191 = tpu.vector_load %arg12[%get3A_189, %get3A_190] {strides = array<i32>} : memref<128x128xf32, #tpu.memory_space<vmem>>, vector<16xf32>,
        %add3A_192 = arith.constant 6 : i32
        %add3A_193 = arith.addi %add3A_114, %add3A_192 : i32
        %get3A_194 = arith.index_cast %add3A_193 : i32 to index
        %get3A_195 = arith.constant 0 : index
        %get3A_196 = tpu.vector_load %arg13[%get3A_194, %get3A_195] {strides = array<i32>} : memref<128x128xf32, #tpu.memory_space<vmem>>, vector<16xf32>,
        %mul3A_197 = arith.mulf %get3A_191, %get3A_196 : vector<16xf32>
        %mul3A_198 = arith.mulf %mul3A_197, %get3A_32 : vector<16xf32>
        %add3A_199 = arith.constant 7 : i32
        %add3A_200 = arith.addi %add3A_114, %add3A_199 : i32
        %get3A_201 = arith.index_cast %add3A_200 : i32 to index
        %get3A_202 = arith.constant 0 : index
        %get3A_203 = tpu.vector_load %arg12[%get3A_201, %get3A_202] {strides = array<i32>} : memref<128x128xf32, #tpu.memory_space<vmem>>, vector<16xf32>,
        %add3A_204 = arith.constant 7 : i32
        %add3A_205 = arith.addi %add3A_114, %add3A_204 : i32
        %get3A_206 = arith.index_cast %add3A_205 : i32 to index
        %get3A_207 = arith.constant 0 : index
        %get3A_208 = tpu.vector_load %arg13[%get3A_206, %get3A_207] {strides = array<i32>} : memref<128x128xf32, #tpu.memory_space<vmem>>, vector<16xf32>,
        %mul3A_209 = arith.mulf %get3A_203, %get3A_208 : vector<16xf32>
        %mul3A_210 = arith.mulf %mul3A_209, %get3A_32 : vector<16xf32>
        %add3A_211 = arith.constant 0 : i32
        %add3A_212 = arith.addi %add3A_114, %add3A_211 : i32
        %get3A_213 = arith.index_cast %add3A_212 : i32 to index
        %get3A_214 = arith.constant 16 : index
        %get3A_215 = tpu.vector_load %arg12[%get3A_213, %get3A_214] {strides = array<i32>} : memref<128x128xf32, #tpu.memory_space<vmem>>, vector<16xf32>,
        %add3A_216 = arith.constant 0 : i32
        %add3A_217 = arith.addi %add3A_114, %add3A_216 : i32
        %get3A_218 = arith.index_cast %add3A_217 : i32 to index
        %get3A_219 = arith.constant 16 : index
        %get3A_220 = tpu.vector_load %arg13[%get3A_218, %get3A_219] {strides = array<i32>} : memref<128x128xf32, #tpu.memory_space<vmem>>, vector<16xf32>,
        %mul3A_221 = arith.mulf %get3A_215, %get3A_220 : vector<16xf32>
        %mul3A_222 = arith.mulf %mul3A_221, %get3A_34 : vector<16xf32>
        %add3A_223 = arith.addf %mul3A_126, %mul3A_222 : vector<16xf32>
        %add3A_224 = arith.constant 1 : i32
        %add3A_225 = arith.addi %add3A_114, %add3A_224 : i32
        %get3A_226 = arith.index_cast %add3A_225 : i32 to index
        %get3A_227 = arith.constant 16 : index
        %get3A_228 = tpu.vector_load %arg12[%get3A_226, %get3A_227] {strides = array<i32>} : memref<128x128xf32, #tpu.memory_space<vmem>>, vector<16xf32>,
        %add3A_229 = arith.constant 1 : i32
        %add3A_230 = arith.addi %add3A_114, %add3A_229 : i32
        %get3A_231 = arith.index_cast %add3A_230 : i32 to index
        %get3A_232 = arith.constant 16 : index
        %get3A_233 = tpu.vector_load %arg13[%get3A_231, %get3A_232] {strides = array<i32>} : memref<128x128xf32, #tpu.memory_space<vmem>>, vector<16xf32>,
        %mul3A_234 = arith.mulf %get3A_228, %get3A_233 : vector<16xf32>
        %mul3A_235 = arith.mulf %mul3A_234, %get3A_34 : vector<16xf32>
        %add3A_236 = arith.addf %mul3A_138, %mul3A_235 : vector<16xf32>
        %add3A_237 = arith.constant 2 : i32
        %add3A_238 = arith.addi %add3A_114, %add3A_237 : i32
        %get3A_239 = arith.index_cast %add3A_238 : i32 to index
        %get3A_240 = arith.constant 16 : index
        %get3A_241 = tpu.vector_load %arg12[%get3A_239, %get3A_240] {strides = array<i32>} : memref<128x128xf32, #tpu.memory_space<vmem>>, vector<16xf32>,
        %add3A_242 = arith.constant 2 : i32
        %add3A_243 = arith.addi %add3A_114, %add3A_242 : i32
        %get3A_244 = arith.index_cast %add3A_243 : i32 to index
        %get3A_245 = arith.constant 16 : index
        %get3A_246 = tpu.vector_load %arg13[%get3A_244, %get3A_245] {strides = array<i32>} : memref<128x128xf32, #tpu.memory_space<vmem>>, vector<16xf32>,
        %mul3A_247 = arith.mulf %get3A_241, %get3A_246 : vector<16xf32>
        %mul3A_248 = arith.mulf %mul3A_247, %get3A_34 : vector<16xf32>
        %add3A_249 = arith.addf %mul3A_150, %mul3A_248 : vector<16xf32>
        %add3A_250 = arith.constant 3 : i32
        %add3A_251 = arith.addi %add3A_114, %add3A_250 : i32
        %get3A_252 = arith.index_cast %add3A_251 : i32 to index
        %get3A_253 = arith.constant 16 : index
        %get3A_254 = tpu.vector_load %arg12[%get3A_252, %get3A_253] {strides = array<i32>} : memref<128x128xf32, #tpu.memory_space<vmem>>, vector<16xf32>,
        %add3A_255 = arith.constant 3 : i32
        %add3A_256 = arith.addi %add3A_114, %add3A_255 : i32
        %get3A_257 = arith.index_cast %add3A_256 : i32 to index
        %get3A_258 = arith.constant 16 : index
        %get3A_259 = tpu.vector_load %arg13[%get3A_257, %get3A_258] {strides = array<i32>} : memref<128x128xf32, #tpu.memory_space<vmem>>, vector<16xf32>,
        %mul3A_260 = arith.mulf %get3A_254, %get3A_259 : vector<16xf32>
        %mul3A_261 = arith.mulf %mul3A_260, %get3A_34 : vector<16xf32>
        %add3A_262 = arith.addf %mul3A_162, %mul3A_261 : vector<16xf32>
        %add3A_263 = arith.constant 4 : i32
        %add3A_264 = arith.addi %add3A_114, %add3A_263 : i32
        %get3A_265 = arith.index_cast %add3A_264 : i32 to index
        %get3A_266 = arith.constant 16 : index
        %get3A_267 = tpu.vector_load %arg12[%get3A_265, %get3A_266] {strides = array<i32>} : memref<128x128xf32, #tpu.memory_space<vmem>>, vector<16xf32>,
        %add3A_268 = arith.constant 4 : i32
        %add3A_269 = arith.addi %add3A_114, %add3A_268 : i32
        %get3A_270 = arith.index_cast %add3A_269 : i32 to index
        %get3A_271 = arith.constant 16 : index
        %get3A_272 = tpu.vector_load %arg13[%get3A_270, %get3A_271] {strides = array<i32>} : memref<128x128xf32, #tpu.memory_space<vmem>>, vector<16xf32>,
        %mul3A_273 = arith.mulf %get3A_267, %get3A_272 : vector<16xf32>
        %mul3A_274 = arith.mulf %mul3A_273, %get3A_34 : vector<16xf32>
        %add3A_275 = arith.addf %mul3A_174, %mul3A_274 : vector<16xf32>
        %add3A_276 = arith.constant 5 : i32
        %add3A_277 = arith.addi %add3A_114, %add3A_276 : i32
        %get3A_278 = arith.index_cast %add3A_277 : i32 to index
        %get3A_279 = arith.constant 16 : index
        %get3A_280 = tpu.vector_load %arg12[%get3A_278, %get3A_279] {strides = array<i32>} : memref<128x128xf32, #tpu.memory_space<vmem>>, vector<16xf32>,
        %add3A_281 = arith.constant 5 : i32
        %add3A_282 = arith.addi %add3A_114, %add3A_281 : i32
        %get3A_283 = arith.index_cast %add3A_282 : i32 to index
        %get3A_284 = arith.constant 16 : index
        %get3A_285 = tpu.vector_load %arg13[%get3A_283, %get3A_284] {strides = array<i32>} : memref<128x128xf32, #tpu.memory_space<vmem>>, vector<16xf32>,
        %mul3A_286 = arith.mulf %get3A_280, %get3A_285 : vector<16xf32>
        %mul3A_287 = arith.mulf %mul3A_286, %get3A_34 : vector<16xf32>
        %add3A_288 = arith.addf %mul3A_186, %mul3A_287 : vector<16xf32>
        %add3A_289 = arith.constant 6 : i32
        %add3A_290 = arith.addi %add3A_114, %add3A_289 : i32
        %get3A_291 = arith.index_cast %add3A_290 : i32 to index
        %get3A_292 = arith.constant 16 : index
        %get3A_293 = tpu.vector_load %arg12[%get3A_291, %get3A_292] {strides = array<i32>} : memref<128x128xf32, #tpu.memory_space<vmem>>, vector<16xf32>,
        %add3A_294 = arith.constant 6 : i32
        %add3A_295 = arith.addi %add3A_114, %add3A_294 : i32
        %get3A_296 = arith.index_cast %add3A_295 : i32 to index
        %get3A_297 = arith.constant 16 : index
        %get3A_298 = tpu.vector_load %arg13[%get3A_296, %get3A_297] {strides = array<i32>} : memref<128x128xf32, #tpu.memory_space<vmem>>, vector<16xf32>,
        %mul3A_299 = arith.mulf %get3A_293, %get3A_298 : vector<16xf32>
        %mul3A_300 = arith.mulf %mul3A_299, %get3A_34 : vector<16xf32>
        %add3A_301 = arith.addf %mul3A_198, %mul3A_300 : vector<16xf32>
        %add3A_302 = arith.constant 7 : i32
        %add3A_303 = arith.addi %add3A_114, %add3A_302 : i32
        %get3A_304 = arith.index_cast %add3A_303 : i32 to index
        %get3A_305 = arith.constant 16 : index
        %get3A_306 = tpu.vector_load %arg12[%get3A_304, %get3A_305] {strides = array<i32>} : memref<128x128xf32, #tpu.memory_space<vmem>>, vector<16xf32>,
        %add3A_307 = arith.constant 7 : i32
        %add3A_308 = arith.addi %add3A_114, %add3A_307 : i32
        %get3A_309 = arith.index_cast %add3A_308 : i32 to index
        %get3A_310 = arith.constant 16 : index
        %get3A_311 = tpu.vector_load %arg13[%get3A_309, %get3A_310] {strides = array<i32>} : memref<128x128xf32, #tpu.memory_space<vmem>>, vector<16xf32>,
        %mul3A_312 = arith.mulf %get3A_306, %get3A_311 : vector<16xf32>
        %mul3A_313 = arith.mulf %mul3A_312, %get3A_34 : vector<16xf32>
        %add3A_314 = arith.addf %mul3A_210, %mul3A_313 : vector<16xf32>
        %add3A_315 = arith.constant 0 : i32
        %add3A_316 = arith.addi %add3A_114, %add3A_315 : i32
        %get3A_317 = arith.index_cast %add3A_316 : i32 to index
        %get3A_318 = arith.constant 32 : index
        %get3A_319 = tpu.vector_load %arg12[%get3A_317, %get3A_318] {strides = array<i32>} : memref<128x128xf32, #tpu.memory_space<vmem>>, vector<16xf32>,
        %add3A_320 = arith.constant 0 : i32
        %add3A_321 = arith.addi %add3A_114, %add3A_320 : i32
        %get3A_322 = arith.index_cast %add3A_321 : i32 to index
        %get3A_323 = arith.constant 32 : index
        %get3A_324 = tpu.vector_load %arg13[%get3A_322, %get3A_323] {strides = array<i32>} : memref<128x128xf32, #tpu.memory_space<vmem>>, vector<16xf32>,
        %mul3A_325 = arith.mulf %get3A_319, %get3A_324 : vector<16xf32>
        %mul3A_326 = arith.mulf %mul3A_325, %get3A_36 : vector<16xf32>
        %add3A_327 = arith.addf %add3A_223, %mul3A_326 : vector<16xf32>
        %add3A_328 = arith.constant 1 : i32
        %add3A_329 = arith.addi %add3A_114, %add3A_328 : i32
        %get3A_330 = arith.index_cast %add3A_329 : i32 to index
        %get3A_331 = arith.constant 32 : index
        %get3A_332 = tpu.vector_load %arg12[%get3A_330, %get3A_331] {strides = array<i32>} : memref<128x128xf32, #tpu.memory_space<vmem>>, vector<16xf32>,
        %add3A_333 = arith.constant 1 : i32
        %add3A_334 = arith.addi %add3A_114, %add3A_333 : i32
        %get3A_335 = arith.index_cast %add3A_334 : i32 to index
        %get3A_336 = arith.constant 32 : index
        %get3A_337 = tpu.vector_load %arg13[%get3A_335, %get3A_336] {strides = array<i32>} : memref<128x128xf32, #tpu.memory_space<vmem>>, vector<16xf32>,
        %mul3A_338 = arith.mulf %get3A_332, %get3A_337 : vector<16xf32>
        %mul3A_339 = arith.mulf %mul3A_338, %get3A_36 : vector<16xf32>
        %add3A_340 = arith.addf %add3A_236, %mul3A_339 : vector<16xf32>
        %add3A_341 = arith.constant 2 : i32
        %add3A_342 = arith.addi %add3A_114, %add3A_341 : i32
        %get3A_343 = arith.index_cast %add3A_342 : i32 to index
        %get3A_344 = arith.constant 32 : index
        %get3A_345 = tpu.vector_load %arg12[%get3A_343, %get3A_344] {strides = array<i32>} : memref<128x128xf32, #tpu.memory_space<vmem>>, vector<16xf32>,
        %add3A_346 = arith.constant 2 : i32
        %add3A_347 = arith.addi %add3A_114, %add3A_346 : i32
        %get3A_348 = arith.index_cast %add3A_347 : i32 to index
        %get3A_349 = arith.constant 32 : index
        %get3A_350 = tpu.vector_load %arg13[%get3A_348, %get3A_349] {strides = array<i32>} : memref<128x128xf32, #tpu.memory_space<vmem>>, vector<16xf32>,
        %mul3A_351 = arith.mulf %get3A_345, %get3A_350 : vector<16xf32>
        %mul3A_352 = arith.mulf %mul3A_351, %get3A_36 : vector<16xf32>
        %add3A_353 = arith.addf %add3A_249, %mul3A_352 : vector<16xf32>
        %add3A_354 = arith.constant 3 : i32
        %add3A_355 = arith.addi %add3A_114, %add3A_354 : i32
        %get3A_356 = arith.index_cast %add3A_355 : i32 to index
        %get3A_357 = arith.constant 32 : index
        %get3A_358 = tpu.vector_load %arg12[%get3A_356, %get3A_357] {strides = array<i32>} : memref<128x128xf32, #tpu.memory_space<vmem>>, vector<16xf32>,
        %add3A_359 = arith.constant 3 : i32
        %add3A_360 = arith.addi %add3A_114, %add3A_359 : i32
        %get3A_361 = arith.index_cast %add3A_360 : i32 to index
        %get3A_362 = arith.constant 32 : index
        %get3A_363 = tpu.vector_load %arg13[%get3A_361, %get3A_362] {strides = array<i32>} : memref<128x128xf32, #tpu.memory_space<vmem>>, vector<16xf32>,
        %mul3A_364 = arith.mulf %get3A_358, %get3A_363 : vector<16xf32>
        %mul3A_365 = arith.mulf %mul3A_364, %get3A_36 : vector<16xf32>
        %add3A_366 = arith.addf %add3A_262, %mul3A_365 : vector<16xf32>
        %add3A_367 = arith.constant 4 : i32
        %add3A_368 = arith.addi %add3A_114, %add3A_367 : i32
        %get3A_369 = arith.index_cast %add3A_368 : i32 to index
        %get3A_370 = arith.constant 32 : index
        %get3A_371 = tpu.vector_load %arg12[%get3A_369, %get3A_370] {strides = array<i32>} : memref<128x128xf32, #tpu.memory_space<vmem>>, vector<16xf32>,
        %add3A_372 = arith.constant 4 : i32
        %add3A_373 = arith.addi %add3A_114, %add3A_372 : i32
        %get3A_374 = arith.index_cast %add3A_373 : i32 to index
        %get3A_375 = arith.constant 32 : index
        %get3A_376 = tpu.vector_load %arg13[%get3A_374, %get3A_375] {strides = array<i32>} : memref<128x128xf32, #tpu.memory_space<vmem>>, vector<16xf32>,
        %mul3A_377 = arith.mulf %get3A_371, %get3A_376 : vector<16xf32>
        %mul3A_378 = arith.mulf %mul3A_377, %get3A_36 : vector<16xf32>
        %add3A_379 = arith.addf %add3A_275, %mul3A_378 : vector<16xf32>
        %add3A_380 = arith.constant 5 : i32
        %add3A_381 = arith.addi %add3A_114, %add3A_380 : i32
        %get3A_382 = arith.index_cast %add3A_381 : i32 to index
        %get3A_383 = arith.constant 32 : index
        %get3A_384 = tpu.vector_load %arg12[%get3A_382, %get3A_383] {strides = array<i32>} : memref<128x128xf32, #tpu.memory_space<vmem>>, vector<16xf32>,
        %add3A_385 = arith.constant 5 : i32
        %add3A_386 = arith.addi %add3A_114, %add3A_385 : i32
        %get3A_387 = arith.index_cast %add3A_386 : i32 to index
        %get3A_388 = arith.constant 32 : index
        %get3A_389 = tpu.vector_load %arg13[%get3A_387, %get3A_388] {strides = array<i32>} : memref<128x128xf32, #tpu.memory_space<vmem>>, vector<16xf32>,
        %mul3A_390 = arith.mulf %get3A_384, %get3A_389 : vector<16xf32>
        %mul3A_391 = arith.mulf %mul3A_390, %get3A_36 : vector<16xf32>
        %add3A_392 = arith.addf %add3A_288, %mul3A_391 : vector<16xf32>
        %add3A_393 = arith.constant 6 : i32
        %add3A_394 = arith.addi %add3A_114, %add3A_393 : i32
        %get3A_395 = arith.index_cast %add3A_394 : i32 to index
        %get3A_396 = arith.constant 32 : index
        %get3A_397 = tpu.vector_load %arg12[%get3A_395, %get3A_396] {strides = array<i32>} : memref<128x128xf32, #tpu.memory_space<vmem>>, vector<16xf32>,
        %add3A_398 = arith.constant 6 : i32
        %add3A_399 = arith.addi %add3A_114, %add3A_398 : i32
        %get3A_400 = arith.index_cast %add3A_399 : i32 to index
        %get3A_401 = arith.constant 32 : index
        %get3A_402 = tpu.vector_load %arg13[%get3A_400, %get3A_401] {strides = array<i32>} : memref<128x128xf32, #tpu.memory_space<vmem>>, vector<16xf32>,
        %mul3A_403 = arith.mulf %get3A_397, %get3A_402 : vector<16xf32>
        %mul3A_404 = arith.mulf %mul3A_403, %get3A_36 : vector<16xf32>
        %add3A_405 = arith.addf %add3A_301, %mul3A_404 : vector<16xf32>
        %add3A_406 = arith.constant 7 : i32
        %add3A_407 = arith.addi %add3A_114, %add3A_406 : i32
        %get3A_408 = arith.index_cast %add3A_407 : i32 to index
        %get3A_409 = arith.constant 32 : index
        %get3A_410 = tpu.vector_load %arg12[%get3A_408, %get3A_409] {strides = array<i32>} : memref<128x128xf32, #tpu.memory_space<vmem>>, vector<16xf32>,
        %add3A_411 = arith.constant 7 : i32
        %add3A_412 = arith.addi %add3A_114, %add3A_411 : i32
        %get3A_413 = arith.index_cast %add3A_412 : i32 to index
        %get3A_414 = arith.constant 32 : index
        %get3A_415 = tpu.vector_load %arg13[%get3A_413, %get3A_414] {strides = array<i32>} : memref<128x128xf32, #tpu.memory_space<vmem>>, vector<16xf32>,
        %mul3A_416 = arith.mulf %get3A_410, %get3A_415 : vector<16xf32>
        %mul3A_417 = arith.mulf %mul3A_416, %get3A_36 : vector<16xf32>
        %add3A_418 = arith.addf %add3A_314, %mul3A_417 : vector<16xf32>
        %add3A_419 = arith.constant 0 : i32
        %add3A_420 = arith.addi %add3A_114, %add3A_419 : i32
        %get3A_421 = arith.index_cast %add3A_420 : i32 to index
        %get3A_422 = arith.constant 48 : index
        %get3A_423 = tpu.vector_load %arg12[%get3A_421, %get3A_422] {strides = array<i32>} : memref<128x128xf32, #tpu.memory_space<vmem>>, vector<16xf32>,
        %add3A_424 = arith.constant 0 : i32
        %add3A_425 = arith.addi %add3A_114, %add3A_424 : i32
        %get3A_426 = arith.index_cast %add3A_425 : i32 to index
        %get3A_427 = arith.constant 48 : index
        %get3A_428 = tpu.vector_load %arg13[%get3A_426, %get3A_427] {strides = array<i32>} : memref<128x128xf32, #tpu.memory_space<vmem>>, vector<16xf32>,
        %mul3A_429 = arith.mulf %get3A_423, %get3A_428 : vector<16xf32>
        %mul3A_430 = arith.mulf %mul3A_429, %get3A_38 : vector<16xf32>
        %add3A_431 = arith.addf %add3A_327, %mul3A_430 : vector<16xf32>
        %add3A_432 = arith.constant 1 : i32
        %add3A_433 = arith.addi %add3A_114, %add3A_432 : i32
        %get3A_434 = arith.index_cast %add3A_433 : i32 to index
        %get3A_435 = arith.constant 48 : index
        %get3A_436 = tpu.vector_load %arg12[%get3A_434, %get3A_435] {strides = array<i32>} : memref<128x128xf32, #tpu.memory_space<vmem>>, vector<16xf32>,
        %add3A_437 = arith.constant 1 : i32
        %add3A_438 = arith.addi %add3A_114, %add3A_437 : i32
        %get3A_439 = arith.index_cast %add3A_438 : i32 to index
        %get3A_440 = arith.constant 48 : index
        %get3A_441 = tpu.vector_load %arg13[%get3A_439, %get3A_440] {strides = array<i32>} : memref<128x128xf32, #tpu.memory_space<vmem>>, vector<16xf32>,
        %mul3A_442 = arith.mulf %get3A_436, %get3A_441 : vector<16xf32>
        %mul3A_443 = arith.mulf %mul3A_442, %get3A_38 : vector<16xf32>
        %add3A_444 = arith.addf %add3A_340, %mul3A_443 : vector<16xf32>
        %add3A_445 = arith.constant 2 : i32
        %add3A_446 = arith.addi %add3A_114, %add3A_445 : i32
        %get3A_447 = arith.index_cast %add3A_446 : i32 to index
        %get3A_448 = arith.constant 48 : index
        %get3A_449 = tpu.vector_load %arg12[%get3A_447, %get3A_448] {strides = array<i32>} : memref<128x128xf32, #tpu.memory_space<vmem>>, vector<16xf32>,
        %add3A_450 = arith.constant 2 : i32
        %add3A_451 = arith.addi %add3A_114, %add3A_450 : i32
        %get3A_452 = arith.index_cast %add3A_451 : i32 to index
        %get3A_453 = arith.constant 48 : index
        %get3A_454 = tpu.vector_load %arg13[%get3A_452, %get3A_453] {strides = array<i32>} : memref<128x128xf32, #tpu.memory_space<vmem>>, vector<16xf32>,
        %mul3A_455 = arith.mulf %get3A_449, %get3A_454 : vector<16xf32>
        %mul3A_456 = arith.mulf %mul3A_455, %get3A_38 : vector<16xf32>
        %add3A_457 = arith.addf %add3A_353, %mul3A_456 : vector<16xf32>
        %add3A_458 = arith.constant 3 : i32
        %add3A_459 = arith.addi %add3A_114, %add3A_458 : i32
        %get3A_460 = arith.index_cast %add3A_459 : i32 to index
        %get3A_461 = arith.constant 48 : index
        %get3A_462 = tpu.vector_load %arg12[%get3A_460, %get3A_461] {strides = array<i32>} : memref<128x128xf32, #tpu.memory_space<vmem>>, vector<16xf32>,
        %add3A_463 = arith.constant 3 : i32
        %add3A_464 = arith.addi %add3A_114, %add3A_463 : i32
        %get3A_465 = arith.index_cast %add3A_464 : i32 to index
        %get3A_466 = arith.constant 48 : index
        %get3A_467 = tpu.vector_load %arg13[%get3A_465, %get3A_466] {strides = array<i32>} : memref<128x128xf32, #tpu.memory_space<vmem>>, vector<16xf32>,
        %mul3A_468 = arith.mulf %get3A_462, %get3A_467 : vector<16xf32>
        %mul3A_469 = arith.mulf %mul3A_468, %get3A_38 : vector<16xf32>
        %add3A_470 = arith.addf %add3A_366, %mul3A_469 : vector<16xf32>
        %add3A_471 = arith.constant 4 : i32
        %add3A_472 = arith.addi %add3A_114, %add3A_471 : i32
        %get3A_473 = arith.index_cast %add3A_472 : i32 to index
        %get3A_474 = arith.constant 48 : index
        %get3A_475 = tpu.vector_load %arg12[%get3A_473, %get3A_474] {strides = array<i32>} : memref<128x128xf32, #tpu.memory_space<vmem>>, vector<16xf32>,
        %add3A_476 = arith.constant 4 : i32
        %add3A_477 = arith.addi %add3A_114, %add3A_476 : i32
        %get3A_478 = arith.index_cast %add3A_477 : i32 to index
        %get3A_479 = arith.constant 48 : index
        %get3A_480 = tpu.vector_load %arg13[%get3A_478, %get3A_479] {strides = array<i32>} : memref<128x128xf32, #tpu.memory_space<vmem>>, vector<16xf32>,
        %mul3A_481 = arith.mulf %get3A_475, %get3A_480 : vector<16xf32>
        %mul3A_482 = arith.mulf %mul3A_481, %get3A_38 : vector<16xf32>
        %add3A_483 = arith.addf %add3A_379, %mul3A_482 : vector<16xf32>
        %add3A_484 = arith.constant 5 : i32
        %add3A_485 = arith.addi %add3A_114, %add3A_484 : i32
        %get3A_486 = arith.index_cast %add3A_485 : i32 to index
        %get3A_487 = arith.constant 48 : index
        %get3A_488 = tpu.vector_load %arg12[%get3A_486, %get3A_487] {strides = array<i32>} : memref<128x128xf32, #tpu.memory_space<vmem>>, vector<16xf32>,
        %add3A_489 = arith.constant 5 : i32
        %add3A_490 = arith.addi %add3A_114, %add3A_489 : i32
        %get3A_491 = arith.index_cast %add3A_490 : i32 to index
        %get3A_492 = arith.constant 48 : index
        %get3A_493 = tpu.vector_load %arg13[%get3A_491, %get3A_492] {strides = array<i32>} : memref<128x128xf32, #tpu.memory_space<vmem>>, vector<16xf32>,
        %mul3A_494 = arith.mulf %get3A_488, %get3A_493 : vector<16xf32>
        %mul3A_495 = arith.mulf %mul3A_494, %get3A_38 : vector<16xf32>
        %add3A_496 = arith.addf %add3A_392, %mul3A_495 : vector<16xf32>
        %add3A_497 = arith.constant 6 : i32
        %add3A_498 = arith.addi %add3A_114, %add3A_497 : i32
        %get3A_499 = arith.index_cast %add3A_498 : i32 to index
        %get3A_500 = arith.constant 48 : index
        %get3A_501 = tpu.vector_load %arg12[%get3A_499, %get3A_500] {strides = array<i32>} : memref<128x128xf32, #tpu.memory_space<vmem>>, vector<16xf32>,
        %add3A_502 = arith.constant 6 : i32
        %add3A_503 = arith.addi %add3A_114, %add3A_502 : i32
        %get3A_504 = arith.index_cast %add3A_503 : i32 to index
        %get3A_505 = arith.constant 48 : index
        %get3A_506 = tpu.vector_load %arg13[%get3A_504, %get3A_505] {strides = array<i32>} : memref<128x128xf32, #tpu.memory_space<vmem>>, vector<16xf32>,
        %mul3A_507 = arith.mulf %get3A_501, %get3A_506 : vector<16xf32>
        %mul3A_508 = arith.mulf %mul3A_507, %get3A_38 : vector<16xf32>
        %add3A_509 = arith.addf %add3A_405, %mul3A_508 : vector<16xf32>
        %add3A_510 = arith.constant 7 : i32
        %add3A_511 = arith.addi %add3A_114, %add3A_510 : i32
        %get3A_512 = arith.index_cast %add3A_511 : i32 to index
        %get3A_513 = arith.constant 48 : index
        %get3A_514 = tpu.vector_load %arg12[%get3A_512, %get3A_513] {strides = array<i32>} : memref<128x128xf32, #tpu.memory_space<vmem>>, vector<16xf32>,
        %add3A_515 = arith.constant 7 : i32
        %add3A_516 = arith.addi %add3A_114, %add3A_515 : i32
        %get3A_517 = arith.index_cast %add3A_516 : i32 to index
        %get3A_518 = arith.constant 48 : index
        %get3A_519 = tpu.vector_load %arg13[%get3A_517, %get3A_518] {strides = array<i32>} : memref<128x128xf32, #tpu.memory_space<vmem>>, vector<16xf32>,
        %mul3A_520 = arith.mulf %get3A_514, %get3A_519 : vector<16xf32>
        %mul3A_521 = arith.mulf %mul3A_520, %get3A_38 : vector<16xf32>
        %add3A_522 = arith.addf %add3A_418, %mul3A_521 : vector<16xf32>
        %add3A_523 = arith.constant 0 : i32
        %add3A_524 = arith.addi %add3A_114, %add3A_523 : i32
        %get3A_525 = arith.index_cast %add3A_524 : i32 to index
        %get3A_526 = arith.constant 64 : index
        %get3A_527 = tpu.vector_load %arg12[%get3A_525, %get3A_526] {strides = array<i32>} : memref<128x128xf32, #tpu.memory_space<vmem>>, vector<16xf32>,
        %add3A_528 = arith.constant 0 : i32
        %add3A_529 = arith.addi %add3A_114, %add3A_528 : i32
        %get3A_530 = arith.index_cast %add3A_529 : i32 to index
        %get3A_531 = arith.constant 64 : index
        %get3A_532 = tpu.vector_load %arg13[%get3A_530, %get3A_531] {strides = array<i32>} : memref<128x128xf32, #tpu.memory_space<vmem>>, vector<16xf32>,
        %mul3A_533 = arith.mulf %get3A_527, %get3A_532 : vector<16xf32>
        %mul3A_534 = arith.mulf %mul3A_533, %get3A_40 : vector<16xf32>
        %add3A_535 = arith.addf %add3A_431, %mul3A_534 : vector<16xf32>
        %add3A_536 = arith.constant 1 : i32
        %add3A_537 = arith.addi %add3A_114, %add3A_536 : i32
        %get3A_538 = arith.index_cast %add3A_537 : i32 to index
        %get3A_539 = arith.constant 64 : index
        %get3A_540 = tpu.vector_load %arg12[%get3A_538, %get3A_539] {strides = array<i32>} : memref<128x128xf32, #tpu.memory_space<vmem>>, vector<16xf32>,
        %add3A_541 = arith.constant 1 : i32
        %add3A_542 = arith.addi %add3A_114, %add3A_541 : i32
        %get3A_543 = arith.index_cast %add3A_542 : i32 to index
        %get3A_544 = arith.constant 64 : index
        %get3A_545 = tpu.vector_load %arg13[%get3A_543, %get3A_544] {strides = array<i32>} : memref<128x128xf32, #tpu.memory_space<vmem>>, vector<16xf32>,
        %mul3A_546 = arith.mulf %get3A_540, %get3A_545 : vector<16xf32>
        %mul3A_547 = arith.mulf %mul3A_546, %get3A_40 : vector<16xf32>
        %add3A_548 = arith.addf %add3A_444, %mul3A_547 : vector<16xf32>
        %add3A_549 = arith.constant 2 : i32
        %add3A_550 = arith.addi %add3A_114, %add3A_549 : i32
        %get3A_551 = arith.index_cast %add3A_550 : i32 to index
        %get3A_552 = arith.constant 64 : index
        %get3A_553 = tpu.vector_load %arg12[%get3A_551, %get3A_552] {strides = array<i32>} : memref<128x128xf32, #tpu.memory_space<vmem>>, vector<16xf32>,
        %add3A_554 = arith.constant 2 : i32
        %add3A_555 = arith.addi %add3A_114, %add3A_554 : i32
        %get3A_556 = arith.index_cast %add3A_555 : i32 to index
        %get3A_557 = arith.constant 64 : index
        %get3A_558 = tpu.vector_load %arg13[%get3A_556, %get3A_557] {strides = array<i32>} : memref<128x128xf32, #tpu.memory_space<vmem>>, vector<16xf32>,
        %mul3A_559 = arith.mulf %get3A_553, %get3A_558 : vector<16xf32>
        %mul3A_560 = arith.mulf %mul3A_559, %get3A_40 : vector<16xf32>
        %add3A_561 = arith.addf %add3A_457, %mul3A_560 : vector<16xf32>
        %add3A_562 = arith.constant 3 : i32
        %add3A_563 = arith.addi %add3A_114, %add3A_562 : i32
        %get3A_564 = arith.index_cast %add3A_563 : i32 to index
        %get3A_565 = arith.constant 64 : index
        %get3A_566 = tpu.vector_load %arg12[%get3A_564, %get3A_565] {strides = array<i32>} : memref<128x128xf32, #tpu.memory_space<vmem>>, vector<16xf32>,
        %add3A_567 = arith.constant 3 : i32
        %add3A_568 = arith.addi %add3A_114, %add3A_567 : i32
        %get3A_569 = arith.index_cast %add3A_568 : i32 to index
        %get3A_570 = arith.constant 64 : index
        %get3A_571 = tpu.vector_load %arg13[%get3A_569, %get3A_570] {strides = array<i32>} : memref<128x128xf32, #tpu.memory_space<vmem>>, vector<16xf32>,
        %mul3A_572 = arith.mulf %get3A_566, %get3A_571 : vector<16xf32>
        %mul3A_573 = arith.mulf %mul3A_572, %get3A_40 : vector<16xf32>
        %add3A_574 = arith.addf %add3A_470, %mul3A_573 : vector<16xf32>
        %add3A_575 = arith.constant 4 : i32
        %add3A_576 = arith.addi %add3A_114, %add3A_575 : i32
        %get3A_577 = arith.index_cast %add3A_576 : i32 to index
        %get3A_578 = arith.constant 64 : index
        %get3A_579 = tpu.vector_load %arg12[%get3A_577, %get3A_578] {strides = array<i32>} : memref<128x128xf32, #tpu.memory_space<vmem>>, vector<16xf32>,
        %add3A_580 = arith.constant 4 : i32
        %add3A_581 = arith.addi %add3A_114, %add3A_580 : i32
        %get3A_582 = arith.index_cast %add3A_581 : i32 to index
        %get3A_583 = arith.constant 64 : index
        %get3A_584 = tpu.vector_load %arg13[%get3A_582, %get3A_583] {strides = array<i32>} : memref<128x128xf32, #tpu.memory_space<vmem>>, vector<16xf32>,
        %mul3A_585 = arith.mulf %get3A_579, %get3A_584 : vector<16xf32>
        %mul3A_586 = arith.mulf %mul3A_585, %get3A_40 : vector<16xf32>
        %add3A_587 = arith.addf %add3A_483, %mul3A_586 : vector<16xf32>
        %add3A_588 = arith.constant 5 : i32
        %add3A_589 = arith.addi %add3A_114, %add3A_588 : i32
        %get3A_590 = arith.index_cast %add3A_589 : i32 to index
        %get3A_591 = arith.constant 64 : index
        %get3A_592 = tpu.vector_load %arg12[%get3A_590, %get3A_591] {strides = array<i32>} : memref<128x128xf32, #tpu.memory_space<vmem>>, vector<16xf32>,
        %add3A_593 = arith.constant 5 : i32
        %add3A_594 = arith.addi %add3A_114, %add3A_593 : i32
        %get3A_595 = arith.index_cast %add3A_594 : i32 to index
        %get3A_596 = arith.constant 64 : index
        %get3A_597 = tpu.vector_load %arg13[%get3A_595, %get3A_596] {strides = array<i32>} : memref<128x128xf32, #tpu.memory_space<vmem>>, vector<16xf32>,
        %mul3A_598 = arith.mulf %get3A_592, %get3A_597 : vector<16xf32>
        %mul3A_599 = arith.mulf %mul3A_598, %get3A_40 : vector<16xf32>
        %add3A_600 = arith.addf %add3A_496, %mul3A_599 : vector<16xf32>
        %add3A_601 = arith.constant 6 : i32
        %add3A_602 = arith.addi %add3A_114, %add3A_601 : i32
        %get3A_603 = arith.index_cast %add3A_602 : i32 to index
        %get3A_604 = arith.constant 64 : index
        %get3A_605 = tpu.vector_load %arg12[%get3A_603, %get3A_604] {strides = array<i32>} : memref<128x128xf32, #tpu.memory_space<vmem>>, vector<16xf32>,
        %add3A_606 = arith.constant 6 : i32
        %add3A_607 = arith.addi %add3A_114, %add3A_606 : i32
        %get3A_608 = arith.index_cast %add3A_607 : i32 to index
        %get3A_609 = arith.constant 64 : index
        %get3A_610 = tpu.vector_load %arg13[%get3A_608, %get3A_609] {strides = array<i32>} : memref<128x128xf32, #tpu.memory_space<vmem>>, vector<16xf32>,
        %mul3A_611 = arith.mulf %get3A_605, %get3A_610 : vector<16xf32>
        %mul3A_612 = arith.mulf %mul3A_611, %get3A_40 : vector<16xf32>
        %add3A_613 = arith.addf %add3A_509, %mul3A_612 : vector<16xf32>
        %add3A_614 = arith.constant 7 : i32
        %add3A_615 = arith.addi %add3A_114, %add3A_614 : i32
        %get3A_616 = arith.index_cast %add3A_615 : i32 to index
        %get3A_617 = arith.constant 64 : index
        %get3A_618 = tpu.vector_load %arg12[%get3A_616, %get3A_617] {strides = array<i32>} : memref<128x128xf32, #tpu.memory_space<vmem>>, vector<16xf32>,
        %add3A_619 = arith.constant 7 : i32
        %add3A_620 = arith.addi %add3A_114, %add3A_619 : i32
        %get3A_621 = arith.index_cast %add3A_620 : i32 to index
        %get3A_622 = arith.constant 64 : index
        %get3A_623 = tpu.vector_load %arg13[%get3A_621, %get3A_622] {strides = array<i32>} : memref<128x128xf32, #tpu.memory_space<vmem>>, vector<16xf32>,
        %mul3A_624 = arith.mulf %get3A_618, %get3A_623 : vector<16xf32>
        %mul3A_625 = arith.mulf %mul3A_624, %get3A_40 : vector<16xf32>
        %add3A_626 = arith.addf %add3A_522, %mul3A_625 : vector<16xf32>
        %add3A_627 = arith.constant 0 : i32
        %add3A_628 = arith.addi %add3A_114, %add3A_627 : i32
        %get3A_629 = arith.index_cast %add3A_628 : i32 to index
        %get3A_630 = arith.constant 80 : index
        %get3A_631 = tpu.vector_load %arg12[%get3A_629, %get3A_630] {strides = array<i32>} : memref<128x128xf32, #tpu.memory_space<vmem>>, vector<16xf32>,
        %add3A_632 = arith.constant 0 : i32
        %add3A_633 = arith.addi %add3A_114, %add3A_632 : i32
        %get3A_634 = arith.index_cast %add3A_633 : i32 to index
        %get3A_635 = arith.constant 80 : index
        %get3A_636 = tpu.vector_load %arg13[%get3A_634, %get3A_635] {strides = array<i32>} : memref<128x128xf32, #tpu.memory_space<vmem>>, vector<16xf32>,
        %mul3A_637 = arith.mulf %get3A_631, %get3A_636 : vector<16xf32>
        %mul3A_638 = arith.mulf %mul3A_637, %get3A_42 : vector<16xf32>
        %add3A_639 = arith.addf %add3A_535, %mul3A_638 : vector<16xf32>
        %add3A_640 = arith.constant 1 : i32
        %add3A_641 = arith.addi %add3A_114, %add3A_640 : i32
        %get3A_642 = arith.index_cast %add3A_641 : i32 to index
        %get3A_643 = arith.constant 80 : index
        %get3A_644 = tpu.vector_load %arg12[%get3A_642, %get3A_643] {strides = array<i32>} : memref<128x128xf32, #tpu.memory_space<vmem>>, vector<16xf32>,
        %add3A_645 = arith.constant 1 : i32
        %add3A_646 = arith.addi %add3A_114, %add3A_645 : i32
        %get3A_647 = arith.index_cast %add3A_646 : i32 to index
        %get3A_648 = arith.constant 80 : index
        %get3A_649 = tpu.vector_load %arg13[%get3A_647, %get3A_648] {strides = array<i32>} : memref<128x128xf32, #tpu.memory_space<vmem>>, vector<16xf32>,
        %mul3A_650 = arith.mulf %get3A_644, %get3A_649 : vector<16xf32>
        %mul3A_651 = arith.mulf %mul3A_650, %get3A_42 : vector<16xf32>
        %add3A_652 = arith.addf %add3A_548, %mul3A_651 : vector<16xf32>
        %add3A_653 = arith.constant 2 : i32
        %add3A_654 = arith.addi %add3A_114, %add3A_653 : i32
        %get3A_655 = arith.index_cast %add3A_654 : i32 to index
        %get3A_656 = arith.constant 80 : index
        %get3A_657 = tpu.vector_load %arg12[%get3A_655, %get3A_656] {strides = array<i32>} : memref<128x128xf32, #tpu.memory_space<vmem>>, vector<16xf32>,
        %add3A_658 = arith.constant 2 : i32
        %add3A_659 = arith.addi %add3A_114, %add3A_658 : i32
        %get3A_660 = arith.index_cast %add3A_659 : i32 to index
        %get3A_661 = arith.constant 80 : index
        %get3A_662 = tpu.vector_load %arg13[%get3A_660, %get3A_661] {strides = array<i32>} : memref<128x128xf32, #tpu.memory_space<vmem>>, vector<16xf32>,
        %mul3A_663 = arith.mulf %get3A_657, %get3A_662 : vector<16xf32>
        %mul3A_664 = arith.mulf %mul3A_663, %get3A_42 : vector<16xf32>
        %add3A_665 = arith.addf %add3A_561, %mul3A_664 : vector<16xf32>
        %add3A_666 = arith.constant 3 : i32
        %add3A_667 = arith.addi %add3A_114, %add3A_666 : i32
        %get3A_668 = arith.index_cast %add3A_667 : i32 to index
        %get3A_669 = arith.constant 80 : index
        %get3A_670 = tpu.vector_load %arg12[%get3A_668, %get3A_669] {strides = array<i32>} : memref<128x128xf32, #tpu.memory_space<vmem>>, vector<16xf32>,
        %add3A_671 = arith.constant 3 : i32
        %add3A_672 = arith.addi %add3A_114, %add3A_671 : i32
        %get3A_673 = arith.index_cast %add3A_672 : i32 to index
        %get3A_674 = arith.constant 80 : index
        %get3A_675 = tpu.vector_load %arg13[%get3A_673, %get3A_674] {strides = array<i32>} : memref<128x128xf32, #tpu.memory_space<vmem>>, vector<16xf32>,
        %mul3A_676 = arith.mulf %get3A_670, %get3A_675 : vector<16xf32>
        %mul3A_677 = arith.mulf %mul3A_676, %get3A_42 : vector<16xf32>
        %add3A_678 = arith.addf %add3A_574, %mul3A_677 : vector<16xf32>
        %add3A_679 = arith.constant 4 : i32
        %add3A_680 = arith.addi %add3A_114, %add3A_679 : i32
        %get3A_681 = arith.index_cast %add3A_680 : i32 to index
        %get3A_682 = arith.constant 80 : index
        %get3A_683 = tpu.vector_load %arg12[%get3A_681, %get3A_682] {strides = array<i32>} : memref<128x128xf32, #tpu.memory_space<vmem>>, vector<16xf32>,
        %add3A_684 = arith.constant 4 : i32
        %add3A_685 = arith.addi %add3A_114, %add3A_684 : i32
        %get3A_686 = arith.index_cast %add3A_685 : i32 to index
        %get3A_687 = arith.constant 80 : index
        %get3A_688 = tpu.vector_load %arg13[%get3A_686, %get3A_687] {strides = array<i32>} : memref<128x128xf32, #tpu.memory_space<vmem>>, vector<16xf32>,
        %mul3A_689 = arith.mulf %get3A_683, %get3A_688 : vector<16xf32>
        %mul3A_690 = arith.mulf %mul3A_689, %get3A_42 : vector<16xf32>
        %add3A_691 = arith.addf %add3A_587, %mul3A_690 : vector<16xf32>
        %add3A_692 = arith.constant 5 : i32
        %add3A_693 = arith.addi %add3A_114, %add3A_692 : i32
        %get3A_694 = arith.index_cast %add3A_693 : i32 to index
        %get3A_695 = arith.constant 80 : index
        %get3A_696 = tpu.vector_load %arg12[%get3A_694, %get3A_695] {strides = array<i32>} : memref<128x128xf32, #tpu.memory_space<vmem>>, vector<16xf32>,
        %add3A_697 = arith.constant 5 : i32
        %add3A_698 = arith.addi %add3A_114, %add3A_697 : i32
        %get3A_699 = arith.index_cast %add3A_698 : i32 to index
        %get3A_700 = arith.constant 80 : index
        %get3A_701 = tpu.vector_load %arg13[%get3A_699, %get3A_700] {strides = array<i32>} : memref<128x128xf32, #tpu.memory_space<vmem>>, vector<16xf32>,
        %mul3A_702 = arith.mulf %get3A_696, %get3A_701 : vector<16xf32>
        %mul3A_703 = arith.mulf %mul3A_702, %get3A_42 : vector<16xf32>
        %add3A_704 = arith.addf %add3A_600, %mul3A_703 : vector<16xf32>
        %add3A_705 = arith.constant 6 : i32
        %add3A_706 = arith.addi %add3A_114, %add3A_705 : i32
        %get3A_707 = arith.index_cast %add3A_706 : i32 to index
        %get3A_708 = arith.constant 80 : index
        %get3A_709 = tpu.vector_load %arg12[%get3A_707, %get3A_708] {strides = array<i32>} : memref<128x128xf32, #tpu.memory_space<vmem>>, vector<16xf32>,
        %add3A_710 = arith.constant 6 : i32
        %add3A_711 = arith.addi %add3A_114, %add3A_710 : i32
        %get3A_712 = arith.index_cast %add3A_711 : i32 to index
        %get3A_713 = arith.constant 80 : index
        %get3A_714 = tpu.vector_load %arg13[%get3A_712, %get3A_713] {strides = array<i32>} : memref<128x128xf32, #tpu.memory_space<vmem>>, vector<16xf32>,
        %mul3A_715 = arith.mulf %get3A_709, %get3A_714 : vector<16xf32>
        %mul3A_716 = arith.mulf %mul3A_715, %get3A_42 : vector<16xf32>
        %add3A_717 = arith.addf %add3A_613, %mul3A_716 : vector<16xf32>
        %add3A_718 = arith.constant 7 : i32
        %add3A_719 = arith.addi %add3A_114, %add3A_718 : i32
        %get3A_720 = arith.index_cast %add3A_719 : i32 to index
        %get3A_721 = arith.constant 80 : index
        %get3A_722 = tpu.vector_load %arg12[%get3A_720, %get3A_721] {strides = array<i32>} : memref<128x128xf32, #tpu.memory_space<vmem>>, vector<16xf32>,
        %add3A_723 = arith.constant 7 : i32
        %add3A_724 = arith.addi %add3A_114, %add3A_723 : i32
        %get3A_725 = arith.index_cast %add3A_724 : i32 to index
        %get3A_726 = arith.constant 80 : index
        %get3A_727 = tpu.vector_load %arg13[%get3A_725, %get3A_726] {strides = array<i32>} : memref<128x128xf32, #tpu.memory_space<vmem>>, vector<16xf32>,
        %mul3A_728 = arith.mulf %get3A_722, %get3A_727 : vector<16xf32>
        %mul3A_729 = arith.mulf %mul3A_728, %get3A_42 : vector<16xf32>
        %add3A_730 = arith.addf %add3A_626, %mul3A_729 : vector<16xf32>
        %add3A_731 = arith.constant 0 : i32
        %add3A_732 = arith.addi %add3A_114, %add3A_731 : i32
        %get3A_733 = arith.index_cast %add3A_732 : i32 to index
        %get3A_734 = arith.constant 96 : index
        %get3A_735 = tpu.vector_load %arg12[%get3A_733, %get3A_734] {strides = array<i32>} : memref<128x128xf32, #tpu.memory_space<vmem>>, vector<16xf32>,
        %add3A_736 = arith.constant 0 : i32
        %add3A_737 = arith.addi %add3A_114, %add3A_736 : i32
        %get3A_738 = arith.index_cast %add3A_737 : i32 to index
        %get3A_739 = arith.constant 96 : index
        %get3A_740 = tpu.vector_load %arg13[%get3A_738, %get3A_739] {strides = array<i32>} : memref<128x128xf32, #tpu.memory_space<vmem>>, vector<16xf32>,
        %mul3A_741 = arith.mulf %get3A_735, %get3A_740 : vector<16xf32>
        %mul3A_742 = arith.mulf %mul3A_741, %get3A_44 : vector<16xf32>
        %add3A_743 = arith.addf %add3A_639, %mul3A_742 : vector<16xf32>
        %add3A_744 = arith.constant 1 : i32
        %add3A_745 = arith.addi %add3A_114, %add3A_744 : i32
        %get3A_746 = arith.index_cast %add3A_745 : i32 to index
        %get3A_747 = arith.constant 96 : index
        %get3A_748 = tpu.vector_load %arg12[%get3A_746, %get3A_747] {strides = array<i32>} : memref<128x128xf32, #tpu.memory_space<vmem>>, vector<16xf32>,
        %add3A_749 = arith.constant 1 : i32
        %add3A_750 = arith.addi %add3A_114, %add3A_749 : i32
        %get3A_751 = arith.index_cast %add3A_750 : i32 to index
        %get3A_752 = arith.constant 96 : index
        %get3A_753 = tpu.vector_load %arg13[%get3A_751, %get3A_752] {strides = array<i32>} : memref<128x128xf32, #tpu.memory_space<vmem>>, vector<16xf32>,
        %mul3A_754 = arith.mulf %get3A_748, %get3A_753 : vector<16xf32>
        %mul3A_755 = arith.mulf %mul3A_754, %get3A_44 : vector<16xf32>
        %add3A_756 = arith.addf %add3A_652, %mul3A_755 : vector<16xf32>
        %add3A_757 = arith.constant 2 : i32
        %add3A_758 = arith.addi %add3A_114, %add3A_757 : i32
        %get3A_759 = arith.index_cast %add3A_758 : i32 to index
        %get3A_760 = arith.constant 96 : index
        %get3A_761 = tpu.vector_load %arg12[%get3A_759, %get3A_760] {strides = array<i32>} : memref<128x128xf32, #tpu.memory_space<vmem>>, vector<16xf32>,
        %add3A_762 = arith.constant 2 : i32
        %add3A_763 = arith.addi %add3A_114, %add3A_762 : i32
        %get3A_764 = arith.index_cast %add3A_763 : i32 to index
        %get3A_765 = arith.constant 96 : index
        %get3A_766 = tpu.vector_load %arg13[%get3A_764, %get3A_765] {strides = array<i32>} : memref<128x128xf32, #tpu.memory_space<vmem>>, vector<16xf32>,
        %mul3A_767 = arith.mulf %get3A_761, %get3A_766 : vector<16xf32>
        %mul3A_768 = arith.mulf %mul3A_767, %get3A_44 : vector<16xf32>
        %add3A_769 = arith.addf %add3A_665, %mul3A_768 : vector<16xf32>
        %add3A_770 = arith.constant 3 : i32
        %add3A_771 = arith.addi %add3A_114, %add3A_770 : i32
        %get3A_772 = arith.index_cast %add3A_771 : i32 to index
        %get3A_773 = arith.constant 96 : index
        %get3A_774 = tpu.vector_load %arg12[%get3A_772, %get3A_773] {strides = array<i32>} : memref<128x128xf32, #tpu.memory_space<vmem>>, vector<16xf32>,
        %add3A_775 = arith.constant 3 : i32
        %add3A_776 = arith.addi %add3A_114, %add3A_775 : i32
        %get3A_777 = arith.index_cast %add3A_776 : i32 to index
        %get3A_778 = arith.constant 96 : index
        %get3A_779 = tpu.vector_load %arg13[%get3A_777, %get3A_778] {strides = array<i32>} : memref<128x128xf32, #tpu.memory_space<vmem>>, vector<16xf32>,
        %mul3A_780 = arith.mulf %get3A_774, %get3A_779 : vector<16xf32>
        %mul3A_781 = arith.mulf %mul3A_780, %get3A_44 : vector<16xf32>
        %add3A_782 = arith.addf %add3A_678, %mul3A_781 : vector<16xf32>
        %add3A_783 = arith.constant 4 : i32
        %add3A_784 = arith.addi %add3A_114, %add3A_783 : i32
        %get3A_785 = arith.index_cast %add3A_784 : i32 to index
        %get3A_786 = arith.constant 96 : index
        %get3A_787 = tpu.vector_load %arg12[%get3A_785, %get3A_786] {strides = array<i32>} : memref<128x128xf32, #tpu.memory_space<vmem>>, vector<16xf32>,
        %add3A_788 = arith.constant 4 : i32
        %add3A_789 = arith.addi %add3A_114, %add3A_788 : i32
        %get3A_790 = arith.index_cast %add3A_789 : i32 to index
        %get3A_791 = arith.constant 96 : index
        %get3A_792 = tpu.vector_load %arg13[%get3A_790, %get3A_791] {strides = array<i32>} : memref<128x128xf32, #tpu.memory_space<vmem>>, vector<16xf32>,
        %mul3A_793 = arith.mulf %get3A_787, %get3A_792 : vector<16xf32>
        %mul3A_794 = arith.mulf %mul3A_793, %get3A_44 : vector<16xf32>
        %add3A_795 = arith.addf %add3A_691, %mul3A_794 : vector<16xf32>
        %add3A_796 = arith.constant 5 : i32
        %add3A_797 = arith.addi %add3A_114, %add3A_796 : i32
        %get3A_798 = arith.index_cast %add3A_797 : i32 to index
        %get3A_799 = arith.constant 96 : index
        %get3A_800 = tpu.vector_load %arg12[%get3A_798, %get3A_799] {strides = array<i32>} : memref<128x128xf32, #tpu.memory_space<vmem>>, vector<16xf32>,
        %add3A_801 = arith.constant 5 : i32
        %add3A_802 = arith.addi %add3A_114, %add3A_801 : i32
        %get3A_803 = arith.index_cast %add3A_802 : i32 to index
        %get3A_804 = arith.constant 96 : index
        %get3A_805 = tpu.vector_load %arg13[%get3A_803, %get3A_804] {strides = array<i32>} : memref<128x128xf32, #tpu.memory_space<vmem>>, vector<16xf32>,
        %mul3A_806 = arith.mulf %get3A_800, %get3A_805 : vector<16xf32>
        %mul3A_807 = arith.mulf %mul3A_806, %get3A_44 : vector<16xf32>
        %add3A_808 = arith.addf %add3A_704, %mul3A_807 : vector<16xf32>
        %add3A_809 = arith.constant 6 : i32
        %add3A_810 = arith.addi %add3A_114, %add3A_809 : i32
        %get3A_811 = arith.index_cast %add3A_810 : i32 to index
        %get3A_812 = arith.constant 96 : index
        %get3A_813 = tpu.vector_load %arg12[%get3A_811, %get3A_812] {strides = array<i32>} : memref<128x128xf32, #tpu.memory_space<vmem>>, vector<16xf32>,
        %add3A_814 = arith.constant 6 : i32
        %add3A_815 = arith.addi %add3A_114, %add3A_814 : i32
        %get3A_816 = arith.index_cast %add3A_815 : i32 to index
        %get3A_817 = arith.constant 96 : index
        %get3A_818 = tpu.vector_load %arg13[%get3A_816, %get3A_817] {strides = array<i32>} : memref<128x128xf32, #tpu.memory_space<vmem>>, vector<16xf32>,
        %mul3A_819 = arith.mulf %get3A_813, %get3A_818 : vector<16xf32>
        %mul3A_820 = arith.mulf %mul3A_819, %get3A_44 : vector<16xf32>
        %add3A_821 = arith.addf %add3A_717, %mul3A_820 : vector<16xf32>
        %add3A_822 = arith.constant 7 : i32
        %add3A_823 = arith.addi %add3A_114, %add3A_822 : i32
        %get3A_824 = arith.index_cast %add3A_823 : i32 to index
        %get3A_825 = arith.constant 96 : index
        %get3A_826 = tpu.vector_load %arg12[%get3A_824, %get3A_825] {strides = array<i32>} : memref<128x128xf32, #tpu.memory_space<vmem>>, vector<16xf32>,
        %add3A_827 = arith.constant 7 : i32
        %add3A_828 = arith.addi %add3A_114, %add3A_827 : i32
        %get3A_829 = arith.index_cast %add3A_828 : i32 to index
        %get3A_830 = arith.constant 96 : index
        %get3A_831 = tpu.vector_load %arg13[%get3A_829, %get3A_830] {strides = array<i32>} : memref<128x128xf32, #tpu.memory_space<vmem>>, vector<16xf32>,
        %mul3A_832 = arith.mulf %get3A_826, %get3A_831 : vector<16xf32>
        %mul3A_833 = arith.mulf %mul3A_832, %get3A_44 : vector<16xf32>
        %add3A_834 = arith.addf %add3A_730, %mul3A_833 : vector<16xf32>
        %add3A_835 = arith.constant 0 : i32
        %add3A_836 = arith.addi %add3A_114, %add3A_835 : i32
        %get3A_837 = arith.index_cast %add3A_836 : i32 to index
        %get3A_838 = arith.constant 112 : index
        %get3A_839 = tpu.vector_load %arg12[%get3A_837, %get3A_838] {strides = array<i32>} : memref<128x128xf32, #tpu.memory_space<vmem>>, vector<16xf32>,
        %add3A_840 = arith.constant 0 : i32
        %add3A_841 = arith.addi %add3A_114, %add3A_840 : i32
        %get3A_842 = arith.index_cast %add3A_841 : i32 to index
        %get3A_843 = arith.constant 112 : index
        %get3A_844 = tpu.vector_load %arg13[%get3A_842, %get3A_843] {strides = array<i32>} : memref<128x128xf32, #tpu.memory_space<vmem>>, vector<16xf32>,
        %mul3A_845 = arith.mulf %get3A_839, %get3A_844 : vector<16xf32>
        %mul3A_846 = arith.mulf %mul3A_845, %get3A_46 : vector<16xf32>
        %add3A_847 = arith.addf %add3A_743, %mul3A_846 : vector<16xf32>
        %add3A_848 = arith.constant 1 : i32
        %add3A_849 = arith.addi %add3A_114, %add3A_848 : i32
        %get3A_850 = arith.index_cast %add3A_849 : i32 to index
        %get3A_851 = arith.constant 112 : index
        %get3A_852 = tpu.vector_load %arg12[%get3A_850, %get3A_851] {strides = array<i32>} : memref<128x128xf32, #tpu.memory_space<vmem>>, vector<16xf32>,
        %add3A_853 = arith.constant 1 : i32
        %add3A_854 = arith.addi %add3A_114, %add3A_853 : i32
        %get3A_855 = arith.index_cast %add3A_854 : i32 to index
        %get3A_856 = arith.constant 112 : index
        %get3A_857 = tpu.vector_load %arg13[%get3A_855, %get3A_856] {strides = array<i32>} : memref<128x128xf32, #tpu.memory_space<vmem>>, vector<16xf32>,
        %mul3A_858 = arith.mulf %get3A_852, %get3A_857 : vector<16xf32>
        %mul3A_859 = arith.mulf %mul3A_858, %get3A_46 : vector<16xf32>
        %add3A_860 = arith.addf %add3A_756, %mul3A_859 : vector<16xf32>
        %add3A_861 = arith.constant 2 : i32
        %add3A_862 = arith.addi %add3A_114, %add3A_861 : i32
        %get3A_863 = arith.index_cast %add3A_862 : i32 to index
        %get3A_864 = arith.constant 112 : index
        %get3A_865 = tpu.vector_load %arg12[%get3A_863, %get3A_864] {strides = array<i32>} : memref<128x128xf32, #tpu.memory_space<vmem>>, vector<16xf32>,
        %add3A_866 = arith.constant 2 : i32
        %add3A_867 = arith.addi %add3A_114, %add3A_866 : i32
        %get3A_868 = arith.index_cast %add3A_867 : i32 to index
        %get3A_869 = arith.constant 112 : index
        %get3A_870 = tpu.vector_load %arg13[%get3A_868, %get3A_869] {strides = array<i32>} : memref<128x128xf32, #tpu.memory_space<vmem>>, vector<16xf32>,
        %mul3A_871 = arith.mulf %get3A_865, %get3A_870 : vector<16xf32>
        %mul3A_872 = arith.mulf %mul3A_871, %get3A_46 : vector<16xf32>
        %add3A_873 = arith.addf %add3A_769, %mul3A_872 : vector<16xf32>
        %add3A_874 = arith.constant 3 : i32
        %add3A_875 = arith.addi %add3A_114, %add3A_874 : i32
        %get3A_876 = arith.index_cast %add3A_875 : i32 to index
        %get3A_877 = arith.constant 112 : index
        %get3A_878 = tpu.vector_load %arg12[%get3A_876, %get3A_877] {strides = array<i32>} : memref<128x128xf32, #tpu.memory_space<vmem>>, vector<16xf32>,
        %add3A_879 = arith.constant 3 : i32
        %add3A_880 = arith.addi %add3A_114, %add3A_879 : i32
        %get3A_881 = arith.index_cast %add3A_880 : i32 to index
        %get3A_882 = arith.constant 112 : index
        %get3A_883 = tpu.vector_load %arg13[%get3A_881, %get3A_882] {strides = array<i32>} : memref<128x128xf32, #tpu.memory_space<vmem>>, vector<16xf32>,
        %mul3A_884 = arith.mulf %get3A_878, %get3A_883 : vector<16xf32>
        %mul3A_885 = arith.mulf %mul3A_884, %get3A_46 : vector<16xf32>
        %add3A_886 = arith.addf %add3A_782, %mul3A_885 : vector<16xf32>
        %add3A_887 = arith.constant 4 : i32
        %add3A_888 = arith.addi %add3A_114, %add3A_887 : i32
        %get3A_889 = arith.index_cast %add3A_888 : i32 to index
        %get3A_890 = arith.constant 112 : index
        %get3A_891 = tpu.vector_load %arg12[%get3A_889, %get3A_890] {strides = array<i32>} : memref<128x128xf32, #tpu.memory_space<vmem>>, vector<16xf32>,
        %add3A_892 = arith.constant 4 : i32
        %add3A_893 = arith.addi %add3A_114, %add3A_892 : i32
        %get3A_894 = arith.index_cast %add3A_893 : i32 to index
        %get3A_895 = arith.constant 112 : index
        %get3A_896 = tpu.vector_load %arg13[%get3A_894, %get3A_895] {strides = array<i32>} : memref<128x128xf32, #tpu.memory_space<vmem>>, vector<16xf32>,
        %mul3A_897 = arith.mulf %get3A_891, %get3A_896 : vector<16xf32>
        %mul3A_898 = arith.mulf %mul3A_897, %get3A_46 : vector<16xf32>
        %add3A_899 = arith.addf %add3A_795, %mul3A_898 : vector<16xf32>
        %add3A_900 = arith.constant 5 : i32
        %add3A_901 = arith.addi %add3A_114, %add3A_900 : i32
        %get3A_902 = arith.index_cast %add3A_901 : i32 to index
        %get3A_903 = arith.constant 112 : index
        %get3A_904 = tpu.vector_load %arg12[%get3A_902, %get3A_903] {strides = array<i32>} : memref<128x128xf32, #tpu.memory_space<vmem>>, vector<16xf32>,
        %add3A_905 = arith.constant 5 : i32
        %add3A_906 = arith.addi %add3A_114, %add3A_905 : i32
        %get3A_907 = arith.index_cast %add3A_906 : i32 to index
        %get3A_908 = arith.constant 112 : index
        %get3A_909 = tpu.vector_load %arg13[%get3A_907, %get3A_908] {strides = array<i32>} : memref<128x128xf32, #tpu.memory_space<vmem>>, vector<16xf32>,
        %mul3A_910 = arith.mulf %get3A_904, %get3A_909 : vector<16xf32>
        %mul3A_911 = arith.mulf %mul3A_910, %get3A_46 : vector<16xf32>
        %add3A_912 = arith.addf %add3A_808, %mul3A_911 : vector<16xf32>
        %add3A_913 = arith.constant 6 : i32
        %add3A_914 = arith.addi %add3A_114, %add3A_913 : i32
        %get3A_915 = arith.index_cast %add3A_914 : i32 to index
        %get3A_916 = arith.constant 112 : index
        %get3A_917 = tpu.vector_load %arg12[%get3A_915, %get3A_916] {strides = array<i32>} : memref<128x128xf32, #tpu.memory_space<vmem>>, vector<16xf32>,
        %add3A_918 = arith.constant 6 : i32
        %add3A_919 = arith.addi %add3A_114, %add3A_918 : i32
        %get3A_920 = arith.index_cast %add3A_919 : i32 to index
        %get3A_921 = arith.constant 112 : index
        %get3A_922 = tpu.vector_load %arg13[%get3A_920, %get3A_921] {strides = array<i32>} : memref<128x128xf32, #tpu.memory_space<vmem>>, vector<16xf32>,
        %mul3A_923 = arith.mulf %get3A_917, %get3A_922 : vector<16xf32>
        %mul3A_924 = arith.mulf %mul3A_923, %get3A_46 : vector<16xf32>
        %add3A_925 = arith.addf %add3A_821, %mul3A_924 : vector<16xf32>
        %add3A_926 = arith.constant 7 : i32
        %add3A_927 = arith.addi %add3A_114, %add3A_926 : i32
        %get3A_928 = arith.index_cast %add3A_927 : i32 to index
        %get3A_929 = arith.constant 112 : index
        %get3A_930 = tpu.vector_load %arg12[%get3A_928, %get3A_929] {strides = array<i32>} : memref<128x128xf32, #tpu.memory_space<vmem>>, vector<16xf32>,
        %add3A_931 = arith.constant 7 : i32
        %add3A_932 = arith.addi %add3A_114, %add3A_931 : i32
        %get3A_933 = arith.index_cast %add3A_932 : i32 to index
        %get3A_934 = arith.constant 112 : index
        %get3A_935 = tpu.vector_load %arg13[%get3A_933, %get3A_934] {strides = array<i32>} : memref<128x128xf32, #tpu.memory_space<vmem>>, vector<16xf32>,
        %mul3A_936 = arith.mulf %get3A_930, %get3A_935 : vector<16xf32>
        %mul3A_937 = arith.mulf %mul3A_936, %get3A_46 : vector<16xf32>
        %add3A_938 = arith.addf %add3A_834, %mul3A_937 : vector<16xf32>
        %swap3A = arith.constant 0 : index
        %swap3A_939 = tpu.vector_load %arg15[%swap3A] {strides = array<i32>} : memref<256xf32, #tpu.memory_space<vmem>>, vector<16xf32>,
        tpu.vector_store %arg15[%swap3A], %add3A_847 {strides = array<i32>} : memref<256xf32, #tpu.memory_space<vmem>>, vector<16xf32>,
        %swap3A_940 = arith.constant 16 : index
        %swap3A_941 = tpu.vector_load %arg15[%swap3A_940] {strides = array<i32>} : memref<256xf32, #tpu.memory_space<vmem>>, vector<16xf32>,
        tpu.vector_store %arg15[%swap3A_940], %add3A_860 {strides = array<i32>} : memref<256xf32, #tpu.memory_space<vmem>>, vector<16xf32>,
        %swap3A_942 = arith.constant 32 : index
        %swap3A_943 = tpu.vector_load %arg15[%swap3A_942] {strides = array<i32>} : memref<256xf32, #tpu.memory_space<vmem>>, vector<16xf32>,
        tpu.vector_store %arg15[%swap3A_942], %add3A_873 {strides = array<i32>} : memref<256xf32, #tpu.memory_space<vmem>>, vector<16xf32>,
        %swap3A_944 = arith.constant 48 : index
        %swap3A_945 = tpu.vector_load %arg15[%swap3A_944] {strides = array<i32>} : memref<256xf32, #tpu.memory_space<vmem>>, vector<16xf32>,
        tpu.vector_store %arg15[%swap3A_944], %add3A_886 {strides = array<i32>} : memref<256xf32, #tpu.memory_space<vmem>>, vector<16xf32>,
        %swap3A_946 = arith.constant 64 : index
        %swap3A_947 = tpu.vector_load %arg15[%swap3A_946] {strides = array<i32>} : memref<256xf32, #tpu.memory_space<vmem>>, vector<16xf32>,
        tpu.vector_store %arg15[%swap3A_946], %add3A_899 {strides = array<i32>} : memref<256xf32, #tpu.memory_space<vmem>>, vector<16xf32>,
        %swap3A_948 = arith.constant 80 : index
        %swap3A_949 = tpu.vector_load %arg15[%swap3A_948] {strides = array<i32>} : memref<256xf32, #tpu.memory_space<vmem>>, vector<16xf32>,
        tpu.vector_store %arg15[%swap3A_948], %add3A_912 {strides = array<i32>} : memref<256xf32, #tpu.memory_space<vmem>>, vector<16xf32>,
        %swap3A_950 = arith.constant 96 : index
        %swap3A_951 = tpu.vector_load %arg15[%swap3A_950] {strides = array<i32>} : memref<256xf32, #tpu.memory_space<vmem>>, vector<16xf32>,
        tpu.vector_store %arg15[%swap3A_950], %add3A_925 {strides = array<i32>} : memref<256xf32, #tpu.memory_space<vmem>>, vector<16xf32>,
        %swap3A_952 = arith.constant 112 : index
        %swap3A_953 = tpu.vector_load %arg15[%swap3A_952] {strides = array<i32>} : memref<256xf32, #tpu.memory_space<vmem>>, vector<16xf32>,
        tpu.vector_store %arg15[%swap3A_952], %add3A_938 {strides = array<i32>} : memref<256xf32, #tpu.memory_space<vmem>>, vector<16xf32>,
        %add3A_954 = arith.constant 8 : i32
        %add3A_955 = arith.addi %mul3A_112, %add3A_954 : i32
        %add3A_956 = arith.constant 0 : i32
        %add3A_957 = arith.addi %add3A_955, %add3A_956 : i32
        %get3A_958 = arith.index_cast %add3A_957 : i32 to index
        %get3A_959 = arith.constant 0 : index
        %get3A_960 = tpu.vector_load %arg12[%get3A_958, %get3A_959] {strides = array<i32>} : memref<128x128xf32, #tpu.memory_space<vmem>>, vector<16xf32>,
        %add3A_961 = arith.constant 0 : i32
        %add3A_962 = arith.addi %add3A_955, %add3A_961 : i32
        %get3A_963 = arith.index_cast %add3A_962 : i32 to index
        %get3A_964 = arith.constant 0 : index
        %get3A_965 = tpu.vector_load %arg13[%get3A_963, %get3A_964] {strides = array<i32>} : memref<128x128xf32, #tpu.memory_space<vmem>>, vector<16xf32>,
        %mul3A_966 = arith.mulf %get3A_960, %get3A_965 : vector<16xf32>
        %mul3A_967 = arith.mulf %mul3A_966, %get3A_32 : vector<16xf32>
        %add3A_968 = arith.constant 1 : i32
        %add3A_969 = arith.addi %add3A_955, %add3A_968 : i32
        %get3A_970 = arith.index_cast %add3A_969 : i32 to index
        %get3A_971 = arith.constant 0 : index
        %get3A_972 = tpu.vector_load %arg12[%get3A_970, %get3A_971] {strides = array<i32>} : memref<128x128xf32, #tpu.memory_space<vmem>>, vector<16xf32>,
        %add3A_973 = arith.constant 1 : i32
        %add3A_974 = arith.addi %add3A_955, %add3A_973 : i32
        %get3A_975 = arith.index_cast %add3A_974 : i32 to index
        %get3A_976 = arith.constant 0 : index
        %get3A_977 = tpu.vector_load %arg13[%get3A_975, %get3A_976] {strides = array<i32>} : memref<128x128xf32, #tpu.memory_space<vmem>>, vector<16xf32>,
        %mul3A_978 = arith.mulf %get3A_972, %get3A_977 : vector<16xf32>
        %mul3A_979 = arith.mulf %mul3A_978, %get3A_32 : vector<16xf32>
        %add3A_980 = arith.constant 2 : i32
        %add3A_981 = arith.addi %add3A_955, %add3A_980 : i32
        %get3A_982 = arith.index_cast %add3A_981 : i32 to index
        %get3A_983 = arith.constant 0 : index
        %get3A_984 = tpu.vector_load %arg12[%get3A_982, %get3A_983] {strides = array<i32>} : memref<128x128xf32, #tpu.memory_space<vmem>>, vector<16xf32>,
        %add3A_985 = arith.constant 2 : i32
        %add3A_986 = arith.addi %add3A_955, %add3A_985 : i32
        %get3A_987 = arith.index_cast %add3A_986 : i32 to index
        %get3A_988 = arith.constant 0 : index
        %get3A_989 = tpu.vector_load %arg13[%get3A_987, %get3A_988] {strides = array<i32>} : memref<128x128xf32, #tpu.memory_space<vmem>>, vector<16xf32>,
        %mul3A_990 = arith.mulf %get3A_984, %get3A_989 : vector<16xf32>
        %mul3A_991 = arith.mulf %mul3A_990, %get3A_32 : vector<16xf32>
        %add3A_992 = arith.constant 3 : i32
        %add3A_993 = arith.addi %add3A_955, %add3A_992 : i32
        %get3A_994 = arith.index_cast %add3A_993 : i32 to index
        %get3A_995 = arith.constant 0 : index
        %get3A_996 = tpu.vector_load %arg12[%get3A_994, %get3A_995] {strides = array<i32>} : memref<128x128xf32, #tpu.memory_space<vmem>>, vector<16xf32>,
        %add3A_997 = arith.constant 3 : i32
        %add3A_998 = arith.addi %add3A_955, %add3A_997 : i32
        %get3A_999 = arith.index_cast %add3A_998 : i32 to index
        %get3A_1000 = arith.constant 0 : index
        %get3A_1001 = tpu.vector_load %arg13[%get3A_999, %get3A_1000] {strides = array<i32>} : memref<128x128xf32, #tpu.memory_space<vmem>>, vector<16xf32>,
        %mul3A_1002 = arith.mulf %get3A_996, %get3A_1001 : vector<16xf32>
        %mul3A_1003 = arith.mulf %mul3A_1002, %get3A_32 : vector<16xf32>
        %add3A_1004 = arith.constant 4 : i32
        %add3A_1005 = arith.addi %add3A_955, %add3A_1004 : i32
        %get3A_1006 = arith.index_cast %add3A_1005 : i32 to index
        %get3A_1007 = arith.constant 0 : index
        %get3A_1008 = tpu.vector_load %arg12[%get3A_1006, %get3A_1007] {strides = array<i32>} : memref<128x128xf32, #tpu.memory_space<vmem>>, vector<16xf32>,
        %add3A_1009 = arith.constant 4 : i32
        %add3A_1010 = arith.addi %add3A_955, %add3A_1009 : i32
        %get3A_1011 = arith.index_cast %add3A_1010 : i32 to index
        %get3A_1012 = arith.constant 0 : index
        %get3A_1013 = tpu.vector_load %arg13[%get3A_1011, %get3A_1012] {strides = array<i32>} : memref<128x128xf32, #tpu.memory_space<vmem>>, vector<16xf32>,
        %mul3A_1014 = arith.mulf %get3A_1008, %get3A_1013 : vector<16xf32>
        %mul3A_1015 = arith.mulf %mul3A_1014, %get3A_32 : vector<16xf32>
        %add3A_1016 = arith.constant 5 : i32
        %add3A_1017 = arith.addi %add3A_955, %add3A_1016 : i32
        %get3A_1018 = arith.index_cast %add3A_1017 : i32 to index
        %get3A_1019 = arith.constant 0 : index
        %get3A_1020 = tpu.vector_load %arg12[%get3A_1018, %get3A_1019] {strides = array<i32>} : memref<128x128xf32, #tpu.memory_space<vmem>>, vector<16xf32>,
        %add3A_1021 = arith.constant 5 : i32
        %add3A_1022 = arith.addi %add3A_955, %add3A_1021 : i32
        %get3A_1023 = arith.index_cast %add3A_1022 : i32 to index
        %get3A_1024 = arith.constant 0 : index
        %get3A_1025 = tpu.vector_load %arg13[%get3A_1023, %get3A_1024] {strides = array<i32>} : memref<128x128xf32, #tpu.memory_space<vmem>>, vector<16xf32>,
        %mul3A_1026 = arith.mulf %get3A_1020, %get3A_1025 : vector<16xf32>
        %mul3A_1027 = arith.mulf %mul3A_1026, %get3A_32 : vector<16xf32>
        %add3A_1028 = arith.constant 6 : i32
        %add3A_1029 = arith.addi %add3A_955, %add3A_1028 : i32
        %get3A_1030 = arith.index_cast %add3A_1029 : i32 to index
        %get3A_1031 = arith.constant 0 : index
        %get3A_1032 = tpu.vector_load %arg12[%get3A_1030, %get3A_1031] {strides = array<i32>} : memref<128x128xf32, #tpu.memory_space<vmem>>, vector<16xf32>,
        %add3A_1033 = arith.constant 6 : i32
        %add3A_1034 = arith.addi %add3A_955, %add3A_1033 : i32
        %get3A_1035 = arith.index_cast %add3A_1034 : i32 to index
        %get3A_1036 = arith.constant 0 : index
        %get3A_1037 = tpu.vector_load %arg13[%get3A_1035, %get3A_1036] {strides = array<i32>} : memref<128x128xf32, #tpu.memory_space<vmem>>, vector<16xf32>,
        %mul3A_1038 = arith.mulf %get3A_1032, %get3A_1037 : vector<16xf32>
        %mul3A_1039 = arith.mulf %mul3A_1038, %get3A_32 : vector<16xf32>
        %add3A_1040 = arith.constant 7 : i32
        %add3A_1041 = arith.addi %add3A_955, %add3A_1040 : i32
        %get3A_1042 = arith.index_cast %add3A_1041 : i32 to index
        %get3A_1043 = arith.constant 0 : index
        %get3A_1044 = tpu.vector_load %arg12[%get3A_1042, %get3A_1043] {strides = array<i32>} : memref<128x128xf32, #tpu.memory_space<vmem>>, vector<16xf32>,
        %add3A_1045 = arith.constant 7 : i32
        %add3A_1046 = arith.addi %add3A_955, %add3A_1045 : i32
        %get3A_1047 = arith.index_cast %add3A_1046 : i32 to index
        %get3A_1048 = arith.constant 0 : index
        %get3A_1049 = tpu.vector_load %arg13[%get3A_1047, %get3A_1048] {strides = array<i32>} : memref<128x128xf32, #tpu.memory_space<vmem>>, vector<16xf32>,
        %mul3A_1050 = arith.mulf %get3A_1044, %get3A_1049 : vector<16xf32>
        %mul3A_1051 = arith.mulf %mul3A_1050, %get3A_32 : vector<16xf32>
        %add3A_1052 = arith.constant 0 : i32
        %add3A_1053 = arith.addi %add3A_955, %add3A_1052 : i32
        %get3A_1054 = arith.index_cast %add3A_1053 : i32 to index
        %get3A_1055 = arith.constant 16 : index
        %get3A_1056 = tpu.vector_load %arg12[%get3A_1054, %get3A_1055] {strides = array<i32>} : memref<128x128xf32, #tpu.memory_space<vmem>>, vector<16xf32>,
        %add3A_1057 = arith.constant 0 : i32
        %add3A_1058 = arith.addi %add3A_955, %add3A_1057 : i32
        %get3A_1059 = arith.index_cast %add3A_1058 : i32 to index
        %get3A_1060 = arith.constant 16 : index
        %get3A_1061 = tpu.vector_load %arg13[%get3A_1059, %get3A_1060] {strides = array<i32>} : memref<128x128xf32, #tpu.memory_space<vmem>>, vector<16xf32>,
        %mul3A_1062 = arith.mulf %get3A_1056, %get3A_1061 : vector<16xf32>
        %mul3A_1063 = arith.mulf %mul3A_1062, %get3A_34 : vector<16xf32>
        %add3A_1064 = arith.addf %mul3A_967, %mul3A_1063 : vector<16xf32>
        %add3A_1065 = arith.constant 1 : i32
        %add3A_1066 = arith.addi %add3A_955, %add3A_1065 : i32
        %get3A_1067 = arith.index_cast %add3A_1066 : i32 to index
        %get3A_1068 = arith.constant 16 : index
        %get3A_1069 = tpu.vector_load %arg12[%get3A_1067, %get3A_1068] {strides = array<i32>} : memref<128x128xf32, #tpu.memory_space<vmem>>, vector<16xf32>,
        %add3A_1070 = arith.constant 1 : i32
        %add3A_1071 = arith.addi %add3A_955, %add3A_1070 : i32
        %get3A_1072 = arith.index_cast %add3A_1071 : i32 to index
        %get3A_1073 = arith.constant 16 : index
        %get3A_1074 = tpu.vector_load %arg13[%get3A_1072, %get3A_1073] {strides = array<i32>} : memref<128x128xf32, #tpu.memory_space<vmem>>, vector<16xf32>,
        %mul3A_1075 = arith.mulf %get3A_1069, %get3A_1074 : vector<16xf32>
        %mul3A_1076 = arith.mulf %mul3A_1075, %get3A_34 : vector<16xf32>
        %add3A_1077 = arith.addf %mul3A_979, %mul3A_1076 : vector<16xf32>
        %add3A_1078 = arith.constant 2 : i32
        %add3A_1079 = arith.addi %add3A_955, %add3A_1078 : i32
        %get3A_1080 = arith.index_cast %add3A_1079 : i32 to index
        %get3A_1081 = arith.constant 16 : index
        %get3A_1082 = tpu.vector_load %arg12[%get3A_1080, %get3A_1081] {strides = array<i32>} : memref<128x128xf32, #tpu.memory_space<vmem>>, vector<16xf32>,
        %add3A_1083 = arith.constant 2 : i32
        %add3A_1084 = arith.addi %add3A_955, %add3A_1083 : i32
        %get3A_1085 = arith.index_cast %add3A_1084 : i32 to index
        %get3A_1086 = arith.constant 16 : index
        %get3A_1087 = tpu.vector_load %arg13[%get3A_1085, %get3A_1086] {strides = array<i32>} : memref<128x128xf32, #tpu.memory_space<vmem>>, vector<16xf32>,
        %mul3A_1088 = arith.mulf %get3A_1082, %get3A_1087 : vector<16xf32>
        %mul3A_1089 = arith.mulf %mul3A_1088, %get3A_34 : vector<16xf32>
        %add3A_1090 = arith.addf %mul3A_991, %mul3A_1089 : vector<16xf32>
        %add3A_1091 = arith.constant 3 : i32
        %add3A_1092 = arith.addi %add3A_955, %add3A_1091 : i32
        %get3A_1093 = arith.index_cast %add3A_1092 : i32 to index
        %get3A_1094 = arith.constant 16 : index
        %get3A_1095 = tpu.vector_load %arg12[%get3A_1093, %get3A_1094] {strides = array<i32>} : memref<128x128xf32, #tpu.memory_space<vmem>>, vector<16xf32>,
        %add3A_1096 = arith.constant 3 : i32
        %add3A_1097 = arith.addi %add3A_955, %add3A_1096 : i32
        %get3A_1098 = arith.index_cast %add3A_1097 : i32 to index
        %get3A_1099 = arith.constant 16 : index
        %get3A_1100 = tpu.vector_load %arg13[%get3A_1098, %get3A_1099] {strides = array<i32>} : memref<128x128xf32, #tpu.memory_space<vmem>>, vector<16xf32>,
        %mul3A_1101 = arith.mulf %get3A_1095, %get3A_1100 : vector<16xf32>
        %mul3A_1102 = arith.mulf %mul3A_1101, %get3A_34 : vector<16xf32>
        %add3A_1103 = arith.addf %mul3A_1003, %mul3A_1102 : vector<16xf32>
        %add3A_1104 = arith.constant 4 : i32
        %add3A_1105 = arith.addi %add3A_955, %add3A_1104 : i32
        %get3A_1106 = arith.index_cast %add3A_1105 : i32 to index
        %get3A_1107 = arith.constant 16 : index
        %get3A_1108 = tpu.vector_load %arg12[%get3A_1106, %get3A_1107] {strides = array<i32>} : memref<128x128xf32, #tpu.memory_space<vmem>>, vector<16xf32>,
        %add3A_1109 = arith.constant 4 : i32
        %add3A_1110 = arith.addi %add3A_955, %add3A_1109 : i32
        %get3A_1111 = arith.index_cast %add3A_1110 : i32 to index
        %get3A_1112 = arith.constant 16 : index
        %get3A_1113 = tpu.vector_load %arg13[%get3A_1111, %get3A_1112] {strides = array<i32>} : memref<128x128xf32, #tpu.memory_space<vmem>>, vector<16xf32>,
        %mul3A_1114 = arith.mulf %get3A_1108, %get3A_1113 : vector<16xf32>
        %mul3A_1115 = arith.mulf %mul3A_1114, %get3A_34 : vector<16xf32>
        %add3A_1116 = arith.addf %mul3A_1015, %mul3A_1115 : vector<16xf32>
        %add3A_1117 = arith.constant 5 : i32
        %add3A_1118 = arith.addi %add3A_955, %add3A_1117 : i32
        %get3A_1119 = arith.index_cast %add3A_1118 : i32 to index
        %get3A_1120 = arith.constant 16 : index
        %get3A_1121 = tpu.vector_load %arg12[%get3A_1119, %get3A_1120] {strides = array<i32>} : memref<128x128xf32, #tpu.memory_space<vmem>>, vector<16xf32>,
        %add3A_1122 = arith.constant 5 : i32
        %add3A_1123 = arith.addi %add3A_955, %add3A_1122 : i32
        %get3A_1124 = arith.index_cast %add3A_1123 : i32 to index
        %get3A_1125 = arith.constant 16 : index
        %get3A_1126 = tpu.vector_load %arg13[%get3A_1124, %get3A_1125] {strides = array<i32>} : memref<128x128xf32, #tpu.memory_space<vmem>>, vector<16xf32>,
        %mul3A_1127 = arith.mulf %get3A_1121, %get3A_1126 : vector<16xf32>
        %mul3A_1128 = arith.mulf %mul3A_1127, %get3A_34 : vector<16xf32>
        %add3A_1129 = arith.addf %mul3A_1027, %mul3A_1128 : vector<16xf32>
        %add3A_1130 = arith.constant 6 : i32
        %add3A_1131 = arith.addi %add3A_955, %add3A_1130 : i32
        %get3A_1132 = arith.index_cast %add3A_1131 : i32 to index
        %get3A_1133 = arith.constant 16 : index
        %get3A_1134 = tpu.vector_load %arg12[%get3A_1132, %get3A_1133] {strides = array<i32>} : memref<128x128xf32, #tpu.memory_space<vmem>>, vector<16xf32>,
        %add3A_1135 = arith.constant 6 : i32
        %add3A_1136 = arith.addi %add3A_955, %add3A_1135 : i32
        %get3A_1137 = arith.index_cast %add3A_1136 : i32 to index
        %get3A_1138 = arith.constant 16 : index
        %get3A_1139 = tpu.vector_load %arg13[%get3A_1137, %get3A_1138] {strides = array<i32>} : memref<128x128xf32, #tpu.memory_space<vmem>>, vector<16xf32>,
        %mul3A_1140 = arith.mulf %get3A_1134, %get3A_1139 : vector<16xf32>
        %mul3A_1141 = arith.mulf %mul3A_1140, %get3A_34 : vector<16xf32>
        %add3A_1142 = arith.addf %mul3A_1039, %mul3A_1141 : vector<16xf32>
        %add3A_1143 = arith.constant 7 : i32
        %add3A_1144 = arith.addi %add3A_955, %add3A_1143 : i32
        %get3A_1145 = arith.index_cast %add3A_1144 : i32 to index
        %get3A_1146 = arith.constant 16 : index
        %get3A_1147 = tpu.vector_load %arg12[%get3A_1145, %get3A_1146] {strides = array<i32>} : memref<128x128xf32, #tpu.memory_space<vmem>>, vector<16xf32>,
        %add3A_1148 = arith.constant 7 : i32
        %add3A_1149 = arith.addi %add3A_955, %add3A_1148 : i32
        %get3A_1150 = arith.index_cast %add3A_1149 : i32 to index
        %get3A_1151 = arith.constant 16 : index
        %get3A_1152 = tpu.vector_load %arg13[%get3A_1150, %get3A_1151] {strides = array<i32>} : memref<128x128xf32, #tpu.memory_space<vmem>>, vector<16xf32>,
        %mul3A_1153 = arith.mulf %get3A_1147, %get3A_1152 : vector<16xf32>
        %mul3A_1154 = arith.mulf %mul3A_1153, %get3A_34 : vector<16xf32>
        %add3A_1155 = arith.addf %mul3A_1051, %mul3A_1154 : vector<16xf32>
        %add3A_1156 = arith.constant 0 : i32
        %add3A_1157 = arith.addi %add3A_955, %add3A_1156 : i32
        %get3A_1158 = arith.index_cast %add3A_1157 : i32 to index
        %get3A_1159 = arith.constant 32 : index
        %get3A_1160 = tpu.vector_load %arg12[%get3A_1158, %get3A_1159] {strides = array<i32>} : memref<128x128xf32, #tpu.memory_space<vmem>>, vector<16xf32>,
        %add3A_1161 = arith.constant 0 : i32
        %add3A_1162 = arith.addi %add3A_955, %add3A_1161 : i32
        %get3A_1163 = arith.index_cast %add3A_1162 : i32 to index
        %get3A_1164 = arith.constant 32 : index
        %get3A_1165 = tpu.vector_load %arg13[%get3A_1163, %get3A_1164] {strides = array<i32>} : memref<128x128xf32, #tpu.memory_space<vmem>>, vector<16xf32>,
        %mul3A_1166 = arith.mulf %get3A_1160, %get3A_1165 : vector<16xf32>
        %mul3A_1167 = arith.mulf %mul3A_1166, %get3A_36 : vector<16xf32>
        %add3A_1168 = arith.addf %add3A_1064, %mul3A_1167 : vector<16xf32>
        %add3A_1169 = arith.constant 1 : i32
        %add3A_1170 = arith.addi %add3A_955, %add3A_1169 : i32
        %get3A_1171 = arith.index_cast %add3A_1170 : i32 to index
        %get3A_1172 = arith.constant 32 : index
        %get3A_1173 = tpu.vector_load %arg12[%get3A_1171, %get3A_1172] {strides = array<i32>} : memref<128x128xf32, #tpu.memory_space<vmem>>, vector<16xf32>,
        %add3A_1174 = arith.constant 1 : i32
        %add3A_1175 = arith.addi %add3A_955, %add3A_1174 : i32
        %get3A_1176 = arith.index_cast %add3A_1175 : i32 to index
        %get3A_1177 = arith.constant 32 : index
        %get3A_1178 = tpu.vector_load %arg13[%get3A_1176, %get3A_1177] {strides = array<i32>} : memref<128x128xf32, #tpu.memory_space<vmem>>, vector<16xf32>,
        %mul3A_1179 = arith.mulf %get3A_1173, %get3A_1178 : vector<16xf32>
        %mul3A_1180 = arith.mulf %mul3A_1179, %get3A_36 : vector<16xf32>
        %add3A_1181 = arith.addf %add3A_1077, %mul3A_1180 : vector<16xf32>
        %add3A_1182 = arith.constant 2 : i32
        %add3A_1183 = arith.addi %add3A_955, %add3A_1182 : i32
        %get3A_1184 = arith.index_cast %add3A_1183 : i32 to index
        %get3A_1185 = arith.constant 32 : index
        %get3A_1186 = tpu.vector_load %arg12[%get3A_1184, %get3A_1185] {strides = array<i32>} : memref<128x128xf32, #tpu.memory_space<vmem>>, vector<16xf32>,
        %add3A_1187 = arith.constant 2 : i32
        %add3A_1188 = arith.addi %add3A_955, %add3A_1187 : i32
        %get3A_1189 = arith.index_cast %add3A_1188 : i32 to index
        %get3A_1190 = arith.constant 32 : index
        %get3A_1191 = tpu.vector_load %arg13[%get3A_1189, %get3A_1190] {strides = array<i32>} : memref<128x128xf32, #tpu.memory_space<vmem>>, vector<16xf32>,
        %mul3A_1192 = arith.mulf %get3A_1186, %get3A_1191 : vector<16xf32>
        %mul3A_1193 = arith.mulf %mul3A_1192, %get3A_36 : vector<16xf32>
        %add3A_1194 = arith.addf %add3A_1090, %mul3A_1193 : vector<16xf32>
        %add3A_1195 = arith.constant 3 : i32
        %add3A_1196 = arith.addi %add3A_955, %add3A_1195 : i32
        %get3A_1197 = arith.index_cast %add3A_1196 : i32 to index
        %get3A_1198 = arith.constant 32 : index
        %get3A_1199 = tpu.vector_load %arg12[%get3A_1197, %get3A_1198] {strides = array<i32>} : memref<128x128xf32, #tpu.memory_space<vmem>>, vector<16xf32>,
        %add3A_1200 = arith.constant 3 : i32
        %add3A_1201 = arith.addi %add3A_955, %add3A_1200 : i32
        %get3A_1202 = arith.index_cast %add3A_1201 : i32 to index
        %get3A_1203 = arith.constant 32 : index
        %get3A_1204 = tpu.vector_load %arg13[%get3A_1202, %get3A_1203] {strides = array<i32>} : memref<128x128xf32, #tpu.memory_space<vmem>>, vector<16xf32>,
        %mul3A_1205 = arith.mulf %get3A_1199, %get3A_1204 : vector<16xf32>
        %mul3A_1206 = arith.mulf %mul3A_1205, %get3A_36 : vector<16xf32>
        %add3A_1207 = arith.addf %add3A_1103, %mul3A_1206 : vector<16xf32>
        %add3A_1208 = arith.constant 4 : i32
        %add3A_1209 = arith.addi %add3A_955, %add3A_1208 : i32
        %get3A_1210 = arith.index_cast %add3A_1209 : i32 to index
        %get3A_1211 = arith.constant 32 : index
        %get3A_1212 = tpu.vector_load %arg12[%get3A_1210, %get3A_1211] {strides = array<i32>} : memref<128x128xf32, #tpu.memory_space<vmem>>, vector<16xf32>,
        %add3A_1213 = arith.constant 4 : i32
        %add3A_1214 = arith.addi %add3A_955, %add3A_1213 : i32
        %get3A_1215 = arith.index_cast %add3A_1214 : i32 to index
        %get3A_1216 = arith.constant 32 : index
        %get3A_1217 = tpu.vector_load %arg13[%get3A_1215, %get3A_1216] {strides = array<i32>} : memref<128x128xf32, #tpu.memory_space<vmem>>, vector<16xf32>,
        %mul3A_1218 = arith.mulf %get3A_1212, %get3A_1217 : vector<16xf32>
        %mul3A_1219 = arith.mulf %mul3A_1218, %get3A_36 : vector<16xf32>
        %add3A_1220 = arith.addf %add3A_1116, %mul3A_1219 : vector<16xf32>
        %add3A_1221 = arith.constant 5 : i32
        %add3A_1222 = arith.addi %add3A_955, %add3A_1221 : i32
        %get3A_1223 = arith.index_cast %add3A_1222 : i32 to index
        %get3A_1224 = arith.constant 32 : index
        %get3A_1225 = tpu.vector_load %arg12[%get3A_1223, %get3A_1224] {strides = array<i32>} : memref<128x128xf32, #tpu.memory_space<vmem>>, vector<16xf32>,
        %add3A_1226 = arith.constant 5 : i32
        %add3A_1227 = arith.addi %add3A_955, %add3A_1226 : i32
        %get3A_1228 = arith.index_cast %add3A_1227 : i32 to index
        %get3A_1229 = arith.constant 32 : index
        %get3A_1230 = tpu.vector_load %arg13[%get3A_1228, %get3A_1229] {strides = array<i32>} : memref<128x128xf32, #tpu.memory_space<vmem>>, vector<16xf32>,
        %mul3A_1231 = arith.mulf %get3A_1225, %get3A_1230 : vector<16xf32>
        %mul3A_1232 = arith.mulf %mul3A_1231, %get3A_36 : vector<16xf32>
        %add3A_1233 = arith.addf %add3A_1129, %mul3A_1232 : vector<16xf32>
        %add3A_1234 = arith.constant 6 : i32
        %add3A_1235 = arith.addi %add3A_955, %add3A_1234 : i32
        %get3A_1236 = arith.index_cast %add3A_1235 : i32 to index
        %get3A_1237 = arith.constant 32 : index
        %get3A_1238 = tpu.vector_load %arg12[%get3A_1236, %get3A_1237] {strides = array<i32>} : memref<128x128xf32, #tpu.memory_space<vmem>>, vector<16xf32>,
        %add3A_1239 = arith.constant 6 : i32
        %add3A_1240 = arith.addi %add3A_955, %add3A_1239 : i32
        %get3A_1241 = arith.index_cast %add3A_1240 : i32 to index
        %get3A_1242 = arith.constant 32 : index
        %get3A_1243 = tpu.vector_load %arg13[%get3A_1241, %get3A_1242] {strides = array<i32>} : memref<128x128xf32, #tpu.memory_space<vmem>>, vector<16xf32>,
        %mul3A_1244 = arith.mulf %get3A_1238, %get3A_1243 : vector<16xf32>
        %mul3A_1245 = arith.mulf %mul3A_1244, %get3A_36 : vector<16xf32>
        %add3A_1246 = arith.addf %add3A_1142, %mul3A_1245 : vector<16xf32>
        %add3A_1247 = arith.constant 7 : i32
        %add3A_1248 = arith.addi %add3A_955, %add3A_1247 : i32
        %get3A_1249 = arith.index_cast %add3A_1248 : i32 to index
        %get3A_1250 = arith.constant 32 : index
        %get3A_1251 = tpu.vector_load %arg12[%get3A_1249, %get3A_1250] {strides = array<i32>} : memref<128x128xf32, #tpu.memory_space<vmem>>, vector<16xf32>,
        %add3A_1252 = arith.constant 7 : i32
        %add3A_1253 = arith.addi %add3A_955, %add3A_1252 : i32
        %get3A_1254 = arith.index_cast %add3A_1253 : i32 to index
        %get3A_1255 = arith.constant 32 : index
        %get3A_1256 = tpu.vector_load %arg13[%get3A_1254, %get3A_1255] {strides = array<i32>} : memref<128x128xf32, #tpu.memory_space<vmem>>, vector<16xf32>,
        %mul3A_1257 = arith.mulf %get3A_1251, %get3A_1256 : vector<16xf32>
        %mul3A_1258 = arith.mulf %mul3A_1257, %get3A_36 : vector<16xf32>
        %add3A_1259 = arith.addf %add3A_1155, %mul3A_1258 : vector<16xf32>
        %add3A_1260 = arith.constant 0 : i32
        %add3A_1261 = arith.addi %add3A_955, %add3A_1260 : i32
        %get3A_1262 = arith.index_cast %add3A_1261 : i32 to index
        %get3A_1263 = arith.constant 48 : index
        %get3A_1264 = tpu.vector_load %arg12[%get3A_1262, %get3A_1263] {strides = array<i32>} : memref<128x128xf32, #tpu.memory_space<vmem>>, vector<16xf32>,
        %add3A_1265 = arith.constant 0 : i32
        %add3A_1266 = arith.addi %add3A_955, %add3A_1265 : i32
        %get3A_1267 = arith.index_cast %add3A_1266 : i32 to index
        %get3A_1268 = arith.constant 48 : index
        %get3A_1269 = tpu.vector_load %arg13[%get3A_1267, %get3A_1268] {strides = array<i32>} : memref<128x128xf32, #tpu.memory_space<vmem>>, vector<16xf32>,
        %mul3A_1270 = arith.mulf %get3A_1264, %get3A_1269 : vector<16xf32>
        %mul3A_1271 = arith.mulf %mul3A_1270, %get3A_38 : vector<16xf32>
        %add3A_1272 = arith.addf %add3A_1168, %mul3A_1271 : vector<16xf32>
        %add3A_1273 = arith.constant 1 : i32
        %add3A_1274 = arith.addi %add3A_955, %add3A_1273 : i32
        %get3A_1275 = arith.index_cast %add3A_1274 : i32 to index
        %get3A_1276 = arith.constant 48 : index
        %get3A_1277 = tpu.vector_load %arg12[%get3A_1275, %get3A_1276] {strides = array<i32>} : memref<128x128xf32, #tpu.memory_space<vmem>>, vector<16xf32>,
        %add3A_1278 = arith.constant 1 : i32
        %add3A_1279 = arith.addi %add3A_955, %add3A_1278 : i32
        %get3A_1280 = arith.index_cast %add3A_1279 : i32 to index
        %get3A_1281 = arith.constant 48 : index
        %get3A_1282 = tpu.vector_load %arg13[%get3A_1280, %get3A_1281] {strides = array<i32>} : memref<128x128xf32, #tpu.memory_space<vmem>>, vector<16xf32>,
        %mul3A_1283 = arith.mulf %get3A_1277, %get3A_1282 : vector<16xf32>
        %mul3A_1284 = arith.mulf %mul3A_1283, %get3A_38 : vector<16xf32>
        %add3A_1285 = arith.addf %add3A_1181, %mul3A_1284 : vector<16xf32>
        %add3A_1286 = arith.constant 2 : i32
        %add3A_1287 = arith.addi %add3A_955, %add3A_1286 : i32
        %get3A_1288 = arith.index_cast %add3A_1287 : i32 to index
        %get3A_1289 = arith.constant 48 : index
        %get3A_1290 = tpu.vector_load %arg12[%get3A_1288, %get3A_1289] {strides = array<i32>} : memref<128x128xf32, #tpu.memory_space<vmem>>, vector<16xf32>,
        %add3A_1291 = arith.constant 2 : i32
        %add3A_1292 = arith.addi %add3A_955, %add3A_1291 : i32
        %get3A_1293 = arith.index_cast %add3A_1292 : i32 to index
        %get3A_1294 = arith.constant 48 : index
        %get3A_1295 = tpu.vector_load %arg13[%get3A_1293, %get3A_1294] {strides = array<i32>} : memref<128x128xf32, #tpu.memory_space<vmem>>, vector<16xf32>,
        %mul3A_1296 = arith.mulf %get3A_1290, %get3A_1295 : vector<16xf32>
        %mul3A_1297 = arith.mulf %mul3A_1296, %get3A_38 : vector<16xf32>
        %add3A_1298 = arith.addf %add3A_1194, %mul3A_1297 : vector<16xf32>
        %add3A_1299 = arith.constant 3 : i32
        %add3A_1300 = arith.addi %add3A_955, %add3A_1299 : i32
        %get3A_1301 = arith.index_cast %add3A_1300 : i32 to index
        %get3A_1302 = arith.constant 48 : index
        %get3A_1303 = tpu.vector_load %arg12[%get3A_1301, %get3A_1302] {strides = array<i32>} : memref<128x128xf32, #tpu.memory_space<vmem>>, vector<16xf32>,
        %add3A_1304 = arith.constant 3 : i32
        %add3A_1305 = arith.addi %add3A_955, %add3A_1304 : i32
        %get3A_1306 = arith.index_cast %add3A_1305 : i32 to index
        %get3A_1307 = arith.constant 48 : index
        %get3A_1308 = tpu.vector_load %arg13[%get3A_1306, %get3A_1307] {strides = array<i32>} : memref<128x128xf32, #tpu.memory_space<vmem>>, vector<16xf32>,
        %mul3A_1309 = arith.mulf %get3A_1303, %get3A_1308 : vector<16xf32>
        %mul3A_1310 = arith.mulf %mul3A_1309, %get3A_38 : vector<16xf32>
        %add3A_1311 = arith.addf %add3A_1207, %mul3A_1310 : vector<16xf32>
        %add3A_1312 = arith.constant 4 : i32
        %add3A_1313 = arith.addi %add3A_955, %add3A_1312 : i32
        %get3A_1314 = arith.index_cast %add3A_1313 : i32 to index
        %get3A_1315 = arith.constant 48 : index
        %get3A_1316 = tpu.vector_load %arg12[%get3A_1314, %get3A_1315] {strides = array<i32>} : memref<128x128xf32, #tpu.memory_space<vmem>>, vector<16xf32>,
        %add3A_1317 = arith.constant 4 : i32
        %add3A_1318 = arith.addi %add3A_955, %add3A_1317 : i32
        %get3A_1319 = arith.index_cast %add3A_1318 : i32 to index
        %get3A_1320 = arith.constant 48 : index
        %get3A_1321 = tpu.vector_load %arg13[%get3A_1319, %get3A_1320] {strides = array<i32>} : memref<128x128xf32, #tpu.memory_space<vmem>>, vector<16xf32>,
        %mul3A_1322 = arith.mulf %get3A_1316, %get3A_1321 : vector<16xf32>
        %mul3A_1323 = arith.mulf %mul3A_1322, %get3A_38 : vector<16xf32>
        %add3A_1324 = arith.addf %add3A_1220, %mul3A_1323 : vector<16xf32>
        %add3A_1325 = arith.constant 5 : i32
        %add3A_1326 = arith.addi %add3A_955, %add3A_1325 : i32
        %get3A_1327 = arith.index_cast %add3A_1326 : i32 to index
        %get3A_1328 = arith.constant 48 : index
        %get3A_1329 = tpu.vector_load %arg12[%get3A_1327, %get3A_1328] {strides = array<i32>} : memref<128x128xf32, #tpu.memory_space<vmem>>, vector<16xf32>,
        %add3A_1330 = arith.constant 5 : i32
        %add3A_1331 = arith.addi %add3A_955, %add3A_1330 : i32
        %get3A_1332 = arith.index_cast %add3A_1331 : i32 to index
        %get3A_1333 = arith.constant 48 : index
        %get3A_1334 = tpu.vector_load %arg13[%get3A_1332, %get3A_1333] {strides = array<i32>} : memref<128x128xf32, #tpu.memory_space<vmem>>, vector<16xf32>,
        %mul3A_1335 = arith.mulf %get3A_1329, %get3A_1334 : vector<16xf32>
        %mul3A_1336 = arith.mulf %mul3A_1335, %get3A_38 : vector<16xf32>
        %add3A_1337 = arith.addf %add3A_1233, %mul3A_1336 : vector<16xf32>
        %add3A_1338 = arith.constant 6 : i32
        %add3A_1339 = arith.addi %add3A_955, %add3A_1338 : i32
        %get3A_1340 = arith.index_cast %add3A_1339 : i32 to index
        %get3A_1341 = arith.constant 48 : index
        %get3A_1342 = tpu.vector_load %arg12[%get3A_1340, %get3A_1341] {strides = array<i32>} : memref<128x128xf32, #tpu.memory_space<vmem>>, vector<16xf32>,
        %add3A_1343 = arith.constant 6 : i32
        %add3A_1344 = arith.addi %add3A_955, %add3A_1343 : i32
        %get3A_1345 = arith.index_cast %add3A_1344 : i32 to index
        %get3A_1346 = arith.constant 48 : index
        %get3A_1347 = tpu.vector_load %arg13[%get3A_1345, %get3A_1346] {strides = array<i32>} : memref<128x128xf32, #tpu.memory_space<vmem>>, vector<16xf32>,
        %mul3A_1348 = arith.mulf %get3A_1342, %get3A_1347 : vector<16xf32>
        %mul3A_1349 = arith.mulf %mul3A_1348, %get3A_38 : vector<16xf32>
        %add3A_1350 = arith.addf %add3A_1246, %mul3A_1349 : vector<16xf32>
        %add3A_1351 = arith.constant 7 : i32
        %add3A_1352 = arith.addi %add3A_955, %add3A_1351 : i32
        %get3A_1353 = arith.index_cast %add3A_1352 : i32 to index
        %get3A_1354 = arith.constant 48 : index
        %get3A_1355 = tpu.vector_load %arg12[%get3A_1353, %get3A_1354] {strides = array<i32>} : memref<128x128xf32, #tpu.memory_space<vmem>>, vector<16xf32>,
        %add3A_1356 = arith.constant 7 : i32
        %add3A_1357 = arith.addi %add3A_955, %add3A_1356 : i32
        %get3A_1358 = arith.index_cast %add3A_1357 : i32 to index
        %get3A_1359 = arith.constant 48 : index
        %get3A_1360 = tpu.vector_load %arg13[%get3A_1358, %get3A_1359] {strides = array<i32>} : memref<128x128xf32, #tpu.memory_space<vmem>>, vector<16xf32>,
        %mul3A_1361 = arith.mulf %get3A_1355, %get3A_1360 : vector<16xf32>
        %mul3A_1362 = arith.mulf %mul3A_1361, %get3A_38 : vector<16xf32>
        %add3A_1363 = arith.addf %add3A_1259, %mul3A_1362 : vector<16xf32>
        %add3A_1364 = arith.constant 0 : i32
        %add3A_1365 = arith.addi %add3A_955, %add3A_1364 : i32
        %get3A_1366 = arith.index_cast %add3A_1365 : i32 to index
        %get3A_1367 = arith.constant 64 : index
        %get3A_1368 = tpu.vector_load %arg12[%get3A_1366, %get3A_1367] {strides = array<i32>} : memref<128x128xf32, #tpu.memory_space<vmem>>, vector<16xf32>,
        %add3A_1369 = arith.constant 0 : i32
        %add3A_1370 = arith.addi %add3A_955, %add3A_1369 : i32
        %get3A_1371 = arith.index_cast %add3A_1370 : i32 to index
        %get3A_1372 = arith.constant 64 : index
        %get3A_1373 = tpu.vector_load %arg13[%get3A_1371, %get3A_1372] {strides = array<i32>} : memref<128x128xf32, #tpu.memory_space<vmem>>, vector<16xf32>,
        %mul3A_1374 = arith.mulf %get3A_1368, %get3A_1373 : vector<16xf32>
        %mul3A_1375 = arith.mulf %mul3A_1374, %get3A_40 : vector<16xf32>
        %add3A_1376 = arith.addf %add3A_1272, %mul3A_1375 : vector<16xf32>
        %add3A_1377 = arith.constant 1 : i32
        %add3A_1378 = arith.addi %add3A_955, %add3A_1377 : i32
        %get3A_1379 = arith.index_cast %add3A_1378 : i32 to index
        %get3A_1380 = arith.constant 64 : index
        %get3A_1381 = tpu.vector_load %arg12[%get3A_1379, %get3A_1380] {strides = array<i32>} : memref<128x128xf32, #tpu.memory_space<vmem>>, vector<16xf32>,
        %add3A_1382 = arith.constant 1 : i32
        %add3A_1383 = arith.addi %add3A_955, %add3A_1382 : i32
        %get3A_1384 = arith.index_cast %add3A_1383 : i32 to index
        %get3A_1385 = arith.constant 64 : index
        %get3A_1386 = tpu.vector_load %arg13[%get3A_1384, %get3A_1385] {strides = array<i32>} : memref<128x128xf32, #tpu.memory_space<vmem>>, vector<16xf32>,
        %mul3A_1387 = arith.mulf %get3A_1381, %get3A_1386 : vector<16xf32>
        %mul3A_1388 = arith.mulf %mul3A_1387, %get3A_40 : vector<16xf32>
        %add3A_1389 = arith.addf %add3A_1285, %mul3A_1388 : vector<16xf32>
        %add3A_1390 = arith.constant 2 : i32
        %add3A_1391 = arith.addi %add3A_955, %add3A_1390 : i32
        %get3A_1392 = arith.index_cast %add3A_1391 : i32 to index
        %get3A_1393 = arith.constant 64 : index
        %get3A_1394 = tpu.vector_load %arg12[%get3A_1392, %get3A_1393] {strides = array<i32>} : memref<128x128xf32, #tpu.memory_space<vmem>>, vector<16xf32>,
        %add3A_1395 = arith.constant 2 : i32
        %add3A_1396 = arith.addi %add3A_955, %add3A_1395 : i32
        %get3A_1397 = arith.index_cast %add3A_1396 : i32 to index
        %get3A_1398 = arith.constant 64 : index
        %get3A_1399 = tpu.vector_load %arg13[%get3A_1397, %get3A_1398] {strides = array<i32>} : memref<128x128xf32, #tpu.memory_space<vmem>>, vector<16xf32>,
        %mul3A_1400 = arith.mulf %get3A_1394, %get3A_1399 : vector<16xf32>
        %mul3A_1401 = arith.mulf %mul3A_1400, %get3A_40 : vector<16xf32>
        %add3A_1402 = arith.addf %add3A_1298, %mul3A_1401 : vector<16xf32>
        %add3A_1403 = arith.constant 3 : i32
        %add3A_1404 = arith.addi %add3A_955, %add3A_1403 : i32
        %get3A_1405 = arith.index_cast %add3A_1404 : i32 to index
        %get3A_1406 = arith.constant 64 : index
        %get3A_1407 = tpu.vector_load %arg12[%get3A_1405, %get3A_1406] {strides = array<i32>} : memref<128x128xf32, #tpu.memory_space<vmem>>, vector<16xf32>,
        %add3A_1408 = arith.constant 3 : i32
        %add3A_1409 = arith.addi %add3A_955, %add3A_1408 : i32
        %get3A_1410 = arith.index_cast %add3A_1409 : i32 to index
        %get3A_1411 = arith.constant 64 : index
        %get3A_1412 = tpu.vector_load %arg13[%get3A_1410, %get3A_1411] {strides = array<i32>} : memref<128x128xf32, #tpu.memory_space<vmem>>, vector<16xf32>,
        %mul3A_1413 = arith.mulf %get3A_1407, %get3A_1412 : vector<16xf32>
        %mul3A_1414 = arith.mulf %mul3A_1413, %get3A_40 : vector<16xf32>
        %add3A_1415 = arith.addf %add3A_1311, %mul3A_1414 : vector<16xf32>
        %add3A_1416 = arith.constant 4 : i32
        %add3A_1417 = arith.addi %add3A_955, %add3A_1416 : i32
        %get3A_1418 = arith.index_cast %add3A_1417 : i32 to index
        %get3A_1419 = arith.constant 64 : index
        %get3A_1420 = tpu.vector_load %arg12[%get3A_1418, %get3A_1419] {strides = array<i32>} : memref<128x128xf32, #tpu.memory_space<vmem>>, vector<16xf32>,
        %add3A_1421 = arith.constant 4 : i32
        %add3A_1422 = arith.addi %add3A_955, %add3A_1421 : i32
        %get3A_1423 = arith.index_cast %add3A_1422 : i32 to index
        %get3A_1424 = arith.constant 64 : index
        %get3A_1425 = tpu.vector_load %arg13[%get3A_1423, %get3A_1424] {strides = array<i32>} : memref<128x128xf32, #tpu.memory_space<vmem>>, vector<16xf32>,
        %mul3A_1426 = arith.mulf %get3A_1420, %get3A_1425 : vector<16xf32>
        %mul3A_1427 = arith.mulf %mul3A_1426, %get3A_40 : vector<16xf32>
        %add3A_1428 = arith.addf %add3A_1324, %mul3A_1427 : vector<16xf32>
        %add3A_1429 = arith.constant 5 : i32
        %add3A_1430 = arith.addi %add3A_955, %add3A_1429 : i32
        %get3A_1431 = arith.index_cast %add3A_1430 : i32 to index
        %get3A_1432 = arith.constant 64 : index
        %get3A_1433 = tpu.vector_load %arg12[%get3A_1431, %get3A_1432] {strides = array<i32>} : memref<128x128xf32, #tpu.memory_space<vmem>>, vector<16xf32>,
        %add3A_1434 = arith.constant 5 : i32
        %add3A_1435 = arith.addi %add3A_955, %add3A_1434 : i32
        %get3A_1436 = arith.index_cast %add3A_1435 : i32 to index
        %get3A_1437 = arith.constant 64 : index
        %get3A_1438 = tpu.vector_load %arg13[%get3A_1436, %get3A_1437] {strides = array<i32>} : memref<128x128xf32, #tpu.memory_space<vmem>>, vector<16xf32>,
        %mul3A_1439 = arith.mulf %get3A_1433, %get3A_1438 : vector<16xf32>
        %mul3A_1440 = arith.mulf %mul3A_1439, %get3A_40 : vector<16xf32>
        %add3A_1441 = arith.addf %add3A_1337, %mul3A_1440 : vector<16xf32>
        %add3A_1442 = arith.constant 6 : i32
        %add3A_1443 = arith.addi %add3A_955, %add3A_1442 : i32
        %get3A_1444 = arith.index_cast %add3A_1443 : i32 to index
        %get3A_1445 = arith.constant 64 : index
        %get3A_1446 = tpu.vector_load %arg12[%get3A_1444, %get3A_1445] {strides = array<i32>} : memref<128x128xf32, #tpu.memory_space<vmem>>, vector<16xf32>,
        %add3A_1447 = arith.constant 6 : i32
        %add3A_1448 = arith.addi %add3A_955, %add3A_1447 : i32
        %get3A_1449 = arith.index_cast %add3A_1448 : i32 to index
        %get3A_1450 = arith.constant 64 : index
        %get3A_1451 = tpu.vector_load %arg13[%get3A_1449, %get3A_1450] {strides = array<i32>} : memref<128x128xf32, #tpu.memory_space<vmem>>, vector<16xf32>,
        %mul3A_1452 = arith.mulf %get3A_1446, %get3A_1451 : vector<16xf32>
        %mul3A_1453 = arith.mulf %mul3A_1452, %get3A_40 : vector<16xf32>
        %add3A_1454 = arith.addf %add3A_1350, %mul3A_1453 : vector<16xf32>
        %add3A_1455 = arith.constant 7 : i32
        %add3A_1456 = arith.addi %add3A_955, %add3A_1455 : i32
        %get3A_1457 = arith.index_cast %add3A_1456 : i32 to index
        %get3A_1458 = arith.constant 64 : index
        %get3A_1459 = tpu.vector_load %arg12[%get3A_1457, %get3A_1458] {strides = array<i32>} : memref<128x128xf32, #tpu.memory_space<vmem>>, vector<16xf32>,
        %add3A_1460 = arith.constant 7 : i32
        %add3A_1461 = arith.addi %add3A_955, %add3A_1460 : i32
        %get3A_1462 = arith.index_cast %add3A_1461 : i32 to index
        %get3A_1463 = arith.constant 64 : index
        %get3A_1464 = tpu.vector_load %arg13[%get3A_1462, %get3A_1463] {strides = array<i32>} : memref<128x128xf32, #tpu.memory_space<vmem>>, vector<16xf32>,
        %mul3A_1465 = arith.mulf %get3A_1459, %get3A_1464 : vector<16xf32>
        %mul3A_1466 = arith.mulf %mul3A_1465, %get3A_40 : vector<16xf32>
        %add3A_1467 = arith.addf %add3A_1363, %mul3A_1466 : vector<16xf32>
        %add3A_1468 = arith.constant 0 : i32
        %add3A_1469 = arith.addi %add3A_955, %add3A_1468 : i32
        %get3A_1470 = arith.index_cast %add3A_1469 : i32 to index
        %get3A_1471 = arith.constant 80 : index
        %get3A_1472 = tpu.vector_load %arg12[%get3A_1470, %get3A_1471] {strides = array<i32>} : memref<128x128xf32, #tpu.memory_space<vmem>>, vector<16xf32>,
        %add3A_1473 = arith.constant 0 : i32
        %add3A_1474 = arith.addi %add3A_955, %add3A_1473 : i32
        %get3A_1475 = arith.index_cast %add3A_1474 : i32 to index
        %get3A_1476 = arith.constant 80 : index
        %get3A_1477 = tpu.vector_load %arg13[%get3A_1475, %get3A_1476] {strides = array<i32>} : memref<128x128xf32, #tpu.memory_space<vmem>>, vector<16xf32>,
        %mul3A_1478 = arith.mulf %get3A_1472, %get3A_1477 : vector<16xf32>
        %mul3A_1479 = arith.mulf %mul3A_1478, %get3A_42 : vector<16xf32>
        %add3A_1480 = arith.addf %add3A_1376, %mul3A_1479 : vector<16xf32>
        %add3A_1481 = arith.constant 1 : i32
        %add3A_1482 = arith.addi %add3A_955, %add3A_1481 : i32
        %get3A_1483 = arith.index_cast %add3A_1482 : i32 to index
        %get3A_1484 = arith.constant 80 : index
        %get3A_1485 = tpu.vector_load %arg12[%get3A_1483, %get3A_1484] {strides = array<i32>} : memref<128x128xf32, #tpu.memory_space<vmem>>, vector<16xf32>,
        %add3A_1486 = arith.constant 1 : i32
        %add3A_1487 = arith.addi %add3A_955, %add3A_1486 : i32
        %get3A_1488 = arith.index_cast %add3A_1487 : i32 to index
        %get3A_1489 = arith.constant 80 : index
        %get3A_1490 = tpu.vector_load %arg13[%get3A_1488, %get3A_1489] {strides = array<i32>} : memref<128x128xf32, #tpu.memory_space<vmem>>, vector<16xf32>,
        %mul3A_1491 = arith.mulf %get3A_1485, %get3A_1490 : vector<16xf32>
        %mul3A_1492 = arith.mulf %mul3A_1491, %get3A_42 : vector<16xf32>
        %add3A_1493 = arith.addf %add3A_1389, %mul3A_1492 : vector<16xf32>
        %add3A_1494 = arith.constant 2 : i32
        %add3A_1495 = arith.addi %add3A_955, %add3A_1494 : i32
        %get3A_1496 = arith.index_cast %add3A_1495 : i32 to index
        %get3A_1497 = arith.constant 80 : index
        %get3A_1498 = tpu.vector_load %arg12[%get3A_1496, %get3A_1497] {strides = array<i32>} : memref<128x128xf32, #tpu.memory_space<vmem>>, vector<16xf32>,
        %add3A_1499 = arith.constant 2 : i32
        %add3A_1500 = arith.addi %add3A_955, %add3A_1499 : i32
        %get3A_1501 = arith.index_cast %add3A_1500 : i32 to index
        %get3A_1502 = arith.constant 80 : index
        %get3A_1503 = tpu.vector_load %arg13[%get3A_1501, %get3A_1502] {strides = array<i32>} : memref<128x128xf32, #tpu.memory_space<vmem>>, vector<16xf32>,
        %mul3A_1504 = arith.mulf %get3A_1498, %get3A_1503 : vector<16xf32>
        %mul3A_1505 = arith.mulf %mul3A_1504, %get3A_42 : vector<16xf32>
        %add3A_1506 = arith.addf %add3A_1402, %mul3A_1505 : vector<16xf32>
        %add3A_1507 = arith.constant 3 : i32
        %add3A_1508 = arith.addi %add3A_955, %add3A_1507 : i32
        %get3A_1509 = arith.index_cast %add3A_1508 : i32 to index
        %get3A_1510 = arith.constant 80 : index
        %get3A_1511 = tpu.vector_load %arg12[%get3A_1509, %get3A_1510] {strides = array<i32>} : memref<128x128xf32, #tpu.memory_space<vmem>>, vector<16xf32>,
        %add3A_1512 = arith.constant 3 : i32
        %add3A_1513 = arith.addi %add3A_955, %add3A_1512 : i32
        %get3A_1514 = arith.index_cast %add3A_1513 : i32 to index
        %get3A_1515 = arith.constant 80 : index
        %get3A_1516 = tpu.vector_load %arg13[%get3A_1514, %get3A_1515] {strides = array<i32>} : memref<128x128xf32, #tpu.memory_space<vmem>>, vector<16xf32>,
        %mul3A_1517 = arith.mulf %get3A_1511, %get3A_1516 : vector<16xf32>
        %mul3A_1518 = arith.mulf %mul3A_1517, %get3A_42 : vector<16xf32>
        %add3A_1519 = arith.addf %add3A_1415, %mul3A_1518 : vector<16xf32>
        %add3A_1520 = arith.constant 4 : i32
        %add3A_1521 = arith.addi %add3A_955, %add3A_1520 : i32
        %get3A_1522 = arith.index_cast %add3A_1521 : i32 to index
        %get3A_1523 = arith.constant 80 : index
        %get3A_1524 = tpu.vector_load %arg12[%get3A_1522, %get3A_1523] {strides = array<i32>} : memref<128x128xf32, #tpu.memory_space<vmem>>, vector<16xf32>,
        %add3A_1525 = arith.constant 4 : i32
        %add3A_1526 = arith.addi %add3A_955, %add3A_1525 : i32
        %get3A_1527 = arith.index_cast %add3A_1526 : i32 to index
        %get3A_1528 = arith.constant 80 : index
        %get3A_1529 = tpu.vector_load %arg13[%get3A_1527, %get3A_1528] {strides = array<i32>} : memref<128x128xf32, #tpu.memory_space<vmem>>, vector<16xf32>,
        %mul3A_1530 = arith.mulf %get3A_1524, %get3A_1529 : vector<16xf32>
        %mul3A_1531 = arith.mulf %mul3A_1530, %get3A_42 : vector<16xf32>
        %add3A_1532 = arith.addf %add3A_1428, %mul3A_1531 : vector<16xf32>
        %add3A_1533 = arith.constant 5 : i32
        %add3A_1534 = arith.addi %add3A_955, %add3A_1533 : i32
        %get3A_1535 = arith.index_cast %add3A_1534 : i32 to index
        %get3A_1536 = arith.constant 80 : index
        %get3A_1537 = tpu.vector_load %arg12[%get3A_1535, %get3A_1536] {strides = array<i32>} : memref<128x128xf32, #tpu.memory_space<vmem>>, vector<16xf32>,
        %add3A_1538 = arith.constant 5 : i32
        %add3A_1539 = arith.addi %add3A_955, %add3A_1538 : i32
        %get3A_1540 = arith.index_cast %add3A_1539 : i32 to index
        %get3A_1541 = arith.constant 80 : index
        %get3A_1542 = tpu.vector_load %arg13[%get3A_1540, %get3A_1541] {strides = array<i32>} : memref<128x128xf32, #tpu.memory_space<vmem>>, vector<16xf32>,
        %mul3A_1543 = arith.mulf %get3A_1537, %get3A_1542 : vector<16xf32>
        %mul3A_1544 = arith.mulf %mul3A_1543, %get3A_42 : vector<16xf32>
        %add3A_1545 = arith.addf %add3A_1441, %mul3A_1544 : vector<16xf32>
        %add3A_1546 = arith.constant 6 : i32
        %add3A_1547 = arith.addi %add3A_955, %add3A_1546 : i32
        %get3A_1548 = arith.index_cast %add3A_1547 : i32 to index
        %get3A_1549 = arith.constant 80 : index
        %get3A_1550 = tpu.vector_load %arg12[%get3A_1548, %get3A_1549] {strides = array<i32>} : memref<128x128xf32, #tpu.memory_space<vmem>>, vector<16xf32>,
        %add3A_1551 = arith.constant 6 : i32
        %add3A_1552 = arith.addi %add3A_955, %add3A_1551 : i32
        %get3A_1553 = arith.index_cast %add3A_1552 : i32 to index
        %get3A_1554 = arith.constant 80 : index
        %get3A_1555 = tpu.vector_load %arg13[%get3A_1553, %get3A_1554] {strides = array<i32>} : memref<128x128xf32, #tpu.memory_space<vmem>>, vector<16xf32>,
        %mul3A_1556 = arith.mulf %get3A_1550, %get3A_1555 : vector<16xf32>
        %mul3A_1557 = arith.mulf %mul3A_1556, %get3A_42 : vector<16xf32>
        %add3A_1558 = arith.addf %add3A_1454, %mul3A_1557 : vector<16xf32>
        %add3A_1559 = arith.constant 7 : i32
        %add3A_1560 = arith.addi %add3A_955, %add3A_1559 : i32
        %get3A_1561 = arith.index_cast %add3A_1560 : i32 to index
        %get3A_1562 = arith.constant 80 : index
        %get3A_1563 = tpu.vector_load %arg12[%get3A_1561, %get3A_1562] {strides = array<i32>} : memref<128x128xf32, #tpu.memory_space<vmem>>, vector<16xf32>,
        %add3A_1564 = arith.constant 7 : i32
        %add3A_1565 = arith.addi %add3A_955, %add3A_1564 : i32
        %get3A_1566 = arith.index_cast %add3A_1565 : i32 to index
        %get3A_1567 = arith.constant 80 : index
        %get3A_1568 = tpu.vector_load %arg13[%get3A_1566, %get3A_1567] {strides = array<i32>} : memref<128x128xf32, #tpu.memory_space<vmem>>, vector<16xf32>,
        %mul3A_1569 = arith.mulf %get3A_1563, %get3A_1568 : vector<16xf32>
        %mul3A_1570 = arith.mulf %mul3A_1569, %get3A_42 : vector<16xf32>
        %add3A_1571 = arith.addf %add3A_1467, %mul3A_1570 : vector<16xf32>
        %add3A_1572 = arith.constant 0 : i32
        %add3A_1573 = arith.addi %add3A_955, %add3A_1572 : i32
        %get3A_1574 = arith.index_cast %add3A_1573 : i32 to index
        %get3A_1575 = arith.constant 96 : index
        %get3A_1576 = tpu.vector_load %arg12[%get3A_1574, %get3A_1575] {strides = array<i32>} : memref<128x128xf32, #tpu.memory_space<vmem>>, vector<16xf32>,
        %add3A_1577 = arith.constant 0 : i32
        %add3A_1578 = arith.addi %add3A_955, %add3A_1577 : i32
        %get3A_1579 = arith.index_cast %add3A_1578 : i32 to index
        %get3A_1580 = arith.constant 96 : index
        %get3A_1581 = tpu.vector_load %arg13[%get3A_1579, %get3A_1580] {strides = array<i32>} : memref<128x128xf32, #tpu.memory_space<vmem>>, vector<16xf32>,
        %mul3A_1582 = arith.mulf %get3A_1576, %get3A_1581 : vector<16xf32>
        %mul3A_1583 = arith.mulf %mul3A_1582, %get3A_44 : vector<16xf32>
        %add3A_1584 = arith.addf %add3A_1480, %mul3A_1583 : vector<16xf32>
        %add3A_1585 = arith.constant 1 : i32
        %add3A_1586 = arith.addi %add3A_955, %add3A_1585 : i32
        %get3A_1587 = arith.index_cast %add3A_1586 : i32 to index
        %get3A_1588 = arith.constant 96 : index
        %get3A_1589 = tpu.vector_load %arg12[%get3A_1587, %get3A_1588] {strides = array<i32>} : memref<128x128xf32, #tpu.memory_space<vmem>>, vector<16xf32>,
        %add3A_1590 = arith.constant 1 : i32
        %add3A_1591 = arith.addi %add3A_955, %add3A_1590 : i32
        %get3A_1592 = arith.index_cast %add3A_1591 : i32 to index
        %get3A_1593 = arith.constant 96 : index
        %get3A_1594 = tpu.vector_load %arg13[%get3A_1592, %get3A_1593] {strides = array<i32>} : memref<128x128xf32, #tpu.memory_space<vmem>>, vector<16xf32>,
        %mul3A_1595 = arith.mulf %get3A_1589, %get3A_1594 : vector<16xf32>
        %mul3A_1596 = arith.mulf %mul3A_1595, %get3A_44 : vector<16xf32>
        %add3A_1597 = arith.addf %add3A_1493, %mul3A_1596 : vector<16xf32>
        %add3A_1598 = arith.constant 2 : i32
        %add3A_1599 = arith.addi %add3A_955, %add3A_1598 : i32
        %get3A_1600 = arith.index_cast %add3A_1599 : i32 to index
        %get3A_1601 = arith.constant 96 : index
        %get3A_1602 = tpu.vector_load %arg12[%get3A_1600, %get3A_1601] {strides = array<i32>} : memref<128x128xf32, #tpu.memory_space<vmem>>, vector<16xf32>,
        %add3A_1603 = arith.constant 2 : i32
        %add3A_1604 = arith.addi %add3A_955, %add3A_1603 : i32
        %get3A_1605 = arith.index_cast %add3A_1604 : i32 to index
        %get3A_1606 = arith.constant 96 : index
        %get3A_1607 = tpu.vector_load %arg13[%get3A_1605, %get3A_1606] {strides = array<i32>} : memref<128x128xf32, #tpu.memory_space<vmem>>, vector<16xf32>,
        %mul3A_1608 = arith.mulf %get3A_1602, %get3A_1607 : vector<16xf32>
        %mul3A_1609 = arith.mulf %mul3A_1608, %get3A_44 : vector<16xf32>
        %add3A_1610 = arith.addf %add3A_1506, %mul3A_1609 : vector<16xf32>
        %add3A_1611 = arith.constant 3 : i32
        %add3A_1612 = arith.addi %add3A_955, %add3A_1611 : i32
        %get3A_1613 = arith.index_cast %add3A_1612 : i32 to index
        %get3A_1614 = arith.constant 96 : index
        %get3A_1615 = tpu.vector_load %arg12[%get3A_1613, %get3A_1614] {strides = array<i32>} : memref<128x128xf32, #tpu.memory_space<vmem>>, vector<16xf32>,
        %add3A_1616 = arith.constant 3 : i32
        %add3A_1617 = arith.addi %add3A_955, %add3A_1616 : i32
        %get3A_1618 = arith.index_cast %add3A_1617 : i32 to index
        %get3A_1619 = arith.constant 96 : index
        %get3A_1620 = tpu.vector_load %arg13[%get3A_1618, %get3A_1619] {strides = array<i32>} : memref<128x128xf32, #tpu.memory_space<vmem>>, vector<16xf32>,
        %mul3A_1621 = arith.mulf %get3A_1615, %get3A_1620 : vector<16xf32>
        %mul3A_1622 = arith.mulf %mul3A_1621, %get3A_44 : vector<16xf32>
        %add3A_1623 = arith.addf %add3A_1519, %mul3A_1622 : vector<16xf32>
        %add3A_1624 = arith.constant 4 : i32
        %add3A_1625 = arith.addi %add3A_955, %add3A_1624 : i32
        %get3A_1626 = arith.index_cast %add3A_1625 : i32 to index
        %get3A_1627 = arith.constant 96 : index
        %get3A_1628 = tpu.vector_load %arg12[%get3A_1626, %get3A_1627] {strides = array<i32>} : memref<128x128xf32, #tpu.memory_space<vmem>>, vector<16xf32>,
        %add3A_1629 = arith.constant 4 : i32
        %add3A_1630 = arith.addi %add3A_955, %add3A_1629 : i32
        %get3A_1631 = arith.index_cast %add3A_1630 : i32 to index
        %get3A_1632 = arith.constant 96 : index
        %get3A_1633 = tpu.vector_load %arg13[%get3A_1631, %get3A_1632] {strides = array<i32>} : memref<128x128xf32, #tpu.memory_space<vmem>>, vector<16xf32>,
        %mul3A_1634 = arith.mulf %get3A_1628, %get3A_1633 : vector<16xf32>
        %mul3A_1635 = arith.mulf %mul3A_1634, %get3A_44 : vector<16xf32>
        %add3A_1636 = arith.addf %add3A_1532, %mul3A_1635 : vector<16xf32>
        %add3A_1637 = arith.constant 5 : i32
        %add3A_1638 = arith.addi %add3A_955, %add3A_1637 : i32
        %get3A_1639 = arith.index_cast %add3A_1638 : i32 to index
        %get3A_1640 = arith.constant 96 : index
        %get3A_1641 = tpu.vector_load %arg12[%get3A_1639, %get3A_1640] {strides = array<i32>} : memref<128x128xf32, #tpu.memory_space<vmem>>, vector<16xf32>,
        %add3A_1642 = arith.constant 5 : i32
        %add3A_1643 = arith.addi %add3A_955, %add3A_1642 : i32
        %get3A_1644 = arith.index_cast %add3A_1643 : i32 to index
        %get3A_1645 = arith.constant 96 : index
        %get3A_1646 = tpu.vector_load %arg13[%get3A_1644, %get3A_1645] {strides = array<i32>} : memref<128x128xf32, #tpu.memory_space<vmem>>, vector<16xf32>,
        %mul3A_1647 = arith.mulf %get3A_1641, %get3A_1646 : vector<16xf32>
        %mul3A_1648 = arith.mulf %mul3A_1647, %get3A_44 : vector<16xf32>
        %add3A_1649 = arith.addf %add3A_1545, %mul3A_1648 : vector<16xf32>
        %add3A_1650 = arith.constant 6 : i32
        %add3A_1651 = arith.addi %add3A_955, %add3A_1650 : i32
        %get3A_1652 = arith.index_cast %add3A_1651 : i32 to index
        %get3A_1653 = arith.constant 96 : index
        %get3A_1654 = tpu.vector_load %arg12[%get3A_1652, %get3A_1653] {strides = array<i32>} : memref<128x128xf32, #tpu.memory_space<vmem>>, vector<16xf32>,
        %add3A_1655 = arith.constant 6 : i32
        %add3A_1656 = arith.addi %add3A_955, %add3A_1655 : i32
        %get3A_1657 = arith.index_cast %add3A_1656 : i32 to index
        %get3A_1658 = arith.constant 96 : index
        %get3A_1659 = tpu.vector_load %arg13[%get3A_1657, %get3A_1658] {strides = array<i32>} : memref<128x128xf32, #tpu.memory_space<vmem>>, vector<16xf32>,
        %mul3A_1660 = arith.mulf %get3A_1654, %get3A_1659 : vector<16xf32>
        %mul3A_1661 = arith.mulf %mul3A_1660, %get3A_44 : vector<16xf32>
        %add3A_1662 = arith.addf %add3A_1558, %mul3A_1661 : vector<16xf32>
        %add3A_1663 = arith.constant 7 : i32
        %add3A_1664 = arith.addi %add3A_955, %add3A_1663 : i32
        %get3A_1665 = arith.index_cast %add3A_1664 : i32 to index
        %get3A_1666 = arith.constant 96 : index
        %get3A_1667 = tpu.vector_load %arg12[%get3A_1665, %get3A_1666] {strides = array<i32>} : memref<128x128xf32, #tpu.memory_space<vmem>>, vector<16xf32>,
        %add3A_1668 = arith.constant 7 : i32
        %add3A_1669 = arith.addi %add3A_955, %add3A_1668 : i32
        %get3A_1670 = arith.index_cast %add3A_1669 : i32 to index
        %get3A_1671 = arith.constant 96 : index
        %get3A_1672 = tpu.vector_load %arg13[%get3A_1670, %get3A_1671] {strides = array<i32>} : memref<128x128xf32, #tpu.memory_space<vmem>>, vector<16xf32>,
        %mul3A_1673 = arith.mulf %get3A_1667, %get3A_1672 : vector<16xf32>
        %mul3A_1674 = arith.mulf %mul3A_1673, %get3A_44 : vector<16xf32>
        %add3A_1675 = arith.addf %add3A_1571, %mul3A_1674 : vector<16xf32>
        %add3A_1676 = arith.constant 0 : i32
        %add3A_1677 = arith.addi %add3A_955, %add3A_1676 : i32
        %get3A_1678 = arith.index_cast %add3A_1677 : i32 to index
        %get3A_1679 = arith.constant 112 : index
        %get3A_1680 = tpu.vector_load %arg12[%get3A_1678, %get3A_1679] {strides = array<i32>} : memref<128x128xf32, #tpu.memory_space<vmem>>, vector<16xf32>,
        %add3A_1681 = arith.constant 0 : i32
        %add3A_1682 = arith.addi %add3A_955, %add3A_1681 : i32
        %get3A_1683 = arith.index_cast %add3A_1682 : i32 to index
        %get3A_1684 = arith.constant 112 : index
        %get3A_1685 = tpu.vector_load %arg13[%get3A_1683, %get3A_1684] {strides = array<i32>} : memref<128x128xf32, #tpu.memory_space<vmem>>, vector<16xf32>,
        %mul3A_1686 = arith.mulf %get3A_1680, %get3A_1685 : vector<16xf32>
        %mul3A_1687 = arith.mulf %mul3A_1686, %get3A_46 : vector<16xf32>
        %add3A_1688 = arith.addf %add3A_1584, %mul3A_1687 : vector<16xf32>
        %add3A_1689 = arith.constant 1 : i32
        %add3A_1690 = arith.addi %add3A_955, %add3A_1689 : i32
        %get3A_1691 = arith.index_cast %add3A_1690 : i32 to index
        %get3A_1692 = arith.constant 112 : index
        %get3A_1693 = tpu.vector_load %arg12[%get3A_1691, %get3A_1692] {strides = array<i32>} : memref<128x128xf32, #tpu.memory_space<vmem>>, vector<16xf32>,
        %add3A_1694 = arith.constant 1 : i32
        %add3A_1695 = arith.addi %add3A_955, %add3A_1694 : i32
        %get3A_1696 = arith.index_cast %add3A_1695 : i32 to index
        %get3A_1697 = arith.constant 112 : index
        %get3A_1698 = tpu.vector_load %arg13[%get3A_1696, %get3A_1697] {strides = array<i32>} : memref<128x128xf32, #tpu.memory_space<vmem>>, vector<16xf32>,
        %mul3A_1699 = arith.mulf %get3A_1693, %get3A_1698 : vector<16xf32>
        %mul3A_1700 = arith.mulf %mul3A_1699, %get3A_46 : vector<16xf32>
        %add3A_1701 = arith.addf %add3A_1597, %mul3A_1700 : vector<16xf32>
        %add3A_1702 = arith.constant 2 : i32
        %add3A_1703 = arith.addi %add3A_955, %add3A_1702 : i32
        %get3A_1704 = arith.index_cast %add3A_1703 : i32 to index
        %get3A_1705 = arith.constant 112 : index
        %get3A_1706 = tpu.vector_load %arg12[%get3A_1704, %get3A_1705] {strides = array<i32>} : memref<128x128xf32, #tpu.memory_space<vmem>>, vector<16xf32>,
        %add3A_1707 = arith.constant 2 : i32
        %add3A_1708 = arith.addi %add3A_955, %add3A_1707 : i32
        %get3A_1709 = arith.index_cast %add3A_1708 : i32 to index
        %get3A_1710 = arith.constant 112 : index
        %get3A_1711 = tpu.vector_load %arg13[%get3A_1709, %get3A_1710] {strides = array<i32>} : memref<128x128xf32, #tpu.memory_space<vmem>>, vector<16xf32>,
        %mul3A_1712 = arith.mulf %get3A_1706, %get3A_1711 : vector<16xf32>
        %mul3A_1713 = arith.mulf %mul3A_1712, %get3A_46 : vector<16xf32>
        %add3A_1714 = arith.addf %add3A_1610, %mul3A_1713 : vector<16xf32>
        %add3A_1715 = arith.constant 3 : i32
        %add3A_1716 = arith.addi %add3A_955, %add3A_1715 : i32
        %get3A_1717 = arith.index_cast %add3A_1716 : i32 to index
        %get3A_1718 = arith.constant 112 : index
        %get3A_1719 = tpu.vector_load %arg12[%get3A_1717, %get3A_1718] {strides = array<i32>} : memref<128x128xf32, #tpu.memory_space<vmem>>, vector<16xf32>,
        %add3A_1720 = arith.constant 3 : i32
        %add3A_1721 = arith.addi %add3A_955, %add3A_1720 : i32
        %get3A_1722 = arith.index_cast %add3A_1721 : i32 to index
        %get3A_1723 = arith.constant 112 : index
        %get3A_1724 = tpu.vector_load %arg13[%get3A_1722, %get3A_1723] {strides = array<i32>} : memref<128x128xf32, #tpu.memory_space<vmem>>, vector<16xf32>,
        %mul3A_1725 = arith.mulf %get3A_1719, %get3A_1724 : vector<16xf32>
        %mul3A_1726 = arith.mulf %mul3A_1725, %get3A_46 : vector<16xf32>
        %add3A_1727 = arith.addf %add3A_1623, %mul3A_1726 : vector<16xf32>
        %add3A_1728 = arith.constant 4 : i32
        %add3A_1729 = arith.addi %add3A_955, %add3A_1728 : i32
        %get3A_1730 = arith.index_cast %add3A_1729 : i32 to index
        %get3A_1731 = arith.constant 112 : index
        %get3A_1732 = tpu.vector_load %arg12[%get3A_1730, %get3A_1731] {strides = array<i32>} : memref<128x128xf32, #tpu.memory_space<vmem>>, vector<16xf32>,
        %add3A_1733 = arith.constant 4 : i32
        %add3A_1734 = arith.addi %add3A_955, %add3A_1733 : i32
        %get3A_1735 = arith.index_cast %add3A_1734 : i32 to index
        %get3A_1736 = arith.constant 112 : index
        %get3A_1737 = tpu.vector_load %arg13[%get3A_1735, %get3A_1736] {strides = array<i32>} : memref<128x128xf32, #tpu.memory_space<vmem>>, vector<16xf32>,
        %mul3A_1738 = arith.mulf %get3A_1732, %get3A_1737 : vector<16xf32>
        %mul3A_1739 = arith.mulf %mul3A_1738, %get3A_46 : vector<16xf32>
        %add3A_1740 = arith.addf %add3A_1636, %mul3A_1739 : vector<16xf32>
        %add3A_1741 = arith.constant 5 : i32
        %add3A_1742 = arith.addi %add3A_955, %add3A_1741 : i32
        %get3A_1743 = arith.index_cast %add3A_1742 : i32 to index
        %get3A_1744 = arith.constant 112 : index
        %get3A_1745 = tpu.vector_load %arg12[%get3A_1743, %get3A_1744] {strides = array<i32>} : memref<128x128xf32, #tpu.memory_space<vmem>>, vector<16xf32>,
        %add3A_1746 = arith.constant 5 : i32
        %add3A_1747 = arith.addi %add3A_955, %add3A_1746 : i32
        %get3A_1748 = arith.index_cast %add3A_1747 : i32 to index
        %get3A_1749 = arith.constant 112 : index
        %get3A_1750 = tpu.vector_load %arg13[%get3A_1748, %get3A_1749] {strides = array<i32>} : memref<128x128xf32, #tpu.memory_space<vmem>>, vector<16xf32>,
        %mul3A_1751 = arith.mulf %get3A_1745, %get3A_1750 : vector<16xf32>
        %mul3A_1752 = arith.mulf %mul3A_1751, %get3A_46 : vector<16xf32>
        %add3A_1753 = arith.addf %add3A_1649, %mul3A_1752 : vector<16xf32>
        %add3A_1754 = arith.constant 6 : i32
        %add3A_1755 = arith.addi %add3A_955, %add3A_1754 : i32
        %get3A_1756 = arith.index_cast %add3A_1755 : i32 to index
        %get3A_1757 = arith.constant 112 : index
        %get3A_1758 = tpu.vector_load %arg12[%get3A_1756, %get3A_1757] {strides = array<i32>} : memref<128x128xf32, #tpu.memory_space<vmem>>, vector<16xf32>,
        %add3A_1759 = arith.constant 6 : i32
        %add3A_1760 = arith.addi %add3A_955, %add3A_1759 : i32
        %get3A_1761 = arith.index_cast %add3A_1760 : i32 to index
        %get3A_1762 = arith.constant 112 : index
        %get3A_1763 = tpu.vector_load %arg13[%get3A_1761, %get3A_1762] {strides = array<i32>} : memref<128x128xf32, #tpu.memory_space<vmem>>, vector<16xf32>,
        %mul3A_1764 = arith.mulf %get3A_1758, %get3A_1763 : vector<16xf32>
        %mul3A_1765 = arith.mulf %mul3A_1764, %get3A_46 : vector<16xf32>
        %add3A_1766 = arith.addf %add3A_1662, %mul3A_1765 : vector<16xf32>
        %add3A_1767 = arith.constant 7 : i32
        %add3A_1768 = arith.addi %add3A_955, %add3A_1767 : i32
        %get3A_1769 = arith.index_cast %add3A_1768 : i32 to index
        %get3A_1770 = arith.constant 112 : index
        %get3A_1771 = tpu.vector_load %arg12[%get3A_1769, %get3A_1770] {strides = array<i32>} : memref<128x128xf32, #tpu.memory_space<vmem>>, vector<16xf32>,
        %add3A_1772 = arith.constant 7 : i32
        %add3A_1773 = arith.addi %add3A_955, %add3A_1772 : i32
        %get3A_1774 = arith.index_cast %add3A_1773 : i32 to index
        %get3A_1775 = arith.constant 112 : index
        %get3A_1776 = tpu.vector_load %arg13[%get3A_1774, %get3A_1775] {strides = array<i32>} : memref<128x128xf32, #tpu.memory_space<vmem>>, vector<16xf32>,
        %mul3A_1777 = arith.mulf %get3A_1771, %get3A_1776 : vector<16xf32>
        %mul3A_1778 = arith.mulf %mul3A_1777, %get3A_46 : vector<16xf32>
        %add3A_1779 = arith.addf %add3A_1675, %mul3A_1778 : vector<16xf32>
        %swap3A_1780 = arith.constant 128 : index
        %swap3A_1781 = tpu.vector_load %arg15[%swap3A_1780] {strides = array<i32>} : memref<256xf32, #tpu.memory_space<vmem>>, vector<16xf32>,
        tpu.vector_store %arg15[%swap3A_1780], %add3A_1688 {strides = array<i32>} : memref<256xf32, #tpu.memory_space<vmem>>, vector<16xf32>,
        %swap3A_1782 = arith.constant 144 : index
        %swap3A_1783 = tpu.vector_load %arg15[%swap3A_1782] {strides = array<i32>} : memref<256xf32, #tpu.memory_space<vmem>>, vector<16xf32>,
        tpu.vector_store %arg15[%swap3A_1782], %add3A_1701 {strides = array<i32>} : memref<256xf32, #tpu.memory_space<vmem>>, vector<16xf32>,
        %swap3A_1784 = arith.constant 160 : index
        %swap3A_1785 = tpu.vector_load %arg15[%swap3A_1784] {strides = array<i32>} : memref<256xf32, #tpu.memory_space<vmem>>, vector<16xf32>,
        tpu.vector_store %arg15[%swap3A_1784], %add3A_1714 {strides = array<i32>} : memref<256xf32, #tpu.memory_space<vmem>>, vector<16xf32>,
        %swap3A_1786 = arith.constant 176 : index
        %swap3A_1787 = tpu.vector_load %arg15[%swap3A_1786] {strides = array<i32>} : memref<256xf32, #tpu.memory_space<vmem>>, vector<16xf32>,
        tpu.vector_store %arg15[%swap3A_1786], %add3A_1727 {strides = array<i32>} : memref<256xf32, #tpu.memory_space<vmem>>, vector<16xf32>,
        %swap3A_1788 = arith.constant 192 : index
        %swap3A_1789 = tpu.vector_load %arg15[%swap3A_1788] {strides = array<i32>} : memref<256xf32, #tpu.memory_space<vmem>>, vector<16xf32>,
        tpu.vector_store %arg15[%swap3A_1788], %add3A_1740 {strides = array<i32>} : memref<256xf32, #tpu.memory_space<vmem>>, vector<16xf32>,
        %swap3A_1790 = arith.constant 208 : index
        %swap3A_1791 = tpu.vector_load %arg15[%swap3A_1790] {strides = array<i32>} : memref<256xf32, #tpu.memory_space<vmem>>, vector<16xf32>,
        tpu.vector_store %arg15[%swap3A_1790], %add3A_1753 {strides = array<i32>} : memref<256xf32, #tpu.memory_space<vmem>>, vector<16xf32>,
        %swap3A_1792 = arith.constant 224 : index
        %swap3A_1793 = tpu.vector_load %arg15[%swap3A_1792] {strides = array<i32>} : memref<256xf32, #tpu.memory_space<vmem>>, vector<16xf32>,
        tpu.vector_store %arg15[%swap3A_1792], %add3A_1766 {strides = array<i32>} : memref<256xf32, #tpu.memory_space<vmem>>, vector<16xf32>,
        %swap3A_1794 = arith.constant 240 : index
        %swap3A_1795 = tpu.vector_load %arg15[%swap3A_1794] {strides = array<i32>} : memref<256xf32, #tpu.memory_space<vmem>>, vector<16xf32>,
        tpu.vector_store %arg15[%swap3A_1794], %add3A_1779 {strides = array<i32>} : memref<256xf32, #tpu.memory_space<vmem>>, vector<16xf32>,
        %add3A_1796 = arith.constant 0 : i32
        %add3A_1797 = vector.broadcast %add3A_1796 : i32 to vector<16xi32>
        %add3A_1798 = arith.addi %mul3A_11, %add3A_1797 : vector<16xi32>
        %gather3A = tpu.vector_load_idx %arg15[%add3A_1798] : memref<256xf32, #tpu.memory_space<vmem>>[vector<16xi32>], vector<16xf32>,
        %add3A_1799 = arith.constant 1 : i32
        %add3A_1800 = vector.broadcast %add3A_1799 : i32 to vector<16xi32>
        %add3A_1801 = arith.addi %mul3A_11, %add3A_1800 : vector<16xi32>
        %gather3A_1802 = tpu.vector_load_idx %arg15[%add3A_1801] : memref<256xf32, #tpu.memory_space<vmem>>[vector<16xi32>], vector<16xf32>,
        %add3A_1803 = arith.constant 2 : i32
        %add3A_1804 = vector.broadcast %add3A_1803 : i32 to vector<16xi32>
        %add3A_1805 = arith.addi %mul3A_11, %add3A_1804 : vector<16xi32>
        %gather3A_1806 = tpu.vector_load_idx %arg15[%add3A_1805] : memref<256xf32, #tpu.memory_space<vmem>>[vector<16xi32>], vector<16xf32>,
        %add3A_1807 = arith.constant 3 : i32
        %add3A_1808 = vector.broadcast %add3A_1807 : i32 to vector<16xi32>
        %add3A_1809 = arith.addi %mul3A_11, %add3A_1808 : vector<16xi32>
        %gather3A_1810 = tpu.vector_load_idx %arg15[%add3A_1809] : memref<256xf32, #tpu.memory_space<vmem>>[vector<16xi32>], vector<16xf32>,
        %add3A_1811 = arith.constant 4 : i32
        %add3A_1812 = vector.broadcast %add3A_1811 : i32 to vector<16xi32>
        %add3A_1813 = arith.addi %mul3A_11, %add3A_1812 : vector<16xi32>
        %gather3A_1814 = tpu.vector_load_idx %arg15[%add3A_1813] : memref<256xf32, #tpu.memory_space<vmem>>[vector<16xi32>], vector<16xf32>,
        %add3A_1815 = arith.constant 5 : i32
        %add3A_1816 = vector.broadcast %add3A_1815 : i32 to vector<16xi32>
        %add3A_1817 = arith.addi %mul3A_11, %add3A_1816 : vector<16xi32>
        %gather3A_1818 = tpu.vector_load_idx %arg15[%add3A_1817] : memref<256xf32, #tpu.memory_space<vmem>>[vector<16xi32>], vector<16xf32>,
        %add3A_1819 = arith.constant 6 : i32
        %add3A_1820 = vector.broadcast %add3A_1819 : i32 to vector<16xi32>
        %add3A_1821 = arith.addi %mul3A_11, %add3A_1820 : vector<16xi32>
        %gather3A_1822 = tpu.vector_load_idx %arg15[%add3A_1821] : memref<256xf32, #tpu.memory_space<vmem>>[vector<16xi32>], vector<16xf32>,
        %add3A_1823 = arith.constant 7 : i32
        %add3A_1824 = vector.broadcast %add3A_1823 : i32 to vector<16xi32>
        %add3A_1825 = arith.addi %mul3A_11, %add3A_1824 : vector<16xi32>
        %gather3A_1826 = tpu.vector_load_idx %arg15[%add3A_1825] : memref<256xf32, #tpu.memory_space<vmem>>[vector<16xi32>], vector<16xf32>,
        %add3A_1827 = arith.constant 8 : i32
        %add3A_1828 = vector.broadcast %add3A_1827 : i32 to vector<16xi32>
        %add3A_1829 = arith.addi %mul3A_11, %add3A_1828 : vector<16xi32>
        %gather3A_1830 = tpu.vector_load_idx %arg15[%add3A_1829] : memref<256xf32, #tpu.memory_space<vmem>>[vector<16xi32>], vector<16xf32>,
        %add3A_1831 = arith.constant 9 : i32
        %add3A_1832 = vector.broadcast %add3A_1831 : i32 to vector<16xi32>
        %add3A_1833 = arith.addi %mul3A_11, %add3A_1832 : vector<16xi32>
        %gather3A_1834 = tpu.vector_load_idx %arg15[%add3A_1833] : memref<256xf32, #tpu.memory_space<vmem>>[vector<16xi32>], vector<16xf32>,
        %add3A_1835 = arith.constant 10 : i32
        %add3A_1836 = vector.broadcast %add3A_1835 : i32 to vector<16xi32>
        %add3A_1837 = arith.addi %mul3A_11, %add3A_1836 : vector<16xi32>
        %gather3A_1838 = tpu.vector_load_idx %arg15[%add3A_1837] : memref<256xf32, #tpu.memory_space<vmem>>[vector<16xi32>], vector<16xf32>,
        %add3A_1839 = arith.constant 11 : i32
        %add3A_1840 = vector.broadcast %add3A_1839 : i32 to vector<16xi32>
        %add3A_1841 = arith.addi %mul3A_11, %add3A_1840 : vector<16xi32>
        %gather3A_1842 = tpu.vector_load_idx %arg15[%add3A_1841] : memref<256xf32, #tpu.memory_space<vmem>>[vector<16xi32>], vector<16xf32>,
        %add3A_1843 = arith.constant 12 : i32
        %add3A_1844 = vector.broadcast %add3A_1843 : i32 to vector<16xi32>
        %add3A_1845 = arith.addi %mul3A_11, %add3A_1844 : vector<16xi32>
        %gather3A_1846 = tpu.vector_load_idx %arg15[%add3A_1845] : memref<256xf32, #tpu.memory_space<vmem>>[vector<16xi32>], vector<16xf32>,
        %add3A_1847 = arith.constant 13 : i32
        %add3A_1848 = vector.broadcast %add3A_1847 : i32 to vector<16xi32>
        %add3A_1849 = arith.addi %mul3A_11, %add3A_1848 : vector<16xi32>
        %gather3A_1850 = tpu.vector_load_idx %arg15[%add3A_1849] : memref<256xf32, #tpu.memory_space<vmem>>[vector<16xi32>], vector<16xf32>,
        %add3A_1851 = arith.constant 14 : i32
        %add3A_1852 = vector.broadcast %add3A_1851 : i32 to vector<16xi32>
        %add3A_1853 = arith.addi %mul3A_11, %add3A_1852 : vector<16xi32>
        %gather3A_1854 = tpu.vector_load_idx %arg15[%add3A_1853] : memref<256xf32, #tpu.memory_space<vmem>>[vector<16xi32>], vector<16xf32>,
        %add3A_1855 = arith.constant 15 : i32
        %add3A_1856 = vector.broadcast %add3A_1855 : i32 to vector<16xi32>
        %add3A_1857 = arith.addi %mul3A_11, %add3A_1856 : vector<16xi32>
        %gather3A_1858 = tpu.vector_load_idx %arg15[%add3A_1857] : memref<256xf32, #tpu.memory_space<vmem>>[vector<16xi32>], vector<16xf32>,
        %add3A_1859 = arith.addf %gather3A, %gather3A_1802 : vector<16xf32>
        %add3A_1860 = arith.addf %gather3A_1806, %gather3A_1810 : vector<16xf32>
        %add3A_1861 = arith.addf %gather3A_1814, %gather3A_1818 : vector<16xf32>
        %add3A_1862 = arith.addf %gather3A_1822, %gather3A_1826 : vector<16xf32>
        %add3A_1863 = arith.addf %gather3A_1830, %gather3A_1834 : vector<16xf32>
        %add3A_1864 = arith.addf %gather3A_1838, %gather3A_1842 : vector<16xf32>
        %add3A_1865 = arith.addf %gather3A_1846, %gather3A_1850 : vector<16xf32>
        %add3A_1866 = arith.addf %gather3A_1854, %gather3A_1858 : vector<16xf32>
        %add3A_1867 = arith.addf %add3A_1859, %add3A_1860 : vector<16xf32>
        %add3A_1868 = arith.addf %add3A_1861, %add3A_1862 : vector<16xf32>
        %add3A_1869 = arith.addf %add3A_1863, %add3A_1864 : vector<16xf32>
        %add3A_1870 = arith.addf %add3A_1865, %add3A_1866 : vector<16xf32>
        %add3A_1871 = arith.addf %add3A_1867, %add3A_1868 : vector<16xf32>
        %add3A_1872 = arith.addf %add3A_1869, %add3A_1870 : vector<16xf32>
        %add3A_1873 = arith.addf %add3A_1871, %add3A_1872 : vector<16xf32>
        %add3A_1874 = arith.addi %multiple_of3A_96, %mul3A_112 : i32
        %swap3A_1875 = arith.index_cast %add3A_1874 : i32 to index
        %swap3A_1876 = tpu.vector_load %arg16[%swap3A_1875] {strides = array<i32>} : memref<512xf32, #tpu.memory_space<vmem>>, vector<16xf32>,
        tpu.vector_store %arg16[%swap3A_1875], %add3A_1873 {strides = array<i32>} : memref<512xf32, #tpu.memory_space<vmem>>, vector<16xf32>,
      }
      %scan3A_102 = arith.constant 8 : i32
      %add3A_103 = arith.constant 2 : i32
      %add3A_104 = arith.addi %add3A_83, %add3A_103 : i32
      %lt3A_105 = arith.constant 4 : i32
      %lt3A_106 = arith.cmpi slt, %add3A_104, %lt3A_105 : i32
      %convert_element_type3A_107 = arith.extui %lt3A_106 : i1 to i32
      %cond3A_108 = arith.constant 0 : i32
      %cond3A_109 = arith.cmpi ne, %convert_element_type3A_107, %cond3A_108 : i32
      scf.if %cond3A_109 {
        %add3A_110 = arith.constant 2 : i32
        %add3A_111 = arith.addi %add3A_83, %add3A_110 : i32
        %mul3A_112 = arith.constant 128 : i32
        %mul3A_113 = arith.muli %add3A_111, %mul3A_112 : i32
        %multiple_of3A_114 = tpu.assume_multiple %mul3A_113, 128 : i32
        %dma_start3A_115 = tpu.memref_slice %arg8[%multiple_of3A_114] : memref<512xi32, #tpu.memory_space<vmem>> -> memref<128xi32, #tpu.memory_space<vmem>>
        %dma_start3A_116 = arith.constant 0 : i32
        %dma_start3A_117 = arith.constant 0 : i32
        %dma_start3A_118 = tpu.memref_slice %arg4[%dma_start3A_116, %dma_start3A_117] : memref<100000x128xf32, #tpu.memory_space<hbm>> -> memref<100000x128xf32, #tpu.memory_space<hbm>>
        tpu.enqueue_indirect_dma source(%dma_start3A_118 : memref<100000x128xf32, #tpu.memory_space<hbm>>) target(%arg12 : memref<128x128xf32, #tpu.memory_space<vmem>>) offsets(%dma_start3A_115 : memref<128xi32, #tpu.memory_space<vmem>>) semaphore(%arg20 : memref<!tpu.dma_semaphore, #tpu.memory_space<semaphore_mem>>)
        %dma_start3A_119 = tpu.memref_slice %arg9[%multiple_of3A_114] : memref<512xi32, #tpu.memory_space<vmem>> -> memref<128xi32, #tpu.memory_space<vmem>>
        %dma_start3A_120 = arith.constant 0 : i32
        %dma_start3A_121 = arith.constant 0 : i32
        %dma_start3A_122 = tpu.memref_slice %arg5[%dma_start3A_120, %dma_start3A_121] : memref<100000x128xf32, #tpu.memory_space<hbm>> -> memref<100000x128xf32, #tpu.memory_space<hbm>>
        tpu.enqueue_indirect_dma source(%dma_start3A_122 : memref<100000x128xf32, #tpu.memory_space<hbm>>) target(%arg13 : memref<128x128xf32, #tpu.memory_space<vmem>>) offsets(%dma_start3A_119 : memref<128xi32, #tpu.memory_space<vmem>>) semaphore(%arg20 : memref<!tpu.dma_semaphore, #tpu.memory_space<semaphore_mem>>)
      } else {
      }
    }
    %scan3A_51 = arith.constant 2 : i32
    "tpu.region"() ({
      %run_scoped3A = tpu.sem_alloc : memref<!tpu.dma_semaphore, #tpu.memory_space<semaphore_mem>>
      %dma_start3A_52 = tpu.memref_slice %arg7[%multiple_of3A] : memref<16384xf32, #tpu.memory_space<hbm>> -> memref<512xf32, #tpu.memory_space<hbm>>
      %dma_start3A_53 = tpu.memref_slice %arg7[%multiple_of3A] : memref<16384xf32, #tpu.memory_space<hbm>> -> memref<512xf32, #tpu.memory_space<hbm>>
      tpu.enqueue_dma source(%arg16 : memref<512xf32, #tpu.memory_space<vmem>>) target(%dma_start3A_53 : memref<512xf32, #tpu.memory_space<hbm>>) target_semaphore(%run_scoped3A : memref<!tpu.dma_semaphore, #tpu.memory_space<semaphore_mem>>)
      %dma_wait3A_54 = tpu.memref_slice %arg7[%multiple_of3A] : memref<16384xf32, #tpu.memory_space<hbm>> -> memref<512xf32, #tpu.memory_space<hbm>>
      %dma_wait3A_55 = tpu.memref_slice %arg7[%multiple_of3A] : memref<16384xf32, #tpu.memory_space<hbm>> -> memref<512xf32, #tpu.memory_space<hbm>>
      tpu.wait_dma2 semaphore(%run_scoped3A : memref<!tpu.dma_semaphore, #tpu.memory_space<semaphore_mem>>) src(%arg16 : memref<512xf32, #tpu.memory_space<vmem>>) dst(%dma_wait3A_55 : memref<512xf32, #tpu.memory_space<hbm>>)
      tpu.yield
    }) : () -> ()
    return
  }
}

module attributes {stable_mosaic.version = 14 : i64} {
  func.func @_meta_body(%arg0: memref<16384x64xf32, #tpu.memory_space<vmem>>, %arg1: memref<1x64xf32, #tpu.memory_space<vmem>>, %arg2: memref<1xf32, #tpu.memory_space<smem>>, %arg3: memref<1x16384xf32, #tpu.memory_space<vmem>>) attributes {dimension_semantics = [], scalar_prefetch = 0 : i64, scratch_operands = 0 : i64, tpu.core_type = #tpu.core_type<tc>} {
    %get3A = arith.constant 0 : index
    %get3A_0 = arith.constant 0 : index
    %get3A_1 = vector.load %arg0[%get3A, %get3A_0] : memref<16384x64xf32, #tpu.memory_space<vmem>>, vector<16384x64xf32>
    %get3A_2 = arith.constant 0 : index
    %get3A_3 = arith.constant 0 : index
    %get3A_4 = vector.load %arg1[%get3A_2, %get3A_3] : memref<1x64xf32, #tpu.memory_space<vmem>>, vector<1x64xf32>
    %mul3A = vector.broadcast %get3A_4 : vector<1x64xf32> to vector<16384x64xf32>
    %mul3A_5 = arith.mulf %get3A_1, %mul3A : vector<16384x64xf32>
    %reduce_sum3A = arith.constant dense<0.000000e+00> : vector<16384xf32>
    %reduce_sum3A_6 = vector.multi_reduction <add>, %mul3A_5, %reduce_sum3A [1] : vector<16384x64xf32> to vector<16384xf32>
    %reshape3A = vector.shape_cast %reduce_sum3A_6 : vector<16384xf32> to vector<1x16384xf32>
    %get3A_7 = arith.constant 0 : index
    %get3A_8 = memref.load %arg2[%get3A_7] : memref<1xf32, #tpu.memory_space<smem>>
    %add3A = vector.broadcast %get3A_8 : f32 to vector<1x16384xf32>
    %add3A_9 = arith.addf %reshape3A, %add3A : vector<1x16384xf32>
    %swap3A = arith.constant 0 : index
    %swap3A_10 = arith.constant 0 : index
    %swap3A_11 = vector.load %arg3[%swap3A, %swap3A_10] : memref<1x16384xf32, #tpu.memory_space<vmem>>, vector<1x16384xf32>
    tpu.vector_store %arg3[%swap3A, %swap3A_10], %add3A_9 {strides = array<i32>} : memref<1x16384xf32, #tpu.memory_space<vmem>>, vector<1x16384xf32>,
    return
  }
}

module attributes {stable_mosaic.version = 14 : i64} {
  func.func @_add_body(%arg0: memref<16384xf32, #tpu.memory_space<vmem>>, %arg1: memref<16384xf32, #tpu.memory_space<vmem>>, %arg2: memref<16384xf32, #tpu.memory_space<vmem>>) attributes {dimension_semantics = [], scalar_prefetch = 0 : i64, scratch_operands = 0 : i64, tpu.core_type = #tpu.core_type<tc>} {
    %get3A = arith.constant 0 : index
    %get3A_0 = vector.load %arg0[%get3A] : memref<16384xf32, #tpu.memory_space<vmem>>, vector<16384xf32>
    %get3A_1 = arith.constant 0 : index
    %get3A_2 = vector.load %arg1[%get3A_1] : memref<16384xf32, #tpu.memory_space<vmem>>, vector<16384xf32>
    %add3A = arith.addf %get3A_0, %get3A_2 : vector<16384xf32>
    %swap3A = arith.constant 0 : index
    %swap3A_3 = vector.load %arg2[%swap3A] : memref<16384xf32, #tpu.memory_space<vmem>>, vector<16384xf32>
    tpu.vector_store %arg2[%swap3A], %add3A {strides = array<i32>} : memref<16384xf32, #tpu.memory_space<vmem>>, vector<16384xf32>,
    return
  }
}

</mosaic_0001>

<sc_bundles>
// kernel: kernel.5.cloned.1.call-start
scs
__scs_entry_jumppad:
0x0: {  	(pc) =	sbr.rel $0x88, $3  }
0x1: {  	(tag) =	ssettag $0x0;
	lr =	simm.s32 $0x1  }
0x2: {  	[smem:$0x3F97] =	sst lr;
	_ =	strace $0xD0000000  }
0x3: {  	_ = 	snop  }
0x4: {  	_ = 	snop  }
0x5: {  	_ = 	snop  }
0x6: {  	_ = 	snop  }
0x7: {  	_ = 	snop  }
__scs_overlays_trampoline_lowered:
0x8: {  	[smem:$0x3FA6] =	sst s0  }
0x9: {  	[smem:$0x3FA7] =	sst s1  }
0xa: {  	[smem:$0x3FA8] =	sst s2  }
0xb: {  	[smem:$0x3FA9] =	sst s3  }
0xc: {  	[smem:$0x3FAA] =	sst s4  }
0xd: {  	[smem:$0x3FAB] =	sst s5  }
0xe: {  	[smem:$0x3FAC] =	sst s6  }
0xf: {  	[smem:$0x3FAD] =	sst s7  }
0x10: {  	[smem:$0x3FAE] =	sst s8  }
0x11: {  	[smem:$0x3FAF] =	sst s9;
	s0 =	simm.s32 @!p0 $0x0  }
0x12: {  	s1 =	sld [smem:$0x3F95];
	s0 =	simm.s32 @p0 $0x1  }
0x13: {  	[smem:$0x3FB0] =	sst s0;
	s0 =	simm.s32 @!p1 $0x0  }
0x14: {  	s2 =	sld [smem:$0x3F94];
	s0 =	simm.s32 @p1 $0x1  }
0x15: {  	[smem:$0x3FB1] =	sst s0;
	s0 =	simm.s32 @!p2 $0x0  }
0x16: {  	s3 =	sld [smem:$0x3FDB];
	s0 =	simm.s32 @p2 $0x1  }
0x17: {  	s4 =	simm.s32 $0x1BF5;
	[smem:$0x3FB3] =	sst s0  }
0x18: {  	s0 =	sld [smem:$0x3F96];
	_ =	swait.ge [sflag:s4], $0x0  }
0x19: {  	s7 =	sld [smem:$0x3F97]  }
0x1a: {  	s8 =	sadd.s32 $0xFFFFE003, lr  }
0x1b: {  	s9 =	sadd.s32 $0xFFFFFEF7, lr;
	s5 =	simm.s32 $0xFFFFFFFF;
	p2 =	slt.u32 s8, $0xFFFFF086  }
0x1c: {  	p1 =	slt.u32 s9, $0xF7A;
	s5 =	simm.s32 @!p2 $0x0  }
0x1d: {  	s5 =	simm.s32 @p1 $0x1;
	p0 =	seq.s32 s7, s2  }
0x1e: {  	s7 =	smul.u32 @!p0 $0xF7A, s2;
	p2 =	seq.s32 @!p0 s5, $0x0  }
0x1f: {  	s9 =	smul.u32 $0xF7A, s1;
	s8 =	simm.s32 @!p0 $0x1BF5;
	p2 =	por !p2, p0  }
0x20: {  	[sflag:s8] =	ssyncset.s32 @!p0 $0xFFFFF086;
	s6 =	sadd.s32 @!p0 s3, s7;
	s7 =	simm.s32 @!p0 $0x108  }
0x21: {  	s3 =	sadd.s32 s3, s9;
	s6 =	sadd.s32 @!p0 $0x88, s6;
	s7 =	simm.s32 @p2 $0x1082  }
0x22: {  	[simem:s7], [sflag:s8] =	dma.local @!p0 [hbm:s6], $0xF7A  }
0x23: {  	s9 =	sor.u32 $0xD0000000, s2;
	s6 =	simm.s32 $0x108;
	_ =	swait.ge @!p0 [sflag:s8], $0x0  }
0x24: {  	s3 =	sadd.s32 $0x88, s3;
	s6 =	simm.s32 @!p1 $0x1082;
	[sflag:s4] =	ssyncset.s32 $0xFFFFF086  }
0x25: {  	[simem:s6], [sflag:s4] =	dma.local [hbm:s3], $0xF7A  }
0x26: {  	[smem:$0x3F97] =	sst s1;
	(tag) =	ssettag s2;
	_ =	strace s9  }
0x27: {  	s1 =	sld [smem:$0x3FA7]  }
0x28: {  	s2 =	sld [smem:$0x3FA8]  }
0x29: {  	s4 =	sld [smem:$0x3FAA]  }
0x2a: {  	p0 =	seq.s32 s5, $0x0;
	s5 =	sld [smem:$0x3FAB]  }
0x2b: {  	s6 =	sld [smem:$0x3FAC]  }
0x2c: {  	s7 =	sld [smem:$0x3FAD]  }
0x2d: {  	s3 =	simm.s32 $0x108;
	s8 =	sld [smem:$0x3FAE]  }
0x2e: {  	s3 =	simm.s32 @!p0 $0x1082;
	s9 =	sld [smem:$0x3FAF]  }
0x2f: {  	lr =	sadd.s32 s0, s3;
	s0 =	sld [smem:$0x3FA6]  }
0x30: {  	s3 =	sld [smem:$0x3FA9]  }
0x31: {  	[smem:$0x3FB2] =	sst s10  }
0x32: {  	s10 =	sld [smem:$0x3FB0];
	_ =	sdelay $0x3  }
0x33: {  	p0 =	seq.s32 s10, $0x1;
	s10 =	sld [smem:$0x3FB2];
	_ =	sdelay $0x3  }
0x34: {  	[smem:$0x3FB2] =	sst s10  }
0x35: {  	s10 =	sld [smem:$0x3FB1];
	_ =	sdelay $0x3  }
0x36: {  	p1 =	seq.s32 s10, $0x1;
	s10 =	sld [smem:$0x3FB2];
	_ =	sdelay $0x3  }
0x37: {  	[smem:$0x3FB2] =	sst s10  }
0x38: {  	s10 =	sld [smem:$0x3FB3]  }
0x39: {  	_ = 	snop;
	(pc) =	sbr.ind lr, $3  }
0x3a: {  	_ = 	snop  }
0x3b: {  	_ = 	snop  }
0x3c: {  	p2 =	seq.s32 s10, $0x1;
	s10 =	sld [smem:$0x3FB2]  }
0x3d: {  	_ =	shalt  }
0x3e: {  	_ =	shalt  }
0x3f: {  	_ =	shalt  }
0x40: {  	_ =	shalt  }
0x41: {  	_ =	shalt  }
0x42: {  	_ =	shalt  }
0x43: {  	_ =	shalt  }
0x44: {  	_ =	shalt  }
0x45: {  	_ =	shalt  }
0x46: {  	_ =	shalt  }
0x47: {  	_ =	shalt  }
0x48: {  	_ =	shalt  }
0x49: {  	_ =	shalt  }
0x4a: {  	_ =	shalt  }
0x4b: {  	_ =	shalt  }
0x4c: {  	_ =	shalt  }
0x4d: {  	_ =	shalt  }
0x4e: {  	_ =	shalt  }
0x4f: {  	_ =	shalt  }
0x50: {  	_ =	shalt  }
0x51: {  	_ =	shalt  }
0x52: {  	_ =	shalt  }
0x53: {  	_ =	shalt  }
0x54: {  	_ =	shalt  }
0x55: {  	_ =	shalt  }
0x56: {  	_ =	shalt  }
0x57: {  	_ =	shalt  }
0x58: {  	_ =	shalt  }
0x59: {  	_ =	shalt  }
0x5a: {  	_ =	shalt  }
0x5b: {  	_ =	shalt  }
0x5c: {  	_ =	shalt  }
0x5d: {  	_ =	shalt  }
0x5e: {  	_ =	shalt  }
0x5f: {  	_ =	shalt  }
0x60: {  	_ =	shalt  }
0x61: {  	_ =	shalt  }
0x62: {  	_ =	shalt  }
0x63: {  	_ =	shalt  }
0x64: {  	_ =	shalt  }
0x65: {  	_ =	shalt  }
0x66: {  	_ =	shalt  }
0x67: {  	_ =	shalt  }
0x68: {  	_ =	shalt  }
0x69: {  	_ =	shalt  }
0x6a: {  	_ =	shalt  }
0x6b: {  	_ =	shalt  }
0x6c: {  	_ =	shalt  }
0x6d: {  	_ =	shalt  }
0x6e: {  	_ =	shalt  }
0x6f: {  	_ =	shalt  }
0x70: {  	_ =	shalt  }
0x71: {  	_ =	shalt  }
0x72: {  	_ =	shalt  }
0x73: {  	_ =	shalt  }
0x74: {  	_ =	shalt  }
0x75: {  	_ =	shalt  }
0x76: {  	_ =	shalt  }
0x77: {  	_ =	shalt  }
0x78: {  	_ =	shalt  }
0x79: {  	_ =	shalt  }
0x7a: {  	_ =	shalt  }
0x7b: {  	_ =	shalt  }
0x7c: {  	_ =	shalt  }
0x7d: {  	_ =	shalt  }
0x7e: {  	_ =	shalt  }
0x7f: {  	_ =	shalt  }
0x80: {  	_ =	shalt  }
0x81: {  	_ =	shalt  }
0x82: {  	_ =	shalt  }
0x83: {  	_ =	shalt  }
0x84: {  	_ =	shalt  }
0x85: {  	_ =	shalt  }
0x86: {  	_ =	shalt  }
0x87: {  	_ =	shalt  }
.Lfunc_end0:
.L_simem_size_0:
called_computation_lowered:
.L_overlay_start_0:
0x88: {  	s2 =	sld [smem:$0x3FD9]  }
0x89: {  	s3 =	sld [smem:$0x3FFE];
	_ =	sdelay $0x1  }
0x8a: {  	s1 =	srdreg.scid  }
0x8b: {  	s0 =	sand.u32 $0x1, s1  }
0x8c: {  	s18 =	sshll.u32 s0, $0xA;
	s2 =	sadd.s32 s3, s2  }
0x8d: {  	s2 =	sadd.s32 s2, s18  }
0x8e: {  	[smem:$0x3FBE] =	sst s2  }
0x8f: {  	_ = 	snop  }
0x90: {  	s2 =	sld [smem:$0x3FC9]  }
0x91: {  	s19 =	sld [smem:$0x3FC8]  }
0x92: {  	s4 =	sld [smem:$0x3FC6]  }
0x93: {  	s5 =	sld [smem:$0x3FC5]  }
0x94: {  	s6 =	sld [smem:$0x3FC4]  }
0x95: {  	s7 =	sld [smem:$0x3FD0];
	(tm) =	ssettm $0x1  }
0x96: {  	s8 =	sld [smem:$0x3FFB];
	_ =	sdelay $0x3  }
0x97: {  	_ =	strace s8  }
0x98: {  	s8 =	sld [smem:$0x3FFC];
	_ =	sdelay $0x3  }
0x99: {  	_ =	strace s8  }
0x9a: {  	s8 =	sld [smem:$0x3FFD];
	_ =	sdelay $0x3  }
0x9b: {  	_ =	strace s8  }
0x9c: {  	_ =	strace $0x8FFFFFFF  }
0x9d: {  	s20 =	sld [smem:$0x3FDB];
	_ =	sdelay $0x1  }
0x9e: {  	s9 =	simm.s32 $_scs_section_size  }
0x9f: {  	s10 =	simm.s32 $_size__tile_overlayer_lowered;
	s11 =	simm.s32 $_tile_overlayer_lowered  }
0xa0: {  	s23 =	simm.s32 $0x1BFF;
	s22 =	sshll.u32 s11, $0x1;
	s8 =	sadd.s32 s9, s20  }
0xa1: {  	s12 =	simm.s32 $0x0;
	s21 =	sshll.u32 s10, $0x1;
	s10 =	sadd.s32 s22, s8  }
0xa2: {  	[timem:s12], [sflag:s23] =	dma.local [hbm:s10], s21  }
0xa3: {  	_ =	swait.ge [sflag:s23], s21  }
0xa4: {  	s9 =	ssub.s32 $0x0, s21;
	[sflag:s23] =	ssyncset.done $0x0  }
0xa5: {  	[sflag:s23] =	ssyncadd.s32 s9;
	_ =	sdelay $0x1  }
0xa6: {  	s24 =	simm.s32 $0x1B8B  }
0xa7: {  	_ =	swait.ge [sflag:s24], $0x1  }
0xa8: {  	[sflag:s24] =	ssyncset.done $0x0  }
0xa9: {  	s25 =	simm.s32 $0x1B8E;
	[sflag:s24] =	ssyncadd.s32 $0xFFFFFFFF  }
0xaa: {  	s26 =	simm.s32 $execute0_lowered;
	[smem:$0x3FD2] =	sst s25  }
0xab: {  	s9 =	sshll.u32 s26, $0x1;
	_ =	strace $0x80000046;
	[dreg:$0x1] =	wrdreg $0xFFFFFFFF  }
0xac: {  	s28 =	simm.s32 $_size_execute0_lowered;
	s8 =	sadd.s32 s8, s9;
	[dreg:$0x0] =	wrdreg $0x0  }
0xad: {  	s9 =	sshll.u32 s28, $0x1;
	[dreg:$0x2] =	wrdreg s8  }
0xae: {  	[dreg:$0x3] =	wrdreg s9  }
0xaf: {  	[dreg:$0x4] =	wrdreg $0xC0  }
0xb0: {  	_ =	task [dreg:s12], $0x5FFFF  }
0xb1: {  	[dreg:$0x1] =	wrdreg $0xFFFFFFFF  }
0xb2: {  	[dreg:$0x0] =	wrdreg $0x60  }
0xb3: {  	[dreg:$0x2] =	wrdreg s2  }
0xb4: {  	[dreg:$0x3] =	wrdreg s19  }
0xb5: {  	[dreg:$0x4] =	wrdreg s4  }
0xb6: {  	[dreg:$0x5] =	wrdreg s5  }
0xb7: {  	[dreg:$0x6] =	wrdreg s6  }
0xb8: {  	[dreg:$0x7] =	wrdreg s7  }
0xb9: {  	[dreg:$0x8] =	wrdreg $0x9  }
0xba: {  	_ =	task.clear_ibuf [dreg:s12], $0x9FFFF;
	_ =	strace $0x90000046  }
0xbb: {  	s29 =	simm.s32 $0x9;
	_ =	strace $0x80000048  }
0xbc: {  	_ =	swait.ge [sflag:s29], $0x1  }
0xbd: {  	[sflag:s29] =	ssyncadd.s32 $0xFFFFFFFF  }
0xbe: {  	_ =	strace $0x90000048  }
0xbf: {  	_ =	sfence  }
0xc0: {  	s30 =	sld [smem:$0x0];
	_ =	sdelay $0x2  }
0xc1: {  	s31 =	sshll.u32 s1, $0xD;
	s1 =	sshrl.u32 s1, $0x2  }
0xc2: {  	s3 =	sand.u32 $0x4000, s31;
	s1 =	sadd.s32 s1, s30  }
0xc3: {  	s0 =	sor.u32 s3, s0;
	s1 =	sshll.u32 s1, $0x11  }
0xc4: {  	s0 =	sor.u32 s1, s0  }
0xc5: {  	s0 =	sadd.s32 $0x8F2B, s0  }
0xc6: {  	[sflag:s0] =	ssyncadd.remote.s32 $0x1  }
0xc7: {  	_ =	sfence.sel $0xFFFF  }
0xc8: {  	[dreg:$0x0] =	wrdreg $0xFFFFFFFF;
	(pc) =	sbr.abs _section_cstart, $3  }
0xc9: {  	[dreg:$0x1] =	wrdreg $0xFFFFFFFF  }
0xca: {  	_ =	task.clear_ibuf [dreg:s12], $0x2FFFF;
	_ =	strace $0x9FFFFFFF  }
0xcb: {  	(tm) =	ssettm $0x7FFFFFFF  }
tec
execute0_lowered:
.L_overlay_start_1:
0x0: {  	(tag) =	ssettag $0x1  }
0x1: {  	s6 =	rddreg [dreg:$0x0]  }
0x2: {  	s7 =	rddreg [dreg:$0x1]  }
0x3: {  	s1 =	rddreg [dreg:$0x2]  }
0x4: {  	s2 =	rddreg [dreg:$0x3];
	v0 =	vlaneseq.u32  }
0x5: {  	s3 =	rddreg [dreg:$0x4];
	s5 =	simm.s32 $0x0;
	v24 =	vmul.u32 $0x10, v0  }
0x6: {  	[smem:$0x7FF] =	sst s5  }
0x7: {  	s8 =	rddreg [dreg:$0x5];
	_ =	strace $0x80000047;
	v25 =	vor.u32 $0x1, v24;
	[tilespmem:$0x1FF00] =	vst v24  }
0x8: {  	v26 =	vor.u32 $0x2, v24;
	[tilespmem:$0x1FF10] =	vst v25  }
0x9: {  	v27 =	vor.u32 $0x3, v24;
	[tilespmem:$0x1FF20] =	vst v26  }
0xa: {  	v28 =	vor.u32 $0x4, v24;
	[tilespmem:$0x1FF30] =	vst v27  }
0xb: {  	v29 =	vor.u32 $0x5, v24;
	[tilespmem:$0x1FF40] =	vst v28  }
0xc: {  	s9 =	srdreg.scid;
	s4 =	stileid.u32;
	v30 =	vor.u32 $0x6, v24;
	[tilespmem:$0x1FF50] =	vst v29  }
0xd: {  	s13 =	simm.s32 $0x80;
	s14 =	simm.s32 $0x400;
	s15 =	simm.s32 $0x4400;
	v31 =	vor.u32 $0x7, v24;
	[tilespmem:$0x1FF60] =	vst v30  }
0xe: {  	s16 =	simm.s32 $0x8400;
	s17 =	simm.s32 $0x280;
	s18 =	simm.s32 $0xC400;
	v32 =	vor.u32 $0x8, v24;
	[tilespmem:$0x1FF70] =	vst v31  }
0xf: {  	s19 =	simm.s32 $0x2;
	s20 =	simm.s32 $0x3;
	s21 =	simm.s32 $0x10480;
	v33 =	vor.u32 $0x9, v24;
	[tilespmem:$0x1FF80] =	vst v32  }
0x10: {  	s22 =	simm.s32 $0x4;
	s23 =	simm.s32 $0x180;
	s24 =	simm.s32 $0x380;
	v34 =	vor.u32 $0xA, v24;
	[tilespmem:$0x1FF90] =	vst v33  }
0x11: {  	s25 =	simm.s32 $0x10580;
	s26 =	simm.s32 $0x5;
	s9 =	sand.u32 $0x1, s9;
	v35 =	vor.u32 $0xB, v24;
	[tilespmem:$0x1FFA0] =	vst v34  }
.Ltmp0:
0x12: {  	s28 =	simm.s32 $0x0;
	s10 =	ssub.s32 $0x2, s9;
	v36 =	vor.u32 $0xC, v24;
	[tilespmem:$0x1FFB0] =	vst v35;
	(pc) =	sbr.rel .LBB2_1-.Ltmp0, $4  }
0x13: {  	s11 =	sshll.u32 s4, $0x7;
	s9 =	sshll.u32 s9, $0x6;
	s12 =	sshrl.u32 s10, $0x1;
	v37 =	vor.u32 $0xD, v24;
	[tilespmem:$0x1FFC0] =	vst v36  }
0x14: {  	s9 =	sor.u32 s9, s11;
	s11 =	simm.s32 $0x10400;
	v38 =	vor.u32 $0xE, v24;
	s10 =	ssub.s32 s10, s12;
	[tilespmem:$0x1FFD0] =	vst v37  }
0x15: {  	v39 =	vor.u32 $0xF, v24;
	s6 =	sadd.s32 s6, s9;
	s7 =	sadd.s32 s7, s9;
	s8 =	sadd.s32 s8, s9;
	[tilespmem:$0x1FFE0] =	vst v38  }
0x16: {  	s12 =	simm.s32 $0x1;
	[tilespmem:$0x1FFF0] =	vst v39;
	s9 =	smax.u32 s10, $0x1;
	s10 =	simm.s32 $0x200  }
.LBB2_8:
0x17: {  	s28 =	sadd.s32 $0x1, s28  }
0x18: {  	p0 =	sne.s32 s28, s9  }
.Ltmp1:
0x19: {  	_ = 	snop;
	(pc) =	sbr.rel @!p0 .LBB2_9-.Ltmp1, $4  }
0x1a: {  	[hbm4b:s8+s5] =	stream.linear.scatter [tilespmem:s25], [sflag:$0x5], $0x200, $0x38;
	[tilespmem:$0x10780] =	vst v63  }
0x1b: {  	_ =	swait.ge [sflag:s26], $0x200  }
0x1c: {  	[sflag:s26] =	ssyncset.done $0x0  }
0x1d: {  	[sflag:s26] =	ssyncadd.s32 $0xFFFFFE00  }
.LBB2_1:
0x1e: {  	[tilespmem:s5], [sflag:$0x1] =	stream.linear.gather [hbm4b:s6+s5], $0x200, $0x38;
	[tilespmem:$0x10780] =	vst v63  }
0x1f: {  	_ = 	snop  }
0x20: {  	[tilespmem:s10], [sflag:$0x1] =	stream.linear.gather [hbm4b:s7+s5], $0x200, $0x38;
	[tilespmem:$0x10780] =	vst v63  }
0x21: {  	_ = 	snop  }
0x22: {  	[tilespmem:s11], [sflag:$0x2] =	stream.linear.gather [hbm4b:s3+s5], $0x80, $0x38;
	[tilespmem:$0x10780] =	vst v63  }
0x23: {  	_ =	swait.ge [sflag:s12], $0x200  }
0x24: {  	[sflag:s12] =	ssyncset.done $0x0  }
0x25: {  	[sflag:s12] =	ssyncadd.s32 $0xFFFFFE00  }
0x26: {  	_ =	swait.ge [sflag:s12], $0x200  }
0x27: {  	[sflag:s12] =	ssyncset.done $0x0  }
0x28: {  	[sflag:s12] =	ssyncadd.s32 $0xFFFFFE00  }
0x29: {  	[tilespmem:s14], [sflag:$0x3] =	stream.indirect.gather [hbm4b:s1+s13], $0x80, s5, s13, $0xb8;
	[tilespmem:$0x10780] =	vst v63  }
0x2a: {  	_ = 	snop  }
0x2b: {  	[tilespmem:s15], [sflag:$0x3] =	stream.indirect.gather [hbm4b:s2+s13], $0x80, s10, s13, $0xb8;
	[tilespmem:$0x10780] =	vst v63  }
0x2c: {  	_ = 	snop  }
0x2d: {  	[tilespmem:s16], [sflag:$0x4] =	stream.indirect.gather [hbm4b:s1+s13], $0x80, s13, s13, $0xb8;
	[tilespmem:$0x10780] =	vst v63  }
0x2e: {  	_ = 	snop  }
0x2f: {  	[tilespmem:s18], [sflag:$0x4] =	stream.indirect.gather [hbm4b:s2+s13], $0x80, s17, s13, $0xb8;
	[tilespmem:$0x10780] =	vst v63  }
0x30: {  	_ =	swait.ge [sflag:s19], $0x80  }
0x31: {  	[sflag:s19] =	ssyncset.done $0x0  }
0x32: {  	[sflag:s19] =	ssyncadd.s32 $0xFFFFFF80  }
0x33: {  	v16 =	vld [tilespmem:$0x10400]  }
0x34: {  	v17 =	vld [tilespmem:$0x10410]  }
0x35: {  	v18 =	vld [tilespmem:$0x10420]  }
0x36: {  	v19 =	vld [tilespmem:$0x10430]  }
0x37: {  	v20 =	vld [tilespmem:$0x10440]  }
0x38: {  	v21 =	vld [tilespmem:$0x10450]  }
0x39: {  	v22 =	vld [tilespmem:$0x10460]  }
0x3a: {  	p0 =	por $0x1, $0x1;
	s29 =	simm.s32 $0x0;
	v23 =	vld [tilespmem:$0x10470]  }
.LBB2_2:
0x3b: {  	_ =	swait.ge [sflag:s20], $0x4000  }
0x3c: {  	[sflag:s20] =	ssyncset.done $0x0  }
0x3d: {  	s29 =	sshra.s32 s29, $0x2;
	[sflag:s20] =	ssyncadd.s32 $0xFFFFC000  }
0x3e: {  	s31 =	sadd.s32 $0x10580, s29;
	_ =	swait.ge [sflag:s20], $0x4000  }
0x3f: {  	v0 =	vmov s31;
	[sflag:s20] =	ssyncset.done $0x0  }
0x40: {  	s30 =	simm.s32 $0x0;
	[tilespmem:$0x1FEF0] =	vst v0;
	[sflag:s20] =	ssyncadd.s32 $0xFFFFC000  }
.LBB2_3:
0x41: {  	s31 =	sshll.u32 s30, $0xB  }
0x42: {  	v25 =	vld [tilespmem:s31+$0x400]  }
0x43: {  	v26 =	vld [tilespmem:s31+$0x4400]  }
0x44: {  	v27 =	vld [tilespmem:s31+$0x480]  }
0x45: {  	v28 =	vld [tilespmem:s31+$0x4480]  }
0x46: {  	v29 =	vld [tilespmem:s31+$0x500]  }
0x47: {  	v30 =	vld [tilespmem:s31+$0x4500]  }
0x48: {  	v31 =	vld [tilespmem:s31+$0x580]  }
0x49: {  	v32 =	vld [tilespmem:s31+$0x4580]  }
0x4a: {  	v33 =	vld [tilespmem:s31+$0x600]  }
0x4b: {  	v34 =	vld [tilespmem:s31+$0x4600]  }
0x4c: {  	v35 =	vld [tilespmem:s31+$0x680]  }
0x4d: {  	v36 =	vld [tilespmem:s31+$0x4680]  }
0x4e: {  	v37 =	vld [tilespmem:s31+$0x700]  }
0x4f: {  	v38 =	vld [tilespmem:s31+$0x4700]  }
0x50: {  	v39 =	vld [tilespmem:s31+$0x780]  }
0x51: {  	v40 =	vld [tilespmem:s31+$0x4780]  }
0x52: {  	v41 =	vld [tilespmem:s31+$0x410]  }
0x53: {  	v42 =	vld [tilespmem:s31+$0x4410]  }
0x54: {  	v43 =	vld [tilespmem:s31+$0x490]  }
0x55: {  	v44 =	vld [tilespmem:s31+$0x4490]  }
0x56: {  	v45 =	vld [tilespmem:s31+$0x510]  }
0x57: {  	v46 =	vld [tilespmem:s31+$0x4510]  }
0x58: {  	v47 =	vld [tilespmem:s31+$0x590]  }
0x59: {  	v48 =	vld [tilespmem:s31+$0x4590]  }
0x5a: {  	v49 =	vld [tilespmem:s31+$0x610]  }
0x5b: {  	v50 =	vld [tilespmem:s31+$0x4610]  }
0x5c: {  	v51 =	vld [tilespmem:s31+$0x690]  }
0x5d: {  	v52 =	vld [tilespmem:s31+$0x4690]  }
0x5e: {  	v53 =	vld [tilespmem:s31+$0x710]  }
0x5f: {  	v54 =	vld [tilespmem:s31+$0x4710]  }
0x60: {  	v55 =	vld [tilespmem:s31+$0x790]  }
0x61: {  	v56 =	vld [tilespmem:s31+$0x4790]  }
0x62: {  	v57 =	vld [tilespmem:s31+$0x420]  }
0x63: {  	v58 =	vld [tilespmem:s31+$0x4420]  }
0x64: {  	v59 =	vld [tilespmem:s31+$0x4A0]  }
0x65: {  	v60 =	vld [tilespmem:s31+$0x44A0]  }
0x66: {  	v61 =	vld [tilespmem:s31+$0x520]  }
0x67: {  	v62 =	vld [tilespmem:s31+$0x4520]  }
0x68: {  	v63 =	vld [tilespmem:s31+$0x5A0]  }
0x69: {  	v0 =	vld [tilespmem:s31+$0x45A0]  }
0x6a: {  	v1 =	vld [tilespmem:s31+$0x620]  }
0x6b: {  	v15 =	vld [tilespmem:s31+$0x5B0]  }
0x6c: {  	v2 =	vld [tilespmem:s31+$0x4620]  }
0x6d: {  	v3 =	vld [tilespmem:s31+$0x6A0]  }
0x6e: {  	v4 =	vld [tilespmem:s31+$0x46A0]  }
0x6f: {  	v5 =	vld [tilespmem:s31+$0x720]  }
0x70: {  	[tilespmem:$0x1FD00] =	vst v15;
	v15 =	vld [tilespmem:s31+$0x630]  }
0x71: {  	v6 =	vld [tilespmem:s31+$0x4720]  }
0x72: {  	v7 =	vld [tilespmem:s31+$0x7A0]  }
0x73: {  	v8 =	vld [tilespmem:s31+$0x47A0]  }
0x74: {  	v9 =	vld [tilespmem:s31+$0x430]  }
0x75: {  	[tilespmem:$0x1FD10] =	vst v15;
	v15 =	vld [tilespmem:s31+$0x4630]  }
0x76: {  	v10 =	vld [tilespmem:s31+$0x4430]  }
0x77: {  	v11 =	vld [tilespmem:s31+$0x4B0]  }
0x78: {  	v12 =	vld [tilespmem:s31+$0x44B0]  }
0x79: {  	v13 =	vld [tilespmem:s31+$0x530]  }
0x7a: {  	[tilespmem:$0x1FD20] =	vst v15;
	v15 =	vld [tilespmem:s31+$0x6B0]  }
0x7b: {  	v14 =	vld [tilespmem:s31+$0x4530]  }
0x7c: {  	v24 =	vld [tilespmem:s31+$0x45B0]  }
0x7d: {  	v25 =	vmul.f32 v26, v25;
	v26 =	vmul.f32 v28, v27;
	v27 =	vld [tilespmem:s31+$0x5C0]  }
0x7e: {  	v28 =	vmul.f32 v30, v29;
	v30 =	vld [tilespmem:s31+$0x45C0]  }
0x7f: {  	[tilespmem:$0x1FD30] =	vst v15;
	v15 =	vld [tilespmem:s31+$0x46B0]  }
0x80: {  	v29 =	vmul.f32 v32, v31;
	v31 =	vmul.f32 v34, v33;
	v33 =	vld [tilespmem:s31+$0x640]  }
0x81: {  	v32 =	vmul.f32 v36, v35;
	v36 =	vld [tilespmem:s31+$0x4640]  }
0x82: {  	v35 =	vmul.f32 v40, v39;
	v39 =	vld [tilespmem:s31+$0x6C0]  }
0x83: {  	v34 =	vmul.f32 v38, v37;
	v37 =	vmul.f32 v42, v41;
	v42 =	vld [tilespmem:s31+$0x46C0]  }
0x84: {  	[tilespmem:$0x1FD40] =	vst v15;
	v15 =	vld [tilespmem:s31+$0x730]  }
0x85: {  	v38 =	vmul.f32 v44, v43;
	v44 =	vld [tilespmem:s31+$0x740]  }
0x86: {  	v40 =	vmul.f32 v46, v45;
	v46 =	vld [tilespmem:s31+$0x4740]  }
0x87: {  	v41 =	vmul.f32 v48, v47;
	v48 =	vld [tilespmem:s31+$0x7C0]  }
0x88: {  	v43 =	vmul.f32 v50, v49;
	v50 =	vld [tilespmem:s31+$0x47C0]  }
0x89: {  	[tilespmem:$0x1FD50] =	vst v15;
	v15 =	vld [tilespmem:s31+$0x4730]  }
0x8a: {  	v45 =	vmul.f32 v52, v51;
	v52 =	vld [tilespmem:s31+$0x450]  }
0x8b: {  	v47 =	vmul.f32 v54, v53;
	v54 =	vld [tilespmem:s31+$0x4450]  }
0x8c: {  	v49 =	vmul.f32 v56, v55;
	v55 =	vld [tilespmem:s31+$0x4D0]  }
0x8d: {  	v56 =	vld [tilespmem:s31+$0x45D0]  }
0x8e: {  	[tilespmem:$0x1FD60] =	vst v15;
	v15 =	vld [tilespmem:s31+$0x7B0]  }
0x8f: {  	v1 =	vmul.f32 v2, v1;
	v2 =	vld [tilespmem:s31+$0x4650]  }
0x90: {  	v3 =	vmul.f32 v4, v3;
	v4 =	vld [tilespmem:s31+$0x6D0]  }
0x91: {  	v5 =	vmul.f32 v6, v5;
	v6 =	vld [tilespmem:s31+$0x46D0]  }
0x92: {  	v7 =	vmul.f32 v8, v7;
	v8 =	vld [tilespmem:s31+$0x750]  }
0x93: {  	[tilespmem:$0x1FD70] =	vst v15;
	v15 =	vld [tilespmem:s31+$0x47B0]  }
0x94: {  	v9 =	vmul.f32 v10, v9;
	v10 =	vld [tilespmem:s31+$0x4750]  }
0x95: {  	v11 =	vmul.f32 v12, v11;
	v12 =	vld [tilespmem:s31+$0x7D0]  }
0x96: {  	v51 =	vmul.f32 v58, v57;
	v13 =	vmul.f32 v14, v13;
	v14 =	vld [tilespmem:s31+$0x47D0]  }
0x97: {  	v53 =	vmul.f32 v60, v59;
	v57 =	vmul.f32 v40, v17;
	v40 =	vld [tilespmem:s31+$0x44D0]  }
0x98: {  	v61 =	vmul.f32 v62, v61;
	v26 =	vmul.f32 v26, v16;
	[tilespmem:$0x1FD80] =	vst v15;
	v15 =	vld [tilespmem:s31+$0x440]  }
0x99: {  	v38 =	vmul.f32 v38, v17;
	v58 =	vmul.f32 v41, v17;
	v41 =	vld [tilespmem:s31+$0x550]  }
0x9a: {  	v59 =	vmul.f32 v43, v17;
	v43 =	vmul.f32 v45, v17;
	v45 =	vld [tilespmem:s31+$0x4550]  }
0x9b: {  	v31 =	vmul.f32 v31, v16;
	v62 =	vmul.f32 v53, v18;
	v53 =	vld [tilespmem:s31+$0x650]  }
0x9c: {  	v26 =	vadd.f32 v38, v26;
	v38 =	vmul.f32 v47, v17;
	v47 =	vmul.f32 v49, v17;
	v49 =	vld [tilespmem:s31+$0x5D0]  }
0x9d: {  	v25 =	vmul.f32 v25, v16;
	v37 =	vmul.f32 v37, v17;
	[tilespmem:$0x1FD90] =	vst v15;
	v15 =	vld [tilespmem:s31+$0x4440]  }
0x9e: {  	v1 =	vmul.f32 v1, v18;
	v31 =	vadd.f32 v59, v31;
	v27 =	vmul.f32 v30, v27;
	v30 =	vld [tilespmem:s31+$0x660]  }
0x9f: {  	v34 =	vmul.f32 v34, v16;
	v25 =	vadd.f32 v37, v25;
	v37 =	vld [tilespmem:$0x1FD10]  }
0xa0: {  	v35 =	vmul.f32 v35, v16;
	v1 =	vadd.f32 v1, v31;
	v31 =	vld [tilespmem:s31+$0x4460]  }
0xa1: {  	v5 =	vmul.f32 v5, v18;
	v34 =	vadd.f32 v38, v34;
	v2 =	vmul.f32 v2, v53;
	v53 =	vld [tilespmem:s31+$0x5F0]  }
0xa2: {  	[tilespmem:$0x1FDA0] =	vst v15;
	v15 =	vld [tilespmem:s31+$0x4C0]  }
0xa3: {  	v7 =	vmul.f32 v7, v18;
	v35 =	vadd.f32 v47, v35;
	v5 =	vadd.f32 v5, v34;
	v34 =	vld [tilespmem:s31+$0x4E0]  }
0xa4: {  	v32 =	vmul.f32 v32, v16;
	v38 =	vld [tilespmem:$0x1FD20]  }
0xa5: {  	v0 =	vmul.f32 v0, v63;
	v29 =	vmul.f32 v29, v16;
	v7 =	vadd.f32 v7, v35;
	v35 =	vld [tilespmem:s31+$0x44E0]  }
0xa6: {  	v32 =	vadd.f32 v43, v32;
	v43 =	vld [tilespmem:$0x1FD30]  }
0xa7: {  	v0 =	vmul.f32 v0, v18;
	v29 =	vadd.f32 v58, v29;
	[tilespmem:$0x1FDB0] =	vst v15;
	v15 =	vld [tilespmem:s31+$0x44C0]  }
0xa8: {  	v47 =	vld [tilespmem:$0x1FD40]  }
0xa9: {  	v0 =	vadd.f32 v0, v29;
	v29 =	vmul.f32 v38, v37;
	v37 =	vld [tilespmem:s31+$0x560]  }
0xaa: {  	v38 =	vld [tilespmem:s31+$0x4560]  }
0xab: {  	v60 =	vmul.f32 v51, v18;
	v3 =	vmul.f32 v3, v18;
	v51 =	vld [tilespmem:$0x1FD50]  }
0xac: {  	v28 =	vmul.f32 v28, v16;
	[tilespmem:$0x1FDC0] =	vst v15;
	v15 =	vld [tilespmem:s31+$0x540]  }
0xad: {  	v3 =	vadd.f32 v3, v32;
	v32 =	vmul.f32 v47, v43;
	v43 =	vld [tilespmem:s31+$0x5E0]  }
0xae: {  	v28 =	vadd.f32 v57, v28;
	v57 =	vld [tilespmem:$0x1FD60]  }
0xaf: {  	v58 =	vld [tilespmem:$0x1FD70]  }
0xb0: {  	v63 =	vmul.f32 v61, v18;
	v9 =	vmul.f32 v9, v19;
	v59 =	vld [tilespmem:$0x1FD80]  }
0xb1: {  	v11 =	vmul.f32 v11, v19;
	v13 =	vmul.f32 v13, v19;
	[tilespmem:$0x1FDD0] =	vst v15;
	v15 =	vld [tilespmem:s31+$0x4540]  }
0xb2: {  	v44 =	vmul.f32 v46, v44;
	v4 =	vmul.f32 v6, v4;
	v61 =	vld [tilespmem:$0x1FD90]  }
0xb3: {  	v8 =	vmul.f32 v10, v8;
	v25 =	vadd.f32 v60, v25;
	v26 =	vadd.f32 v62, v26;
	v62 =	vld [tilespmem:$0x1FDA0]  }
0xb4: {  	v12 =	vmul.f32 v14, v12;
	v28 =	vadd.f32 v63, v28;
	v4 =	vmul.f32 v4, v21;
	v63 =	vld [tilespmem:$0x1FDB0]  }
0xb5: {  	v9 =	vadd.f32 v9, v25;
	v25 =	vmul.f32 v29, v19;
	v29 =	vmul.f32 v57, v51;
	v57 =	vld [tilespmem:$0x1FDD0]  }
0xb6: {  	v8 =	vmul.f32 v8, v21;
	v11 =	vadd.f32 v11, v26;
	v26 =	vmul.f32 v32, v19;
	[tilespmem:$0x1FDE0] =	vst v15;
	v15 =	vld [tilespmem:$0x1FD00]  }
0xb7: {  	v60 =	vmul.f32 v29, v19;
	v32 =	vmul.f32 v59, v58;
	v58 =	vld [tilespmem:$0x1FDE0]  }
0xb8: {  	v29 =	vmul.f32 v62, v61;
	v61 =	vmul.f32 v36, v33;
	v33 =	vld [tilespmem:s31+$0x6E0]  }
0xb9: {  	v12 =	vmul.f32 v12, v21;
	v13 =	vadd.f32 v13, v28;
	v62 =	vmul.f32 v42, v39;
	v36 =	vld [tilespmem:s31+$0x46E0]  }
0xba: {  	v2 =	vmul.f32 v2, v21;
	v1 =	vadd.f32 v25, v1;
	v51 =	vmul.f32 v29, v20;
	v47 =	vld [tilespmem:$0x1FDC0]  }
0xbb: {  	v3 =	vadd.f32 v26, v3;
	v39 =	vld [tilespmem:s31+$0x760];
	v46 =	vmul.f32 v62, v20;
	v15 =	vmul.f32 v24, v15  }
0xbc: {  	v9 =	vadd.f32 v51, v9;
	v51 =	vmul.f32 v50, v48;
	v24 =	vld [tilespmem:s31+$0x460];
	v29 =	vmul.f32 v58, v57  }
0xbd: {  	v5 =	vadd.f32 v60, v5;
	v42 =	vld [tilespmem:s31+$0x4760];
	v57 =	vmul.f32 v44, v20;
	v15 =	vmul.f32 v15, v19  }
0xbe: {  	v3 =	vadd.f32 v46, v3;
	v48 =	vld [tilespmem:s31+$0x4470];
	v58 =	vmul.f32 v54, v52;
	v60 =	vmul.f32 v29, v20  }
0xbf: {  	v50 =	vld [tilespmem:s31+$0x44F0];
	v0 =	vadd.f32 v15, v0;
	v15 =	vmul.f32 v32, v19;
	v32 =	vmul.f32 v47, v63  }
0xc0: {  	v3 =	vadd.f32 v4, v3;
	v52 =	vld [tilespmem:s31+$0x4570];
	v63 =	vmul.f32 v61, v20;
	v61 =	vmul.f32 v45, v41  }
0xc1: {  	v47 =	vld [tilespmem:s31+$0x45E0];
	v13 =	vadd.f32 v60, v13;
	v60 =	vmul.f32 v58, v21;
	v24 =	vmul.f32 v31, v24  }
0xc2: {  	v58 =	vld [tilespmem:s31+$0x670];
	v59 =	vmul.f32 v32, v20;
	v7 =	vadd.f32 v15, v7;
	v15 =	vmul.f32 v27, v20  }
0xc3: {  	v32 =	vld [tilespmem:s31+$0x4660];
	v1 =	vadd.f32 v63, v1;
	v63 =	vmul.f32 v56, v49;
	v46 =	vmul.f32 v61, v21  }
0xc4: {  	v49 =	vld [tilespmem:s31+$0x4F0];
	v54 =	vmul.f32 v24, v22;
	v0 =	vadd.f32 v15, v0;
	v15 =	vmul.f32 v51, v20  }
0xc5: {  	v61 =	vld [tilespmem:s31+$0x4670];
	v11 =	vadd.f32 v59, v11;
	v59 =	vmul.f32 v40, v55;
	v55 =	vmul.f32 v38, v37  }
0xc6: {  	v51 =	vld [tilespmem:s31+$0x570];
	v37 =	vmul.f32 v42, v39;
	v7 =	vadd.f32 v15, v7;
	v15 =	vmul.f32 v63, v21  }
0xc7: {  	v44 =	vld [tilespmem:s31+$0x470];
	v5 =	vadd.f32 v57, v5;
	v62 =	vmul.f32 v59, v21;
	v59 =	vmul.f32 v55, v22  }
0xc8: {  	v41 =	vld [tilespmem:s31+$0x47E0];
	v42 =	vmul.f32 v37, v22;
	v0 =	vadd.f32 v15, v0;
	v15 =	vmul.f32 v35, v34  }
0xc9: {  	v9 =	vadd.f32 v60, v9;
	v40 =	vld [tilespmem:s31+$0x7E0];
	v60 =	vmul.f32 v32, v30;
	v6 =	vmul.f32 v50, v49  }
0xca: {  	v5 =	vadd.f32 v8, v5;
	v56 =	vld [tilespmem:s31+$0x45F0];
	v57 =	vmul.f32 v15, v22;
	v15 =	vmul.f32 v47, v43  }
0xcb: {  	v13 =	vadd.f32 v46, v13;
	v38 =	vld [tilespmem:s31+$0x46F0];
	v50 =	vmul.f32 v61, v58;
	v14 =	vmul.f32 v52, v51  }
0xcc: {  	v63 =	vld [tilespmem:s31+$0x6F0];
	v11 =	vadd.f32 v62, v11;
	v62 =	vmul.f32 v15, v22;
	v15 =	vmul.f32 v36, v33  }
0xcd: {  	v1 =	vadd.f32 v2, v1;
	v46 =	vld [tilespmem:s31+$0x7F0];
	v6 =	vmul.f32 v6, v23;
	v43 =	vmul.f32 v48, v44  }
0xce: {  	v2 =	vadd.f32 v54, v9;
	v44 =	vld [tilespmem:s31+$0x4770];
	v39 =	vmul.f32 v15, v22;
	v15 =	vmul.f32 v41, v40  }
0xcf: {  	v7 =	vadd.f32 v12, v7;
	v48 =	vmul.f32 v56, v53;
	v49 =	vmul.f32 v14, v23;
	v41 =	vld [tilespmem:s31+$0x770]  }
0xd0: {  	v8 =	vadd.f32 v59, v13;
	v47 =	vmul.f32 v43, v23;
	v45 =	vmul.f32 v15, v22;
	v15 =	vld [tilespmem:s31+$0x47F0]  }
0xd1: {  	v53 =	vmul.f32 v50, v23;
	v52 =	vmul.f32 v38, v63;
	v4 =	vadd.f32 v57, v11  }
0xd2: {  	v36 =	vmul.f32 v60, v22;
	v8 =	vadd.f32 v49, v8;
	v2 =	vadd.f32 v47, v2  }
0xd3: {  	v51 =	vmul.f32 v48, v23;
	v0 =	vadd.f32 v62, v0;
	v4 =	vadd.f32 v6, v4  }
0xd4: {  	v55 =	vmul.f32 v52, v23;
	v1 =	vadd.f32 v36, v1;
	[tilespmem:$0x10480] =	vst v2;
	v54 =	vmul.f32 v44, v41  }
0xd5: {  	v3 =	vadd.f32 v39, v3;
	v0 =	vadd.f32 v51, v0;
	[tilespmem:$0x10490] =	vst v4;
	v56 =	vmul.f32 v15, v46  }
0xd6: {  	v57 =	vadd.f32 v42, v5;
	v1 =	vadd.f32 v53, v1;
	[tilespmem:$0x104A0] =	vst v8;
	v58 =	vmul.f32 v54, v23  }
0xd7: {  	v7 =	vadd.f32 v45, v7;
	v2 =	vadd.f32 v55, v3;
	[tilespmem:$0x104B0] =	vst v0;
	v59 =	vmul.f32 v56, v23  }
0xd8: {  	[tilespmem:$0x104C0] =	vst v1;
	v60 =	vadd.f32 v58, v57  }
0xd9: {  	[tilespmem:$0x104D0] =	vst v2;
	v61 =	vadd.f32 v59, v7  }
0xda: {  	[tilespmem:$0x104E0] =	vst v60  }
0xdb: {  	[tilespmem:$0x104F0] =	vst v61  }
0xdc: {  	v0 =	vld [tilespmem:s31+$0x800]  }
0xdd: {  	v1 =	vld [tilespmem:s31+$0x4800]  }
0xde: {  	v2 =	vld [tilespmem:s31+$0x880]  }
0xdf: {  	v3 =	vld [tilespmem:s31+$0x4880]  }
0xe0: {  	v4 =	vld [tilespmem:s31+$0x900]  }
0xe1: {  	v5 =	vld [tilespmem:s31+$0x4900]  }
0xe2: {  	v6 =	vld [tilespmem:s31+$0x980]  }
0xe3: {  	v7 =	vld [tilespmem:s31+$0x4980]  }
0xe4: {  	v8 =	vld [tilespmem:s31+$0xA00]  }
0xe5: {  	v9 =	vld [tilespmem:s31+$0x4A00]  }
0xe6: {  	v10 =	vld [tilespmem:s31+$0xA80]  }
0xe7: {  	v11 =	vld [tilespmem:s31+$0x4A80]  }
0xe8: {  	v12 =	vld [tilespmem:s31+$0xB00]  }
0xe9: {  	v13 =	vld [tilespmem:s31+$0x4B00]  }
0xea: {  	v62 =	vld [tilespmem:s31+$0x9B0]  }
0xeb: {  	v14 =	vld [tilespmem:s31+$0xB80]  }
0xec: {  	v15 =	vld [tilespmem:s31+$0x4B80]  }
0xed: {  	v24 =	vld [tilespmem:s31+$0x810]  }
0xee: {  	v25 =	vld [tilespmem:s31+$0x4810]  }
0xef: {  	[tilespmem:$0x1FDF0] =	vst v62;
	v62 =	vld [tilespmem:s31+$0xA30]  }
0xf0: {  	v26 =	vld [tilespmem:s31+$0x890]  }
0xf1: {  	v27 =	vld [tilespmem:s31+$0x4890]  }
0xf2: {  	v28 =	vld [tilespmem:s31+$0x910]  }
0xf3: {  	v29 =	vld [tilespmem:s31+$0x4910]  }
0xf4: {  	[tilespmem:$0x1FE00] =	vst v62;
	v62 =	vld [tilespmem:s31+$0x4A30]  }
0xf5: {  	v30 =	vld [tilespmem:s31+$0x990]  }
0xf6: {  	v31 =	vld [tilespmem:s31+$0x4990]  }
0xf7: {  	v32 =	vld [tilespmem:s31+$0xA10]  }
0xf8: {  	v33 =	vld [tilespmem:s31+$0x4A10]  }
0xf9: {  	[tilespmem:$0x1FE10] =	vst v62;
	v62 =	vld [tilespmem:s31+$0xAB0]  }
0xfa: {  	v34 =	vld [tilespmem:s31+$0xA90]  }
0xfb: {  	v35 =	vld [tilespmem:s31+$0x4A90]  }
0xfc: {  	v36 =	vld [tilespmem:s31+$0xB10]  }
0xfd: {  	v37 =	vld [tilespmem:s31+$0x4B10]  }
0xfe: {  	[tilespmem:$0x1FE20] =	vst v62;
	v62 =	vld [tilespmem:s31+$0x4AB0]  }
0xff: {  	v38 =	vld [tilespmem:s31+$0xB90]  }
0x100: {  	v39 =	vld [tilespmem:s31+$0x4B90]  }
0x101: {  	v40 =	vld [tilespmem:s31+$0x820]  }
0x102: {  	v41 =	vld [tilespmem:s31+$0x4820]  }
0x103: {  	[tilespmem:$0x1FE30] =	vst v62;
	v62 =	vld [tilespmem:s31+$0xB30]  }
0x104: {  	v42 =	vld [tilespmem:s31+$0x8A0]  }
0x105: {  	v43 =	vld [tilespmem:s31+$0x48A0]  }
0x106: {  	v44 =	vld [tilespmem:s31+$0x920]  }
0x107: {  	v45 =	vld [tilespmem:s31+$0x4920]  }
0x108: {  	[tilespmem:$0x1FE40] =	vst v62;
	v62 =	vld [tilespmem:s31+$0x4B30]  }
0x109: {  	v46 =	vld [tilespmem:s31+$0x9A0]  }
0x10a: {  	v47 =	vld [tilespmem:s31+$0x49A0]  }
0x10b: {  	v48 =	vld [tilespmem:s31+$0xA20]  }
0x10c: {  	v49 =	vld [tilespmem:s31+$0x4A20]  }
0x10d: {  	[tilespmem:$0x1FE50] =	vst v62;
	v62 =	vld [tilespmem:s31+$0xBB0]  }
0x10e: {  	v50 =	vld [tilespmem:s31+$0xAA0]  }
0x10f: {  	v51 =	vld [tilespmem:s31+$0x4AA0]  }
0x110: {  	v52 =	vld [tilespmem:s31+$0xB20]  }
0x111: {  	v53 =	vld [tilespmem:s31+$0x4B20]  }
0x112: {  	[tilespmem:$0x1FE60] =	vst v62;
	v62 =	vld [tilespmem:s31+$0x4BB0]  }
0x113: {  	v54 =	vld [tilespmem:s31+$0xBA0]  }
0x114: {  	v55 =	vld [tilespmem:s31+$0x4BA0]  }
0x115: {  	v56 =	vld [tilespmem:s31+$0x830]  }
0x116: {  	v57 =	vld [tilespmem:s31+$0x4830]  }
0x117: {  	[tilespmem:$0x1FE70] =	vst v62;
	v62 =	vld [tilespmem:s31+$0x840]  }
0x118: {  	v58 =	vld [tilespmem:s31+$0x8B0]  }
0x119: {  	v59 =	vld [tilespmem:s31+$0x48B0]  }
0x11a: {  	v60 =	vld [tilespmem:s31+$0x930]  }
0x11b: {  	v61 =	vld [tilespmem:s31+$0x4930]  }
0x11c: {  	[tilespmem:$0x1FE80] =	vst v62;
	v62 =	vld [tilespmem:s31+$0x4840]  }
0x11d: {  	v63 =	vld [tilespmem:s31+$0x49B0]  }
0x11e: {  	v0 =	vmul.f32 v1, v0;
	v1 =	vmul.f32 v3, v2;
	v2 =	vld [tilespmem:s31+$0x49C0]  }
0x11f: {  	v3 =	vmul.f32 v5, v4;
	v5 =	vld [tilespmem:s31+$0xA40]  }
0x120: {  	v4 =	vmul.f32 v7, v6;
	v6 =	vmul.f32 v9, v8;
	v8 =	vld [tilespmem:s31+$0x4A40]  }
0x121: {  	[tilespmem:$0x1FE90] =	vst v62;
	v62 =	vld [tilespmem:s31+$0x8C0]  }
0x122: {  	v7 =	vmul.f32 v11, v10;
	v11 =	vld [tilespmem:s31+$0xAC0]  }
0x123: {  	v10 =	vmul.f32 v15, v14;
	v14 =	vld [tilespmem:s31+$0x4AC0]  }
0x124: {  	v9 =	vmul.f32 v13, v12;
	v12 =	vmul.f32 v25, v24;
	v25 =	vld [tilespmem:s31+$0xB40]  }
0x125: {  	v15 =	vmul.f32 v29, v28;
	v28 =	vld [tilespmem:s31+$0x4B40]  }
0x126: {  	[tilespmem:$0x1FEA0] =	vst v62;
	v62 =	vld [tilespmem:s31+$0x48C0]  }
0x127: {  	v24 =	vmul.f32 v31, v30;
	v30 =	vld [tilespmem:s31+$0xBC0]  }
0x128: {  	v13 =	vmul.f32 v27, v26;
	v26 =	vmul.f32 v33, v32;
	v32 =	vld [tilespmem:s31+$0x4BC0]  }
0x129: {  	v29 =	vmul.f32 v37, v36;
	v36 =	vld [tilespmem:s31+$0x4850]  }
0x12a: {  	v31 =	vmul.f32 v39, v38;
	v38 =	vld [tilespmem:s31+$0x8D0]  }
0x12b: {  	[tilespmem:$0x1FEB0] =	vst v62;
	v62 =	vld [tilespmem:s31+$0x940]  }
0x12c: {  	v33 =	vmul.f32 v41, v40;
	v39 =	vld [tilespmem:s31+$0x48D0]  }
0x12d: {  	v37 =	vmul.f32 v45, v44;
	v40 =	vld [tilespmem:s31+$0x49D0];
	v48 =	vmul.f32 v49, v48  }
0x12e: {  	v41 =	vld [tilespmem:s31+$0xA50];
	v50 =	vmul.f32 v51, v50;
	v6 =	vmul.f32 v6, v16  }
0x12f: {  	v10 =	vmul.f32 v10, v16;
	v44 =	vmul.f32 v26, v17;
	v26 =	vld [tilespmem:s31+$0x9D0]  }
0x130: {  	v49 =	vmul.f32 v31, v17;
	v51 =	vmul.f32 v33, v18;
	[tilespmem:$0x1FEC0] =	vst v62;
	v62 =	vld [tilespmem:s31+$0x4940]  }
0x131: {  	v33 =	vmul.f32 v53, v52;
	v52 =	vmul.f32 v50, v18;
	v50 =	vld [tilespmem:s31+$0x4860]  }
0x132: {  	v6 =	vadd.f32 v44, v6;
	v44 =	vld [tilespmem:s31+$0x4AD0]  }
0x133: {  	v0 =	vmul.f32 v0, v16;
	v12 =	vmul.f32 v12, v17;
	v10 =	vadd.f32 v49, v10;
	v49 =	vld [tilespmem:s31+$0x860]  }
0x134: {  	v5 =	vmul.f32 v8, v5;
	v8 =	vld [tilespmem:s31+$0xA60]  }
0x135: {  	v0 =	vadd.f32 v12, v0;
	[tilespmem:$0x1FED0] =	vst v62;
	v62 =	vld [tilespmem:s31+$0x9C0]  }
0x136: {  	v11 =	vmul.f32 v14, v11;
	v14 =	vld [tilespmem:s31+$0x4A60]  }
0x137: {  	v0 =	vadd.f32 v51, v0;
	v51 =	vld [tilespmem:s31+$0x8E0]  }
0x138: {  	v27 =	vmul.f32 v59, v58;
	v58 =	vld [tilespmem:$0x1FE20]  }
0x139: {  	v1 =	vmul.f32 v1, v16;
	v3 =	vmul.f32 v3, v16;
	v59 =	vld [tilespmem:$0x1FE30]  }
0x13a: {  	v4 =	vmul.f32 v4, v16;
	[tilespmem:$0x1FEE0] =	vst v62;
	v62 =	vmul.f32 v35, v34;
	v34 =	vld [tilespmem:s31+$0x850]  }
0x13b: {  	v35 =	vmul.f32 v43, v42;
	v42 =	vmul.f32 v15, v17;
	v15 =	vld [tilespmem:s31+$0x950]  }
0x13c: {  	v13 =	vmul.f32 v13, v17;
	v43 =	vmul.f32 v24, v17;
	v24 =	vld [tilespmem:s31+$0x4950]  }
0x13d: {  	v7 =	vmul.f32 v7, v16;
	v9 =	vmul.f32 v9, v16;
	v3 =	vadd.f32 v42, v3;
	v42 =	vld [tilespmem:s31+$0x4A50]  }
0x13e: {  	v4 =	vadd.f32 v43, v4;
	v45 =	vmul.f32 v62, v17;
	v62 =	vmul.f32 v47, v46;
	v43 =	vld [tilespmem:s31+$0xAD0]  }
0x13f: {  	v53 =	vmul.f32 v35, v18;
	v35 =	vmul.f32 v55, v54;
	v46 =	vld [tilespmem:s31+$0x4B50]  }
0x140: {  	v55 =	vmul.f32 v37, v18;
	v37 =	vmul.f32 v57, v56;
	v56 =	vld [tilespmem:$0x1FE10]  }
0x141: {  	v47 =	vmul.f32 v29, v17;
	v29 =	vmul.f32 v61, v60;
	v61 =	vld [tilespmem:$0x1FE40]  }
0x142: {  	v1 =	vadd.f32 v13, v1;
	v7 =	vadd.f32 v45, v7;
	v45 =	vld [tilespmem:s31+$0xB50]  }
0x143: {  	v9 =	vadd.f32 v47, v9;
	v47 =	vld [tilespmem:s31+$0xBD0]  }
0x144: {  	v1 =	vadd.f32 v53, v1;
	v53 =	vld [tilespmem:$0x1FDF0]  }
0x145: {  	v57 =	vmul.f32 v62, v18;
	v62 =	vmul.f32 v48, v18;
	v48 =	vld [tilespmem:s31+$0x4BD0]  }
0x146: {  	v3 =	vadd.f32 v55, v3;
	v55 =	vld [tilespmem:$0x1FE00]  }
0x147: {  	v6 =	vadd.f32 v62, v6;
	v62 =	vld [tilespmem:$0x1FE50]  }
0x148: {  	v54 =	vmul.f32 v33, v18;
	v60 =	vmul.f32 v37, v19;
	v7 =	vadd.f32 v52, v7;
	v52 =	vld [tilespmem:s31+$0x48E0]  }
0x149: {  	v4 =	vadd.f32 v57, v4;
	v57 =	vmul.f32 v35, v18;
	v35 =	vmul.f32 v59, v58;
	v59 =	vld [tilespmem:$0x1FE80]  }
0x14a: {  	v0 =	vadd.f32 v60, v0;
	v60 =	vld [tilespmem:$0x1FE90]  }
0x14b: {  	v9 =	vadd.f32 v54, v9;
	v58 =	vmul.f32 v29, v19;
	v54 =	vld [tilespmem:s31+$0x4960]  }
0x14c: {  	v10 =	vadd.f32 v57, v10;
	v57 =	vld [tilespmem:$0x1FE70]  }
0x14d: {  	v3 =	vadd.f32 v58, v3;
	v58 =	vld [tilespmem:$0x1FEC0]  }
0x14e: {  	v33 =	vmul.f32 v56, v55;
	v56 =	vld [tilespmem:$0x1FE60]  }
0x14f: {  	v31 =	vmul.f32 v63, v53;
	v53 =	vld [tilespmem:s31+$0x960]  }
0x150: {  	v63 =	vmul.f32 v27, v19;
	v55 =	vld [tilespmem:s31+$0x9E0]  }
0x151: {  	v37 =	vmul.f32 v62, v61;
	v62 =	vld [tilespmem:$0x1FEA0]  }
0x152: {  	v1 =	vadd.f32 v63, v1;
	v63 =	vld [tilespmem:$0x1FEB0]  }
0x153: {  	v29 =	vmul.f32 v60, v59;
	v61 =	vmul.f32 v31, v19;
	v59 =	vld [tilespmem:$0x1FED0]  }
0x154: {  	v25 =	vmul.f32 v28, v25;
	v60 =	vmul.f32 v35, v19;
	v35 =	vld [tilespmem:s31+$0x49E0]  }
0x155: {  	v5 =	vmul.f32 v5, v20;
	v8 =	vmul.f32 v14, v8;
	v4 =	vadd.f32 v61, v4;
	v61 =	vld [tilespmem:$0x1FEE0]  }
0x156: {  	v7 =	vadd.f32 v60, v7;
	v60 =	vmul.f32 v39, v38;
	v38 =	vld [tilespmem:$0x1FFE0];
	v27 =	vmul.f32 v57, v56  }
0x157: {  	v8 =	vmul.f32 v8, v22;
	v39 =	vld [tilespmem:$0x1FFF0];
	v57 =	vmul.f32 v33, v19  }
0x158: {  	v31 =	vmul.f32 v63, v62;
	v63 =	vmul.f32 v27, v19;
	v27 =	vld [tilespmem:s31+$0xAE0]  }
0x159: {  	v62 =	vmul.f32 v37, v19;
	v37 =	vmul.f32 v29, v20;
	v29 =	vld [tilespmem:s31+$0x4AE0]  }
0x15a: {  	v41 =	vmul.f32 v42, v41;
	v6 =	vadd.f32 v57, v6;
	v57 =	vmul.f32 v32, v30;
	v32 =	vld [tilespmem:s31+$0x4B60]  }
0x15b: {  	v33 =	vmul.f32 v59, v58;
	v59 =	vmul.f32 v36, v34;
	v34 =	vld [tilespmem:s31+$0x8F0]  }
0x15c: {  	v36 =	vld [tilespmem:s31+$0x48F0];
	v2 =	vmul.f32 v2, v61;
	v56 =	vmul.f32 v31, v20  }
0x15d: {  	v9 =	vadd.f32 v62, v9;
	v58 =	vmul.f32 v33, v20;
	v31 =	vld [tilespmem:s31+$0xB60];
	v61 =	vmul.f32 v24, v15  }
0x15e: {  	v10 =	vadd.f32 v63, v10;
	v15 =	vld [tilespmem:s31+$0xBE0];
	v62 =	vmul.f32 v11, v20;
	v63 =	vmul.f32 v40, v26  }
0x15f: {  	v24 =	vld [tilespmem:s31+$0x4BE0];
	v40 =	vmul.f32 v25, v20;
	v42 =	vmul.f32 v57, v20  }
0x160: {  	v0 =	vadd.f32 v37, v0;
	v26 =	vld [tilespmem:s31+$0x870];
	v57 =	vmul.f32 v59, v21;
	v59 =	vmul.f32 v60, v21  }
0x161: {  	v5 =	vadd.f32 v5, v6;
	v33 =	vld [tilespmem:s31+$0x4870];
	v60 =	vmul.f32 v48, v47;
	v48 =	vmul.f32 v35, v55  }
0x162: {  	v37 =	vld [tilespmem:s31+$0x970];
	v1 =	vadd.f32 v56, v1;
	v2 =	vmul.f32 v2, v20;
	v56 =	vmul.f32 v44, v43  }
0x163: {  	v35 =	vld [tilespmem:$0x1FFB0];
	v3 =	vadd.f32 v58, v3;
	v58 =	vmul.f32 v46, v45;
	v61 =	vmul.f32 v61, v21  }
0x164: {  	v6 =	vadd.f32 v40, v9;
	v63 =	vmul.f32 v63, v21;
	v43 =	vld [tilespmem:s31+$0x4970];
	v44 =	vmul.f32 v41, v21  }
0x165: {  	v0 =	vadd.f32 v57, v0;
	v45 =	vmul.f32 v54, v53;
	v46 =	vld [tilespmem:s31+$0x9F0];
	v53 =	vmul.f32 v29, v27  }
0x166: {  	v54 =	vld [tilespmem:s31+$0x4A70];
	v2 =	vadd.f32 v2, v4;
	v4 =	vadd.f32 v62, v7;
	v62 =	vmul.f32 v50, v49  }
0x167: {  	v7 =	vadd.f32 v42, v10;
	v42 =	vmul.f32 v52, v51;
	v47 =	vmul.f32 v56, v21;
	v49 =	vld [tilespmem:s31+$0x49F0]  }
0x168: {  	v1 =	vadd.f32 v59, v1;
	v50 =	vmul.f32 v58, v21;
	v51 =	vld [tilespmem:s31+$0xA70];
	v52 =	vmul.f32 v60, v21  }
0x169: {  	v3 =	vadd.f32 v61, v3;
	v56 =	vld [tilespmem:s31+$0xAF0];
	v59 =	vmul.f32 v45, v22;
	v12 =	vmul.f32 v32, v31  }
0x16a: {  	v5 =	vadd.f32 v44, v5;
	v61 =	vld [tilespmem:s31+$0xB70];
	v58 =	vmul.f32 v24, v15;
	v60 =	vmul.f32 v33, v26  }
0x16b: {  	v32 =	vld [tilespmem:$0x1FF80];
	v44 =	vmul.f32 v53, v22;
	v2 =	vadd.f32 v63, v2;
	v4 =	vadd.f32 v47, v4  }
0x16c: {  	v31 =	vld [tilespmem:$0x1FF70];
	v6 =	vadd.f32 v50, v6;
	v55 =	vmul.f32 v62, v22;
	v57 =	vmul.f32 v42, v22  }
0x16d: {  	v15 =	vld [tilespmem:s31+$0x4AF0];
	v7 =	vadd.f32 v52, v7;
	v62 =	vmul.f32 v48, v22;
	v63 =	vmul.f32 v36, v34  }
0x16e: {  	v42 =	vld [tilespmem:s31+$0x4B70];
	v3 =	vadd.f32 v59, v3;
	v5 =	vadd.f32 v8, v5;
	v43 =	vmul.f32 v43, v37  }
0x16f: {  	v47 =	vmul.f32 v60, v23;
	v0 =	vadd.f32 v55, v0;
	v45 =	vmul.f32 v49, v46;
	v46 =	vld [tilespmem:s31+$0xBF0]  }
0x170: {  	v12 =	vmul.f32 v12, v22;
	v1 =	vadd.f32 v57, v1;
	v2 =	vadd.f32 v62, v2;
	v49 =	vld [tilespmem:s31+$0x4BF0]  }
0x171: {  	v33 =	vld [tilespmem:$0x1FF90];
	v4 =	vadd.f32 v44, v4;
	v14 =	vmul.f32 v54, v51;
	v9 =	vmul.f32 v43, v23  }
0x172: {  	v36 =	vld [tilespmem:$0x1FFC0];
	v50 =	vmul.f32 v15, v56;
	v15 =	vmul.f32 v63, v23;
	v0 =	vadd.f32 v47, v0  }
0x173: {  	v34 =	vld [tilespmem:$0x1FFA0];
	v56 =	vmul.f32 v58, v22;
	v13 =	vmul.f32 v45, v23;
	v3 =	vadd.f32 v9, v3  }
0x174: {  	v62 =	vld [tilespmem:$0x1FF00];
	v53 =	vmul.f32 v42, v61;
	v57 =	vmul.f32 v14, v23;
	v1 =	vadd.f32 v15, v1;
	[tilespmem:$0x10500] =	vst v0  }
0x175: {  	v55 =	vld [tilespmem:$0x1FF10];
	v59 =	vmul.f32 v50, v23;
	v58 =	vadd.f32 v13, v2;
	[tilespmem:$0x10520] =	vst v3;
	v60 =	vmul.f32 v49, v46  }
0x176: {  	v52 =	vld [tilespmem:$0x1FF20];
	v63 =	vadd.f32 v12, v6;
	v5 =	vadd.f32 v57, v5;
	v11 =	vmul.f32 v53, v23;
	[tilespmem:$0x10510] =	vst v1  }
0x177: {  	v48 =	vld [tilespmem:$0x1FF30];
	v12 =	vadd.f32 v56, v7;
	v2 =	vadd.f32 v59, v4;
	[tilespmem:$0x10530] =	vst v58;
	v13 =	vmul.f32 v60, v23  }
0x178: {  	v54 =	vld [tilespmem:$0x1FF40];
	v14 =	vadd.f32 v11, v63;
	[tilespmem:$0x10540] =	vst v5  }
0x179: {  	v51 =	vld [tilespmem:$0x1FF50];
	[tilespmem:$0x10550] =	vst v2;
	v40 =	vadd.f32 v13, v12  }
0x17a: {  	v61 =	vld [tilespmem:$0x1FF60];
	[tilespmem:$0x10560] =	vst v14  }
0x17b: {  	v37 =	vld [tilespmem:$0x1FFD0];
	[tilespmem:$0x10570] =	vst v40  }
0x17c: {  	v0 =	vld.idx.msk [tilespmem:v62+s21+$0x0], $0xffff  }
0x17d: {  	v1 =	vld.idx.msk [tilespmem:v55+s21+$0x0], $0xffff  }
0x17e: {  	v2 =	vld.idx.msk [tilespmem:v52+s21+$0x0], $0xffff  }
0x17f: {  	v41 =	vld.idx.msk [tilespmem:v48+s21+$0x0], $0xffff  }
0x180: {  	v42 =	vld.idx.msk [tilespmem:v54+s21+$0x0], $0xffff  }
0x181: {  	v5 =	vld.idx.msk [tilespmem:v51+s21+$0x0], $0xffff  }
0x182: {  	v43 =	vld.idx.msk [tilespmem:v61+s21+$0x0], $0xffff  }
0x183: {  	v44 =	vld.idx.msk [tilespmem:v31+s21+$0x0], $0xffff  }
0x184: {  	v45 =	vld.idx.msk [tilespmem:v32+s21+$0x0], $0xffff  }
0x185: {  	v46 =	vld.idx.msk [tilespmem:v33+s21+$0x0], $0xffff  }
0x186: {  	v47 =	vld.idx.msk [tilespmem:v34+s21+$0x0], $0xffff  }
0x187: {  	v48 =	vld.idx.msk [tilespmem:v35+s21+$0x0], $0xffff  }
0x188: {  	v49 =	vld.idx.msk [tilespmem:v36+s21+$0x0], $0xffff  }
0x189: {  	v50 =	vld.idx.msk [tilespmem:v37+s21+$0x0], $0xffff  }
0x18a: {  	v51 =	vld.idx.msk [tilespmem:v38+s21+$0x0], $0xffff  }
0x18b: {  	v15 =	vld.idx.msk [tilespmem:v39+s21+$0x0], $0xffff;
	_ =	sdelay $0x1  }
0x18c: {  	v0 =	vadd.f32 v1, v0;
	v52 =	vadd.f32 v41, v2  }
0x18d: {  	v53 =	vadd.f32 v5, v42;
	v54 =	vadd.f32 v44, v43  }
0x18e: {  	v55 =	vadd.f32 v46, v45;
	v56 =	vadd.f32 v48, v47  }
0x18f: {  	v63 =	vld [tilespmem:$0x1FEF0];
	v57 =	vadd.f32 v50, v49;
	v58 =	vadd.f32 v15, v51  }
0x190: {  	v0 =	vadd.f32 v52, v0;
	v59 =	vadd.f32 v54, v53  }
0x191: {  	v60 =	vadd.f32 v56, v55;
	v61 =	vadd.f32 v58, v57  }
0x192: {  	p1 =	sne.s32 s30, $0x7  }
.Ltmp2:
0x193: {  	v0 =	vadd.f32 v59, v0;
	v62 =	vadd.f32 v61, v60;
	(pc) =	sbr.rel @p1 .LBB2_3-.Ltmp2, $4  }
0x194: {  	_ = 	snop  }
0x195: {  	s0 =	sshll.u32 s30, $0x4;
	v0 =	vadd.f32 v62, v0  }
0x196: {  	s31 =	sand.u32 $0x3FFFFFF0, s0  }
0x197: {  	s30 =	sadd.s32 $0x1, s30;
	[tilespmem:v63+s31+$0x0 ss:$0x1] =	vst.idx.msk $0xffff, v0  }
0x198: {  	s30 =	simm.s32 @p0 $0x80;
	s31 =	simm.s32 @p0 $0x100;
	s0 =	simm.s32 @p0 $0x400  }
0x199: {  	[tilespmem:s0], [sflag:$0x3] =	stream.indirect.gather @p0 [hbm4b:s1+s30], $0x80, s31, s30, $0xb8;
	[tilespmem:$0x10780] =	vst v63  }
0x19a: {  	s0 =	simm.s32 @p0 $0x300;
	s31 =	simm.s32 @p0 $0x4400  }
0x19b: {  	[tilespmem:s31], [sflag:$0x3] =	stream.indirect.gather @p0 [hbm4b:s2+s30], $0x80, s0, s30, $0xb8;
	[tilespmem:$0x10780] =	vst v63  }
0x19c: {  	_ =	swait.ge [sflag:s22], $0x4000  }
0x19d: {  	[sflag:s22] =	ssyncset.done $0x0  }
0x19e: {  	[sflag:s22] =	ssyncadd.s32 $0xFFFFC000  }
0x19f: {  	s31 =	sadd.s32 $0x10600, s29;
	_ =	swait.ge [sflag:s22], $0x4000  }
0x1a0: {  	v0 =	vmov s31;
	[sflag:s22] =	ssyncset.done $0x0  }
0x1a1: {  	s29 =	simm.s32 $0x0;
	[tilespmem:$0x1FCF0] =	vst v0;
	[sflag:s22] =	ssyncadd.s32 $0xFFFFC000  }
.LBB2_5:
0x1a2: {  	s30 =	sshll.u32 s29, $0xB  }
0x1a3: {  	v0 =	vld [tilespmem:s30+$0x8400]  }
0x1a4: {  	v1 =	vld [tilespmem:s30+$0xC400]  }
0x1a5: {  	v2 =	vld [tilespmem:s30+$0x8480]  }
0x1a6: {  	v3 =	vld [tilespmem:s30+$0xC480]  }
0x1a7: {  	v4 =	vld [tilespmem:s30+$0x8500]  }
0x1a8: {  	v5 =	vld [tilespmem:s30+$0xC500]  }
0x1a9: {  	v6 =	vld [tilespmem:s30+$0x8580]  }
0x1aa: {  	v7 =	vld [tilespmem:s30+$0xC580]  }
0x1ab: {  	v8 =	vld [tilespmem:s30+$0x8600]  }
0x1ac: {  	v9 =	vld [tilespmem:s30+$0xC600]  }
0x1ad: {  	v10 =	vld [tilespmem:s30+$0x8680]  }
0x1ae: {  	v11 =	vld [tilespmem:s30+$0xC680]  }
0x1af: {  	v12 =	vld [tilespmem:s30+$0x8700]  }
0x1b0: {  	v13 =	vld [tilespmem:s30+$0xC700]  }
0x1b1: {  	v14 =	vld [tilespmem:s30+$0x8780]  }
0x1b2: {  	v15 =	vld [tilespmem:s30+$0xC780]  }
0x1b3: {  	v25 =	vld [tilespmem:s30+$0x8410]  }
0x1b4: {  	v26 =	vld [tilespmem:s30+$0xC410]  }
0x1b5: {  	v27 =	vld [tilespmem:s30+$0x8490]  }
0x1b6: {  	v28 =	vld [tilespmem:s30+$0xC490]  }
0x1b7: {  	v29 =	vld [tilespmem:s30+$0x8510]  }
0x1b8: {  	v30 =	vld [tilespmem:s30+$0xC510]  }
0x1b9: {  	v31 =	vld [tilespmem:s30+$0x8590]  }
0x1ba: {  	v32 =	vld [tilespmem:s30+$0xC590]  }
0x1bb: {  	v33 =	vld [tilespmem:s30+$0x8610]  }
0x1bc: {  	v34 =	vld [tilespmem:s30+$0xC610]  }
0x1bd: {  	v35 =	vld [tilespmem:s30+$0x8690]  }
0x1be: {  	v36 =	vld [tilespmem:s30+$0xC690]  }
0x1bf: {  	v37 =	vld [tilespmem:s30+$0x8710]  }
0x1c0: {  	v38 =	vld [tilespmem:s30+$0xC710]  }
0x1c1: {  	v39 =	vld [tilespmem:s30+$0x8790]  }
0x1c2: {  	v40 =	vld [tilespmem:s30+$0xC790]  }
0x1c3: {  	v41 =	vld [tilespmem:s30+$0x8420]  }
0x1c4: {  	v42 =	vld [tilespmem:s30+$0xC420]  }
0x1c5: {  	v43 =	vld [tilespmem:s30+$0x84A0]  }
0x1c6: {  	v44 =	vld [tilespmem:s30+$0xC4A0]  }
0x1c7: {  	v45 =	vld [tilespmem:s30+$0x8520]  }
0x1c8: {  	v46 =	vld [tilespmem:s30+$0xC520]  }
0x1c9: {  	v47 =	vld [tilespmem:s30+$0x85A0]  }
0x1ca: {  	v48 =	vld [tilespmem:s30+$0xC5A0]  }
0x1cb: {  	v49 =	vld [tilespmem:s30+$0x8620]  }
0x1cc: {  	v50 =	vld [tilespmem:s30+$0xC620]  }
0x1cd: {  	v51 =	vld [tilespmem:s30+$0x86A0]  }
0x1ce: {  	v52 =	vld [tilespmem:s30+$0xC6A0]  }
0x1cf: {  	v53 =	vld [tilespmem:s30+$0x8720]  }
0x1d0: {  	v54 =	vld [tilespmem:s30+$0xC720]  }
0x1d1: {  	v55 =	vld [tilespmem:s30+$0x87A0]  }
0x1d2: {  	v56 =	vld [tilespmem:s30+$0xC7A0]  }
0x1d3: {  	v57 =	vld [tilespmem:s30+$0x8430]  }
0x1d4: {  	v58 =	vld [tilespmem:s30+$0xC430]  }
0x1d5: {  	v59 =	vld [tilespmem:s30+$0x84B0]  }
0x1d6: {  	v24 =	vld [tilespmem:s30+$0x85B0]  }
0x1d7: {  	v63 =	vld [tilespmem:s30+$0x8630]  }
0x1d8: {  	v60 =	vld [tilespmem:s30+$0xC4B0]  }
0x1d9: {  	v61 =	vld [tilespmem:s30+$0x8530]  }
0x1da: {  	v62 =	vld [tilespmem:s30+$0xC530]  }
0x1db: {  	[tilespmem:$0x1FB10] =	vst v24;
	v24 =	vld [tilespmem:s30+$0xC5B0]  }
0x1dc: {  	[tilespmem:$0x1FB20] =	vst v63;
	v63 =	vld [tilespmem:s30+$0xC630]  }
0x1dd: {  	v0 =	vmul.f32 v1, v0;
	v1 =	vmul.f32 v3, v2;
	v2 =	vld [tilespmem:s30+$0x85C0]  }
0x1de: {  	v3 =	vmul.f32 v5, v4;
	v5 =	vld [tilespmem:s30+$0xC5C0]  }
0x1df: {  	v4 =	vmul.f32 v7, v6;
	v6 =	vmul.f32 v9, v8;
	v8 =	vld [tilespmem:s30+$0x8640]  }
0x1e0: {  	v7 =	vmul.f32 v11, v10;
	v11 =	vld [tilespmem:s30+$0xC640]  }
0x1e1: {  	v10 =	vmul.f32 v15, v14;
	v14 =	vld [tilespmem:s30+$0x86C0]  }
0x1e2: {  	v9 =	vmul.f32 v13, v12;
	v12 =	vmul.f32 v26, v25;
	v26 =	vld [tilespmem:s30+$0xC6C0]  }
0x1e3: {  	v13 =	vmul.f32 v28, v27;
	v28 =	vld [tilespmem:s30+$0x8740]  }
0x1e4: {  	v15 =	vmul.f32 v30, v29;
	v30 =	vld [tilespmem:s30+$0xC740]  }
0x1e5: {  	v25 =	vmul.f32 v32, v31;
	v32 =	vld [tilespmem:s30+$0x87C0]  }
0x1e6: {  	[tilespmem:$0x1FB30] =	vst v63;
	v63 =	vld [tilespmem:s30+$0x86B0]  }
0x1e7: {  	v27 =	vmul.f32 v34, v33;
	v34 =	vld [tilespmem:s30+$0xC7C0]  }
0x1e8: {  	v29 =	vmul.f32 v36, v35;
	v36 =	vld [tilespmem:s30+$0x8450]  }
0x1e9: {  	v31 =	vmul.f32 v38, v37;
	v38 =	vld [tilespmem:s30+$0xC450]  }
0x1ea: {  	v33 =	vmul.f32 v40, v39;
	v39 =	vld [tilespmem:s30+$0x84D0]  }
0x1eb: {  	[tilespmem:$0x1FB40] =	vst v63;
	v63 =	vld [tilespmem:s30+$0xC6B0]  }
0x1ec: {  	v40 =	vld [tilespmem:s30+$0xC5D0]  }
0x1ed: {  	v46 =	vmul.f32 v46, v45;
	v45 =	vld [tilespmem:s30+$0x8750]  }
0x1ee: {  	v35 =	vmul.f32 v42, v41;
	v41 =	vmul.f32 v15, v17;
	v15 =	vld [tilespmem:s30+$0xC4D0]  }
0x1ef: {  	v42 =	vmul.f32 v25, v17;
	v25 =	vld [tilespmem:s30+$0x8550]  }
0x1f0: {  	v37 =	vmul.f32 v44, v43;
	v47 =	vmul.f32 v48, v47;
	[tilespmem:$0x1FB50] =	vst v63;
	v63 =	vld [tilespmem:s30+$0x8730]  }
0x1f1: {  	v43 =	vmul.f32 v27, v17;
	v27 =	vmul.f32 v29, v17;
	v29 =	vld [tilespmem:s30+$0xC550]  }
0x1f2: {  	v44 =	vmul.f32 v31, v17;
	v31 =	vmul.f32 v33, v17;
	v33 =	vld [tilespmem:s30+$0x85D0]  }
0x1f3: {  	v49 =	vmul.f32 v50, v49;
	v48 =	vmul.f32 v46, v18;
	v46 =	vld [tilespmem:s30+$0xC750]  }
0x1f4: {  	v55 =	vmul.f32 v56, v55;
	v50 =	vmul.f32 v47, v18;
	v47 =	vld [tilespmem:s30+$0x87D0]  }
0x1f5: {  	v51 =	vmul.f32 v52, v51;
	[tilespmem:$0x1FB60] =	vst v63;
	v63 =	vld [tilespmem:s30+$0xC730]  }
0x1f6: {  	v57 =	vmul.f32 v58, v57;
	v58 =	vmul.f32 v55, v18;
	v55 =	vld [tilespmem:$0x1FB20]  }
0x1f7: {  	v53 =	vmul.f32 v54, v53;
	v52 =	vmul.f32 v49, v18;
	v49 =	vld [tilespmem:s30+$0xC460]  }
0x1f8: {  	v54 =	vmul.f32 v51, v18;
	v51 =	vld [tilespmem:s30+$0xC4E0]  }
0x1f9: {  	v3 =	vmul.f32 v3, v16;
	v56 =	vmul.f32 v53, v18;
	v53 =	vld [tilespmem:s30+$0xC560]  }
0x1fa: {  	v4 =	vmul.f32 v4, v16;
	[tilespmem:$0x1FB70] =	vst v63;
	v63 =	vld [tilespmem:s30+$0x87B0]  }
0x1fb: {  	v6 =	vmul.f32 v6, v16;
	v3 =	vadd.f32 v41, v3;
	v41 =	vld [tilespmem:s30+$0x8650]  }
0x1fc: {  	v9 =	vmul.f32 v9, v16;
	v4 =	vadd.f32 v42, v4;
	v42 =	vld [tilespmem:s30+$0xC650]  }
0x1fd: {  	v6 =	vadd.f32 v43, v6;
	v43 =	vld [tilespmem:s30+$0x86D0]  }
0x1fe: {  	v7 =	vmul.f32 v7, v16;
	v9 =	vadd.f32 v44, v9;
	v44 =	vld [tilespmem:s30+$0xC6D0]  }
0x1ff: {  	[tilespmem:$0x1FB80] =	vst v63;
	v63 =	vld [tilespmem:s30+$0xC7B0]  }
0x200: {  	v7 =	vadd.f32 v27, v7;
	v27 =	vmul.f32 v37, v18;
	v37 =	vld [tilespmem:s30+$0x8460]  }
0x201: {  	v2 =	vmul.f32 v5, v2;
	v5 =	vld [tilespmem:s30+$0x8660]  }
0x202: {  	v8 =	vmul.f32 v11, v8;
	v11 =	vld [tilespmem:s30+$0xC660]  }
0x203: {  	v14 =	vmul.f32 v26, v14;
	v26 =	vld [tilespmem:s30+$0xC6E0]  }
0x204: {  	[tilespmem:$0x1FB90] =	vst v63;
	v63 =	vld [tilespmem:s30+$0x8440]  }
0x205: {  	v3 =	vadd.f32 v48, v3;
	v48 =	vld [tilespmem:s30+$0xC7D0]  }
0x206: {  	v1 =	vmul.f32 v1, v16;
	v7 =	vadd.f32 v54, v7;
	v54 =	vld [tilespmem:$0x1FB10]  }
0x207: {  	v13 =	vmul.f32 v13, v17;
	v10 =	vmul.f32 v10, v16;
	v9 =	vadd.f32 v56, v9;
	v56 =	vld [tilespmem:$0x1FB30]  }
0x208: {  	v59 =	vmul.f32 v60, v59;
	v61 =	vmul.f32 v62, v61;
	v4 =	vadd.f32 v50, v4;
	v50 =	vld [tilespmem:s30+$0x84E0]  }
0x209: {  	v0 =	vmul.f32 v0, v16;
	v1 =	vadd.f32 v13, v1;
	v10 =	vadd.f32 v31, v10;
	[tilespmem:$0x1FBA0] =	vst v63;
	v63 =	vld [tilespmem:s30+$0xC440]  }
0x20a: {  	v12 =	vmul.f32 v12, v17;
	v60 =	vmul.f32 v57, v19;
	v57 =	vld [tilespmem:$0x1FB40]  }
0x20b: {  	v62 =	vmul.f32 v59, v19;
	v1 =	vadd.f32 v27, v1;
	v10 =	vadd.f32 v58, v10;
	v58 =	vld [tilespmem:$0x1FB50]  }
0x20c: {  	v0 =	vadd.f32 v12, v0;
	v12 =	vmul.f32 v35, v18;
	v13 =	vmul.f32 v61, v19;
	v61 =	vld [tilespmem:$0x1FB80]  }
0x20d: {  	v1 =	vadd.f32 v62, v1;
	v62 =	vld [tilespmem:$0x1FB90]  }
0x20e: {  	v0 =	vadd.f32 v12, v0;
	[tilespmem:$0x1FBB0] =	vst v63;
	v63 =	vld [tilespmem:s30+$0x84C0]  }
0x20f: {  	v59 =	vld [tilespmem:$0x1FB60]  }
0x210: {  	v0 =	vadd.f32 v60, v0;
	v31 =	vmul.f32 v58, v57;
	v60 =	vld [tilespmem:$0x1FB70]  }
0x211: {  	v6 =	vadd.f32 v52, v6;
	v52 =	vld [tilespmem:s30+$0x8560];
	v24 =	vmul.f32 v24, v54;
	v35 =	vmul.f32 v56, v55  }
0x212: {  	v27 =	vmul.f32 v31, v19;
	v31 =	vmul.f32 v62, v61;
	v56 =	vld [tilespmem:$0x1FBA0]  }
0x213: {  	v24 =	vmul.f32 v24, v19;
	[tilespmem:$0x1FBC0] =	vst v63;
	v63 =	vld [tilespmem:s30+$0xC4C0]  }
0x214: {  	v58 =	vmul.f32 v31, v19;
	v57 =	vld [tilespmem:$0x1FBB0]  }
0x215: {  	v12 =	vmul.f32 v35, v19;
	v4 =	vadd.f32 v24, v4;
	v24 =	vld [tilespmem:s30+$0x86E0];
	v35 =	vmul.f32 v60, v59  }
0x216: {  	v10 =	vadd.f32 v58, v10;
	v58 =	vmul.f32 v38, v36;
	v38 =	vmul.f32 v42, v41;
	v42 =	vld [tilespmem:s30+$0xC4F0]  }
0x217: {  	v2 =	vmul.f32 v2, v20;
	v8 =	vmul.f32 v8, v20;
	v59 =	vld [tilespmem:$0x1FBC0]  }
0x218: {  	v14 =	vmul.f32 v14, v20;
	v3 =	vadd.f32 v13, v3;
	v13 =	vmul.f32 v35, v19;
	[tilespmem:$0x1FBD0] =	vst v63;
	v63 =	vld [tilespmem:s30+$0x8540]  }
0x219: {  	v35 =	vmul.f32 v57, v56;
	v57 =	vmul.f32 v34, v32;
	v32 =	vld [tilespmem:s30+$0x84F0]  }
0x21a: {  	v15 =	vmul.f32 v15, v39;
	v5 =	vmul.f32 v11, v5;
	v60 =	vld [tilespmem:$0x1FBD0]  }
0x21b: {  	v41 =	vmul.f32 v46, v45;
	v56 =	vmul.f32 v30, v28;
	v28 =	vld [tilespmem:s30+$0x8760]  }
0x21c: {  	v5 =	vmul.f32 v5, v22;
	v30 =	vld [tilespmem:s30+$0xC760];
	v61 =	vmul.f32 v35, v20  }
0x21d: {  	v6 =	vadd.f32 v12, v6;
	v46 =	vmul.f32 v49, v37;
	v45 =	vmul.f32 v41, v21;
	[tilespmem:$0x1FBE0] =	vst v63;
	v63 =	vld [tilespmem:s30+$0xC540]  }
0x21e: {  	v12 =	vmul.f32 v56, v20;
	v0 =	vadd.f32 v61, v0;
	v61 =	vmul.f32 v29, v25;
	v62 =	vld [tilespmem:$0x1FBE0]  }
0x21f: {  	v54 =	vld [tilespmem:s30+$0x85E0];
	v2 =	vadd.f32 v2, v4;
	v41 =	vmul.f32 v42, v32;
	v31 =	vmul.f32 v60, v59  }
0x220: {  	v55 =	vld [tilespmem:s30+$0xC5E0];
	v7 =	vadd.f32 v27, v7;
	v59 =	vmul.f32 v57, v20;
	v60 =	vmul.f32 v58, v21  }
0x221: {  	v27 =	vld [tilespmem:s30+$0x87E0];
	v9 =	vadd.f32 v13, v9;
	v36 =	vmul.f32 v61, v21;
	v31 =	vmul.f32 v31, v20  }
0x222: {  	v29 =	vld [tilespmem:s30+$0x8470];
	v4 =	vadd.f32 v59, v10;
	v0 =	vadd.f32 v60, v0;
	v59 =	vmul.f32 v26, v24  }
0x223: {  	v60 =	vmul.f32 v30, v28;
	v1 =	vadd.f32 v31, v1;
	v31 =	vld [tilespmem:s30+$0xC470];
	v35 =	vmul.f32 v63, v62  }
0x224: {  	v6 =	vadd.f32 v8, v6;
	v62 =	vld [tilespmem:s30+$0xC7E0];
	v63 =	vmul.f32 v15, v21;
	v15 =	vmul.f32 v40, v33  }
0x225: {  	v49 =	vld [tilespmem:s30+$0x85F0];
	v9 =	vadd.f32 v12, v9;
	v13 =	vmul.f32 v59, v22;
	v8 =	vmul.f32 v60, v22  }
0x226: {  	v7 =	vadd.f32 v14, v7;
	v42 =	vld [tilespmem:s30+$0x87F0];
	v39 =	vmul.f32 v15, v21;
	v15 =	vmul.f32 v44, v43  }
0x227: {  	v9 =	vadd.f32 v45, v9;
	v61 =	vld [tilespmem:s30+$0xC6F0];
	v40 =	vmul.f32 v38, v21;
	v35 =	vmul.f32 v35, v20  }
0x228: {  	v57 =	vld [tilespmem:s30+$0xC670];
	v1 =	vadd.f32 v63, v1;
	v43 =	vmul.f32 v15, v21;
	v15 =	vmul.f32 v48, v47  }
0x229: {  	v44 =	vld [tilespmem:s30+$0x8570];
	v6 =	vadd.f32 v40, v6;
	v31 =	vmul.f32 v31, v29;
	v62 =	vmul.f32 v62, v27  }
0x22a: {  	v3 =	vadd.f32 v35, v3;
	v47 =	vld [tilespmem:s30+$0xC570];
	v48 =	vmul.f32 v15, v21;
	v15 =	vmul.f32 v51, v50  }
0x22b: {  	v63 =	vld [tilespmem:s30+$0x8770];
	v2 =	vadd.f32 v39, v2;
	v50 =	vmul.f32 v46, v22;
	v51 =	vmul.f32 v53, v52  }
0x22c: {  	v52 =	vld [tilespmem:s30+$0xC5F0];
	v7 =	vadd.f32 v43, v7;
	v43 =	vmul.f32 v31, v23;
	v46 =	vmul.f32 v41, v23  }
0x22d: {  	v39 =	vld [tilespmem:s30+$0xC770];
	v5 =	vadd.f32 v5, v6;
	v40 =	vmul.f32 v62, v22;
	v53 =	vmul.f32 v15, v22  }
0x22e: {  	v3 =	vadd.f32 v36, v3;
	v15 =	vmul.f32 v55, v54;
	v55 =	vld [tilespmem:s30+$0x8670];
	v56 =	vmul.f32 v51, v22  }
0x22f: {  	v45 =	vld [tilespmem:s30+$0xC7F0];
	v4 =	vadd.f32 v48, v4;
	v0 =	vadd.f32 v50, v0;
	v44 =	vmul.f32 v47, v44  }
0x230: {  	v58 =	vmul.f32 v15, v22;
	v15 =	vld [tilespmem:s30+$0x86F0];
	v1 =	vadd.f32 v53, v1;
	v3 =	vadd.f32 v56, v3  }
0x231: {  	v0 =	vadd.f32 v43, v0;
	v56 =	vadd.f32 v8, v9;
	v47 =	vmul.f32 v52, v49  }
0x232: {  	v48 =	vmul.f32 v44, v23;
	v52 =	vmul.f32 v39, v63;
	v2 =	vadd.f32 v58, v2  }
0x233: {  	v1 =	vadd.f32 v46, v1;
	v11 =	vmul.f32 v57, v55;
	v49 =	vmul.f32 v47, v23  }
0x234: {  	[tilespmem:$0x10480] =	vst v0;
	v3 =	vadd.f32 v48, v3;
	v55 =	vmul.f32 v45, v42;
	v57 =	vmul.f32 v52, v23  }
0x235: {  	[tilespmem:$0x10490] =	vst v1;
	v50 =	vmul.f32 v61, v15;
	v51 =	vmul.f32 v11, v23;
	v53 =	vadd.f32 v49, v2  }
0x236: {  	v58 =	vadd.f32 v40, v4;
	[tilespmem:$0x104A0] =	vst v3;
	v59 =	vmul.f32 v55, v23;
	v60 =	vadd.f32 v57, v56  }
0x237: {  	v7 =	vadd.f32 v13, v7;
	v54 =	vmul.f32 v50, v23;
	v5 =	vadd.f32 v51, v5;
	[tilespmem:$0x104B0] =	vst v53  }
0x238: {  	v61 =	vadd.f32 v59, v58;
	[tilespmem:$0x104E0] =	vst v60  }
0x239: {  	v2 =	vadd.f32 v54, v7;
	[tilespmem:$0x104C0] =	vst v5  }
0x23a: {  	[tilespmem:$0x104F0] =	vst v61  }
0x23b: {  	[tilespmem:$0x104D0] =	vst v2  }
0x23c: {  	v0 =	vld [tilespmem:s30+$0x8800]  }
0x23d: {  	v1 =	vld [tilespmem:s30+$0xC800]  }
0x23e: {  	v2 =	vld [tilespmem:s30+$0x8880]  }
0x23f: {  	v3 =	vld [tilespmem:s30+$0xC880]  }
0x240: {  	v4 =	vld [tilespmem:s30+$0x8900]  }
0x241: {  	v5 =	vld [tilespmem:s30+$0xC900]  }
0x242: {  	v6 =	vld [tilespmem:s30+$0x8980]  }
0x243: {  	v7 =	vld [tilespmem:s30+$0xC980]  }
0x244: {  	v8 =	vld [tilespmem:s30+$0x8A00]  }
0x245: {  	v9 =	vld [tilespmem:s30+$0xCA00]  }
0x246: {  	v10 =	vld [tilespmem:s30+$0x8A80]  }
0x247: {  	v11 =	vld [tilespmem:s30+$0xCA80]  }
0x248: {  	v12 =	vld [tilespmem:s30+$0x8B00]  }
0x249: {  	v13 =	vld [tilespmem:s30+$0xCB00]  }
0x24a: {  	v62 =	vld [tilespmem:s30+$0x89B0]  }
0x24b: {  	v14 =	vld [tilespmem:s30+$0x8B80]  }
0x24c: {  	v15 =	vld [tilespmem:s30+$0xCB80]  }
0x24d: {  	v24 =	vld [tilespmem:s30+$0x8810]  }
0x24e: {  	v25 =	vld [tilespmem:s30+$0xC810]  }
0x24f: {  	[tilespmem:$0x1FBF0] =	vst v62;
	v62 =	vld [tilespmem:s30+$0x8A30]  }
0x250: {  	v26 =	vld [tilespmem:s30+$0x8890]  }
0x251: {  	v27 =	vld [tilespmem:s30+$0xC890]  }
0x252: {  	v28 =	vld [tilespmem:s30+$0x8910]  }
0x253: {  	v29 =	vld [tilespmem:s30+$0xC910]  }
0x254: {  	[tilespmem:$0x1FC00] =	vst v62;
	v62 =	vld [tilespmem:s30+$0xCA30]  }
0x255: {  	v30 =	vld [tilespmem:s30+$0x8990]  }
0x256: {  	v31 =	vld [tilespmem:s30+$0xC990]  }
0x257: {  	v32 =	vld [tilespmem:s30+$0x8A10]  }
0x258: {  	v33 =	vld [tilespmem:s30+$0xCA10]  }
0x259: {  	[tilespmem:$0x1FC10] =	vst v62;
	v62 =	vld [tilespmem:s30+$0x8AB0]  }
0x25a: {  	v34 =	vld [tilespmem:s30+$0x8A90]  }
0x25b: {  	v35 =	vld [tilespmem:s30+$0xCA90]  }
0x25c: {  	v36 =	vld [tilespmem:s30+$0x8B10]  }
0x25d: {  	v37 =	vld [tilespmem:s30+$0xCB10]  }
0x25e: {  	[tilespmem:$0x1FC20] =	vst v62;
	v62 =	vld [tilespmem:s30+$0xCAB0]  }
0x25f: {  	v38 =	vld [tilespmem:s30+$0x8B90]  }
0x260: {  	v39 =	vld [tilespmem:s30+$0xCB90]  }
0x261: {  	v40 =	vld [tilespmem:s30+$0x8820]  }
0x262: {  	v41 =	vld [tilespmem:s30+$0xC820]  }
0x263: {  	[tilespmem:$0x1FC30] =	vst v62;
	v62 =	vld [tilespmem:s30+$0x8B30]  }
0x264: {  	v42 =	vld [tilespmem:s30+$0x88A0]  }
0x265: {  	v43 =	vld [tilespmem:s30+$0xC8A0]  }
0x266: {  	v44 =	vld [tilespmem:s30+$0x8920]  }
0x267: {  	v45 =	vld [tilespmem:s30+$0xC920]  }
0x268: {  	[tilespmem:$0x1FC40] =	vst v62;
	v62 =	vld [tilespmem:s30+$0xCB30]  }
0x269: {  	v46 =	vld [tilespmem:s30+$0x89A0]  }
0x26a: {  	v47 =	vld [tilespmem:s30+$0xC9A0]  }
0x26b: {  	v48 =	vld [tilespmem:s30+$0x8A20]  }
0x26c: {  	v49 =	vld [tilespmem:s30+$0xCA20]  }
0x26d: {  	[tilespmem:$0x1FC50] =	vst v62;
	v62 =	vld [tilespmem:s30+$0x8BB0]  }
0x26e: {  	v50 =	vld [tilespmem:s30+$0x8AA0]  }
0x26f: {  	v51 =	vld [tilespmem:s30+$0xCAA0]  }
0x270: {  	v52 =	vld [tilespmem:s30+$0x8B20]  }
0x271: {  	v53 =	vld [tilespmem:s30+$0xCB20]  }
0x272: {  	[tilespmem:$0x1FC60] =	vst v62;
	v62 =	vld [tilespmem:s30+$0xCBB0]  }
0x273: {  	v54 =	vld [tilespmem:s30+$0x8BA0]  }
0x274: {  	v55 =	vld [tilespmem:s30+$0xCBA0]  }
0x275: {  	v56 =	vld [tilespmem:s30+$0x8830]  }
0x276: {  	v57 =	vld [tilespmem:s30+$0xC830]  }
0x277: {  	[tilespmem:$0x1FC70] =	vst v62;
	v62 =	vld [tilespmem:s30+$0x8840]  }
0x278: {  	v58 =	vld [tilespmem:s30+$0x88B0]  }
0x279: {  	v59 =	vld [tilespmem:s30+$0xC8B0]  }
0x27a: {  	v60 =	vld [tilespmem:s30+$0x8930]  }
0x27b: {  	v61 =	vld [tilespmem:s30+$0xC930]  }
0x27c: {  	[tilespmem:$0x1FC80] =	vst v62;
	v62 =	vld [tilespmem:s30+$0xC840]  }
0x27d: {  	v63 =	vld [tilespmem:s30+$0xC9B0]  }
0x27e: {  	v0 =	vmul.f32 v1, v0;
	v1 =	vmul.f32 v3, v2;
	v2 =	vld [tilespmem:s30+$0xC9C0]  }
0x27f: {  	v3 =	vmul.f32 v5, v4;
	v5 =	vld [tilespmem:s30+$0x8A40]  }
0x280: {  	v4 =	vmul.f32 v7, v6;
	v6 =	vmul.f32 v9, v8;
	v8 =	vld [tilespmem:s30+$0xCA40]  }
0x281: {  	[tilespmem:$0x1FC90] =	vst v62;
	v62 =	vld [tilespmem:s30+$0x88C0]  }
0x282: {  	v7 =	vmul.f32 v11, v10;
	v11 =	vld [tilespmem:s30+$0x8AC0]  }
0x283: {  	v10 =	vmul.f32 v15, v14;
	v14 =	vld [tilespmem:s30+$0xCAC0]  }
0x284: {  	v9 =	vmul.f32 v13, v12;
	v12 =	vmul.f32 v25, v24;
	v25 =	vld [tilespmem:s30+$0x8B40]  }
0x285: {  	v15 =	vmul.f32 v29, v28;
	v28 =	vld [tilespmem:s30+$0xCB40]  }
0x286: {  	[tilespmem:$0x1FCA0] =	vst v62;
	v62 =	vld [tilespmem:s30+$0xC8C0]  }
0x287: {  	v24 =	vmul.f32 v31, v30;
	v30 =	vld [tilespmem:s30+$0x8BC0]  }
0x288: {  	v13 =	vmul.f32 v27, v26;
	v26 =	vmul.f32 v33, v32;
	v32 =	vld [tilespmem:s30+$0xCBC0]  }
0x289: {  	v29 =	vmul.f32 v37, v36;
	v36 =	vld [tilespmem:s30+$0xC850]  }
0x28a: {  	v31 =	vmul.f32 v39, v38;
	v38 =	vld [tilespmem:s30+$0x88D0]  }
0x28b: {  	[tilespmem:$0x1FCB0] =	vst v62;
	v62 =	vld [tilespmem:s30+$0x8940]  }
0x28c: {  	v33 =	vmul.f32 v41, v40;
	v39 =	vld [tilespmem:s30+$0xC8D0]  }
0x28d: {  	v37 =	vmul.f32 v45, v44;
	v40 =	vld [tilespmem:s30+$0xC9D0];
	v48 =	vmul.f32 v49, v48  }
0x28e: {  	v41 =	vld [tilespmem:s30+$0x8A50];
	v50 =	vmul.f32 v51, v50;
	v6 =	vmul.f32 v6, v16  }
0x28f: {  	v10 =	vmul.f32 v10, v16;
	v44 =	vmul.f32 v26, v17;
	v26 =	vld [tilespmem:s30+$0x89D0]  }
0x290: {  	v49 =	vmul.f32 v31, v17;
	v51 =	vmul.f32 v33, v18;
	[tilespmem:$0x1FCC0] =	vst v62;
	v62 =	vld [tilespmem:s30+$0xC940]  }
0x291: {  	v33 =	vmul.f32 v53, v52;
	v52 =	vmul.f32 v50, v18;
	v50 =	vld [tilespmem:s30+$0xC860]  }
0x292: {  	v6 =	vadd.f32 v44, v6;
	v44 =	vld [tilespmem:s30+$0xCAD0]  }
0x293: {  	v0 =	vmul.f32 v0, v16;
	v12 =	vmul.f32 v12, v17;
	v10 =	vadd.f32 v49, v10;
	v49 =	vld [tilespmem:s30+$0x8860]  }
0x294: {  	v5 =	vmul.f32 v8, v5;
	v8 =	vld [tilespmem:s30+$0x8A60]  }
0x295: {  	v0 =	vadd.f32 v12, v0;
	[tilespmem:$0x1FCD0] =	vst v62;
	v62 =	vld [tilespmem:s30+$0x89C0]  }
0x296: {  	v11 =	vmul.f32 v14, v11;
	v14 =	vld [tilespmem:s30+$0xCA60]  }
0x297: {  	v0 =	vadd.f32 v51, v0;
	v51 =	vld [tilespmem:s30+$0x88E0]  }
0x298: {  	v27 =	vmul.f32 v59, v58;
	v58 =	vld [tilespmem:$0x1FC20]  }
0x299: {  	v1 =	vmul.f32 v1, v16;
	v3 =	vmul.f32 v3, v16;
	v59 =	vld [tilespmem:$0x1FC30]  }
0x29a: {  	v4 =	vmul.f32 v4, v16;
	[tilespmem:$0x1FCE0] =	vst v62;
	v62 =	vmul.f32 v35, v34;
	v34 =	vld [tilespmem:s30+$0x8850]  }
0x29b: {  	v35 =	vmul.f32 v43, v42;
	v42 =	vmul.f32 v15, v17;
	v15 =	vld [tilespmem:s30+$0x8950]  }
0x29c: {  	v13 =	vmul.f32 v13, v17;
	v43 =	vmul.f32 v24, v17;
	v24 =	vld [tilespmem:s30+$0xC950]  }
0x29d: {  	v7 =	vmul.f32 v7, v16;
	v9 =	vmul.f32 v9, v16;
	v3 =	vadd.f32 v42, v3;
	v42 =	vld [tilespmem:s30+$0xCA50]  }
0x29e: {  	v4 =	vadd.f32 v43, v4;
	v45 =	vmul.f32 v62, v17;
	v62 =	vmul.f32 v47, v46;
	v43 =	vld [tilespmem:s30+$0x8AD0]  }
0x29f: {  	v53 =	vmul.f32 v35, v18;
	v35 =	vmul.f32 v55, v54;
	v46 =	vld [tilespmem:s30+$0xCB50]  }
0x2a0: {  	v55 =	vmul.f32 v37, v18;
	v37 =	vmul.f32 v57, v56;
	v56 =	vld [tilespmem:$0x1FC10]  }
0x2a1: {  	v47 =	vmul.f32 v29, v17;
	v29 =	vmul.f32 v61, v60;
	v61 =	vld [tilespmem:$0x1FC40]  }
0x2a2: {  	v1 =	vadd.f32 v13, v1;
	v7 =	vadd.f32 v45, v7;
	v45 =	vld [tilespmem:s30+$0x8B50]  }
0x2a3: {  	v9 =	vadd.f32 v47, v9;
	v47 =	vld [tilespmem:s30+$0x8BD0]  }
0x2a4: {  	v1 =	vadd.f32 v53, v1;
	v53 =	vld [tilespmem:$0x1FBF0]  }
0x2a5: {  	v57 =	vmul.f32 v62, v18;
	v62 =	vmul.f32 v48, v18;
	v48 =	vld [tilespmem:s30+$0xCBD0]  }
0x2a6: {  	v3 =	vadd.f32 v55, v3;
	v55 =	vld [tilespmem:$0x1FC00]  }
0x2a7: {  	v6 =	vadd.f32 v62, v6;
	v62 =	vld [tilespmem:$0x1FC50]  }
0x2a8: {  	v54 =	vmul.f32 v33, v18;
	v60 =	vmul.f32 v37, v19;
	v7 =	vadd.f32 v52, v7;
	v52 =	vld [tilespmem:s30+$0xC8E0]  }
0x2a9: {  	v4 =	vadd.f32 v57, v4;
	v57 =	vmul.f32 v35, v18;
	v35 =	vmul.f32 v59, v58;
	v59 =	vld [tilespmem:$0x1FC80]  }
0x2aa: {  	v0 =	vadd.f32 v60, v0;
	v60 =	vld [tilespmem:$0x1FC90]  }
0x2ab: {  	v9 =	vadd.f32 v54, v9;
	v58 =	vmul.f32 v29, v19;
	v54 =	vld [tilespmem:s30+$0xC960]  }
0x2ac: {  	v10 =	vadd.f32 v57, v10;
	v57 =	vld [tilespmem:$0x1FC70]  }
0x2ad: {  	v3 =	vadd.f32 v58, v3;
	v58 =	vld [tilespmem:$0x1FCC0]  }
0x2ae: {  	v33 =	vmul.f32 v56, v55;
	v56 =	vld [tilespmem:$0x1FC60]  }
0x2af: {  	v31 =	vmul.f32 v63, v53;
	v53 =	vld [tilespmem:s30+$0x8960]  }
0x2b0: {  	v63 =	vmul.f32 v27, v19;
	v55 =	vld [tilespmem:s30+$0x89E0]  }
0x2b1: {  	v37 =	vmul.f32 v62, v61;
	v62 =	vld [tilespmem:$0x1FCA0]  }
0x2b2: {  	v1 =	vadd.f32 v63, v1;
	v63 =	vld [tilespmem:$0x1FCB0]  }
0x2b3: {  	v29 =	vmul.f32 v60, v59;
	v61 =	vmul.f32 v31, v19;
	v59 =	vld [tilespmem:$0x1FCD0]  }
0x2b4: {  	v25 =	vmul.f32 v28, v25;
	v60 =	vmul.f32 v35, v19;
	v35 =	vld [tilespmem:s30+$0xC9E0]  }
0x2b5: {  	v5 =	vmul.f32 v5, v20;
	v8 =	vmul.f32 v14, v8;
	v4 =	vadd.f32 v61, v4;
	v61 =	vld [tilespmem:$0x1FCE0]  }
0x2b6: {  	v7 =	vadd.f32 v60, v7;
	v60 =	vmul.f32 v39, v38;
	v38 =	vld [tilespmem:$0x1FFE0];
	v27 =	vmul.f32 v57, v56  }
0x2b7: {  	v8 =	vmul.f32 v8, v22;
	v39 =	vld [tilespmem:$0x1FFF0];
	v57 =	vmul.f32 v33, v19  }
0x2b8: {  	v31 =	vmul.f32 v63, v62;
	v63 =	vmul.f32 v27, v19;
	v27 =	vld [tilespmem:s30+$0x8AE0]  }
0x2b9: {  	v62 =	vmul.f32 v37, v19;
	v37 =	vmul.f32 v29, v20;
	v29 =	vld [tilespmem:s30+$0xCAE0]  }
0x2ba: {  	v41 =	vmul.f32 v42, v41;
	v6 =	vadd.f32 v57, v6;
	v57 =	vmul.f32 v32, v30;
	v32 =	vld [tilespmem:s30+$0xCB60]  }
0x2bb: {  	v33 =	vmul.f32 v59, v58;
	v59 =	vmul.f32 v36, v34;
	v34 =	vld [tilespmem:s30+$0x88F0]  }
0x2bc: {  	v36 =	vld [tilespmem:s30+$0xC8F0];
	v2 =	vmul.f32 v2, v61;
	v56 =	vmul.f32 v31, v20  }
0x2bd: {  	v9 =	vadd.f32 v62, v9;
	v58 =	vmul.f32 v33, v20;
	v31 =	vld [tilespmem:s30+$0x8B60];
	v61 =	vmul.f32 v24, v15  }
0x2be: {  	v10 =	vadd.f32 v63, v10;
	v15 =	vld [tilespmem:s30+$0x8BE0];
	v62 =	vmul.f32 v11, v20;
	v63 =	vmul.f32 v40, v26  }
0x2bf: {  	v24 =	vld [tilespmem:s30+$0xCBE0];
	v40 =	vmul.f32 v25, v20;
	v42 =	vmul.f32 v57, v20  }
0x2c0: {  	v0 =	vadd.f32 v37, v0;
	v26 =	vld [tilespmem:s30+$0x8870];
	v57 =	vmul.f32 v59, v21;
	v59 =	vmul.f32 v60, v21  }
0x2c1: {  	v5 =	vadd.f32 v5, v6;
	v33 =	vld [tilespmem:s30+$0xC870];
	v60 =	vmul.f32 v48, v47;
	v48 =	vmul.f32 v35, v55  }
0x2c2: {  	v37 =	vld [tilespmem:s30+$0x8970];
	v1 =	vadd.f32 v56, v1;
	v2 =	vmul.f32 v2, v20;
	v56 =	vmul.f32 v44, v43  }
0x2c3: {  	v35 =	vld [tilespmem:$0x1FFB0];
	v3 =	vadd.f32 v58, v3;
	v58 =	vmul.f32 v46, v45;
	v61 =	vmul.f32 v61, v21  }
0x2c4: {  	v6 =	vadd.f32 v40, v9;
	v63 =	vmul.f32 v63, v21;
	v43 =	vld [tilespmem:s30+$0xC970];
	v44 =	vmul.f32 v41, v21  }
0x2c5: {  	v0 =	vadd.f32 v57, v0;
	v45 =	vmul.f32 v54, v53;
	v46 =	vld [tilespmem:s30+$0x89F0];
	v53 =	vmul.f32 v29, v27  }
0x2c6: {  	v54 =	vld [tilespmem:s30+$0xCA70];
	v2 =	vadd.f32 v2, v4;
	v4 =	vadd.f32 v62, v7;
	v62 =	vmul.f32 v50, v49  }
0x2c7: {  	v7 =	vadd.f32 v42, v10;
	v42 =	vmul.f32 v52, v51;
	v47 =	vmul.f32 v56, v21;
	v49 =	vld [tilespmem:s30+$0xC9F0]  }
0x2c8: {  	v1 =	vadd.f32 v59, v1;
	v50 =	vmul.f32 v58, v21;
	v51 =	vld [tilespmem:s30+$0x8A70];
	v52 =	vmul.f32 v60, v21  }
0x2c9: {  	v3 =	vadd.f32 v61, v3;
	v56 =	vld [tilespmem:s30+$0x8AF0];
	v59 =	vmul.f32 v45, v22;
	v12 =	vmul.f32 v32, v31  }
0x2ca: {  	v5 =	vadd.f32 v44, v5;
	v61 =	vld [tilespmem:s30+$0x8B70];
	v58 =	vmul.f32 v24, v15;
	v60 =	vmul.f32 v33, v26  }
0x2cb: {  	v32 =	vld [tilespmem:$0x1FF80];
	v44 =	vmul.f32 v53, v22;
	v2 =	vadd.f32 v63, v2;
	v4 =	vadd.f32 v47, v4  }
0x2cc: {  	v31 =	vld [tilespmem:$0x1FF70];
	v6 =	vadd.f32 v50, v6;
	v55 =	vmul.f32 v62, v22;
	v57 =	vmul.f32 v42, v22  }
0x2cd: {  	v15 =	vld [tilespmem:s30+$0xCAF0];
	v7 =	vadd.f32 v52, v7;
	v62 =	vmul.f32 v48, v22;
	v63 =	vmul.f32 v36, v34  }
0x2ce: {  	v42 =	vld [tilespmem:s30+$0xCB70];
	v3 =	vadd.f32 v59, v3;
	v5 =	vadd.f32 v8, v5;
	v43 =	vmul.f32 v43, v37  }
0x2cf: {  	v47 =	vmul.f32 v60, v23;
	v0 =	vadd.f32 v55, v0;
	v45 =	vmul.f32 v49, v46;
	v46 =	vld [tilespmem:s30+$0x8BF0]  }
0x2d0: {  	v12 =	vmul.f32 v12, v22;
	v1 =	vadd.f32 v57, v1;
	v2 =	vadd.f32 v62, v2;
	v49 =	vld [tilespmem:s30+$0xCBF0]  }
0x2d1: {  	v33 =	vld [tilespmem:$0x1FF90];
	v4 =	vadd.f32 v44, v4;
	v14 =	vmul.f32 v54, v51;
	v9 =	vmul.f32 v43, v23  }
0x2d2: {  	v36 =	vld [tilespmem:$0x1FFC0];
	v50 =	vmul.f32 v15, v56;
	v15 =	vmul.f32 v63, v23;
	v0 =	vadd.f32 v47, v0  }
0x2d3: {  	v34 =	vld [tilespmem:$0x1FFA0];
	v56 =	vmul.f32 v58, v22;
	v13 =	vmul.f32 v45, v23;
	v3 =	vadd.f32 v9, v3  }
0x2d4: {  	v62 =	vld [tilespmem:$0x1FF00];
	v53 =	vmul.f32 v42, v61;
	v57 =	vmul.f32 v14, v23;
	v1 =	vadd.f32 v15, v1;
	[tilespmem:$0x10500] =	vst v0  }
0x2d5: {  	v55 =	vld [tilespmem:$0x1FF10];
	v59 =	vmul.f32 v50, v23;
	v58 =	vadd.f32 v13, v2;
	[tilespmem:$0x10520] =	vst v3;
	v60 =	vmul.f32 v49, v46  }
0x2d6: {  	v52 =	vld [tilespmem:$0x1FF20];
	v63 =	vadd.f32 v12, v6;
	v5 =	vadd.f32 v57, v5;
	v11 =	vmul.f32 v53, v23;
	[tilespmem:$0x10510] =	vst v1  }
0x2d7: {  	v48 =	vld [tilespmem:$0x1FF30];
	v12 =	vadd.f32 v56, v7;
	v2 =	vadd.f32 v59, v4;
	[tilespmem:$0x10530] =	vst v58;
	v13 =	vmul.f32 v60, v23  }
0x2d8: {  	v54 =	vld [tilespmem:$0x1FF40];
	v14 =	vadd.f32 v11, v63;
	[tilespmem:$0x10540] =	vst v5  }
0x2d9: {  	v51 =	vld [tilespmem:$0x1FF50];
	[tilespmem:$0x10550] =	vst v2;
	v40 =	vadd.f32 v13, v12  }
0x2da: {  	v61 =	vld [tilespmem:$0x1FF60];
	[tilespmem:$0x10560] =	vst v14  }
0x2db: {  	v37 =	vld [tilespmem:$0x1FFD0];
	[tilespmem:$0x10570] =	vst v40  }
0x2dc: {  	v0 =	vld.idx.msk [tilespmem:v62+s21+$0x0], $0xffff  }
0x2dd: {  	v1 =	vld.idx.msk [tilespmem:v55+s21+$0x0], $0xffff  }
0x2de: {  	v2 =	vld.idx.msk [tilespmem:v52+s21+$0x0], $0xffff  }
0x2df: {  	v41 =	vld.idx.msk [tilespmem:v48+s21+$0x0], $0xffff  }
0x2e0: {  	v42 =	vld.idx.msk [tilespmem:v54+s21+$0x0], $0xffff  }
0x2e1: {  	v5 =	vld.idx.msk [tilespmem:v51+s21+$0x0], $0xffff  }
0x2e2: {  	v43 =	vld.idx.msk [tilespmem:v61+s21+$0x0], $0xffff  }
0x2e3: {  	v44 =	vld.idx.msk [tilespmem:v31+s21+$0x0], $0xffff  }
0x2e4: {  	v45 =	vld.idx.msk [tilespmem:v32+s21+$0x0], $0xffff  }
0x2e5: {  	v46 =	vld.idx.msk [tilespmem:v33+s21+$0x0], $0xffff  }
0x2e6: {  	v47 =	vld.idx.msk [tilespmem:v34+s21+$0x0], $0xffff  }
0x2e7: {  	v48 =	vld.idx.msk [tilespmem:v35+s21+$0x0], $0xffff  }
0x2e8: {  	v49 =	vld.idx.msk [tilespmem:v36+s21+$0x0], $0xffff  }
0x2e9: {  	v50 =	vld.idx.msk [tilespmem:v37+s21+$0x0], $0xffff  }
0x2ea: {  	v51 =	vld.idx.msk [tilespmem:v38+s21+$0x0], $0xffff  }
0x2eb: {  	v15 =	vld.idx.msk [tilespmem:v39+s21+$0x0], $0xffff;
	_ =	sdelay $0x1  }
0x2ec: {  	v0 =	vadd.f32 v1, v0;
	v52 =	vadd.f32 v41, v2  }
0x2ed: {  	v53 =	vadd.f32 v5, v42;
	v54 =	vadd.f32 v44, v43  }
0x2ee: {  	v55 =	vadd.f32 v46, v45;
	v56 =	vadd.f32 v48, v47  }
0x2ef: {  	v63 =	vld [tilespmem:$0x1FCF0];
	v57 =	vadd.f32 v50, v49;
	v58 =	vadd.f32 v15, v51  }
0x2f0: {  	v0 =	vadd.f32 v52, v0;
	v59 =	vadd.f32 v54, v53  }
0x2f1: {  	v60 =	vadd.f32 v56, v55;
	v61 =	vadd.f32 v58, v57  }
0x2f2: {  	p1 =	sne.s32 s29, $0x7  }
.Ltmp3:
0x2f3: {  	v0 =	vadd.f32 v59, v0;
	v62 =	vadd.f32 v61, v60;
	(pc) =	sbr.rel @p1 .LBB2_5-.Ltmp3, $4  }
0x2f4: {  	_ = 	snop  }
0x2f5: {  	s0 =	sshll.u32 s29, $0x4;
	v0 =	vadd.f32 v62, v0  }
0x2f6: {  	s0 =	sand.u32 $0x3FFFFFF0, s0  }
0x2f7: {  	s29 =	sadd.s32 $0x1, s29;
	[tilespmem:v63+s0+$0x0 ss:$0x1] =	vst.idx.msk $0xffff, v0  }
.Ltmp4:
0x2f8: {  	(pc) =	sbr.rel @!p0 .LBB2_8-.Ltmp4, $1  }
0x2f9: {  	_ =	sdelay $0x3  }
.Ltmp5:
0x2fa: {  	(pc) =	sbr.rel .LBB2_2-.Ltmp5, $4  }
0x2fb: {  	_ = 	snop  }
0x2fc: {  	[tilespmem:s16], [sflag:$0x4] =	stream.indirect.gather [hbm4b:s1+s13], $0x80, s23, s13, $0xb8;
	[tilespmem:$0x10780] =	vst v63  }
0x2fd: {  	s29 =	simm.s32 $0x400;
	p0 =	por $0x0, $0x0  }
0x2fe: {  	[tilespmem:s18], [sflag:$0x4] =	stream.indirect.gather [hbm4b:s2+s13], $0x80, s24, s13, $0xb8;
	[tilespmem:$0x10780] =	vst v63  }
.LBB2_9:
0x2ff: {  	_ =	sfence.sel $0x180000  }
0x300: {  	[bflag:$0x0] =	sbarrier.arrive $0xFFFF  }
0x301: {  	_ =	strace $0x90000047  }
0x302: {  	[bflag:$0x2] =	sbarrier.arrive $0xFFFF  }
0x303: {  	p0 =	sne.s32 s4, $0x0;
	s0 =	rddreg [dreg:$0x6]  }
0x304: {  	s0 =	sadd.s32 @!p0 $0x100000, s0  }
0x305: {  	[sflag:s0] =	ssyncadd.tile.s32 @!p0 $0x1;
	_ =	shalt  }
.Lfunc_end2:
_tile_overlayer_lowered:
.L_overlay_start_2:
0x306: {  	(tag) =	ssettag $0x2  }
0x307: {  	s0 =	rddreg [dreg:$0x0];
	s2 =	stileid.u32  }
0x308: {  	s1 =	rddreg [dreg:$0x1];
	p0 =	sne.s32 s2, $0x0  }
0x309: {  	s3 =	rddreg [dreg:$0x2];
	[bflag:$0x3] =	sbarrier.arrive $0xFFFF;
	s2 =	simm.s32 @!p0 $0x1C05  }
0x30a: {  	[timem:s3], [sflag:s2] =	dma.local @!p0 [hbm:s0], s1  }
0x30b: {  	s0 =	simm.s32 @!p0 $0x5  }
0x30c: {  	_ =	swait.ge @!p0 [sflag:s0], s1  }
0x30d: {  	s1 =	ssub.s32 @!p0 $0x0, s1;
	[sflag:s0] =	ssyncset.done @!p0 $0x0  }
0x30e: {  	[sflag:s0] =	ssyncadd.s32 @!p0 s1  }
0x30f: {  	[bflag:$0x3] =	sbarrier.arrive $0xFFFF  }
0x310: {  	_ =	shalt  }

</sc_bundles>
